<compile_context>
chip_gen: v7x
topology: tpu7x:2x2x1
jax: 0.10.2.dev20260603
libtpu: 0.0.44.dev20260713+nightly
codegen_flags: <defaults>
</compile_context>

<pallas_src>
import functools

import jax
import jax.numpy as jnp
from jax import lax
from jax.experimental import pallas as pl
from jax.experimental.pallas import tpu as pltpu
from jax.experimental.pallas import tpu_sc as plsc

NC = 2
NS = 16
L = 16
NW = NC * NS

K = 80


def _sc_segment_sum(x, src1d, dst1d, NP):
  N, D = x.shape
  nchunk = src1d.shape[0] // (NW * K)
  rpt = NP // NS

  mesh = plsc.VectorSubcoreMesh(core_axis_name="c", subcore_axis_name="s")

  @functools.partial(
      pl.kernel,
      out_type=[
          jax.ShapeDtypeStruct((NC, NP, D), jnp.float32),
          jax.ShapeDtypeStruct((NC * NP,), jnp.float32),
      ],
      mesh=mesh,
      scratch_types=[
          pltpu.VMEM_SHARED((NP, D), jnp.float32),
          pltpu.VMEM_SHARED((NP,), jnp.float32),
          pltpu.VMEM((6, K), jnp.int32),
          pltpu.VMEM((6, K), jnp.int32),
          pltpu.VMEM((K, D), jnp.float32),
          pltpu.VMEM((K, D), jnp.float32),
          pltpu.VMEM((K, D), jnp.float32),
          pltpu.VMEM((K,), jnp.float32),
          pltpu.VMEM((rpt,), jnp.float32),
      ] + [pltpu.SemaphoreType.DMA] * 12,
  )
  def seg_sum(x_hbm, src_hbm, dst_hbm, s_out, deg_out, acc, dacc,
              sring, dring, rows0, rows1, rows2, ones_v, zflat, *sems):
    cid = lax.axis_index("c")
    sid = lax.axis_index("s")
    wid = sid * NC + cid
    rbufs = (rows0, rows1, rows2)
    gsems = sems[0:3]
    isems = sems[3:9]
    ssems = sems[9:12]

    zv = jnp.zeros((L,), jnp.float32)
    ov = jnp.ones((L,), jnp.float32)

    @pl.loop(0, K)
    def _(r):
      for j in range(D // L):
        rows0[r, pl.ds(j * L, L)] = zv

    for j in range(K // L):
      ones_v[pl.ds(j * L, L)] = ov
    for j in range(rpt // L):
      zflat[pl.ds(j * L, L)] = zv

    for j in range(rpt // K):
      pltpu.sync_copy(rows0, acc.at[pl.ds(sid * rpt + j * K, K)])
    pltpu.sync_copy(zflat, dacc.at[pl.ds(sid * rpt, rpt)])
    plsc.subcore_barrier()

    ebase = wid * (nchunk * K)

    def start_idx(c, s):
      sl = pl.ds(ebase + c * K, K)
      pltpu.async_copy(src_hbm.at[sl], sring.at[s], isems[s])
      pltpu.async_copy(dst_hbm.at[sl], dring.at[s], isems[s])

    def wait_idx(s):
      pltpu.make_async_copy(src_hbm.at[pl.ds(0, K)], sring.at[s], isems[s]).wait()
      pltpu.make_async_copy(dst_hbm.at[pl.ds(0, K)], dring.at[s], isems[s]).wait()

    def start_gather(s, b):
      pltpu.async_copy(x_hbm.at[sring.at[s]], rbufs[b], gsems[b])

    def wait_gather(s, b):
      pltpu.make_async_copy(x_hbm.at[sring.at[s]], rbufs[b], gsems[b]).wait()

    def start_scatter(s, b):
      pltpu.async_copy(rbufs[b], acc.at[dring.at[s]], ssems[b], add=True)
      pltpu.async_copy(ones_v, dacc.at[dring.at[s]], ssems[b], add=True)

    def wait_scatter(s, b):
      pltpu.make_async_copy(rbufs[b], acc.at[dring.at[s]], ssems[b]).wait()
      pltpu.make_async_copy(ones_v, dacc.at[dring.at[s]], ssems[b]).wait()

    def process(c, s, b, g2, i4, wprev):
      s2, b2, sp = (s + 2) % 6, (b + 2) % 3, (s + 5) % 6
      if g2:
        wait_idx(s2)
      if wprev:
        wait_scatter(sp, b2)
      if g2:
        start_gather(s2, b2)
      wait_gather(s, b)
      start_scatter(s, b)
      if i4:
        start_idx(c + 4, (s + 4) % 6)

    for c in range(4):
      start_idx(c, c)
    wait_idx(0)
    start_gather(0, 0)
    wait_idx(1)
    start_gather(1, 1)
    process(0, 0, 0, g2=True, i4=True, wprev=False)
    process(1, 1, 1, g2=True, i4=True, wprev=True)

    main = nchunk - 11
    assert main % 6 == 0

    @pl.loop(0, main, step=6)
    def _(i):
      for k in range(6):
        process(i + 2 + k, (2 + k) % 6, (2 + k) % 3, True, True, True)

    for c in range(main + 2, nchunk):
      process(c, c % 6, c % 3, g2=(c + 2 < nchunk), i4=(c + 4 < nchunk),
              wprev=True)
    wait_scatter((nchunk - 1) % 6, (nchunk - 1) % 3)

    plsc.subcore_barrier()

    sl = pl.ds(sid * rpt, rpt)
    pltpu.sync_copy(acc.at[sl], s_out.at[cid, sl])
    pltpu.sync_copy(dacc.at[sl], deg_out.at[pl.ds(cid * NP + sid * rpt, rpt)])

  return seg_sum(x, src1d, dst1d)


def _dense(x, sp, degp, W, b2, R):
  N, D = x.shape
  grid = N // R

  def body(x_ref, sp_ref, degp_ref, w_ref, b_ref, o_ref):
    xb = x_ref[...]
    s = sp_ref[0] + sp_ref[1]
    deg = degp_ref[0, 0] + degp_ref[1, 0]
    w1 = w_ref[0:D]
    w2 = w_ref[D:2 * D]
    t = jnp.dot(s, w1, preferred_element_type=jnp.float32)
    u = jnp.dot(xb, w2, preferred_element_type=jnp.float32) + b_ref[0]
    z = t + deg * u
    sig = 1.0 / (1.0 + jnp.exp(-z))
    softplus = jnp.maximum(xb, 0.0) + jnp.log1p(jnp.exp(-jnp.abs(xb)))
    o_ref[...] = sig + softplus

  return pl.pallas_call(
      body,
      grid=(grid,),
      in_specs=[
          pl.BlockSpec((R, D), lambda i: (i, 0)),
          pl.BlockSpec((NC, R, D), lambda i: (0, i, 0)),
          pl.BlockSpec((NC, 1, R, 1), lambda i: (0, i, 0, 0)),
          pl.BlockSpec((2 * D, D), lambda i: (0, 0)),
          pl.BlockSpec((1, D), lambda i: (0, 0)),
      ],
      out_specs=pl.BlockSpec((R, D), lambda i: (i, 0)),
      out_shape=jax.ShapeDtypeStruct((N, D), jnp.float32),
  )(x, sp, degp, W, b2)


def kernel(node_feat, edge_index, W, b):
  N, D = node_feat.shape
  E = edge_index.shape[1]
  epw = E // NW
  nchunk = epw // K
  NP = -(-N // (NS * K)) * (NS * K)
  R = 1000

  sp, degp = _sc_segment_sum(node_feat, edge_index[0], edge_index[1], NP)
  degp4 = degp.reshape(NC, NP)[:, :N].reshape(NC, N // R, R, 1)
  return _dense(node_feat, sp, degp4, W, b.reshape(1, D), R)

# --- scband reference (transcript-rebuilt; emitter-appended) ---
"""Pipeline reference for scband-mpnn-73289321939187 (READ-ONLY COPY).

The authoritative reference and input builder live on the scoring server;
editing this copy changes nothing except your own understanding.
"""

import jax, jax.numpy as jnp
import numpy as np

N = 10000
E = 320000
D = 128

def setup_inputs(seed: int = 0) -> dict:
    key = jax.random.key(seed)
    k1, k2, k3 = jax.random.split(key, 3)
    x = jax.random.normal(k1, (N, D), dtype=jnp.float32)
    edge_index = jax.random.randint(k2, (2, E), 0, N, dtype=jnp.int32)
    # glorot uniform for W of shape (2*D, D)
    limit = float(np.sqrt(6.0 / (2 * D + D)))
    W = jax.random.uniform(k3, (2 * D, D), minval=-limit, maxval=limit, dtype=jnp.float32)
    b = jnp.zeros((D,), dtype=jnp.float32)
    return {"node_feat": x, "edge_index": edge_index, "W": W, "b": b}

def reference(node_feat, edge_index, W, b):
    # msg_func: concat src and dst node features per edge -> [E, 2D]
    src = edge_index[0]
    dst = edge_index[1]
    h_src = jnp.take(node_feat, src, axis=0)
    h_dst = jnp.take(node_feat, dst, axis=0)
    msg = jnp.concatenate([h_src, h_dst], axis=-1)
    # edge-wise linear transform
    edge_feat = msg @ W + b
    # reduce_func: sum incoming messages at dst nodes (zero for isolated nodes)
    agg = jax.ops.segment_sum(edge_feat, dst, num_segments=node_feat.shape[0])
    # apply_nodes: sigmoid(msg) + softplus(h)
    out = jax.nn.sigmoid(agg) + jax.nn.softplus(node_feat)
    return out

if __name__ == "__main__":
    import jax
    _d = setup_inputs()
    print(jax.jit(kernel)(*tuple(_d.values())))

</pallas_src>

<mosaic_0001>
#map = affine_map<(d0, d1) -> (0, 0)>
#map1 = affine_map<(d0, d1) -> (0)>
#map2 = affine_map<(d0, d1) -> (0, 0, 0)>
module attributes {stable_mosaic.version = 14 : i64} {
  func.func @seg_sum(%arg0: i32, %arg1: i32, %arg2: memref<10000x128xf32, #tpu.memory_space<hbm>>, %arg3: memref<320000xi32, #tpu.memory_space<hbm>>, %arg4: memref<320000xi32, #tpu.memory_space<hbm>>, %arg5: memref<2x10240x128xf32, #tpu.memory_space<hbm>>, %arg6: memref<20480xf32, #tpu.memory_space<hbm>>, %arg7: memref<10240x128xf32, #tpu.memory_space<vmem_shared>>, %arg8: memref<10240xf32, #tpu.memory_space<vmem_shared>>, %arg9: memref<6x80xi32, #tpu.memory_space<vmem>>, %arg10: memref<6x80xi32, #tpu.memory_space<vmem>>, %arg11: memref<80x128xf32, #tpu.memory_space<vmem>>, %arg12: memref<80x128xf32, #tpu.memory_space<vmem>>, %arg13: memref<80x128xf32, #tpu.memory_space<vmem>>, %arg14: memref<80xf32, #tpu.memory_space<vmem>>, %arg15: memref<640xf32, #tpu.memory_space<vmem>>, %arg16: memref<!tpu.dma_semaphore, #tpu.memory_space<semaphore_mem>>, %arg17: memref<!tpu.dma_semaphore, #tpu.memory_space<semaphore_mem>>, %arg18: memref<!tpu.dma_semaphore, #tpu.memory_space<semaphore_mem>>, %arg19: memref<!tpu.dma_semaphore, #tpu.memory_space<semaphore_mem>>, %arg20: memref<!tpu.dma_semaphore, #tpu.memory_space<semaphore_mem>>, %arg21: memref<!tpu.dma_semaphore, #tpu.memory_space<semaphore_mem>>, %arg22: memref<!tpu.dma_semaphore, #tpu.memory_space<semaphore_mem>>, %arg23: memref<!tpu.dma_semaphore, #tpu.memory_space<semaphore_mem>>, %arg24: memref<!tpu.dma_semaphore, #tpu.memory_space<semaphore_mem>>, %arg25: memref<!tpu.dma_semaphore, #tpu.memory_space<semaphore_mem>>, %arg26: memref<!tpu.dma_semaphore, #tpu.memory_space<semaphore_mem>>, %arg27: memref<!tpu.dma_semaphore, #tpu.memory_space<semaphore_mem>>) attributes {dimension_semantics = [#tpu.dimension_semantics<core_parallel>, #tpu.dimension_semantics<subcore_parallel>], iteration_bounds = array<i64: 2, 16>, scalar_prefetch = 0 : i64, scratch_operands = 21 : i64, tpu.core_type = #tpu.core_type<sc_vector_subcore>, window_params = [{transform_indices = #map}, {transform_indices = #map1}, {transform_indices = #map1}, {transform_indices = #map2}, {transform_indices = #map1}]} {
    %mul3A = arith.constant 2 : i32
    %mul3A_0 = arith.muli %arg1, %mul3A : i32
    %add3A = arith.addi %mul3A_0, %arg0 : i32
    %broadcast_in_dim3A = arith.constant 0.000000e+00 : f32
    %broadcast_in_dim3A_1 = vector.broadcast %broadcast_in_dim3A : f32 to vector<16xf32>
    %broadcast_in_dim3A_2 = arith.constant 1.000000e+00 : f32
    %broadcast_in_dim3A_3 = vector.broadcast %broadcast_in_dim3A_2 : f32 to vector<16xf32>
    %scan3A = arith.constant 0 : i32
    %scan3A_4 = arith.constant 80 : i32
    %scan3A_5 = arith.addi %scan3A, %scan3A_4 : i32
    %scan3A_6 = arith.constant 1 : i32
    scf.for %scan3A_1136 = %scan3A to %scan3A_5 step %scan3A_6  : i32 {
      %mul3A_1137 = arith.constant 1 : i32
      %mul3A_1138 = arith.muli %scan3A_1136, %mul3A_1137 : i32
      %add3A_1139 = arith.constant 0 : i32
      %add3A_1140 = arith.addi %add3A_1139, %mul3A_1138 : i32
      %swap3A_1141 = arith.index_cast %add3A_1140 : i32 to index
      %swap3A_1142 = arith.constant 0 : index
      %swap3A_1143 = tpu.vector_load %arg11[%swap3A_1141, %swap3A_1142] {strides = array<i32>} : memref<80x128xf32, #tpu.memory_space<vmem>>, vector<1x16xf32>,
      %swap3A_1144 = vector.shape_cast %swap3A_1143 : vector<1x16xf32> to vector<16xf32>
      %swap3A_1145 = vector.shape_cast %broadcast_in_dim3A_1 : vector<16xf32> to vector<1x16xf32>
      tpu.vector_store %arg11[%swap3A_1141, %swap3A_1142], %swap3A_1145 {strides = array<i32>} : memref<80x128xf32, #tpu.memory_space<vmem>>, vector<1x16xf32>,
      %swap3A_1146 = arith.index_cast %add3A_1140 : i32 to index
      %swap3A_1147 = arith.constant 16 : index
      %swap3A_1148 = tpu.vector_load %arg11[%swap3A_1146, %swap3A_1147] {strides = array<i32>} : memref<80x128xf32, #tpu.memory_space<vmem>>, vector<1x16xf32>,
      %swap3A_1149 = vector.shape_cast %swap3A_1148 : vector<1x16xf32> to vector<16xf32>
      %swap3A_1150 = vector.shape_cast %broadcast_in_dim3A_1 : vector<16xf32> to vector<1x16xf32>
      tpu.vector_store %arg11[%swap3A_1146, %swap3A_1147], %swap3A_1150 {strides = array<i32>} : memref<80x128xf32, #tpu.memory_space<vmem>>, vector<1x16xf32>,
      %swap3A_1151 = arith.index_cast %add3A_1140 : i32 to index
      %swap3A_1152 = arith.constant 32 : index
      %swap3A_1153 = tpu.vector_load %arg11[%swap3A_1151, %swap3A_1152] {strides = array<i32>} : memref<80x128xf32, #tpu.memory_space<vmem>>, vector<1x16xf32>,
      %swap3A_1154 = vector.shape_cast %swap3A_1153 : vector<1x16xf32> to vector<16xf32>
      %swap3A_1155 = vector.shape_cast %broadcast_in_dim3A_1 : vector<16xf32> to vector<1x16xf32>
      tpu.vector_store %arg11[%swap3A_1151, %swap3A_1152], %swap3A_1155 {strides = array<i32>} : memref<80x128xf32, #tpu.memory_space<vmem>>, vector<1x16xf32>,
      %swap3A_1156 = arith.index_cast %add3A_1140 : i32 to index
      %swap3A_1157 = arith.constant 48 : index
      %swap3A_1158 = tpu.vector_load %arg11[%swap3A_1156, %swap3A_1157] {strides = array<i32>} : memref<80x128xf32, #tpu.memory_space<vmem>>, vector<1x16xf32>,
      %swap3A_1159 = vector.shape_cast %swap3A_1158 : vector<1x16xf32> to vector<16xf32>
      %swap3A_1160 = vector.shape_cast %broadcast_in_dim3A_1 : vector<16xf32> to vector<1x16xf32>
      tpu.vector_store %arg11[%swap3A_1156, %swap3A_1157], %swap3A_1160 {strides = array<i32>} : memref<80x128xf32, #tpu.memory_space<vmem>>, vector<1x16xf32>,
      %swap3A_1161 = arith.index_cast %add3A_1140 : i32 to index
      %swap3A_1162 = arith.constant 64 : index
      %swap3A_1163 = tpu.vector_load %arg11[%swap3A_1161, %swap3A_1162] {strides = array<i32>} : memref<80x128xf32, #tpu.memory_space<vmem>>, vector<1x16xf32>,
      %swap3A_1164 = vector.shape_cast %swap3A_1163 : vector<1x16xf32> to vector<16xf32>
      %swap3A_1165 = vector.shape_cast %broadcast_in_dim3A_1 : vector<16xf32> to vector<1x16xf32>
      tpu.vector_store %arg11[%swap3A_1161, %swap3A_1162], %swap3A_1165 {strides = array<i32>} : memref<80x128xf32, #tpu.memory_space<vmem>>, vector<1x16xf32>,
      %swap3A_1166 = arith.index_cast %add3A_1140 : i32 to index
      %swap3A_1167 = arith.constant 80 : index
      %swap3A_1168 = tpu.vector_load %arg11[%swap3A_1166, %swap3A_1167] {strides = array<i32>} : memref<80x128xf32, #tpu.memory_space<vmem>>, vector<1x16xf32>,
      %swap3A_1169 = vector.shape_cast %swap3A_1168 : vector<1x16xf32> to vector<16xf32>
      %swap3A_1170 = vector.shape_cast %broadcast_in_dim3A_1 : vector<16xf32> to vector<1x16xf32>
      tpu.vector_store %arg11[%swap3A_1166, %swap3A_1167], %swap3A_1170 {strides = array<i32>} : memref<80x128xf32, #tpu.memory_space<vmem>>, vector<1x16xf32>,
      %swap3A_1171 = arith.index_cast %add3A_1140 : i32 to index
      %swap3A_1172 = arith.constant 96 : index
      %swap3A_1173 = tpu.vector_load %arg11[%swap3A_1171, %swap3A_1172] {strides = array<i32>} : memref<80x128xf32, #tpu.memory_space<vmem>>, vector<1x16xf32>,
      %swap3A_1174 = vector.shape_cast %swap3A_1173 : vector<1x16xf32> to vector<16xf32>
      %swap3A_1175 = vector.shape_cast %broadcast_in_dim3A_1 : vector<16xf32> to vector<1x16xf32>
      tpu.vector_store %arg11[%swap3A_1171, %swap3A_1172], %swap3A_1175 {strides = array<i32>} : memref<80x128xf32, #tpu.memory_space<vmem>>, vector<1x16xf32>,
      %swap3A_1176 = arith.index_cast %add3A_1140 : i32 to index
      %swap3A_1177 = arith.constant 112 : index
      %swap3A_1178 = tpu.vector_load %arg11[%swap3A_1176, %swap3A_1177] {strides = array<i32>} : memref<80x128xf32, #tpu.memory_space<vmem>>, vector<1x16xf32>,
      %swap3A_1179 = vector.shape_cast %swap3A_1178 : vector<1x16xf32> to vector<16xf32>
      %swap3A_1180 = vector.shape_cast %broadcast_in_dim3A_1 : vector<16xf32> to vector<1x16xf32>
      tpu.vector_store %arg11[%swap3A_1176, %swap3A_1177], %swap3A_1180 {strides = array<i32>} : memref<80x128xf32, #tpu.memory_space<vmem>>, vector<1x16xf32>,
    }
    %scan3A_7 = arith.constant 80 : i32
    %swap3A = arith.constant 0 : index
    %swap3A_8 = tpu.vector_load %arg14[%swap3A] {strides = array<i32>} : memref<80xf32, #tpu.memory_space<vmem>>, vector<16xf32>,
    %swap3A_9 = vector.shape_cast %swap3A_8 : vector<16xf32> to vector<16xf32>
    %swap3A_10 = vector.shape_cast %broadcast_in_dim3A_3 : vector<16xf32> to vector<16xf32>
    tpu.vector_store %arg14[%swap3A], %swap3A_10 {strides = array<i32>} : memref<80xf32, #tpu.memory_space<vmem>>, vector<16xf32>,
    %swap3A_11 = arith.constant 16 : index
    %swap3A_12 = tpu.vector_load %arg14[%swap3A_11] {strides = array<i32>} : memref<80xf32, #tpu.memory_space<vmem>>, vector<16xf32>,
    %swap3A_13 = vector.shape_cast %swap3A_12 : vector<16xf32> to vector<16xf32>
    %swap3A_14 = vector.shape_cast %broadcast_in_dim3A_3 : vector<16xf32> to vector<16xf32>
    tpu.vector_store %arg14[%swap3A_11], %swap3A_14 {strides = array<i32>} : memref<80xf32, #tpu.memory_space<vmem>>, vector<16xf32>,
    %swap3A_15 = arith.constant 32 : index
    %swap3A_16 = tpu.vector_load %arg14[%swap3A_15] {strides = array<i32>} : memref<80xf32, #tpu.memory_space<vmem>>, vector<16xf32>,
    %swap3A_17 = vector.shape_cast %swap3A_16 : vector<16xf32> to vector<16xf32>
    %swap3A_18 = vector.shape_cast %broadcast_in_dim3A_3 : vector<16xf32> to vector<16xf32>
    tpu.vector_store %arg14[%swap3A_15], %swap3A_18 {strides = array<i32>} : memref<80xf32, #tpu.memory_space<vmem>>, vector<16xf32>,
    %swap3A_19 = arith.constant 48 : index
    %swap3A_20 = tpu.vector_load %arg14[%swap3A_19] {strides = array<i32>} : memref<80xf32, #tpu.memory_space<vmem>>, vector<16xf32>,
    %swap3A_21 = vector.shape_cast %swap3A_20 : vector<16xf32> to vector<16xf32>
    %swap3A_22 = vector.shape_cast %broadcast_in_dim3A_3 : vector<16xf32> to vector<16xf32>
    tpu.vector_store %arg14[%swap3A_19], %swap3A_22 {strides = array<i32>} : memref<80xf32, #tpu.memory_space<vmem>>, vector<16xf32>,
    %swap3A_23 = arith.constant 64 : index
    %swap3A_24 = tpu.vector_load %arg14[%swap3A_23] {strides = array<i32>} : memref<80xf32, #tpu.memory_space<vmem>>, vector<16xf32>,
    %swap3A_25 = vector.shape_cast %swap3A_24 : vector<16xf32> to vector<16xf32>
    %swap3A_26 = vector.shape_cast %broadcast_in_dim3A_3 : vector<16xf32> to vector<16xf32>
    tpu.vector_store %arg14[%swap3A_23], %swap3A_26 {strides = array<i32>} : memref<80xf32, #tpu.memory_space<vmem>>, vector<16xf32>,
    %swap3A_27 = arith.constant 0 : index
    %swap3A_28 = tpu.vector_load %arg15[%swap3A_27] {strides = array<i32>} : memref<640xf32, #tpu.memory_space<vmem>>, vector<16xf32>,
    %swap3A_29 = vector.shape_cast %swap3A_28 : vector<16xf32> to vector<16xf32>
    %swap3A_30 = vector.shape_cast %broadcast_in_dim3A_1 : vector<16xf32> to vector<16xf32>
    tpu.vector_store %arg15[%swap3A_27], %swap3A_30 {strides = array<i32>} : memref<640xf32, #tpu.memory_space<vmem>>, vector<16xf32>,
    %swap3A_31 = arith.constant 16 : index
    %swap3A_32 = tpu.vector_load %arg15[%swap3A_31] {strides = array<i32>} : memref<640xf32, #tpu.memory_space<vmem>>, vector<16xf32>,
    %swap3A_33 = vector.shape_cast %swap3A_32 : vector<16xf32> to vector<16xf32>
    %swap3A_34 = vector.shape_cast %broadcast_in_dim3A_1 : vector<16xf32> to vector<16xf32>
    tpu.vector_store %arg15[%swap3A_31], %swap3A_34 {strides = array<i32>} : memref<640xf32, #tpu.memory_space<vmem>>, vector<16xf32>,
    %swap3A_35 = arith.constant 32 : index
    %swap3A_36 = tpu.vector_load %arg15[%swap3A_35] {strides = array<i32>} : memref<640xf32, #tpu.memory_space<vmem>>, vector<16xf32>,
    %swap3A_37 = vector.shape_cast %swap3A_36 : vector<16xf32> to vector<16xf32>
    %swap3A_38 = vector.shape_cast %broadcast_in_dim3A_1 : vector<16xf32> to vector<16xf32>
    tpu.vector_store %arg15[%swap3A_35], %swap3A_38 {strides = array<i32>} : memref<640xf32, #tpu.memory_space<vmem>>, vector<16xf32>,
    %swap3A_39 = arith.constant 48 : index
    %swap3A_40 = tpu.vector_load %arg15[%swap3A_39] {strides = array<i32>} : memref<640xf32, #tpu.memory_space<vmem>>, vector<16xf32>,
    %swap3A_41 = vector.shape_cast %swap3A_40 : vector<16xf32> to vector<16xf32>
    %swap3A_42 = vector.shape_cast %broadcast_in_dim3A_1 : vector<16xf32> to vector<16xf32>
    tpu.vector_store %arg15[%swap3A_39], %swap3A_42 {strides = array<i32>} : memref<640xf32, #tpu.memory_space<vmem>>, vector<16xf32>,
    %swap3A_43 = arith.constant 64 : index
    %swap3A_44 = tpu.vector_load %arg15[%swap3A_43] {strides = array<i32>} : memref<640xf32, #tpu.memory_space<vmem>>, vector<16xf32>,
    %swap3A_45 = vector.shape_cast %swap3A_44 : vector<16xf32> to vector<16xf32>
    %swap3A_46 = vector.shape_cast %broadcast_in_dim3A_1 : vector<16xf32> to vector<16xf32>
    tpu.vector_store %arg15[%swap3A_43], %swap3A_46 {strides = array<i32>} : memref<640xf32, #tpu.memory_space<vmem>>, vector<16xf32>,
    %swap3A_47 = arith.constant 80 : index
    %swap3A_48 = tpu.vector_load %arg15[%swap3A_47] {strides = array<i32>} : memref<640xf32, #tpu.memory_space<vmem>>, vector<16xf32>,
    %swap3A_49 = vector.shape_cast %swap3A_48 : vector<16xf32> to vector<16xf32>
    %swap3A_50 = vector.shape_cast %broadcast_in_dim3A_1 : vector<16xf32> to vector<16xf32>
    tpu.vector_store %arg15[%swap3A_47], %swap3A_50 {strides = array<i32>} : memref<640xf32, #tpu.memory_space<vmem>>, vector<16xf32>,
    %swap3A_51 = arith.constant 96 : index
    %swap3A_52 = tpu.vector_load %arg15[%swap3A_51] {strides = array<i32>} : memref<640xf32, #tpu.memory_space<vmem>>, vector<16xf32>,
    %swap3A_53 = vector.shape_cast %swap3A_52 : vector<16xf32> to vector<16xf32>
    %swap3A_54 = vector.shape_cast %broadcast_in_dim3A_1 : vector<16xf32> to vector<16xf32>
    tpu.vector_store %arg15[%swap3A_51], %swap3A_54 {strides = array<i32>} : memref<640xf32, #tpu.memory_space<vmem>>, vector<16xf32>,
    %swap3A_55 = arith.constant 112 : index
    %swap3A_56 = tpu.vector_load %arg15[%swap3A_55] {strides = array<i32>} : memref<640xf32, #tpu.memory_space<vmem>>, vector<16xf32>,
    %swap3A_57 = vector.shape_cast %swap3A_56 : vector<16xf32> to vector<16xf32>
    %swap3A_58 = vector.shape_cast %broadcast_in_dim3A_1 : vector<16xf32> to vector<16xf32>
    tpu.vector_store %arg15[%swap3A_55], %swap3A_58 {strides = array<i32>} : memref<640xf32, #tpu.memory_space<vmem>>, vector<16xf32>,
    %swap3A_59 = arith.constant 128 : index
    %swap3A_60 = tpu.vector_load %arg15[%swap3A_59] {strides = array<i32>} : memref<640xf32, #tpu.memory_space<vmem>>, vector<16xf32>,
    %swap3A_61 = vector.shape_cast %swap3A_60 : vector<16xf32> to vector<16xf32>
    %swap3A_62 = vector.shape_cast %broadcast_in_dim3A_1 : vector<16xf32> to vector<16xf32>
    tpu.vector_store %arg15[%swap3A_59], %swap3A_62 {strides = array<i32>} : memref<640xf32, #tpu.memory_space<vmem>>, vector<16xf32>,
    %swap3A_63 = arith.constant 144 : index
    %swap3A_64 = tpu.vector_load %arg15[%swap3A_63] {strides = array<i32>} : memref<640xf32, #tpu.memory_space<vmem>>, vector<16xf32>,
    %swap3A_65 = vector.shape_cast %swap3A_64 : vector<16xf32> to vector<16xf32>
    %swap3A_66 = vector.shape_cast %broadcast_in_dim3A_1 : vector<16xf32> to vector<16xf32>
    tpu.vector_store %arg15[%swap3A_63], %swap3A_66 {strides = array<i32>} : memref<640xf32, #tpu.memory_space<vmem>>, vector<16xf32>,
    %swap3A_67 = arith.constant 160 : index
    %swap3A_68 = tpu.vector_load %arg15[%swap3A_67] {strides = array<i32>} : memref<640xf32, #tpu.memory_space<vmem>>, vector<16xf32>,
    %swap3A_69 = vector.shape_cast %swap3A_68 : vector<16xf32> to vector<16xf32>
    %swap3A_70 = vector.shape_cast %broadcast_in_dim3A_1 : vector<16xf32> to vector<16xf32>
    tpu.vector_store %arg15[%swap3A_67], %swap3A_70 {strides = array<i32>} : memref<640xf32, #tpu.memory_space<vmem>>, vector<16xf32>,
    %swap3A_71 = arith.constant 176 : index
    %swap3A_72 = tpu.vector_load %arg15[%swap3A_71] {strides = array<i32>} : memref<640xf32, #tpu.memory_space<vmem>>, vector<16xf32>,
    %swap3A_73 = vector.shape_cast %swap3A_72 : vector<16xf32> to vector<16xf32>
    %swap3A_74 = vector.shape_cast %broadcast_in_dim3A_1 : vector<16xf32> to vector<16xf32>
    tpu.vector_store %arg15[%swap3A_71], %swap3A_74 {strides = array<i32>} : memref<640xf32, #tpu.memory_space<vmem>>, vector<16xf32>,
    %swap3A_75 = arith.constant 192 : index
    %swap3A_76 = tpu.vector_load %arg15[%swap3A_75] {strides = array<i32>} : memref<640xf32, #tpu.memory_space<vmem>>, vector<16xf32>,
    %swap3A_77 = vector.shape_cast %swap3A_76 : vector<16xf32> to vector<16xf32>
    %swap3A_78 = vector.shape_cast %broadcast_in_dim3A_1 : vector<16xf32> to vector<16xf32>
    tpu.vector_store %arg15[%swap3A_75], %swap3A_78 {strides = array<i32>} : memref<640xf32, #tpu.memory_space<vmem>>, vector<16xf32>,
    %swap3A_79 = arith.constant 208 : index
    %swap3A_80 = tpu.vector_load %arg15[%swap3A_79] {strides = array<i32>} : memref<640xf32, #tpu.memory_space<vmem>>, vector<16xf32>,
    %swap3A_81 = vector.shape_cast %swap3A_80 : vector<16xf32> to vector<16xf32>
    %swap3A_82 = vector.shape_cast %broadcast_in_dim3A_1 : vector<16xf32> to vector<16xf32>
    tpu.vector_store %arg15[%swap3A_79], %swap3A_82 {strides = array<i32>} : memref<640xf32, #tpu.memory_space<vmem>>, vector<16xf32>,
    %swap3A_83 = arith.constant 224 : index
    %swap3A_84 = tpu.vector_load %arg15[%swap3A_83] {strides = array<i32>} : memref<640xf32, #tpu.memory_space<vmem>>, vector<16xf32>,
    %swap3A_85 = vector.shape_cast %swap3A_84 : vector<16xf32> to vector<16xf32>
    %swap3A_86 = vector.shape_cast %broadcast_in_dim3A_1 : vector<16xf32> to vector<16xf32>
    tpu.vector_store %arg15[%swap3A_83], %swap3A_86 {strides = array<i32>} : memref<640xf32, #tpu.memory_space<vmem>>, vector<16xf32>,
    %swap3A_87 = arith.constant 240 : index
    %swap3A_88 = tpu.vector_load %arg15[%swap3A_87] {strides = array<i32>} : memref<640xf32, #tpu.memory_space<vmem>>, vector<16xf32>,
    %swap3A_89 = vector.shape_cast %swap3A_88 : vector<16xf32> to vector<16xf32>
    %swap3A_90 = vector.shape_cast %broadcast_in_dim3A_1 : vector<16xf32> to vector<16xf32>
    tpu.vector_store %arg15[%swap3A_87], %swap3A_90 {strides = array<i32>} : memref<640xf32, #tpu.memory_space<vmem>>, vector<16xf32>,
    %swap3A_91 = arith.constant 256 : index
    %swap3A_92 = tpu.vector_load %arg15[%swap3A_91] {strides = array<i32>} : memref<640xf32, #tpu.memory_space<vmem>>, vector<16xf32>,
    %swap3A_93 = vector.shape_cast %swap3A_92 : vector<16xf32> to vector<16xf32>
    %swap3A_94 = vector.shape_cast %broadcast_in_dim3A_1 : vector<16xf32> to vector<16xf32>
    tpu.vector_store %arg15[%swap3A_91], %swap3A_94 {strides = array<i32>} : memref<640xf32, #tpu.memory_space<vmem>>, vector<16xf32>,
    %swap3A_95 = arith.constant 272 : index
    %swap3A_96 = tpu.vector_load %arg15[%swap3A_95] {strides = array<i32>} : memref<640xf32, #tpu.memory_space<vmem>>, vector<16xf32>,
    %swap3A_97 = vector.shape_cast %swap3A_96 : vector<16xf32> to vector<16xf32>
    %swap3A_98 = vector.shape_cast %broadcast_in_dim3A_1 : vector<16xf32> to vector<16xf32>
    tpu.vector_store %arg15[%swap3A_95], %swap3A_98 {strides = array<i32>} : memref<640xf32, #tpu.memory_space<vmem>>, vector<16xf32>,
    %swap3A_99 = arith.constant 288 : index
    %swap3A_100 = tpu.vector_load %arg15[%swap3A_99] {strides = array<i32>} : memref<640xf32, #tpu.memory_space<vmem>>, vector<16xf32>,
    %swap3A_101 = vector.shape_cast %swap3A_100 : vector<16xf32> to vector<16xf32>
    %swap3A_102 = vector.shape_cast %broadcast_in_dim3A_1 : vector<16xf32> to vector<16xf32>
    tpu.vector_store %arg15[%swap3A_99], %swap3A_102 {strides = array<i32>} : memref<640xf32, #tpu.memory_space<vmem>>, vector<16xf32>,
    %swap3A_103 = arith.constant 304 : index
    %swap3A_104 = tpu.vector_load %arg15[%swap3A_103] {strides = array<i32>} : memref<640xf32, #tpu.memory_space<vmem>>, vector<16xf32>,
    %swap3A_105 = vector.shape_cast %swap3A_104 : vector<16xf32> to vector<16xf32>
    %swap3A_106 = vector.shape_cast %broadcast_in_dim3A_1 : vector<16xf32> to vector<16xf32>
    tpu.vector_store %arg15[%swap3A_103], %swap3A_106 {strides = array<i32>} : memref<640xf32, #tpu.memory_space<vmem>>, vector<16xf32>,
    %swap3A_107 = arith.constant 320 : index
    %swap3A_108 = tpu.vector_load %arg15[%swap3A_107] {strides = array<i32>} : memref<640xf32, #tpu.memory_space<vmem>>, vector<16xf32>,
    %swap3A_109 = vector.shape_cast %swap3A_108 : vector<16xf32> to vector<16xf32>
    %swap3A_110 = vector.shape_cast %broadcast_in_dim3A_1 : vector<16xf32> to vector<16xf32>
    tpu.vector_store %arg15[%swap3A_107], %swap3A_110 {strides = array<i32>} : memref<640xf32, #tpu.memory_space<vmem>>, vector<16xf32>,
    %swap3A_111 = arith.constant 336 : index
    %swap3A_112 = tpu.vector_load %arg15[%swap3A_111] {strides = array<i32>} : memref<640xf32, #tpu.memory_space<vmem>>, vector<16xf32>,
    %swap3A_113 = vector.shape_cast %swap3A_112 : vector<16xf32> to vector<16xf32>
    %swap3A_114 = vector.shape_cast %broadcast_in_dim3A_1 : vector<16xf32> to vector<16xf32>
    tpu.vector_store %arg15[%swap3A_111], %swap3A_114 {strides = array<i32>} : memref<640xf32, #tpu.memory_space<vmem>>, vector<16xf32>,
    %swap3A_115 = arith.constant 352 : index
    %swap3A_116 = tpu.vector_load %arg15[%swap3A_115] {strides = array<i32>} : memref<640xf32, #tpu.memory_space<vmem>>, vector<16xf32>,
    %swap3A_117 = vector.shape_cast %swap3A_116 : vector<16xf32> to vector<16xf32>
    %swap3A_118 = vector.shape_cast %broadcast_in_dim3A_1 : vector<16xf32> to vector<16xf32>
    tpu.vector_store %arg15[%swap3A_115], %swap3A_118 {strides = array<i32>} : memref<640xf32, #tpu.memory_space<vmem>>, vector<16xf32>,
    %swap3A_119 = arith.constant 368 : index
    %swap3A_120 = tpu.vector_load %arg15[%swap3A_119] {strides = array<i32>} : memref<640xf32, #tpu.memory_space<vmem>>, vector<16xf32>,
    %swap3A_121 = vector.shape_cast %swap3A_120 : vector<16xf32> to vector<16xf32>
    %swap3A_122 = vector.shape_cast %broadcast_in_dim3A_1 : vector<16xf32> to vector<16xf32>
    tpu.vector_store %arg15[%swap3A_119], %swap3A_122 {strides = array<i32>} : memref<640xf32, #tpu.memory_space<vmem>>, vector<16xf32>,
    %swap3A_123 = arith.constant 384 : index
    %swap3A_124 = tpu.vector_load %arg15[%swap3A_123] {strides = array<i32>} : memref<640xf32, #tpu.memory_space<vmem>>, vector<16xf32>,
    %swap3A_125 = vector.shape_cast %swap3A_124 : vector<16xf32> to vector<16xf32>
    %swap3A_126 = vector.shape_cast %broadcast_in_dim3A_1 : vector<16xf32> to vector<16xf32>
    tpu.vector_store %arg15[%swap3A_123], %swap3A_126 {strides = array<i32>} : memref<640xf32, #tpu.memory_space<vmem>>, vector<16xf32>,
    %swap3A_127 = arith.constant 400 : index
    %swap3A_128 = tpu.vector_load %arg15[%swap3A_127] {strides = array<i32>} : memref<640xf32, #tpu.memory_space<vmem>>, vector<16xf32>,
    %swap3A_129 = vector.shape_cast %swap3A_128 : vector<16xf32> to vector<16xf32>
    %swap3A_130 = vector.shape_cast %broadcast_in_dim3A_1 : vector<16xf32> to vector<16xf32>
    tpu.vector_store %arg15[%swap3A_127], %swap3A_130 {strides = array<i32>} : memref<640xf32, #tpu.memory_space<vmem>>, vector<16xf32>,
    %swap3A_131 = arith.constant 416 : index
    %swap3A_132 = tpu.vector_load %arg15[%swap3A_131] {strides = array<i32>} : memref<640xf32, #tpu.memory_space<vmem>>, vector<16xf32>,
    %swap3A_133 = vector.shape_cast %swap3A_132 : vector<16xf32> to vector<16xf32>
    %swap3A_134 = vector.shape_cast %broadcast_in_dim3A_1 : vector<16xf32> to vector<16xf32>
    tpu.vector_store %arg15[%swap3A_131], %swap3A_134 {strides = array<i32>} : memref<640xf32, #tpu.memory_space<vmem>>, vector<16xf32>,
    %swap3A_135 = arith.constant 432 : index
    %swap3A_136 = tpu.vector_load %arg15[%swap3A_135] {strides = array<i32>} : memref<640xf32, #tpu.memory_space<vmem>>, vector<16xf32>,
    %swap3A_137 = vector.shape_cast %swap3A_136 : vector<16xf32> to vector<16xf32>
    %swap3A_138 = vector.shape_cast %broadcast_in_dim3A_1 : vector<16xf32> to vector<16xf32>
    tpu.vector_store %arg15[%swap3A_135], %swap3A_138 {strides = array<i32>} : memref<640xf32, #tpu.memory_space<vmem>>, vector<16xf32>,
    %swap3A_139 = arith.constant 448 : index
    %swap3A_140 = tpu.vector_load %arg15[%swap3A_139] {strides = array<i32>} : memref<640xf32, #tpu.memory_space<vmem>>, vector<16xf32>,
    %swap3A_141 = vector.shape_cast %swap3A_140 : vector<16xf32> to vector<16xf32>
    %swap3A_142 = vector.shape_cast %broadcast_in_dim3A_1 : vector<16xf32> to vector<16xf32>
    tpu.vector_store %arg15[%swap3A_139], %swap3A_142 {strides = array<i32>} : memref<640xf32, #tpu.memory_space<vmem>>, vector<16xf32>,
    %swap3A_143 = arith.constant 464 : index
    %swap3A_144 = tpu.vector_load %arg15[%swap3A_143] {strides = array<i32>} : memref<640xf32, #tpu.memory_space<vmem>>, vector<16xf32>,
    %swap3A_145 = vector.shape_cast %swap3A_144 : vector<16xf32> to vector<16xf32>
    %swap3A_146 = vector.shape_cast %broadcast_in_dim3A_1 : vector<16xf32> to vector<16xf32>
    tpu.vector_store %arg15[%swap3A_143], %swap3A_146 {strides = array<i32>} : memref<640xf32, #tpu.memory_space<vmem>>, vector<16xf32>,
    %swap3A_147 = arith.constant 480 : index
    %swap3A_148 = tpu.vector_load %arg15[%swap3A_147] {strides = array<i32>} : memref<640xf32, #tpu.memory_space<vmem>>, vector<16xf32>,
    %swap3A_149 = vector.shape_cast %swap3A_148 : vector<16xf32> to vector<16xf32>
    %swap3A_150 = vector.shape_cast %broadcast_in_dim3A_1 : vector<16xf32> to vector<16xf32>
    tpu.vector_store %arg15[%swap3A_147], %swap3A_150 {strides = array<i32>} : memref<640xf32, #tpu.memory_space<vmem>>, vector<16xf32>,
    %swap3A_151 = arith.constant 496 : index
    %swap3A_152 = tpu.vector_load %arg15[%swap3A_151] {strides = array<i32>} : memref<640xf32, #tpu.memory_space<vmem>>, vector<16xf32>,
    %swap3A_153 = vector.shape_cast %swap3A_152 : vector<16xf32> to vector<16xf32>
    %swap3A_154 = vector.shape_cast %broadcast_in_dim3A_1 : vector<16xf32> to vector<16xf32>
    tpu.vector_store %arg15[%swap3A_151], %swap3A_154 {strides = array<i32>} : memref<640xf32, #tpu.memory_space<vmem>>, vector<16xf32>,
    %swap3A_155 = arith.constant 512 : index
    %swap3A_156 = tpu.vector_load %arg15[%swap3A_155] {strides = array<i32>} : memref<640xf32, #tpu.memory_space<vmem>>, vector<16xf32>,
    %swap3A_157 = vector.shape_cast %swap3A_156 : vector<16xf32> to vector<16xf32>
    %swap3A_158 = vector.shape_cast %broadcast_in_dim3A_1 : vector<16xf32> to vector<16xf32>
    tpu.vector_store %arg15[%swap3A_155], %swap3A_158 {strides = array<i32>} : memref<640xf32, #tpu.memory_space<vmem>>, vector<16xf32>,
    %swap3A_159 = arith.constant 528 : index
    %swap3A_160 = tpu.vector_load %arg15[%swap3A_159] {strides = array<i32>} : memref<640xf32, #tpu.memory_space<vmem>>, vector<16xf32>,
    %swap3A_161 = vector.shape_cast %swap3A_160 : vector<16xf32> to vector<16xf32>
    %swap3A_162 = vector.shape_cast %broadcast_in_dim3A_1 : vector<16xf32> to vector<16xf32>
    tpu.vector_store %arg15[%swap3A_159], %swap3A_162 {strides = array<i32>} : memref<640xf32, #tpu.memory_space<vmem>>, vector<16xf32>,
    %swap3A_163 = arith.constant 544 : index
    %swap3A_164 = tpu.vector_load %arg15[%swap3A_163] {strides = array<i32>} : memref<640xf32, #tpu.memory_space<vmem>>, vector<16xf32>,
    %swap3A_165 = vector.shape_cast %swap3A_164 : vector<16xf32> to vector<16xf32>
    %swap3A_166 = vector.shape_cast %broadcast_in_dim3A_1 : vector<16xf32> to vector<16xf32>
    tpu.vector_store %arg15[%swap3A_163], %swap3A_166 {strides = array<i32>} : memref<640xf32, #tpu.memory_space<vmem>>, vector<16xf32>,
    %swap3A_167 = arith.constant 560 : index
    %swap3A_168 = tpu.vector_load %arg15[%swap3A_167] {strides = array<i32>} : memref<640xf32, #tpu.memory_space<vmem>>, vector<16xf32>,
    %swap3A_169 = vector.shape_cast %swap3A_168 : vector<16xf32> to vector<16xf32>
    %swap3A_170 = vector.shape_cast %broadcast_in_dim3A_1 : vector<16xf32> to vector<16xf32>
    tpu.vector_store %arg15[%swap3A_167], %swap3A_170 {strides = array<i32>} : memref<640xf32, #tpu.memory_space<vmem>>, vector<16xf32>,
    %swap3A_171 = arith.constant 576 : index
    %swap3A_172 = tpu.vector_load %arg15[%swap3A_171] {strides = array<i32>} : memref<640xf32, #tpu.memory_space<vmem>>, vector<16xf32>,
    %swap3A_173 = vector.shape_cast %swap3A_172 : vector<16xf32> to vector<16xf32>
    %swap3A_174 = vector.shape_cast %broadcast_in_dim3A_1 : vector<16xf32> to vector<16xf32>
    tpu.vector_store %arg15[%swap3A_171], %swap3A_174 {strides = array<i32>} : memref<640xf32, #tpu.memory_space<vmem>>, vector<16xf32>,
    %swap3A_175 = arith.constant 592 : index
    %swap3A_176 = tpu.vector_load %arg15[%swap3A_175] {strides = array<i32>} : memref<640xf32, #tpu.memory_space<vmem>>, vector<16xf32>,
    %swap3A_177 = vector.shape_cast %swap3A_176 : vector<16xf32> to vector<16xf32>
    %swap3A_178 = vector.shape_cast %broadcast_in_dim3A_1 : vector<16xf32> to vector<16xf32>
    tpu.vector_store %arg15[%swap3A_175], %swap3A_178 {strides = array<i32>} : memref<640xf32, #tpu.memory_space<vmem>>, vector<16xf32>,
    %swap3A_179 = arith.constant 608 : index
    %swap3A_180 = tpu.vector_load %arg15[%swap3A_179] {strides = array<i32>} : memref<640xf32, #tpu.memory_space<vmem>>, vector<16xf32>,
    %swap3A_181 = vector.shape_cast %swap3A_180 : vector<16xf32> to vector<16xf32>
    %swap3A_182 = vector.shape_cast %broadcast_in_dim3A_1 : vector<16xf32> to vector<16xf32>
    tpu.vector_store %arg15[%swap3A_179], %swap3A_182 {strides = array<i32>} : memref<640xf32, #tpu.memory_space<vmem>>, vector<16xf32>,
    %swap3A_183 = arith.constant 624 : index
    %swap3A_184 = tpu.vector_load %arg15[%swap3A_183] {strides = array<i32>} : memref<640xf32, #tpu.memory_space<vmem>>, vector<16xf32>,
    %swap3A_185 = vector.shape_cast %swap3A_184 : vector<16xf32> to vector<16xf32>
    %swap3A_186 = vector.shape_cast %broadcast_in_dim3A_1 : vector<16xf32> to vector<16xf32>
    tpu.vector_store %arg15[%swap3A_183], %swap3A_186 {strides = array<i32>} : memref<640xf32, #tpu.memory_space<vmem>>, vector<16xf32>,
    %mul3A_187 = arith.constant 640 : i32
    %mul3A_188 = arith.muli %arg1, %mul3A_187 : i32
    %add3A_189 = arith.constant 0 : i32
    %add3A_190 = arith.addi %mul3A_188, %add3A_189 : i32
    "tpu.region"() ({
      %run_scoped3A = tpu.sem_alloc : memref<!tpu.dma_semaphore, #tpu.memory_space<semaphore_mem>>
      %dma_start3A_1136 = arith.constant 0 : i32
      %dma_start3A_1137 = tpu.memref_slice %arg7[%add3A_190, %dma_start3A_1136] : memref<10240x128xf32, #tpu.memory_space<vmem_shared>> -> memref<80x128xf32, #tpu.memory_space<vmem_shared>>
      %dma_start3A_1138 = arith.constant 0 : i32
      %dma_start3A_1139 = tpu.memref_slice %arg7[%add3A_190, %dma_start3A_1138] : memref<10240x128xf32, #tpu.memory_space<vmem_shared>> -> memref<80x128xf32, #tpu.memory_space<vmem_shared>>
      tpu.enqueue_dma source(%arg11 : memref<80x128xf32, #tpu.memory_space<vmem>>) target(%dma_start3A_1139 : memref<80x128xf32, #tpu.memory_space<vmem_shared>>) target_semaphore(%run_scoped3A : memref<!tpu.dma_semaphore, #tpu.memory_space<semaphore_mem>>)
      %dma_wait3A_1140 = arith.constant 0 : i32
      %dma_wait3A_1141 = tpu.memref_slice %arg7[%add3A_190, %dma_wait3A_1140] : memref<10240x128xf32, #tpu.memory_space<vmem_shared>> -> memref<80x128xf32, #tpu.memory_space<vmem_shared>>
      %dma_wait3A_1142 = arith.constant 0 : i32
      %dma_wait3A_1143 = tpu.memref_slice %arg7[%add3A_190, %dma_wait3A_1142] : memref<10240x128xf32, #tpu.memory_space<vmem_shared>> -> memref<80x128xf32, #tpu.memory_space<vmem_shared>>
      tpu.wait_dma2 semaphore(%run_scoped3A : memref<!tpu.dma_semaphore, #tpu.memory_space<semaphore_mem>>) src(%arg11 : memref<80x128xf32, #tpu.memory_space<vmem>>) dst(%dma_wait3A_1143 : memref<80x128xf32, #tpu.memory_space<vmem_shared>>)
      tpu.yield
    }) : () -> ()
    %mul3A_191 = arith.constant 640 : i32
    %mul3A_192 = arith.muli %arg1, %mul3A_191 : i32
    %add3A_193 = arith.constant 80 : i32
    %add3A_194 = arith.addi %mul3A_192, %add3A_193 : i32
    "tpu.region"() ({
      %run_scoped3A = tpu.sem_alloc : memref<!tpu.dma_semaphore, #tpu.memory_space<semaphore_mem>>
      %dma_start3A_1136 = arith.constant 0 : i32
      %dma_start3A_1137 = tpu.memref_slice %arg7[%add3A_194, %dma_start3A_1136] : memref<10240x128xf32, #tpu.memory_space<vmem_shared>> -> memref<80x128xf32, #tpu.memory_space<vmem_shared>>
      %dma_start3A_1138 = arith.constant 0 : i32
      %dma_start3A_1139 = tpu.memref_slice %arg7[%add3A_194, %dma_start3A_1138] : memref<10240x128xf32, #tpu.memory_space<vmem_shared>> -> memref<80x128xf32, #tpu.memory_space<vmem_shared>>
      tpu.enqueue_dma source(%arg11 : memref<80x128xf32, #tpu.memory_space<vmem>>) target(%dma_start3A_1139 : memref<80x128xf32, #tpu.memory_space<vmem_shared>>) target_semaphore(%run_scoped3A : memref<!tpu.dma_semaphore, #tpu.memory_space<semaphore_mem>>)
      %dma_wait3A_1140 = arith.constant 0 : i32
      %dma_wait3A_1141 = tpu.memref_slice %arg7[%add3A_194, %dma_wait3A_1140] : memref<10240x128xf32, #tpu.memory_space<vmem_shared>> -> memref<80x128xf32, #tpu.memory_space<vmem_shared>>
      %dma_wait3A_1142 = arith.constant 0 : i32
      %dma_wait3A_1143 = tpu.memref_slice %arg7[%add3A_194, %dma_wait3A_1142] : memref<10240x128xf32, #tpu.memory_space<vmem_shared>> -> memref<80x128xf32, #tpu.memory_space<vmem_shared>>
      tpu.wait_dma2 semaphore(%run_scoped3A : memref<!tpu.dma_semaphore, #tpu.memory_space<semaphore_mem>>) src(%arg11 : memref<80x128xf32, #tpu.memory_space<vmem>>) dst(%dma_wait3A_1143 : memref<80x128xf32, #tpu.memory_space<vmem_shared>>)
      tpu.yield
    }) : () -> ()
    %mul3A_195 = arith.constant 640 : i32
    %mul3A_196 = arith.muli %arg1, %mul3A_195 : i32
    %add3A_197 = arith.constant 160 : i32
    %add3A_198 = arith.addi %mul3A_196, %add3A_197 : i32
    "tpu.region"() ({
      %run_scoped3A = tpu.sem_alloc : memref<!tpu.dma_semaphore, #tpu.memory_space<semaphore_mem>>
      %dma_start3A_1136 = arith.constant 0 : i32
      %dma_start3A_1137 = tpu.memref_slice %arg7[%add3A_198, %dma_start3A_1136] : memref<10240x128xf32, #tpu.memory_space<vmem_shared>> -> memref<80x128xf32, #tpu.memory_space<vmem_shared>>
      %dma_start3A_1138 = arith.constant 0 : i32
      %dma_start3A_1139 = tpu.memref_slice %arg7[%add3A_198, %dma_start3A_1138] : memref<10240x128xf32, #tpu.memory_space<vmem_shared>> -> memref<80x128xf32, #tpu.memory_space<vmem_shared>>
      tpu.enqueue_dma source(%arg11 : memref<80x128xf32, #tpu.memory_space<vmem>>) target(%dma_start3A_1139 : memref<80x128xf32, #tpu.memory_space<vmem_shared>>) target_semaphore(%run_scoped3A : memref<!tpu.dma_semaphore, #tpu.memory_space<semaphore_mem>>)
      %dma_wait3A_1140 = arith.constant 0 : i32
      %dma_wait3A_1141 = tpu.memref_slice %arg7[%add3A_198, %dma_wait3A_1140] : memref<10240x128xf32, #tpu.memory_space<vmem_shared>> -> memref<80x128xf32, #tpu.memory_space<vmem_shared>>
      %dma_wait3A_1142 = arith.constant 0 : i32
      %dma_wait3A_1143 = tpu.memref_slice %arg7[%add3A_198, %dma_wait3A_1142] : memref<10240x128xf32, #tpu.memory_space<vmem_shared>> -> memref<80x128xf32, #tpu.memory_space<vmem_shared>>
      tpu.wait_dma2 semaphore(%run_scoped3A : memref<!tpu.dma_semaphore, #tpu.memory_space<semaphore_mem>>) src(%arg11 : memref<80x128xf32, #tpu.memory_space<vmem>>) dst(%dma_wait3A_1143 : memref<80x128xf32, #tpu.memory_space<vmem_shared>>)
      tpu.yield
    }) : () -> ()
    %mul3A_199 = arith.constant 640 : i32
    %mul3A_200 = arith.muli %arg1, %mul3A_199 : i32
    %add3A_201 = arith.constant 240 : i32
    %add3A_202 = arith.addi %mul3A_200, %add3A_201 : i32
    "tpu.region"() ({
      %run_scoped3A = tpu.sem_alloc : memref<!tpu.dma_semaphore, #tpu.memory_space<semaphore_mem>>
      %dma_start3A_1136 = arith.constant 0 : i32
      %dma_start3A_1137 = tpu.memref_slice %arg7[%add3A_202, %dma_start3A_1136] : memref<10240x128xf32, #tpu.memory_space<vmem_shared>> -> memref<80x128xf32, #tpu.memory_space<vmem_shared>>
      %dma_start3A_1138 = arith.constant 0 : i32
      %dma_start3A_1139 = tpu.memref_slice %arg7[%add3A_202, %dma_start3A_1138] : memref<10240x128xf32, #tpu.memory_space<vmem_shared>> -> memref<80x128xf32, #tpu.memory_space<vmem_shared>>
      tpu.enqueue_dma source(%arg11 : memref<80x128xf32, #tpu.memory_space<vmem>>) target(%dma_start3A_1139 : memref<80x128xf32, #tpu.memory_space<vmem_shared>>) target_semaphore(%run_scoped3A : memref<!tpu.dma_semaphore, #tpu.memory_space<semaphore_mem>>)
      %dma_wait3A_1140 = arith.constant 0 : i32
      %dma_wait3A_1141 = tpu.memref_slice %arg7[%add3A_202, %dma_wait3A_1140] : memref<10240x128xf32, #tpu.memory_space<vmem_shared>> -> memref<80x128xf32, #tpu.memory_space<vmem_shared>>
      %dma_wait3A_1142 = arith.constant 0 : i32
      %dma_wait3A_1143 = tpu.memref_slice %arg7[%add3A_202, %dma_wait3A_1142] : memref<10240x128xf32, #tpu.memory_space<vmem_shared>> -> memref<80x128xf32, #tpu.memory_space<vmem_shared>>
      tpu.wait_dma2 semaphore(%run_scoped3A : memref<!tpu.dma_semaphore, #tpu.memory_space<semaphore_mem>>) src(%arg11 : memref<80x128xf32, #tpu.memory_space<vmem>>) dst(%dma_wait3A_1143 : memref<80x128xf32, #tpu.memory_space<vmem_shared>>)
      tpu.yield
    }) : () -> ()
    %mul3A_203 = arith.constant 640 : i32
    %mul3A_204 = arith.muli %arg1, %mul3A_203 : i32
    %add3A_205 = arith.constant 320 : i32
    %add3A_206 = arith.addi %mul3A_204, %add3A_205 : i32
    "tpu.region"() ({
      %run_scoped3A = tpu.sem_alloc : memref<!tpu.dma_semaphore, #tpu.memory_space<semaphore_mem>>
      %dma_start3A_1136 = arith.constant 0 : i32
      %dma_start3A_1137 = tpu.memref_slice %arg7[%add3A_206, %dma_start3A_1136] : memref<10240x128xf32, #tpu.memory_space<vmem_shared>> -> memref<80x128xf32, #tpu.memory_space<vmem_shared>>
      %dma_start3A_1138 = arith.constant 0 : i32
      %dma_start3A_1139 = tpu.memref_slice %arg7[%add3A_206, %dma_start3A_1138] : memref<10240x128xf32, #tpu.memory_space<vmem_shared>> -> memref<80x128xf32, #tpu.memory_space<vmem_shared>>
      tpu.enqueue_dma source(%arg11 : memref<80x128xf32, #tpu.memory_space<vmem>>) target(%dma_start3A_1139 : memref<80x128xf32, #tpu.memory_space<vmem_shared>>) target_semaphore(%run_scoped3A : memref<!tpu.dma_semaphore, #tpu.memory_space<semaphore_mem>>)
      %dma_wait3A_1140 = arith.constant 0 : i32
      %dma_wait3A_1141 = tpu.memref_slice %arg7[%add3A_206, %dma_wait3A_1140] : memref<10240x128xf32, #tpu.memory_space<vmem_shared>> -> memref<80x128xf32, #tpu.memory_space<vmem_shared>>
      %dma_wait3A_1142 = arith.constant 0 : i32
      %dma_wait3A_1143 = tpu.memref_slice %arg7[%add3A_206, %dma_wait3A_1142] : memref<10240x128xf32, #tpu.memory_space<vmem_shared>> -> memref<80x128xf32, #tpu.memory_space<vmem_shared>>
      tpu.wait_dma2 semaphore(%run_scoped3A : memref<!tpu.dma_semaphore, #tpu.memory_space<semaphore_mem>>) src(%arg11 : memref<80x128xf32, #tpu.memory_space<vmem>>) dst(%dma_wait3A_1143 : memref<80x128xf32, #tpu.memory_space<vmem_shared>>)
      tpu.yield
    }) : () -> ()
    %mul3A_207 = arith.constant 640 : i32
    %mul3A_208 = arith.muli %arg1, %mul3A_207 : i32
    %add3A_209 = arith.constant 400 : i32
    %add3A_210 = arith.addi %mul3A_208, %add3A_209 : i32
    "tpu.region"() ({
      %run_scoped3A = tpu.sem_alloc : memref<!tpu.dma_semaphore, #tpu.memory_space<semaphore_mem>>
      %dma_start3A_1136 = arith.constant 0 : i32
      %dma_start3A_1137 = tpu.memref_slice %arg7[%add3A_210, %dma_start3A_1136] : memref<10240x128xf32, #tpu.memory_space<vmem_shared>> -> memref<80x128xf32, #tpu.memory_space<vmem_shared>>
      %dma_start3A_1138 = arith.constant 0 : i32
      %dma_start3A_1139 = tpu.memref_slice %arg7[%add3A_210, %dma_start3A_1138] : memref<10240x128xf32, #tpu.memory_space<vmem_shared>> -> memref<80x128xf32, #tpu.memory_space<vmem_shared>>
      tpu.enqueue_dma source(%arg11 : memref<80x128xf32, #tpu.memory_space<vmem>>) target(%dma_start3A_1139 : memref<80x128xf32, #tpu.memory_space<vmem_shared>>) target_semaphore(%run_scoped3A : memref<!tpu.dma_semaphore, #tpu.memory_space<semaphore_mem>>)
      %dma_wait3A_1140 = arith.constant 0 : i32
      %dma_wait3A_1141 = tpu.memref_slice %arg7[%add3A_210, %dma_wait3A_1140] : memref<10240x128xf32, #tpu.memory_space<vmem_shared>> -> memref<80x128xf32, #tpu.memory_space<vmem_shared>>
      %dma_wait3A_1142 = arith.constant 0 : i32
      %dma_wait3A_1143 = tpu.memref_slice %arg7[%add3A_210, %dma_wait3A_1142] : memref<10240x128xf32, #tpu.memory_space<vmem_shared>> -> memref<80x128xf32, #tpu.memory_space<vmem_shared>>
      tpu.wait_dma2 semaphore(%run_scoped3A : memref<!tpu.dma_semaphore, #tpu.memory_space<semaphore_mem>>) src(%arg11 : memref<80x128xf32, #tpu.memory_space<vmem>>) dst(%dma_wait3A_1143 : memref<80x128xf32, #tpu.memory_space<vmem_shared>>)
      tpu.yield
    }) : () -> ()
    %mul3A_211 = arith.constant 640 : i32
    %mul3A_212 = arith.muli %arg1, %mul3A_211 : i32
    %add3A_213 = arith.constant 480 : i32
    %add3A_214 = arith.addi %mul3A_212, %add3A_213 : i32
    "tpu.region"() ({
      %run_scoped3A = tpu.sem_alloc : memref<!tpu.dma_semaphore, #tpu.memory_space<semaphore_mem>>
      %dma_start3A_1136 = arith.constant 0 : i32
      %dma_start3A_1137 = tpu.memref_slice %arg7[%add3A_214, %dma_start3A_1136] : memref<10240x128xf32, #tpu.memory_space<vmem_shared>> -> memref<80x128xf32, #tpu.memory_space<vmem_shared>>
      %dma_start3A_1138 = arith.constant 0 : i32
      %dma_start3A_1139 = tpu.memref_slice %arg7[%add3A_214, %dma_start3A_1138] : memref<10240x128xf32, #tpu.memory_space<vmem_shared>> -> memref<80x128xf32, #tpu.memory_space<vmem_shared>>
      tpu.enqueue_dma source(%arg11 : memref<80x128xf32, #tpu.memory_space<vmem>>) target(%dma_start3A_1139 : memref<80x128xf32, #tpu.memory_space<vmem_shared>>) target_semaphore(%run_scoped3A : memref<!tpu.dma_semaphore, #tpu.memory_space<semaphore_mem>>)
      %dma_wait3A_1140 = arith.constant 0 : i32
      %dma_wait3A_1141 = tpu.memref_slice %arg7[%add3A_214, %dma_wait3A_1140] : memref<10240x128xf32, #tpu.memory_space<vmem_shared>> -> memref<80x128xf32, #tpu.memory_space<vmem_shared>>
      %dma_wait3A_1142 = arith.constant 0 : i32
      %dma_wait3A_1143 = tpu.memref_slice %arg7[%add3A_214, %dma_wait3A_1142] : memref<10240x128xf32, #tpu.memory_space<vmem_shared>> -> memref<80x128xf32, #tpu.memory_space<vmem_shared>>
      tpu.wait_dma2 semaphore(%run_scoped3A : memref<!tpu.dma_semaphore, #tpu.memory_space<semaphore_mem>>) src(%arg11 : memref<80x128xf32, #tpu.memory_space<vmem>>) dst(%dma_wait3A_1143 : memref<80x128xf32, #tpu.memory_space<vmem_shared>>)
      tpu.yield
    }) : () -> ()
    %mul3A_215 = arith.constant 640 : i32
    %mul3A_216 = arith.muli %arg1, %mul3A_215 : i32
    %add3A_217 = arith.constant 560 : i32
    %add3A_218 = arith.addi %mul3A_216, %add3A_217 : i32
    "tpu.region"() ({
      %run_scoped3A = tpu.sem_alloc : memref<!tpu.dma_semaphore, #tpu.memory_space<semaphore_mem>>
      %dma_start3A_1136 = arith.constant 0 : i32
      %dma_start3A_1137 = tpu.memref_slice %arg7[%add3A_218, %dma_start3A_1136] : memref<10240x128xf32, #tpu.memory_space<vmem_shared>> -> memref<80x128xf32, #tpu.memory_space<vmem_shared>>
      %dma_start3A_1138 = arith.constant 0 : i32
      %dma_start3A_1139 = tpu.memref_slice %arg7[%add3A_218, %dma_start3A_1138] : memref<10240x128xf32, #tpu.memory_space<vmem_shared>> -> memref<80x128xf32, #tpu.memory_space<vmem_shared>>
      tpu.enqueue_dma source(%arg11 : memref<80x128xf32, #tpu.memory_space<vmem>>) target(%dma_start3A_1139 : memref<80x128xf32, #tpu.memory_space<vmem_shared>>) target_semaphore(%run_scoped3A : memref<!tpu.dma_semaphore, #tpu.memory_space<semaphore_mem>>)
      %dma_wait3A_1140 = arith.constant 0 : i32
      %dma_wait3A_1141 = tpu.memref_slice %arg7[%add3A_218, %dma_wait3A_1140] : memref<10240x128xf32, #tpu.memory_space<vmem_shared>> -> memref<80x128xf32, #tpu.memory_space<vmem_shared>>
      %dma_wait3A_1142 = arith.constant 0 : i32
      %dma_wait3A_1143 = tpu.memref_slice %arg7[%add3A_218, %dma_wait3A_1142] : memref<10240x128xf32, #tpu.memory_space<vmem_shared>> -> memref<80x128xf32, #tpu.memory_space<vmem_shared>>
      tpu.wait_dma2 semaphore(%run_scoped3A : memref<!tpu.dma_semaphore, #tpu.memory_space<semaphore_mem>>) src(%arg11 : memref<80x128xf32, #tpu.memory_space<vmem>>) dst(%dma_wait3A_1143 : memref<80x128xf32, #tpu.memory_space<vmem_shared>>)
      tpu.yield
    }) : () -> ()
    %mul3A_219 = arith.constant 640 : i32
    %mul3A_220 = arith.muli %arg1, %mul3A_219 : i32
    "tpu.region"() ({
      %run_scoped3A = tpu.sem_alloc : memref<!tpu.dma_semaphore, #tpu.memory_space<semaphore_mem>>
      %dma_start3A_1136 = tpu.memref_slice %arg8[%mul3A_220] : memref<10240xf32, #tpu.memory_space<vmem_shared>> -> memref<640xf32, #tpu.memory_space<vmem_shared>>
      %dma_start3A_1137 = tpu.memref_slice %arg8[%mul3A_220] : memref<10240xf32, #tpu.memory_space<vmem_shared>> -> memref<640xf32, #tpu.memory_space<vmem_shared>>
      tpu.enqueue_dma source(%arg15 : memref<640xf32, #tpu.memory_space<vmem>>) target(%dma_start3A_1137 : memref<640xf32, #tpu.memory_space<vmem_shared>>) target_semaphore(%run_scoped3A : memref<!tpu.dma_semaphore, #tpu.memory_space<semaphore_mem>>)
      %dma_wait3A_1138 = tpu.memref_slice %arg8[%mul3A_220] : memref<10240xf32, #tpu.memory_space<vmem_shared>> -> memref<640xf32, #tpu.memory_space<vmem_shared>>
      %dma_wait3A_1139 = tpu.memref_slice %arg8[%mul3A_220] : memref<10240xf32, #tpu.memory_space<vmem_shared>> -> memref<640xf32, #tpu.memory_space<vmem_shared>>
      tpu.wait_dma2 semaphore(%run_scoped3A : memref<!tpu.dma_semaphore, #tpu.memory_space<semaphore_mem>>) src(%arg15 : memref<640xf32, #tpu.memory_space<vmem>>) dst(%dma_wait3A_1139 : memref<640xf32, #tpu.memory_space<vmem_shared>>)
      tpu.yield
    }) : () -> ()
    %barrier3A = arith.constant 0 : index
    tpu.barrier barrier_id(%barrier3A)
    %mul3A_221 = arith.constant 10000 : i32
    %mul3A_222 = arith.muli %add3A, %mul3A_221 : i32
    %add3A_223 = arith.constant 0 : i32
    %add3A_224 = arith.addi %mul3A_222, %add3A_223 : i32
    %dma_start3A = arith.constant 0 : i32
    %dma_start3A_225 = arith.constant 0 : i32
    %dma_start3A_226 = tpu.memref_slice %arg9[%dma_start3A, %dma_start3A_225] : memref<6x80xi32, #tpu.memory_space<vmem>> -> memref<1x80xi32, #tpu.memory_space<vmem>>
    %dma_start3A_227 = tpu.memref_squeeze %dma_start3A_226 : memref<1x80xi32, #tpu.memory_space<vmem>> -> memref<80xi32, #tpu.memory_space<vmem>>
    %dma_start3A_228 = tpu.memref_slice %arg3[%add3A_224] : memref<320000xi32, #tpu.memory_space<hbm>> -> memref<80xi32, #tpu.memory_space<hbm>>
    %dma_start3A_229 = arith.constant 0 : i32
    %dma_start3A_230 = tpu.memref_slice %arg9[%dma_start3A, %dma_start3A_229] : memref<6x80xi32, #tpu.memory_space<vmem>> -> memref<1x80xi32, #tpu.memory_space<vmem>>
    %dma_start3A_231 = tpu.memref_squeeze %dma_start3A_230 : memref<1x80xi32, #tpu.memory_space<vmem>> -> memref<80xi32, #tpu.memory_space<vmem>>
    %dma_start3A_232 = tpu.memref_slice %arg3[%add3A_224] : memref<320000xi32, #tpu.memory_space<hbm>> -> memref<80xi32, #tpu.memory_space<hbm>>
    tpu.enqueue_dma source(%dma_start3A_232 : memref<80xi32, #tpu.memory_space<hbm>>) target(%dma_start3A_231 : memref<80xi32, #tpu.memory_space<vmem>>) target_semaphore(%arg19 : memref<!tpu.dma_semaphore, #tpu.memory_space<semaphore_mem>>)
    %dma_start3A_233 = arith.constant 0 : i32
    %dma_start3A_234 = arith.constant 0 : i32
    %dma_start3A_235 = tpu.memref_slice %arg10[%dma_start3A_233, %dma_start3A_234] : memref<6x80xi32, #tpu.memory_space<vmem>> -> memref<1x80xi32, #tpu.memory_space<vmem>>
    %dma_start3A_236 = tpu.memref_squeeze %dma_start3A_235 : memref<1x80xi32, #tpu.memory_space<vmem>> -> memref<80xi32, #tpu.memory_space<vmem>>
    %dma_start3A_237 = tpu.memref_slice %arg4[%add3A_224] : memref<320000xi32, #tpu.memory_space<hbm>> -> memref<80xi32, #tpu.memory_space<hbm>>
    %dma_start3A_238 = arith.constant 0 : i32
    %dma_start3A_239 = tpu.memref_slice %arg10[%dma_start3A_233, %dma_start3A_238] : memref<6x80xi32, #tpu.memory_space<vmem>> -> memref<1x80xi32, #tpu.memory_space<vmem>>
    %dma_start3A_240 = tpu.memref_squeeze %dma_start3A_239 : memref<1x80xi32, #tpu.memory_space<vmem>> -> memref<80xi32, #tpu.memory_space<vmem>>
    %dma_start3A_241 = tpu.memref_slice %arg4[%add3A_224] : memref<320000xi32, #tpu.memory_space<hbm>> -> memref<80xi32, #tpu.memory_space<hbm>>
    tpu.enqueue_dma source(%dma_start3A_241 : memref<80xi32, #tpu.memory_space<hbm>>) target(%dma_start3A_240 : memref<80xi32, #tpu.memory_space<vmem>>) target_semaphore(%arg19 : memref<!tpu.dma_semaphore, #tpu.memory_space<semaphore_mem>>)
    %add3A_242 = arith.constant 80 : i32
    %add3A_243 = arith.addi %mul3A_222, %add3A_242 : i32
    %dma_start3A_244 = arith.constant 1 : i32
    %dma_start3A_245 = arith.constant 0 : i32
    %dma_start3A_246 = tpu.memref_slice %arg9[%dma_start3A_244, %dma_start3A_245] : memref<6x80xi32, #tpu.memory_space<vmem>> -> memref<1x80xi32, #tpu.memory_space<vmem>>
    %dma_start3A_247 = tpu.memref_squeeze %dma_start3A_246 : memref<1x80xi32, #tpu.memory_space<vmem>> -> memref<80xi32, #tpu.memory_space<vmem>>
    %dma_start3A_248 = tpu.memref_slice %arg3[%add3A_243] : memref<320000xi32, #tpu.memory_space<hbm>> -> memref<80xi32, #tpu.memory_space<hbm>>
    %dma_start3A_249 = arith.constant 0 : i32
    %dma_start3A_250 = tpu.memref_slice %arg9[%dma_start3A_244, %dma_start3A_249] : memref<6x80xi32, #tpu.memory_space<vmem>> -> memref<1x80xi32, #tpu.memory_space<vmem>>
    %dma_start3A_251 = tpu.memref_squeeze %dma_start3A_250 : memref<1x80xi32, #tpu.memory_space<vmem>> -> memref<80xi32, #tpu.memory_space<vmem>>
    %dma_start3A_252 = tpu.memref_slice %arg3[%add3A_243] : memref<320000xi32, #tpu.memory_space<hbm>> -> memref<80xi32, #tpu.memory_space<hbm>>
    tpu.enqueue_dma source(%dma_start3A_252 : memref<80xi32, #tpu.memory_space<hbm>>) target(%dma_start3A_251 : memref<80xi32, #tpu.memory_space<vmem>>) target_semaphore(%arg20 : memref<!tpu.dma_semaphore, #tpu.memory_space<semaphore_mem>>)
    %dma_start3A_253 = arith.constant 1 : i32
    %dma_start3A_254 = arith.constant 0 : i32
    %dma_start3A_255 = tpu.memref_slice %arg10[%dma_start3A_253, %dma_start3A_254] : memref<6x80xi32, #tpu.memory_space<vmem>> -> memref<1x80xi32, #tpu.memory_space<vmem>>
    %dma_start3A_256 = tpu.memref_squeeze %dma_start3A_255 : memref<1x80xi32, #tpu.memory_space<vmem>> -> memref<80xi32, #tpu.memory_space<vmem>>
    %dma_start3A_257 = tpu.memref_slice %arg4[%add3A_243] : memref<320000xi32, #tpu.memory_space<hbm>> -> memref<80xi32, #tpu.memory_space<hbm>>
    %dma_start3A_258 = arith.constant 0 : i32
    %dma_start3A_259 = tpu.memref_slice %arg10[%dma_start3A_253, %dma_start3A_258] : memref<6x80xi32, #tpu.memory_space<vmem>> -> memref<1x80xi32, #tpu.memory_space<vmem>>
    %dma_start3A_260 = tpu.memref_squeeze %dma_start3A_259 : memref<1x80xi32, #tpu.memory_space<vmem>> -> memref<80xi32, #tpu.memory_space<vmem>>
    %dma_start3A_261 = tpu.memref_slice %arg4[%add3A_243] : memref<320000xi32, #tpu.memory_space<hbm>> -> memref<80xi32, #tpu.memory_space<hbm>>
    tpu.enqueue_dma source(%dma_start3A_261 : memref<80xi32, #tpu.memory_space<hbm>>) target(%dma_start3A_260 : memref<80xi32, #tpu.memory_space<vmem>>) target_semaphore(%arg20 : memref<!tpu.dma_semaphore, #tpu.memory_space<semaphore_mem>>)
    %add3A_262 = arith.constant 160 : i32
    %add3A_263 = arith.addi %mul3A_222, %add3A_262 : i32
    %dma_start3A_264 = arith.constant 2 : i32
    %dma_start3A_265 = arith.constant 0 : i32
    %dma_start3A_266 = tpu.memref_slice %arg9[%dma_start3A_264, %dma_start3A_265] : memref<6x80xi32, #tpu.memory_space<vmem>> -> memref<1x80xi32, #tpu.memory_space<vmem>>
    %dma_start3A_267 = tpu.memref_squeeze %dma_start3A_266 : memref<1x80xi32, #tpu.memory_space<vmem>> -> memref<80xi32, #tpu.memory_space<vmem>>
    %dma_start3A_268 = tpu.memref_slice %arg3[%add3A_263] : memref<320000xi32, #tpu.memory_space<hbm>> -> memref<80xi32, #tpu.memory_space<hbm>>
    %dma_start3A_269 = arith.constant 0 : i32
    %dma_start3A_270 = tpu.memref_slice %arg9[%dma_start3A_264, %dma_start3A_269] : memref<6x80xi32, #tpu.memory_space<vmem>> -> memref<1x80xi32, #tpu.memory_space<vmem>>
    %dma_start3A_271 = tpu.memref_squeeze %dma_start3A_270 : memref<1x80xi32, #tpu.memory_space<vmem>> -> memref<80xi32, #tpu.memory_space<vmem>>
    %dma_start3A_272 = tpu.memref_slice %arg3[%add3A_263] : memref<320000xi32, #tpu.memory_space<hbm>> -> memref<80xi32, #tpu.memory_space<hbm>>
    tpu.enqueue_dma source(%dma_start3A_272 : memref<80xi32, #tpu.memory_space<hbm>>) target(%dma_start3A_271 : memref<80xi32, #tpu.memory_space<vmem>>) target_semaphore(%arg21 : memref<!tpu.dma_semaphore, #tpu.memory_space<semaphore_mem>>)
    %dma_start3A_273 = arith.constant 2 : i32
    %dma_start3A_274 = arith.constant 0 : i32
    %dma_start3A_275 = tpu.memref_slice %arg10[%dma_start3A_273, %dma_start3A_274] : memref<6x80xi32, #tpu.memory_space<vmem>> -> memref<1x80xi32, #tpu.memory_space<vmem>>
    %dma_start3A_276 = tpu.memref_squeeze %dma_start3A_275 : memref<1x80xi32, #tpu.memory_space<vmem>> -> memref<80xi32, #tpu.memory_space<vmem>>
    %dma_start3A_277 = tpu.memref_slice %arg4[%add3A_263] : memref<320000xi32, #tpu.memory_space<hbm>> -> memref<80xi32, #tpu.memory_space<hbm>>
    %dma_start3A_278 = arith.constant 0 : i32
    %dma_start3A_279 = tpu.memref_slice %arg10[%dma_start3A_273, %dma_start3A_278] : memref<6x80xi32, #tpu.memory_space<vmem>> -> memref<1x80xi32, #tpu.memory_space<vmem>>
    %dma_start3A_280 = tpu.memref_squeeze %dma_start3A_279 : memref<1x80xi32, #tpu.memory_space<vmem>> -> memref<80xi32, #tpu.memory_space<vmem>>
    %dma_start3A_281 = tpu.memref_slice %arg4[%add3A_263] : memref<320000xi32, #tpu.memory_space<hbm>> -> memref<80xi32, #tpu.memory_space<hbm>>
    tpu.enqueue_dma source(%dma_start3A_281 : memref<80xi32, #tpu.memory_space<hbm>>) target(%dma_start3A_280 : memref<80xi32, #tpu.memory_space<vmem>>) target_semaphore(%arg21 : memref<!tpu.dma_semaphore, #tpu.memory_space<semaphore_mem>>)
    %add3A_282 = arith.constant 240 : i32
    %add3A_283 = arith.addi %mul3A_222, %add3A_282 : i32
    %dma_start3A_284 = arith.constant 3 : i32
    %dma_start3A_285 = arith.constant 0 : i32
    %dma_start3A_286 = tpu.memref_slice %arg9[%dma_start3A_284, %dma_start3A_285] : memref<6x80xi32, #tpu.memory_space<vmem>> -> memref<1x80xi32, #tpu.memory_space<vmem>>
    %dma_start3A_287 = tpu.memref_squeeze %dma_start3A_286 : memref<1x80xi32, #tpu.memory_space<vmem>> -> memref<80xi32, #tpu.memory_space<vmem>>
    %dma_start3A_288 = tpu.memref_slice %arg3[%add3A_283] : memref<320000xi32, #tpu.memory_space<hbm>> -> memref<80xi32, #tpu.memory_space<hbm>>
    %dma_start3A_289 = arith.constant 0 : i32
    %dma_start3A_290 = tpu.memref_slice %arg9[%dma_start3A_284, %dma_start3A_289] : memref<6x80xi32, #tpu.memory_space<vmem>> -> memref<1x80xi32, #tpu.memory_space<vmem>>
    %dma_start3A_291 = tpu.memref_squeeze %dma_start3A_290 : memref<1x80xi32, #tpu.memory_space<vmem>> -> memref<80xi32, #tpu.memory_space<vmem>>
    %dma_start3A_292 = tpu.memref_slice %arg3[%add3A_283] : memref<320000xi32, #tpu.memory_space<hbm>> -> memref<80xi32, #tpu.memory_space<hbm>>
    tpu.enqueue_dma source(%dma_start3A_292 : memref<80xi32, #tpu.memory_space<hbm>>) target(%dma_start3A_291 : memref<80xi32, #tpu.memory_space<vmem>>) target_semaphore(%arg22 : memref<!tpu.dma_semaphore, #tpu.memory_space<semaphore_mem>>)
    %dma_start3A_293 = arith.constant 3 : i32
    %dma_start3A_294 = arith.constant 0 : i32
    %dma_start3A_295 = tpu.memref_slice %arg10[%dma_start3A_293, %dma_start3A_294] : memref<6x80xi32, #tpu.memory_space<vmem>> -> memref<1x80xi32, #tpu.memory_space<vmem>>
    %dma_start3A_296 = tpu.memref_squeeze %dma_start3A_295 : memref<1x80xi32, #tpu.memory_space<vmem>> -> memref<80xi32, #tpu.memory_space<vmem>>
    %dma_start3A_297 = tpu.memref_slice %arg4[%add3A_283] : memref<320000xi32, #tpu.memory_space<hbm>> -> memref<80xi32, #tpu.memory_space<hbm>>
    %dma_start3A_298 = arith.constant 0 : i32
    %dma_start3A_299 = tpu.memref_slice %arg10[%dma_start3A_293, %dma_start3A_298] : memref<6x80xi32, #tpu.memory_space<vmem>> -> memref<1x80xi32, #tpu.memory_space<vmem>>
    %dma_start3A_300 = tpu.memref_squeeze %dma_start3A_299 : memref<1x80xi32, #tpu.memory_space<vmem>> -> memref<80xi32, #tpu.memory_space<vmem>>
    %dma_start3A_301 = tpu.memref_slice %arg4[%add3A_283] : memref<320000xi32, #tpu.memory_space<hbm>> -> memref<80xi32, #tpu.memory_space<hbm>>
    tpu.enqueue_dma source(%dma_start3A_301 : memref<80xi32, #tpu.memory_space<hbm>>) target(%dma_start3A_300 : memref<80xi32, #tpu.memory_space<vmem>>) target_semaphore(%arg22 : memref<!tpu.dma_semaphore, #tpu.memory_space<semaphore_mem>>)
    %dma_wait3A = arith.constant 0 : i32
    %dma_wait3A_302 = arith.constant 0 : i32
    %dma_wait3A_303 = tpu.memref_slice %arg9[%dma_wait3A, %dma_wait3A_302] : memref<6x80xi32, #tpu.memory_space<vmem>> -> memref<1x80xi32, #tpu.memory_space<vmem>>
    %dma_wait3A_304 = tpu.memref_squeeze %dma_wait3A_303 : memref<1x80xi32, #tpu.memory_space<vmem>> -> memref<80xi32, #tpu.memory_space<vmem>>
    %dma_wait3A_305 = arith.constant 0 : i32
    %dma_wait3A_306 = tpu.memref_slice %arg3[%dma_wait3A_305] : memref<320000xi32, #tpu.memory_space<hbm>> -> memref<80xi32, #tpu.memory_space<hbm>>
    %dma_wait3A_307 = arith.constant 0 : i32
    %dma_wait3A_308 = tpu.memref_slice %arg9[%dma_wait3A, %dma_wait3A_307] : memref<6x80xi32, #tpu.memory_space<vmem>> -> memref<1x80xi32, #tpu.memory_space<vmem>>
    %dma_wait3A_309 = tpu.memref_squeeze %dma_wait3A_308 : memref<1x80xi32, #tpu.memory_space<vmem>> -> memref<80xi32, #tpu.memory_space<vmem>>
    %dma_wait3A_310 = arith.constant 0 : i32
    %dma_wait3A_311 = tpu.memref_slice %arg3[%dma_wait3A_310] : memref<320000xi32, #tpu.memory_space<hbm>> -> memref<80xi32, #tpu.memory_space<hbm>>
    tpu.wait_dma2 semaphore(%arg19 : memref<!tpu.dma_semaphore, #tpu.memory_space<semaphore_mem>>) src(%dma_wait3A_311 : memref<80xi32, #tpu.memory_space<hbm>>) dst(%dma_wait3A_309 : memref<80xi32, #tpu.memory_space<vmem>>)
    %dma_wait3A_312 = arith.constant 0 : i32
    %dma_wait3A_313 = arith.constant 0 : i32
    %dma_wait3A_314 = tpu.memref_slice %arg10[%dma_wait3A_312, %dma_wait3A_313] : memref<6x80xi32, #tpu.memory_space<vmem>> -> memref<1x80xi32, #tpu.memory_space<vmem>>
    %dma_wait3A_315 = tpu.memref_squeeze %dma_wait3A_314 : memref<1x80xi32, #tpu.memory_space<vmem>> -> memref<80xi32, #tpu.memory_space<vmem>>
    %dma_wait3A_316 = arith.constant 0 : i32
    %dma_wait3A_317 = tpu.memref_slice %arg4[%dma_wait3A_316] : memref<320000xi32, #tpu.memory_space<hbm>> -> memref<80xi32, #tpu.memory_space<hbm>>
    %dma_wait3A_318 = arith.constant 0 : i32
    %dma_wait3A_319 = tpu.memref_slice %arg10[%dma_wait3A_312, %dma_wait3A_318] : memref<6x80xi32, #tpu.memory_space<vmem>> -> memref<1x80xi32, #tpu.memory_space<vmem>>
    %dma_wait3A_320 = tpu.memref_squeeze %dma_wait3A_319 : memref<1x80xi32, #tpu.memory_space<vmem>> -> memref<80xi32, #tpu.memory_space<vmem>>
    %dma_wait3A_321 = arith.constant 0 : i32
    %dma_wait3A_322 = tpu.memref_slice %arg4[%dma_wait3A_321] : memref<320000xi32, #tpu.memory_space<hbm>> -> memref<80xi32, #tpu.memory_space<hbm>>
    tpu.wait_dma2 semaphore(%arg19 : memref<!tpu.dma_semaphore, #tpu.memory_space<semaphore_mem>>) src(%dma_wait3A_322 : memref<80xi32, #tpu.memory_space<hbm>>) dst(%dma_wait3A_320 : memref<80xi32, #tpu.memory_space<vmem>>)
    %dma_start3A_323 = arith.constant 0 : i32
    %dma_start3A_324 = arith.constant 0 : i32
    %dma_start3A_325 = tpu.memref_slice %arg9[%dma_start3A_323, %dma_start3A_324] : memref<6x80xi32, #tpu.memory_space<vmem>> -> memref<1x80xi32, #tpu.memory_space<vmem>>
    %dma_start3A_326 = tpu.memref_squeeze %dma_start3A_325 : memref<1x80xi32, #tpu.memory_space<vmem>> -> memref<80xi32, #tpu.memory_space<vmem>>
    %dma_start3A_327 = arith.constant 0 : i32
    %dma_start3A_328 = arith.constant 0 : i32
    %dma_start3A_329 = tpu.memref_slice %arg2[%dma_start3A_327, %dma_start3A_328] : memref<10000x128xf32, #tpu.memory_space<hbm>> -> memref<10000x128xf32, #tpu.memory_space<hbm>>
    tpu.enqueue_indirect_dma source(%dma_start3A_329 : memref<10000x128xf32, #tpu.memory_space<hbm>>) target(%arg11 : memref<80x128xf32, #tpu.memory_space<vmem>>) offsets(%dma_start3A_326 : memref<80xi32, #tpu.memory_space<vmem>>) semaphore(%arg16 : memref<!tpu.dma_semaphore, #tpu.memory_space<semaphore_mem>>)
    %dma_wait3A_330 = arith.constant 1 : i32
    %dma_wait3A_331 = arith.constant 0 : i32
    %dma_wait3A_332 = tpu.memref_slice %arg9[%dma_wait3A_330, %dma_wait3A_331] : memref<6x80xi32, #tpu.memory_space<vmem>> -> memref<1x80xi32, #tpu.memory_space<vmem>>
    %dma_wait3A_333 = tpu.memref_squeeze %dma_wait3A_332 : memref<1x80xi32, #tpu.memory_space<vmem>> -> memref<80xi32, #tpu.memory_space<vmem>>
    %dma_wait3A_334 = arith.constant 0 : i32
    %dma_wait3A_335 = tpu.memref_slice %arg3[%dma_wait3A_334] : memref<320000xi32, #tpu.memory_space<hbm>> -> memref<80xi32, #tpu.memory_space<hbm>>
    %dma_wait3A_336 = arith.constant 0 : i32
    %dma_wait3A_337 = tpu.memref_slice %arg9[%dma_wait3A_330, %dma_wait3A_336] : memref<6x80xi32, #tpu.memory_space<vmem>> -> memref<1x80xi32, #tpu.memory_space<vmem>>
    %dma_wait3A_338 = tpu.memref_squeeze %dma_wait3A_337 : memref<1x80xi32, #tpu.memory_space<vmem>> -> memref<80xi32, #tpu.memory_space<vmem>>
    %dma_wait3A_339 = arith.constant 0 : i32
    %dma_wait3A_340 = tpu.memref_slice %arg3[%dma_wait3A_339] : memref<320000xi32, #tpu.memory_space<hbm>> -> memref<80xi32, #tpu.memory_space<hbm>>
    tpu.wait_dma2 semaphore(%arg20 : memref<!tpu.dma_semaphore, #tpu.memory_space<semaphore_mem>>) src(%dma_wait3A_340 : memref<80xi32, #tpu.memory_space<hbm>>) dst(%dma_wait3A_338 : memref<80xi32, #tpu.memory_space<vmem>>)
    %dma_wait3A_341 = arith.constant 1 : i32
    %dma_wait3A_342 = arith.constant 0 : i32
    %dma_wait3A_343 = tpu.memref_slice %arg10[%dma_wait3A_341, %dma_wait3A_342] : memref<6x80xi32, #tpu.memory_space<vmem>> -> memref<1x80xi32, #tpu.memory_space<vmem>>
    %dma_wait3A_344 = tpu.memref_squeeze %dma_wait3A_343 : memref<1x80xi32, #tpu.memory_space<vmem>> -> memref<80xi32, #tpu.memory_space<vmem>>
    %dma_wait3A_345 = arith.constant 0 : i32
    %dma_wait3A_346 = tpu.memref_slice %arg4[%dma_wait3A_345] : memref<320000xi32, #tpu.memory_space<hbm>> -> memref<80xi32, #tpu.memory_space<hbm>>
    %dma_wait3A_347 = arith.constant 0 : i32
    %dma_wait3A_348 = tpu.memref_slice %arg10[%dma_wait3A_341, %dma_wait3A_347] : memref<6x80xi32, #tpu.memory_space<vmem>> -> memref<1x80xi32, #tpu.memory_space<vmem>>
    %dma_wait3A_349 = tpu.memref_squeeze %dma_wait3A_348 : memref<1x80xi32, #tpu.memory_space<vmem>> -> memref<80xi32, #tpu.memory_space<vmem>>
    %dma_wait3A_350 = arith.constant 0 : i32
    %dma_wait3A_351 = tpu.memref_slice %arg4[%dma_wait3A_350] : memref<320000xi32, #tpu.memory_space<hbm>> -> memref<80xi32, #tpu.memory_space<hbm>>
    tpu.wait_dma2 semaphore(%arg20 : memref<!tpu.dma_semaphore, #tpu.memory_space<semaphore_mem>>) src(%dma_wait3A_351 : memref<80xi32, #tpu.memory_space<hbm>>) dst(%dma_wait3A_349 : memref<80xi32, #tpu.memory_space<vmem>>)
    %dma_start3A_352 = arith.constant 1 : i32
    %dma_start3A_353 = arith.constant 0 : i32
    %dma_start3A_354 = tpu.memref_slice %arg9[%dma_start3A_352, %dma_start3A_353] : memref<6x80xi32, #tpu.memory_space<vmem>> -> memref<1x80xi32, #tpu.memory_space<vmem>>
    %dma_start3A_355 = tpu.memref_squeeze %dma_start3A_354 : memref<1x80xi32, #tpu.memory_space<vmem>> -> memref<80xi32, #tpu.memory_space<vmem>>
    %dma_start3A_356 = arith.constant 0 : i32
    %dma_start3A_357 = arith.constant 0 : i32
    %dma_start3A_358 = tpu.memref_slice %arg2[%dma_start3A_356, %dma_start3A_357] : memref<10000x128xf32, #tpu.memory_space<hbm>> -> memref<10000x128xf32, #tpu.memory_space<hbm>>
    tpu.enqueue_indirect_dma source(%dma_start3A_358 : memref<10000x128xf32, #tpu.memory_space<hbm>>) target(%arg12 : memref<80x128xf32, #tpu.memory_space<vmem>>) offsets(%dma_start3A_355 : memref<80xi32, #tpu.memory_space<vmem>>) semaphore(%arg17 : memref<!tpu.dma_semaphore, #tpu.memory_space<semaphore_mem>>)
    %dma_wait3A_359 = arith.constant 2 : i32
    %dma_wait3A_360 = arith.constant 0 : i32
    %dma_wait3A_361 = tpu.memref_slice %arg9[%dma_wait3A_359, %dma_wait3A_360] : memref<6x80xi32, #tpu.memory_space<vmem>> -> memref<1x80xi32, #tpu.memory_space<vmem>>
    %dma_wait3A_362 = tpu.memref_squeeze %dma_wait3A_361 : memref<1x80xi32, #tpu.memory_space<vmem>> -> memref<80xi32, #tpu.memory_space<vmem>>
    %dma_wait3A_363 = arith.constant 0 : i32
    %dma_wait3A_364 = tpu.memref_slice %arg3[%dma_wait3A_363] : memref<320000xi32, #tpu.memory_space<hbm>> -> memref<80xi32, #tpu.memory_space<hbm>>
    %dma_wait3A_365 = arith.constant 0 : i32
    %dma_wait3A_366 = tpu.memref_slice %arg9[%dma_wait3A_359, %dma_wait3A_365] : memref<6x80xi32, #tpu.memory_space<vmem>> -> memref<1x80xi32, #tpu.memory_space<vmem>>
    %dma_wait3A_367 = tpu.memref_squeeze %dma_wait3A_366 : memref<1x80xi32, #tpu.memory_space<vmem>> -> memref<80xi32, #tpu.memory_space<vmem>>
    %dma_wait3A_368 = arith.constant 0 : i32
    %dma_wait3A_369 = tpu.memref_slice %arg3[%dma_wait3A_368] : memref<320000xi32, #tpu.memory_space<hbm>> -> memref<80xi32, #tpu.memory_space<hbm>>
    tpu.wait_dma2 semaphore(%arg21 : memref<!tpu.dma_semaphore, #tpu.memory_space<semaphore_mem>>) src(%dma_wait3A_369 : memref<80xi32, #tpu.memory_space<hbm>>) dst(%dma_wait3A_367 : memref<80xi32, #tpu.memory_space<vmem>>)
    %dma_wait3A_370 = arith.constant 2 : i32
    %dma_wait3A_371 = arith.constant 0 : i32
    %dma_wait3A_372 = tpu.memref_slice %arg10[%dma_wait3A_370, %dma_wait3A_371] : memref<6x80xi32, #tpu.memory_space<vmem>> -> memref<1x80xi32, #tpu.memory_space<vmem>>
    %dma_wait3A_373 = tpu.memref_squeeze %dma_wait3A_372 : memref<1x80xi32, #tpu.memory_space<vmem>> -> memref<80xi32, #tpu.memory_space<vmem>>
    %dma_wait3A_374 = arith.constant 0 : i32
    %dma_wait3A_375 = tpu.memref_slice %arg4[%dma_wait3A_374] : memref<320000xi32, #tpu.memory_space<hbm>> -> memref<80xi32, #tpu.memory_space<hbm>>
    %dma_wait3A_376 = arith.constant 0 : i32
    %dma_wait3A_377 = tpu.memref_slice %arg10[%dma_wait3A_370, %dma_wait3A_376] : memref<6x80xi32, #tpu.memory_space<vmem>> -> memref<1x80xi32, #tpu.memory_space<vmem>>
    %dma_wait3A_378 = tpu.memref_squeeze %dma_wait3A_377 : memref<1x80xi32, #tpu.memory_space<vmem>> -> memref<80xi32, #tpu.memory_space<vmem>>
    %dma_wait3A_379 = arith.constant 0 : i32
    %dma_wait3A_380 = tpu.memref_slice %arg4[%dma_wait3A_379] : memref<320000xi32, #tpu.memory_space<hbm>> -> memref<80xi32, #tpu.memory_space<hbm>>
    tpu.wait_dma2 semaphore(%arg21 : memref<!tpu.dma_semaphore, #tpu.memory_space<semaphore_mem>>) src(%dma_wait3A_380 : memref<80xi32, #tpu.memory_space<hbm>>) dst(%dma_wait3A_378 : memref<80xi32, #tpu.memory_space<vmem>>)
    %dma_start3A_381 = arith.constant 2 : i32
    %dma_start3A_382 = arith.constant 0 : i32
    %dma_start3A_383 = tpu.memref_slice %arg9[%dma_start3A_381, %dma_start3A_382] : memref<6x80xi32, #tpu.memory_space<vmem>> -> memref<1x80xi32, #tpu.memory_space<vmem>>
    %dma_start3A_384 = tpu.memref_squeeze %dma_start3A_383 : memref<1x80xi32, #tpu.memory_space<vmem>> -> memref<80xi32, #tpu.memory_space<vmem>>
    %dma_start3A_385 = arith.constant 0 : i32
    %dma_start3A_386 = arith.constant 0 : i32
    %dma_start3A_387 = tpu.memref_slice %arg2[%dma_start3A_385, %dma_start3A_386] : memref<10000x128xf32, #tpu.memory_space<hbm>> -> memref<10000x128xf32, #tpu.memory_space<hbm>>
    tpu.enqueue_indirect_dma source(%dma_start3A_387 : memref<10000x128xf32, #tpu.memory_space<hbm>>) target(%arg13 : memref<80x128xf32, #tpu.memory_space<vmem>>) offsets(%dma_start3A_384 : memref<80xi32, #tpu.memory_space<vmem>>) semaphore(%arg18 : memref<!tpu.dma_semaphore, #tpu.memory_space<semaphore_mem>>)
    %dma_wait3A_388 = arith.constant 0 : i32
    %dma_wait3A_389 = arith.constant 0 : i32
    %dma_wait3A_390 = tpu.memref_slice %arg9[%dma_wait3A_388, %dma_wait3A_389] : memref<6x80xi32, #tpu.memory_space<vmem>> -> memref<1x80xi32, #tpu.memory_space<vmem>>
    %dma_wait3A_391 = tpu.memref_squeeze %dma_wait3A_390 : memref<1x80xi32, #tpu.memory_space<vmem>> -> memref<80xi32, #tpu.memory_space<vmem>>
    %dma_wait3A_392 = arith.constant 0 : i32
    %dma_wait3A_393 = arith.constant 0 : i32
    %dma_wait3A_394 = tpu.memref_slice %arg2[%dma_wait3A_392, %dma_wait3A_393] : memref<10000x128xf32, #tpu.memory_space<hbm>> -> memref<10000x128xf32, #tpu.memory_space<hbm>>
    tpu.wait_indirect_dma semaphore(%arg16 : memref<!tpu.dma_semaphore, #tpu.memory_space<semaphore_mem>>) src(%dma_wait3A_394 : memref<10000x128xf32, #tpu.memory_space<hbm>>) dst(%arg11 : memref<80x128xf32, #tpu.memory_space<vmem>>)
    %dma_start3A_395 = arith.constant 0 : i32
    %dma_start3A_396 = arith.constant 0 : i32
    %dma_start3A_397 = tpu.memref_slice %arg10[%dma_start3A_395, %dma_start3A_396] : memref<6x80xi32, #tpu.memory_space<vmem>> -> memref<1x80xi32, #tpu.memory_space<vmem>>
    %dma_start3A_398 = tpu.memref_squeeze %dma_start3A_397 : memref<1x80xi32, #tpu.memory_space<vmem>> -> memref<80xi32, #tpu.memory_space<vmem>>
    %dma_start3A_399 = arith.constant 0 : i32
    %dma_start3A_400 = arith.constant 0 : i32
    %dma_start3A_401 = tpu.memref_slice %arg7[%dma_start3A_399, %dma_start3A_400] : memref<10240x128xf32, #tpu.memory_space<vmem_shared>> -> memref<10240x128xf32, #tpu.memory_space<vmem_shared>>
    tpu.enqueue_indirect_dma source(%arg11 : memref<80x128xf32, #tpu.memory_space<vmem>>) target(%dma_start3A_401 : memref<10240x128xf32, #tpu.memory_space<vmem_shared>>) offsets(%dma_start3A_398 : memref<80xi32, #tpu.memory_space<vmem>>) semaphore(%arg25 : memref<!tpu.dma_semaphore, #tpu.memory_space<semaphore_mem>>) {add = true}
    %dma_start3A_402 = arith.constant 0 : i32
    %dma_start3A_403 = arith.constant 0 : i32
    %dma_start3A_404 = tpu.memref_slice %arg10[%dma_start3A_402, %dma_start3A_403] : memref<6x80xi32, #tpu.memory_space<vmem>> -> memref<1x80xi32, #tpu.memory_space<vmem>>
    %dma_start3A_405 = tpu.memref_squeeze %dma_start3A_404 : memref<1x80xi32, #tpu.memory_space<vmem>> -> memref<80xi32, #tpu.memory_space<vmem>>
    %dma_start3A_406 = arith.constant 0 : i32
    %dma_start3A_407 = tpu.memref_slice %arg8[%dma_start3A_406] : memref<10240xf32, #tpu.memory_space<vmem_shared>> -> memref<10240xf32, #tpu.memory_space<vmem_shared>>
    tpu.enqueue_indirect_dma source(%arg14 : memref<80xf32, #tpu.memory_space<vmem>>) target(%dma_start3A_407 : memref<10240xf32, #tpu.memory_space<vmem_shared>>) offsets(%dma_start3A_405 : memref<80xi32, #tpu.memory_space<vmem>>) semaphore(%arg25 : memref<!tpu.dma_semaphore, #tpu.memory_space<semaphore_mem>>) {add = true}
    %add3A_408 = arith.constant 320 : i32
    %add3A_409 = arith.addi %mul3A_222, %add3A_408 : i32
    %dma_start3A_410 = arith.constant 4 : i32
    %dma_start3A_411 = arith.constant 0 : i32
    %dma_start3A_412 = tpu.memref_slice %arg9[%dma_start3A_410, %dma_start3A_411] : memref<6x80xi32, #tpu.memory_space<vmem>> -> memref<1x80xi32, #tpu.memory_space<vmem>>
    %dma_start3A_413 = tpu.memref_squeeze %dma_start3A_412 : memref<1x80xi32, #tpu.memory_space<vmem>> -> memref<80xi32, #tpu.memory_space<vmem>>
    %dma_start3A_414 = tpu.memref_slice %arg3[%add3A_409] : memref<320000xi32, #tpu.memory_space<hbm>> -> memref<80xi32, #tpu.memory_space<hbm>>
    %dma_start3A_415 = arith.constant 0 : i32
    %dma_start3A_416 = tpu.memref_slice %arg9[%dma_start3A_410, %dma_start3A_415] : memref<6x80xi32, #tpu.memory_space<vmem>> -> memref<1x80xi32, #tpu.memory_space<vmem>>
    %dma_start3A_417 = tpu.memref_squeeze %dma_start3A_416 : memref<1x80xi32, #tpu.memory_space<vmem>> -> memref<80xi32, #tpu.memory_space<vmem>>
    %dma_start3A_418 = tpu.memref_slice %arg3[%add3A_409] : memref<320000xi32, #tpu.memory_space<hbm>> -> memref<80xi32, #tpu.memory_space<hbm>>
    tpu.enqueue_dma source(%dma_start3A_418 : memref<80xi32, #tpu.memory_space<hbm>>) target(%dma_start3A_417 : memref<80xi32, #tpu.memory_space<vmem>>) target_semaphore(%arg23 : memref<!tpu.dma_semaphore, #tpu.memory_space<semaphore_mem>>)
    %dma_start3A_419 = arith.constant 4 : i32
    %dma_start3A_420 = arith.constant 0 : i32
    %dma_start3A_421 = tpu.memref_slice %arg10[%dma_start3A_419, %dma_start3A_420] : memref<6x80xi32, #tpu.memory_space<vmem>> -> memref<1x80xi32, #tpu.memory_space<vmem>>
    %dma_start3A_422 = tpu.memref_squeeze %dma_start3A_421 : memref<1x80xi32, #tpu.memory_space<vmem>> -> memref<80xi32, #tpu.memory_space<vmem>>
    %dma_start3A_423 = tpu.memref_slice %arg4[%add3A_409] : memref<320000xi32, #tpu.memory_space<hbm>> -> memref<80xi32, #tpu.memory_space<hbm>>
    %dma_start3A_424 = arith.constant 0 : i32
    %dma_start3A_425 = tpu.memref_slice %arg10[%dma_start3A_419, %dma_start3A_424] : memref<6x80xi32, #tpu.memory_space<vmem>> -> memref<1x80xi32, #tpu.memory_space<vmem>>
    %dma_start3A_426 = tpu.memref_squeeze %dma_start3A_425 : memref<1x80xi32, #tpu.memory_space<vmem>> -> memref<80xi32, #tpu.memory_space<vmem>>
    %dma_start3A_427 = tpu.memref_slice %arg4[%add3A_409] : memref<320000xi32, #tpu.memory_space<hbm>> -> memref<80xi32, #tpu.memory_space<hbm>>
    tpu.enqueue_dma source(%dma_start3A_427 : memref<80xi32, #tpu.memory_space<hbm>>) target(%dma_start3A_426 : memref<80xi32, #tpu.memory_space<vmem>>) target_semaphore(%arg23 : memref<!tpu.dma_semaphore, #tpu.memory_space<semaphore_mem>>)
    %dma_wait3A_428 = arith.constant 3 : i32
    %dma_wait3A_429 = arith.constant 0 : i32
    %dma_wait3A_430 = tpu.memref_slice %arg9[%dma_wait3A_428, %dma_wait3A_429] : memref<6x80xi32, #tpu.memory_space<vmem>> -> memref<1x80xi32, #tpu.memory_space<vmem>>
    %dma_wait3A_431 = tpu.memref_squeeze %dma_wait3A_430 : memref<1x80xi32, #tpu.memory_space<vmem>> -> memref<80xi32, #tpu.memory_space<vmem>>
    %dma_wait3A_432 = arith.constant 0 : i32
    %dma_wait3A_433 = tpu.memref_slice %arg3[%dma_wait3A_432] : memref<320000xi32, #tpu.memory_space<hbm>> -> memref<80xi32, #tpu.memory_space<hbm>>
    %dma_wait3A_434 = arith.constant 0 : i32
    %dma_wait3A_435 = tpu.memref_slice %arg9[%dma_wait3A_428, %dma_wait3A_434] : memref<6x80xi32, #tpu.memory_space<vmem>> -> memref<1x80xi32, #tpu.memory_space<vmem>>
    %dma_wait3A_436 = tpu.memref_squeeze %dma_wait3A_435 : memref<1x80xi32, #tpu.memory_space<vmem>> -> memref<80xi32, #tpu.memory_space<vmem>>
    %dma_wait3A_437 = arith.constant 0 : i32
    %dma_wait3A_438 = tpu.memref_slice %arg3[%dma_wait3A_437] : memref<320000xi32, #tpu.memory_space<hbm>> -> memref<80xi32, #tpu.memory_space<hbm>>
    tpu.wait_dma2 semaphore(%arg22 : memref<!tpu.dma_semaphore, #tpu.memory_space<semaphore_mem>>) src(%dma_wait3A_438 : memref<80xi32, #tpu.memory_space<hbm>>) dst(%dma_wait3A_436 : memref<80xi32, #tpu.memory_space<vmem>>)
    %dma_wait3A_439 = arith.constant 3 : i32
    %dma_wait3A_440 = arith.constant 0 : i32
    %dma_wait3A_441 = tpu.memref_slice %arg10[%dma_wait3A_439, %dma_wait3A_440] : memref<6x80xi32, #tpu.memory_space<vmem>> -> memref<1x80xi32, #tpu.memory_space<vmem>>
    %dma_wait3A_442 = tpu.memref_squeeze %dma_wait3A_441 : memref<1x80xi32, #tpu.memory_space<vmem>> -> memref<80xi32, #tpu.memory_space<vmem>>
    %dma_wait3A_443 = arith.constant 0 : i32
    %dma_wait3A_444 = tpu.memref_slice %arg4[%dma_wait3A_443] : memref<320000xi32, #tpu.memory_space<hbm>> -> memref<80xi32, #tpu.memory_space<hbm>>
    %dma_wait3A_445 = arith.constant 0 : i32
    %dma_wait3A_446 = tpu.memref_slice %arg10[%dma_wait3A_439, %dma_wait3A_445] : memref<6x80xi32, #tpu.memory_space<vmem>> -> memref<1x80xi32, #tpu.memory_space<vmem>>
    %dma_wait3A_447 = tpu.memref_squeeze %dma_wait3A_446 : memref<1x80xi32, #tpu.memory_space<vmem>> -> memref<80xi32, #tpu.memory_space<vmem>>
    %dma_wait3A_448 = arith.constant 0 : i32
    %dma_wait3A_449 = tpu.memref_slice %arg4[%dma_wait3A_448] : memref<320000xi32, #tpu.memory_space<hbm>> -> memref<80xi32, #tpu.memory_space<hbm>>
    tpu.wait_dma2 semaphore(%arg22 : memref<!tpu.dma_semaphore, #tpu.memory_space<semaphore_mem>>) src(%dma_wait3A_449 : memref<80xi32, #tpu.memory_space<hbm>>) dst(%dma_wait3A_447 : memref<80xi32, #tpu.memory_space<vmem>>)
    %dma_wait3A_450 = arith.constant 0 : i32
    %dma_wait3A_451 = arith.constant 0 : i32
    %dma_wait3A_452 = tpu.memref_slice %arg10[%dma_wait3A_450, %dma_wait3A_451] : memref<6x80xi32, #tpu.memory_space<vmem>> -> memref<1x80xi32, #tpu.memory_space<vmem>>
    %dma_wait3A_453 = tpu.memref_squeeze %dma_wait3A_452 : memref<1x80xi32, #tpu.memory_space<vmem>> -> memref<80xi32, #tpu.memory_space<vmem>>
    %dma_wait3A_454 = arith.constant 0 : i32
    %dma_wait3A_455 = arith.constant 0 : i32
    %dma_wait3A_456 = tpu.memref_slice %arg7[%dma_wait3A_454, %dma_wait3A_455] : memref<10240x128xf32, #tpu.memory_space<vmem_shared>> -> memref<10240x128xf32, #tpu.memory_space<vmem_shared>>
    tpu.wait_indirect_dma semaphore(%arg25 : memref<!tpu.dma_semaphore, #tpu.memory_space<semaphore_mem>>) src(%arg11 : memref<80x128xf32, #tpu.memory_space<vmem>>) dst(%dma_wait3A_456 : memref<10240x128xf32, #tpu.memory_space<vmem_shared>>)
    %dma_wait3A_457 = arith.constant 0 : i32
    %dma_wait3A_458 = arith.constant 0 : i32
    %dma_wait3A_459 = tpu.memref_slice %arg10[%dma_wait3A_457, %dma_wait3A_458] : memref<6x80xi32, #tpu.memory_space<vmem>> -> memref<1x80xi32, #tpu.memory_space<vmem>>
    %dma_wait3A_460 = tpu.memref_squeeze %dma_wait3A_459 : memref<1x80xi32, #tpu.memory_space<vmem>> -> memref<80xi32, #tpu.memory_space<vmem>>
    %dma_wait3A_461 = arith.constant 0 : i32
    %dma_wait3A_462 = tpu.memref_slice %arg8[%dma_wait3A_461] : memref<10240xf32, #tpu.memory_space<vmem_shared>> -> memref<10240xf32, #tpu.memory_space<vmem_shared>>
    tpu.wait_indirect_dma semaphore(%arg25 : memref<!tpu.dma_semaphore, #tpu.memory_space<semaphore_mem>>) src(%arg14 : memref<80xf32, #tpu.memory_space<vmem>>) dst(%dma_wait3A_462 : memref<10240xf32, #tpu.memory_space<vmem_shared>>)
    %dma_start3A_463 = arith.constant 3 : i32
    %dma_start3A_464 = arith.constant 0 : i32
    %dma_start3A_465 = tpu.memref_slice %arg9[%dma_start3A_463, %dma_start3A_464] : memref<6x80xi32, #tpu.memory_space<vmem>> -> memref<1x80xi32, #tpu.memory_space<vmem>>
    %dma_start3A_466 = tpu.memref_squeeze %dma_start3A_465 : memref<1x80xi32, #tpu.memory_space<vmem>> -> memref<80xi32, #tpu.memory_space<vmem>>
    %dma_start3A_467 = arith.constant 0 : i32
    %dma_start3A_468 = arith.constant 0 : i32
    %dma_start3A_469 = tpu.memref_slice %arg2[%dma_start3A_467, %dma_start3A_468] : memref<10000x128xf32, #tpu.memory_space<hbm>> -> memref<10000x128xf32, #tpu.memory_space<hbm>>
    tpu.enqueue_indirect_dma source(%dma_start3A_469 : memref<10000x128xf32, #tpu.memory_space<hbm>>) target(%arg11 : memref<80x128xf32, #tpu.memory_space<vmem>>) offsets(%dma_start3A_466 : memref<80xi32, #tpu.memory_space<vmem>>) semaphore(%arg16 : memref<!tpu.dma_semaphore, #tpu.memory_space<semaphore_mem>>)
    %dma_wait3A_470 = arith.constant 1 : i32
    %dma_wait3A_471 = arith.constant 0 : i32
    %dma_wait3A_472 = tpu.memref_slice %arg9[%dma_wait3A_470, %dma_wait3A_471] : memref<6x80xi32, #tpu.memory_space<vmem>> -> memref<1x80xi32, #tpu.memory_space<vmem>>
    %dma_wait3A_473 = tpu.memref_squeeze %dma_wait3A_472 : memref<1x80xi32, #tpu.memory_space<vmem>> -> memref<80xi32, #tpu.memory_space<vmem>>
    %dma_wait3A_474 = arith.constant 0 : i32
    %dma_wait3A_475 = arith.constant 0 : i32
    %dma_wait3A_476 = tpu.memref_slice %arg2[%dma_wait3A_474, %dma_wait3A_475] : memref<10000x128xf32, #tpu.memory_space<hbm>> -> memref<10000x128xf32, #tpu.memory_space<hbm>>
    tpu.wait_indirect_dma semaphore(%arg17 : memref<!tpu.dma_semaphore, #tpu.memory_space<semaphore_mem>>) src(%dma_wait3A_476 : memref<10000x128xf32, #tpu.memory_space<hbm>>) dst(%arg12 : memref<80x128xf32, #tpu.memory_space<vmem>>)
    %dma_start3A_477 = arith.constant 1 : i32
    %dma_start3A_478 = arith.constant 0 : i32
    %dma_start3A_479 = tpu.memref_slice %arg10[%dma_start3A_477, %dma_start3A_478] : memref<6x80xi32, #tpu.memory_space<vmem>> -> memref<1x80xi32, #tpu.memory_space<vmem>>
    %dma_start3A_480 = tpu.memref_squeeze %dma_start3A_479 : memref<1x80xi32, #tpu.memory_space<vmem>> -> memref<80xi32, #tpu.memory_space<vmem>>
    %dma_start3A_481 = arith.constant 0 : i32
    %dma_start3A_482 = arith.constant 0 : i32
    %dma_start3A_483 = tpu.memref_slice %arg7[%dma_start3A_481, %dma_start3A_482] : memref<10240x128xf32, #tpu.memory_space<vmem_shared>> -> memref<10240x128xf32, #tpu.memory_space<vmem_shared>>
    tpu.enqueue_indirect_dma source(%arg12 : memref<80x128xf32, #tpu.memory_space<vmem>>) target(%dma_start3A_483 : memref<10240x128xf32, #tpu.memory_space<vmem_shared>>) offsets(%dma_start3A_480 : memref<80xi32, #tpu.memory_space<vmem>>) semaphore(%arg26 : memref<!tpu.dma_semaphore, #tpu.memory_space<semaphore_mem>>) {add = true}
    %dma_start3A_484 = arith.constant 1 : i32
    %dma_start3A_485 = arith.constant 0 : i32
    %dma_start3A_486 = tpu.memref_slice %arg10[%dma_start3A_484, %dma_start3A_485] : memref<6x80xi32, #tpu.memory_space<vmem>> -> memref<1x80xi32, #tpu.memory_space<vmem>>
    %dma_start3A_487 = tpu.memref_squeeze %dma_start3A_486 : memref<1x80xi32, #tpu.memory_space<vmem>> -> memref<80xi32, #tpu.memory_space<vmem>>
    %dma_start3A_488 = arith.constant 0 : i32
    %dma_start3A_489 = tpu.memref_slice %arg8[%dma_start3A_488] : memref<10240xf32, #tpu.memory_space<vmem_shared>> -> memref<10240xf32, #tpu.memory_space<vmem_shared>>
    tpu.enqueue_indirect_dma source(%arg14 : memref<80xf32, #tpu.memory_space<vmem>>) target(%dma_start3A_489 : memref<10240xf32, #tpu.memory_space<vmem_shared>>) offsets(%dma_start3A_487 : memref<80xi32, #tpu.memory_space<vmem>>) semaphore(%arg26 : memref<!tpu.dma_semaphore, #tpu.memory_space<semaphore_mem>>) {add = true}
    %add3A_490 = arith.constant 400 : i32
    %add3A_491 = arith.addi %mul3A_222, %add3A_490 : i32
    %dma_start3A_492 = arith.constant 5 : i32
    %dma_start3A_493 = arith.constant 0 : i32
    %dma_start3A_494 = tpu.memref_slice %arg9[%dma_start3A_492, %dma_start3A_493] : memref<6x80xi32, #tpu.memory_space<vmem>> -> memref<1x80xi32, #tpu.memory_space<vmem>>
    %dma_start3A_495 = tpu.memref_squeeze %dma_start3A_494 : memref<1x80xi32, #tpu.memory_space<vmem>> -> memref<80xi32, #tpu.memory_space<vmem>>
    %dma_start3A_496 = tpu.memref_slice %arg3[%add3A_491] : memref<320000xi32, #tpu.memory_space<hbm>> -> memref<80xi32, #tpu.memory_space<hbm>>
    %dma_start3A_497 = arith.constant 0 : i32
    %dma_start3A_498 = tpu.memref_slice %arg9[%dma_start3A_492, %dma_start3A_497] : memref<6x80xi32, #tpu.memory_space<vmem>> -> memref<1x80xi32, #tpu.memory_space<vmem>>
    %dma_start3A_499 = tpu.memref_squeeze %dma_start3A_498 : memref<1x80xi32, #tpu.memory_space<vmem>> -> memref<80xi32, #tpu.memory_space<vmem>>
    %dma_start3A_500 = tpu.memref_slice %arg3[%add3A_491] : memref<320000xi32, #tpu.memory_space<hbm>> -> memref<80xi32, #tpu.memory_space<hbm>>
    tpu.enqueue_dma source(%dma_start3A_500 : memref<80xi32, #tpu.memory_space<hbm>>) target(%dma_start3A_499 : memref<80xi32, #tpu.memory_space<vmem>>) target_semaphore(%arg24 : memref<!tpu.dma_semaphore, #tpu.memory_space<semaphore_mem>>)
    %dma_start3A_501 = arith.constant 5 : i32
    %dma_start3A_502 = arith.constant 0 : i32
    %dma_start3A_503 = tpu.memref_slice %arg10[%dma_start3A_501, %dma_start3A_502] : memref<6x80xi32, #tpu.memory_space<vmem>> -> memref<1x80xi32, #tpu.memory_space<vmem>>
    %dma_start3A_504 = tpu.memref_squeeze %dma_start3A_503 : memref<1x80xi32, #tpu.memory_space<vmem>> -> memref<80xi32, #tpu.memory_space<vmem>>
    %dma_start3A_505 = tpu.memref_slice %arg4[%add3A_491] : memref<320000xi32, #tpu.memory_space<hbm>> -> memref<80xi32, #tpu.memory_space<hbm>>
    %dma_start3A_506 = arith.constant 0 : i32
    %dma_start3A_507 = tpu.memref_slice %arg10[%dma_start3A_501, %dma_start3A_506] : memref<6x80xi32, #tpu.memory_space<vmem>> -> memref<1x80xi32, #tpu.memory_space<vmem>>
    %dma_start3A_508 = tpu.memref_squeeze %dma_start3A_507 : memref<1x80xi32, #tpu.memory_space<vmem>> -> memref<80xi32, #tpu.memory_space<vmem>>
    %dma_start3A_509 = tpu.memref_slice %arg4[%add3A_491] : memref<320000xi32, #tpu.memory_space<hbm>> -> memref<80xi32, #tpu.memory_space<hbm>>
    tpu.enqueue_dma source(%dma_start3A_509 : memref<80xi32, #tpu.memory_space<hbm>>) target(%dma_start3A_508 : memref<80xi32, #tpu.memory_space<vmem>>) target_semaphore(%arg24 : memref<!tpu.dma_semaphore, #tpu.memory_space<semaphore_mem>>)
    %scan3A_510 = arith.constant 0 : i32
    %scan3A_511 = arith.constant 19 : i32
    %scan3A_512 = arith.addi %scan3A_510, %scan3A_511 : i32
    %scan3A_513 = arith.constant 1 : i32
    scf.for %scan3A_1136 = %scan3A_510 to %scan3A_512 step %scan3A_513  : i32 {
      %mul3A_1137 = arith.constant 6 : i32
      %mul3A_1138 = arith.muli %scan3A_1136, %mul3A_1137 : i32
      %add3A_1139 = arith.constant 0 : i32
      %add3A_1140 = arith.addi %add3A_1139, %mul3A_1138 : i32
      %add3A_1141 = arith.constant 2 : i32
      %add3A_1142 = arith.addi %add3A_1140, %add3A_1141 : i32
      %add3A_1143 = arith.constant 0 : i32
      %add3A_1144 = arith.addi %add3A_1142, %add3A_1143 : i32
      %dma_wait3A_1145 = arith.constant 4 : i32
      %dma_wait3A_1146 = arith.constant 0 : i32
      %dma_wait3A_1147 = tpu.memref_slice %arg9[%dma_wait3A_1145, %dma_wait3A_1146] : memref<6x80xi32, #tpu.memory_space<vmem>> -> memref<1x80xi32, #tpu.memory_space<vmem>>
      %dma_wait3A_1148 = tpu.memref_squeeze %dma_wait3A_1147 : memref<1x80xi32, #tpu.memory_space<vmem>> -> memref<80xi32, #tpu.memory_space<vmem>>
      %dma_wait3A_1149 = arith.constant 0 : i32
      %dma_wait3A_1150 = tpu.memref_slice %arg3[%dma_wait3A_1149] : memref<320000xi32, #tpu.memory_space<hbm>> -> memref<80xi32, #tpu.memory_space<hbm>>
      %dma_wait3A_1151 = arith.constant 0 : i32
      %dma_wait3A_1152 = tpu.memref_slice %arg9[%dma_wait3A_1145, %dma_wait3A_1151] : memref<6x80xi32, #tpu.memory_space<vmem>> -> memref<1x80xi32, #tpu.memory_space<vmem>>
      %dma_wait3A_1153 = tpu.memref_squeeze %dma_wait3A_1152 : memref<1x80xi32, #tpu.memory_space<vmem>> -> memref<80xi32, #tpu.memory_space<vmem>>
      %dma_wait3A_1154 = arith.constant 0 : i32
      %dma_wait3A_1155 = tpu.memref_slice %arg3[%dma_wait3A_1154] : memref<320000xi32, #tpu.memory_space<hbm>> -> memref<80xi32, #tpu.memory_space<hbm>>
      tpu.wait_dma2 semaphore(%arg23 : memref<!tpu.dma_semaphore, #tpu.memory_space<semaphore_mem>>) src(%dma_wait3A_1155 : memref<80xi32, #tpu.memory_space<hbm>>) dst(%dma_wait3A_1153 : memref<80xi32, #tpu.memory_space<vmem>>)
      %dma_wait3A_1156 = arith.constant 4 : i32
      %dma_wait3A_1157 = arith.constant 0 : i32
      %dma_wait3A_1158 = tpu.memref_slice %arg10[%dma_wait3A_1156, %dma_wait3A_1157] : memref<6x80xi32, #tpu.memory_space<vmem>> -> memref<1x80xi32, #tpu.memory_space<vmem>>
      %dma_wait3A_1159 = tpu.memref_squeeze %dma_wait3A_1158 : memref<1x80xi32, #tpu.memory_space<vmem>> -> memref<80xi32, #tpu.memory_space<vmem>>
      %dma_wait3A_1160 = arith.constant 0 : i32
      %dma_wait3A_1161 = tpu.memref_slice %arg4[%dma_wait3A_1160] : memref<320000xi32, #tpu.memory_space<hbm>> -> memref<80xi32, #tpu.memory_space<hbm>>
      %dma_wait3A_1162 = arith.constant 0 : i32
      %dma_wait3A_1163 = tpu.memref_slice %arg10[%dma_wait3A_1156, %dma_wait3A_1162] : memref<6x80xi32, #tpu.memory_space<vmem>> -> memref<1x80xi32, #tpu.memory_space<vmem>>
      %dma_wait3A_1164 = tpu.memref_squeeze %dma_wait3A_1163 : memref<1x80xi32, #tpu.memory_space<vmem>> -> memref<80xi32, #tpu.memory_space<vmem>>
      %dma_wait3A_1165 = arith.constant 0 : i32
      %dma_wait3A_1166 = tpu.memref_slice %arg4[%dma_wait3A_1165] : memref<320000xi32, #tpu.memory_space<hbm>> -> memref<80xi32, #tpu.memory_space<hbm>>
      tpu.wait_dma2 semaphore(%arg23 : memref<!tpu.dma_semaphore, #tpu.memory_space<semaphore_mem>>) src(%dma_wait3A_1166 : memref<80xi32, #tpu.memory_space<hbm>>) dst(%dma_wait3A_1164 : memref<80xi32, #tpu.memory_space<vmem>>)
      %dma_wait3A_1167 = arith.constant 1 : i32
      %dma_wait3A_1168 = arith.constant 0 : i32
      %dma_wait3A_1169 = tpu.memref_slice %arg10[%dma_wait3A_1167, %dma_wait3A_1168] : memref<6x80xi32, #tpu.memory_space<vmem>> -> memref<1x80xi32, #tpu.memory_space<vmem>>
      %dma_wait3A_1170 = tpu.memref_squeeze %dma_wait3A_1169 : memref<1x80xi32, #tpu.memory_space<vmem>> -> memref<80xi32, #tpu.memory_space<vmem>>
      %dma_wait3A_1171 = arith.constant 0 : i32
      %dma_wait3A_1172 = arith.constant 0 : i32
      %dma_wait3A_1173 = tpu.memref_slice %arg7[%dma_wait3A_1171, %dma_wait3A_1172] : memref<10240x128xf32, #tpu.memory_space<vmem_shared>> -> memref<10240x128xf32, #tpu.memory_space<vmem_shared>>
      tpu.wait_indirect_dma semaphore(%arg26 : memref<!tpu.dma_semaphore, #tpu.memory_space<semaphore_mem>>) src(%arg12 : memref<80x128xf32, #tpu.memory_space<vmem>>) dst(%dma_wait3A_1173 : memref<10240x128xf32, #tpu.memory_space<vmem_shared>>)
      %dma_wait3A_1174 = arith.constant 1 : i32
      %dma_wait3A_1175 = arith.constant 0 : i32
      %dma_wait3A_1176 = tpu.memref_slice %arg10[%dma_wait3A_1174, %dma_wait3A_1175] : memref<6x80xi32, #tpu.memory_space<vmem>> -> memref<1x80xi32, #tpu.memory_space<vmem>>
      %dma_wait3A_1177 = tpu.memref_squeeze %dma_wait3A_1176 : memref<1x80xi32, #tpu.memory_space<vmem>> -> memref<80xi32, #tpu.memory_space<vmem>>
      %dma_wait3A_1178 = arith.constant 0 : i32
      %dma_wait3A_1179 = tpu.memref_slice %arg8[%dma_wait3A_1178] : memref<10240xf32, #tpu.memory_space<vmem_shared>> -> memref<10240xf32, #tpu.memory_space<vmem_shared>>
      tpu.wait_indirect_dma semaphore(%arg26 : memref<!tpu.dma_semaphore, #tpu.memory_space<semaphore_mem>>) src(%arg14 : memref<80xf32, #tpu.memory_space<vmem>>) dst(%dma_wait3A_1179 : memref<10240xf32, #tpu.memory_space<vmem_shared>>)
      %dma_start3A_1180 = arith.constant 4 : i32
      %dma_start3A_1181 = arith.constant 0 : i32
      %dma_start3A_1182 = tpu.memref_slice %arg9[%dma_start3A_1180, %dma_start3A_1181] : memref<6x80xi32, #tpu.memory_space<vmem>> -> memref<1x80xi32, #tpu.memory_space<vmem>>
      %dma_start3A_1183 = tpu.memref_squeeze %dma_start3A_1182 : memref<1x80xi32, #tpu.memory_space<vmem>> -> memref<80xi32, #tpu.memory_space<vmem>>
      %dma_start3A_1184 = arith.constant 0 : i32
      %dma_start3A_1185 = arith.constant 0 : i32
      %dma_start3A_1186 = tpu.memref_slice %arg2[%dma_start3A_1184, %dma_start3A_1185] : memref<10000x128xf32, #tpu.memory_space<hbm>> -> memref<10000x128xf32, #tpu.memory_space<hbm>>
      tpu.enqueue_indirect_dma source(%dma_start3A_1186 : memref<10000x128xf32, #tpu.memory_space<hbm>>) target(%arg12 : memref<80x128xf32, #tpu.memory_space<vmem>>) offsets(%dma_start3A_1183 : memref<80xi32, #tpu.memory_space<vmem>>) semaphore(%arg17 : memref<!tpu.dma_semaphore, #tpu.memory_space<semaphore_mem>>)
      %dma_wait3A_1187 = arith.constant 2 : i32
      %dma_wait3A_1188 = arith.constant 0 : i32
      %dma_wait3A_1189 = tpu.memref_slice %arg9[%dma_wait3A_1187, %dma_wait3A_1188] : memref<6x80xi32, #tpu.memory_space<vmem>> -> memref<1x80xi32, #tpu.memory_space<vmem>>
      %dma_wait3A_1190 = tpu.memref_squeeze %dma_wait3A_1189 : memref<1x80xi32, #tpu.memory_space<vmem>> -> memref<80xi32, #tpu.memory_space<vmem>>
      %dma_wait3A_1191 = arith.constant 0 : i32
      %dma_wait3A_1192 = arith.constant 0 : i32
      %dma_wait3A_1193 = tpu.memref_slice %arg2[%dma_wait3A_1191, %dma_wait3A_1192] : memref<10000x128xf32, #tpu.memory_space<hbm>> -> memref<10000x128xf32, #tpu.memory_space<hbm>>
      tpu.wait_indirect_dma semaphore(%arg18 : memref<!tpu.dma_semaphore, #tpu.memory_space<semaphore_mem>>) src(%dma_wait3A_1193 : memref<10000x128xf32, #tpu.memory_space<hbm>>) dst(%arg13 : memref<80x128xf32, #tpu.memory_space<vmem>>)
      %dma_start3A_1194 = arith.constant 2 : i32
      %dma_start3A_1195 = arith.constant 0 : i32
      %dma_start3A_1196 = tpu.memref_slice %arg10[%dma_start3A_1194, %dma_start3A_1195] : memref<6x80xi32, #tpu.memory_space<vmem>> -> memref<1x80xi32, #tpu.memory_space<vmem>>
      %dma_start3A_1197 = tpu.memref_squeeze %dma_start3A_1196 : memref<1x80xi32, #tpu.memory_space<vmem>> -> memref<80xi32, #tpu.memory_space<vmem>>
      %dma_start3A_1198 = arith.constant 0 : i32
      %dma_start3A_1199 = arith.constant 0 : i32
      %dma_start3A_1200 = tpu.memref_slice %arg7[%dma_start3A_1198, %dma_start3A_1199] : memref<10240x128xf32, #tpu.memory_space<vmem_shared>> -> memref<10240x128xf32, #tpu.memory_space<vmem_shared>>
      tpu.enqueue_indirect_dma source(%arg13 : memref<80x128xf32, #tpu.memory_space<vmem>>) target(%dma_start3A_1200 : memref<10240x128xf32, #tpu.memory_space<vmem_shared>>) offsets(%dma_start3A_1197 : memref<80xi32, #tpu.memory_space<vmem>>) semaphore(%arg27 : memref<!tpu.dma_semaphore, #tpu.memory_space<semaphore_mem>>) {add = true}
      %dma_start3A_1201 = arith.constant 2 : i32
      %dma_start3A_1202 = arith.constant 0 : i32
      %dma_start3A_1203 = tpu.memref_slice %arg10[%dma_start3A_1201, %dma_start3A_1202] : memref<6x80xi32, #tpu.memory_space<vmem>> -> memref<1x80xi32, #tpu.memory_space<vmem>>
      %dma_start3A_1204 = tpu.memref_squeeze %dma_start3A_1203 : memref<1x80xi32, #tpu.memory_space<vmem>> -> memref<80xi32, #tpu.memory_space<vmem>>
      %dma_start3A_1205 = arith.constant 0 : i32
      %dma_start3A_1206 = tpu.memref_slice %arg8[%dma_start3A_1205] : memref<10240xf32, #tpu.memory_space<vmem_shared>> -> memref<10240xf32, #tpu.memory_space<vmem_shared>>
      tpu.enqueue_indirect_dma source(%arg14 : memref<80xf32, #tpu.memory_space<vmem>>) target(%dma_start3A_1206 : memref<10240xf32, #tpu.memory_space<vmem_shared>>) offsets(%dma_start3A_1204 : memref<80xi32, #tpu.memory_space<vmem>>) semaphore(%arg27 : memref<!tpu.dma_semaphore, #tpu.memory_space<semaphore_mem>>) {add = true}
      %add3A_1207 = arith.constant 4 : i32
      %add3A_1208 = arith.addi %add3A_1144, %add3A_1207 : i32
      %mul3A_1209 = arith.constant 80 : i32
      %mul3A_1210 = arith.muli %add3A_1208, %mul3A_1209 : i32
      %add3A_1211 = arith.addi %mul3A_222, %mul3A_1210 : i32
      %dma_start3A_1212 = arith.constant 0 : i32
      %dma_start3A_1213 = arith.constant 0 : i32
      %dma_start3A_1214 = tpu.memref_slice %arg9[%dma_start3A_1212, %dma_start3A_1213] : memref<6x80xi32, #tpu.memory_space<vmem>> -> memref<1x80xi32, #tpu.memory_space<vmem>>
      %dma_start3A_1215 = tpu.memref_squeeze %dma_start3A_1214 : memref<1x80xi32, #tpu.memory_space<vmem>> -> memref<80xi32, #tpu.memory_space<vmem>>
      %dma_start3A_1216 = tpu.memref_slice %arg3[%add3A_1211] : memref<320000xi32, #tpu.memory_space<hbm>> -> memref<80xi32, #tpu.memory_space<hbm>>
      %dma_start3A_1217 = arith.constant 0 : i32
      %dma_start3A_1218 = tpu.memref_slice %arg9[%dma_start3A_1212, %dma_start3A_1217] : memref<6x80xi32, #tpu.memory_space<vmem>> -> memref<1x80xi32, #tpu.memory_space<vmem>>
      %dma_start3A_1219 = tpu.memref_squeeze %dma_start3A_1218 : memref<1x80xi32, #tpu.memory_space<vmem>> -> memref<80xi32, #tpu.memory_space<vmem>>
      %dma_start3A_1220 = tpu.memref_slice %arg3[%add3A_1211] : memref<320000xi32, #tpu.memory_space<hbm>> -> memref<80xi32, #tpu.memory_space<hbm>>
      tpu.enqueue_dma source(%dma_start3A_1220 : memref<80xi32, #tpu.memory_space<hbm>>) target(%dma_start3A_1219 : memref<80xi32, #tpu.memory_space<vmem>>) target_semaphore(%arg19 : memref<!tpu.dma_semaphore, #tpu.memory_space<semaphore_mem>>)
      %dma_start3A_1221 = arith.constant 0 : i32
      %dma_start3A_1222 = arith.constant 0 : i32
      %dma_start3A_1223 = tpu.memref_slice %arg10[%dma_start3A_1221, %dma_start3A_1222] : memref<6x80xi32, #tpu.memory_space<vmem>> -> memref<1x80xi32, #tpu.memory_space<vmem>>
      %dma_start3A_1224 = tpu.memref_squeeze %dma_start3A_1223 : memref<1x80xi32, #tpu.memory_space<vmem>> -> memref<80xi32, #tpu.memory_space<vmem>>
      %dma_start3A_1225 = tpu.memref_slice %arg4[%add3A_1211] : memref<320000xi32, #tpu.memory_space<hbm>> -> memref<80xi32, #tpu.memory_space<hbm>>
      %dma_start3A_1226 = arith.constant 0 : i32
      %dma_start3A_1227 = tpu.memref_slice %arg10[%dma_start3A_1221, %dma_start3A_1226] : memref<6x80xi32, #tpu.memory_space<vmem>> -> memref<1x80xi32, #tpu.memory_space<vmem>>
      %dma_start3A_1228 = tpu.memref_squeeze %dma_start3A_1227 : memref<1x80xi32, #tpu.memory_space<vmem>> -> memref<80xi32, #tpu.memory_space<vmem>>
      %dma_start3A_1229 = tpu.memref_slice %arg4[%add3A_1211] : memref<320000xi32, #tpu.memory_space<hbm>> -> memref<80xi32, #tpu.memory_space<hbm>>
      tpu.enqueue_dma source(%dma_start3A_1229 : memref<80xi32, #tpu.memory_space<hbm>>) target(%dma_start3A_1228 : memref<80xi32, #tpu.memory_space<vmem>>) target_semaphore(%arg19 : memref<!tpu.dma_semaphore, #tpu.memory_space<semaphore_mem>>)
      %add3A_1230 = arith.constant 2 : i32
      %add3A_1231 = arith.addi %add3A_1140, %add3A_1230 : i32
      %add3A_1232 = arith.constant 1 : i32
      %add3A_1233 = arith.addi %add3A_1231, %add3A_1232 : i32
      %dma_wait3A_1234 = arith.constant 5 : i32
      %dma_wait3A_1235 = arith.constant 0 : i32
      %dma_wait3A_1236 = tpu.memref_slice %arg9[%dma_wait3A_1234, %dma_wait3A_1235] : memref<6x80xi32, #tpu.memory_space<vmem>> -> memref<1x80xi32, #tpu.memory_space<vmem>>
      %dma_wait3A_1237 = tpu.memref_squeeze %dma_wait3A_1236 : memref<1x80xi32, #tpu.memory_space<vmem>> -> memref<80xi32, #tpu.memory_space<vmem>>
      %dma_wait3A_1238 = arith.constant 0 : i32
      %dma_wait3A_1239 = tpu.memref_slice %arg3[%dma_wait3A_1238] : memref<320000xi32, #tpu.memory_space<hbm>> -> memref<80xi32, #tpu.memory_space<hbm>>
      %dma_wait3A_1240 = arith.constant 0 : i32
      %dma_wait3A_1241 = tpu.memref_slice %arg9[%dma_wait3A_1234, %dma_wait3A_1240] : memref<6x80xi32, #tpu.memory_space<vmem>> -> memref<1x80xi32, #tpu.memory_space<vmem>>
      %dma_wait3A_1242 = tpu.memref_squeeze %dma_wait3A_1241 : memref<1x80xi32, #tpu.memory_space<vmem>> -> memref<80xi32, #tpu.memory_space<vmem>>
      %dma_wait3A_1243 = arith.constant 0 : i32
      %dma_wait3A_1244 = tpu.memref_slice %arg3[%dma_wait3A_1243] : memref<320000xi32, #tpu.memory_space<hbm>> -> memref<80xi32, #tpu.memory_space<hbm>>
      tpu.wait_dma2 semaphore(%arg24 : memref<!tpu.dma_semaphore, #tpu.memory_space<semaphore_mem>>) src(%dma_wait3A_1244 : memref<80xi32, #tpu.memory_space<hbm>>) dst(%dma_wait3A_1242 : memref<80xi32, #tpu.memory_space<vmem>>)
      %dma_wait3A_1245 = arith.constant 5 : i32
      %dma_wait3A_1246 = arith.constant 0 : i32
      %dma_wait3A_1247 = tpu.memref_slice %arg10[%dma_wait3A_1245, %dma_wait3A_1246] : memref<6x80xi32, #tpu.memory_space<vmem>> -> memref<1x80xi32, #tpu.memory_space<vmem>>
      %dma_wait3A_1248 = tpu.memref_squeeze %dma_wait3A_1247 : memref<1x80xi32, #tpu.memory_space<vmem>> -> memref<80xi32, #tpu.memory_space<vmem>>
      %dma_wait3A_1249 = arith.constant 0 : i32
      %dma_wait3A_1250 = tpu.memref_slice %arg4[%dma_wait3A_1249] : memref<320000xi32, #tpu.memory_space<hbm>> -> memref<80xi32, #tpu.memory_space<hbm>>
      %dma_wait3A_1251 = arith.constant 0 : i32
      %dma_wait3A_1252 = tpu.memref_slice %arg10[%dma_wait3A_1245, %dma_wait3A_1251] : memref<6x80xi32, #tpu.memory_space<vmem>> -> memref<1x80xi32, #tpu.memory_space<vmem>>
      %dma_wait3A_1253 = tpu.memref_squeeze %dma_wait3A_1252 : memref<1x80xi32, #tpu.memory_space<vmem>> -> memref<80xi32, #tpu.memory_space<vmem>>
      %dma_wait3A_1254 = arith.constant 0 : i32
      %dma_wait3A_1255 = tpu.memref_slice %arg4[%dma_wait3A_1254] : memref<320000xi32, #tpu.memory_space<hbm>> -> memref<80xi32, #tpu.memory_space<hbm>>
      tpu.wait_dma2 semaphore(%arg24 : memref<!tpu.dma_semaphore, #tpu.memory_space<semaphore_mem>>) src(%dma_wait3A_1255 : memref<80xi32, #tpu.memory_space<hbm>>) dst(%dma_wait3A_1253 : memref<80xi32, #tpu.memory_space<vmem>>)
      %dma_wait3A_1256 = arith.constant 2 : i32
      %dma_wait3A_1257 = arith.constant 0 : i32
      %dma_wait3A_1258 = tpu.memref_slice %arg10[%dma_wait3A_1256, %dma_wait3A_1257] : memref<6x80xi32, #tpu.memory_space<vmem>> -> memref<1x80xi32, #tpu.memory_space<vmem>>
      %dma_wait3A_1259 = tpu.memref_squeeze %dma_wait3A_1258 : memref<1x80xi32, #tpu.memory_space<vmem>> -> memref<80xi32, #tpu.memory_space<vmem>>
      %dma_wait3A_1260 = arith.constant 0 : i32
      %dma_wait3A_1261 = arith.constant 0 : i32
      %dma_wait3A_1262 = tpu.memref_slice %arg7[%dma_wait3A_1260, %dma_wait3A_1261] : memref<10240x128xf32, #tpu.memory_space<vmem_shared>> -> memref<10240x128xf32, #tpu.memory_space<vmem_shared>>
      tpu.wait_indirect_dma semaphore(%arg27 : memref<!tpu.dma_semaphore, #tpu.memory_space<semaphore_mem>>) src(%arg13 : memref<80x128xf32, #tpu.memory_space<vmem>>) dst(%dma_wait3A_1262 : memref<10240x128xf32, #tpu.memory_space<vmem_shared>>)
      %dma_wait3A_1263 = arith.constant 2 : i32
      %dma_wait3A_1264 = arith.constant 0 : i32
      %dma_wait3A_1265 = tpu.memref_slice %arg10[%dma_wait3A_1263, %dma_wait3A_1264] : memref<6x80xi32, #tpu.memory_space<vmem>> -> memref<1x80xi32, #tpu.memory_space<vmem>>
      %dma_wait3A_1266 = tpu.memref_squeeze %dma_wait3A_1265 : memref<1x80xi32, #tpu.memory_space<vmem>> -> memref<80xi32, #tpu.memory_space<vmem>>
      %dma_wait3A_1267 = arith.constant 0 : i32
      %dma_wait3A_1268 = tpu.memref_slice %arg8[%dma_wait3A_1267] : memref<10240xf32, #tpu.memory_space<vmem_shared>> -> memref<10240xf32, #tpu.memory_space<vmem_shared>>
      tpu.wait_indirect_dma semaphore(%arg27 : memref<!tpu.dma_semaphore, #tpu.memory_space<semaphore_mem>>) src(%arg14 : memref<80xf32, #tpu.memory_space<vmem>>) dst(%dma_wait3A_1268 : memref<10240xf32, #tpu.memory_space<vmem_shared>>)
      %dma_start3A_1269 = arith.constant 5 : i32
      %dma_start3A_1270 = arith.constant 0 : i32
      %dma_start3A_1271 = tpu.memref_slice %arg9[%dma_start3A_1269, %dma_start3A_1270] : memref<6x80xi32, #tpu.memory_space<vmem>> -> memref<1x80xi32, #tpu.memory_space<vmem>>
      %dma_start3A_1272 = tpu.memref_squeeze %dma_start3A_1271 : memref<1x80xi32, #tpu.memory_space<vmem>> -> memref<80xi32, #tpu.memory_space<vmem>>
      %dma_start3A_1273 = arith.constant 0 : i32
      %dma_start3A_1274 = arith.constant 0 : i32
      %dma_start3A_1275 = tpu.memref_slice %arg2[%dma_start3A_1273, %dma_start3A_1274] : memref<10000x128xf32, #tpu.memory_space<hbm>> -> memref<10000x128xf32, #tpu.memory_space<hbm>>
      tpu.enqueue_indirect_dma source(%dma_start3A_1275 : memref<10000x128xf32, #tpu.memory_space<hbm>>) target(%arg13 : memref<80x128xf32, #tpu.memory_space<vmem>>) offsets(%dma_start3A_1272 : memref<80xi32, #tpu.memory_space<vmem>>) semaphore(%arg18 : memref<!tpu.dma_semaphore, #tpu.memory_space<semaphore_mem>>)
      %dma_wait3A_1276 = arith.constant 3 : i32
      %dma_wait3A_1277 = arith.constant 0 : i32
      %dma_wait3A_1278 = tpu.memref_slice %arg9[%dma_wait3A_1276, %dma_wait3A_1277] : memref<6x80xi32, #tpu.memory_space<vmem>> -> memref<1x80xi32, #tpu.memory_space<vmem>>
      %dma_wait3A_1279 = tpu.memref_squeeze %dma_wait3A_1278 : memref<1x80xi32, #tpu.memory_space<vmem>> -> memref<80xi32, #tpu.memory_space<vmem>>
      %dma_wait3A_1280 = arith.constant 0 : i32
      %dma_wait3A_1281 = arith.constant 0 : i32
      %dma_wait3A_1282 = tpu.memref_slice %arg2[%dma_wait3A_1280, %dma_wait3A_1281] : memref<10000x128xf32, #tpu.memory_space<hbm>> -> memref<10000x128xf32, #tpu.memory_space<hbm>>
      tpu.wait_indirect_dma semaphore(%arg16 : memref<!tpu.dma_semaphore, #tpu.memory_space<semaphore_mem>>) src(%dma_wait3A_1282 : memref<10000x128xf32, #tpu.memory_space<hbm>>) dst(%arg11 : memref<80x128xf32, #tpu.memory_space<vmem>>)
      %dma_start3A_1283 = arith.constant 3 : i32
      %dma_start3A_1284 = arith.constant 0 : i32
      %dma_start3A_1285 = tpu.memref_slice %arg10[%dma_start3A_1283, %dma_start3A_1284] : memref<6x80xi32, #tpu.memory_space<vmem>> -> memref<1x80xi32, #tpu.memory_space<vmem>>
      %dma_start3A_1286 = tpu.memref_squeeze %dma_start3A_1285 : memref<1x80xi32, #tpu.memory_space<vmem>> -> memref<80xi32, #tpu.memory_space<vmem>>
      %dma_start3A_1287 = arith.constant 0 : i32
      %dma_start3A_1288 = arith.constant 0 : i32
      %dma_start3A_1289 = tpu.memref_slice %arg7[%dma_start3A_1287, %dma_start3A_1288] : memref<10240x128xf32, #tpu.memory_space<vmem_shared>> -> memref<10240x128xf32, #tpu.memory_space<vmem_shared>>
      tpu.enqueue_indirect_dma source(%arg11 : memref<80x128xf32, #tpu.memory_space<vmem>>) target(%dma_start3A_1289 : memref<10240x128xf32, #tpu.memory_space<vmem_shared>>) offsets(%dma_start3A_1286 : memref<80xi32, #tpu.memory_space<vmem>>) semaphore(%arg25 : memref<!tpu.dma_semaphore, #tpu.memory_space<semaphore_mem>>) {add = true}
      %dma_start3A_1290 = arith.constant 3 : i32
      %dma_start3A_1291 = arith.constant 0 : i32
      %dma_start3A_1292 = tpu.memref_slice %arg10[%dma_start3A_1290, %dma_start3A_1291] : memref<6x80xi32, #tpu.memory_space<vmem>> -> memref<1x80xi32, #tpu.memory_space<vmem>>
      %dma_start3A_1293 = tpu.memref_squeeze %dma_start3A_1292 : memref<1x80xi32, #tpu.memory_space<vmem>> -> memref<80xi32, #tpu.memory_space<vmem>>
      %dma_start3A_1294 = arith.constant 0 : i32
      %dma_start3A_1295 = tpu.memref_slice %arg8[%dma_start3A_1294] : memref<10240xf32, #tpu.memory_space<vmem_shared>> -> memref<10240xf32, #tpu.memory_space<vmem_shared>>
      tpu.enqueue_indirect_dma source(%arg14 : memref<80xf32, #tpu.memory_space<vmem>>) target(%dma_start3A_1295 : memref<10240xf32, #tpu.memory_space<vmem_shared>>) offsets(%dma_start3A_1293 : memref<80xi32, #tpu.memory_space<vmem>>) semaphore(%arg25 : memref<!tpu.dma_semaphore, #tpu.memory_space<semaphore_mem>>) {add = true}
      %add3A_1296 = arith.constant 4 : i32
      %add3A_1297 = arith.addi %add3A_1233, %add3A_1296 : i32
      %mul3A_1298 = arith.constant 80 : i32
      %mul3A_1299 = arith.muli %add3A_1297, %mul3A_1298 : i32
      %add3A_1300 = arith.addi %mul3A_222, %mul3A_1299 : i32
      %dma_start3A_1301 = arith.constant 1 : i32
      %dma_start3A_1302 = arith.constant 0 : i32
      %dma_start3A_1303 = tpu.memref_slice %arg9[%dma_start3A_1301, %dma_start3A_1302] : memref<6x80xi32, #tpu.memory_space<vmem>> -> memref<1x80xi32, #tpu.memory_space<vmem>>
      %dma_start3A_1304 = tpu.memref_squeeze %dma_start3A_1303 : memref<1x80xi32, #tpu.memory_space<vmem>> -> memref<80xi32, #tpu.memory_space<vmem>>
      %dma_start3A_1305 = tpu.memref_slice %arg3[%add3A_1300] : memref<320000xi32, #tpu.memory_space<hbm>> -> memref<80xi32, #tpu.memory_space<hbm>>
      %dma_start3A_1306 = arith.constant 0 : i32
      %dma_start3A_1307 = tpu.memref_slice %arg9[%dma_start3A_1301, %dma_start3A_1306] : memref<6x80xi32, #tpu.memory_space<vmem>> -> memref<1x80xi32, #tpu.memory_space<vmem>>
      %dma_start3A_1308 = tpu.memref_squeeze %dma_start3A_1307 : memref<1x80xi32, #tpu.memory_space<vmem>> -> memref<80xi32, #tpu.memory_space<vmem>>
      %dma_start3A_1309 = tpu.memref_slice %arg3[%add3A_1300] : memref<320000xi32, #tpu.memory_space<hbm>> -> memref<80xi32, #tpu.memory_space<hbm>>
      tpu.enqueue_dma source(%dma_start3A_1309 : memref<80xi32, #tpu.memory_space<hbm>>) target(%dma_start3A_1308 : memref<80xi32, #tpu.memory_space<vmem>>) target_semaphore(%arg20 : memref<!tpu.dma_semaphore, #tpu.memory_space<semaphore_mem>>)
      %dma_start3A_1310 = arith.constant 1 : i32
      %dma_start3A_1311 = arith.constant 0 : i32
      %dma_start3A_1312 = tpu.memref_slice %arg10[%dma_start3A_1310, %dma_start3A_1311] : memref<6x80xi32, #tpu.memory_space<vmem>> -> memref<1x80xi32, #tpu.memory_space<vmem>>
      %dma_start3A_1313 = tpu.memref_squeeze %dma_start3A_1312 : memref<1x80xi32, #tpu.memory_space<vmem>> -> memref<80xi32, #tpu.memory_space<vmem>>
      %dma_start3A_1314 = tpu.memref_slice %arg4[%add3A_1300] : memref<320000xi32, #tpu.memory_space<hbm>> -> memref<80xi32, #tpu.memory_space<hbm>>
      %dma_start3A_1315 = arith.constant 0 : i32
      %dma_start3A_1316 = tpu.memref_slice %arg10[%dma_start3A_1310, %dma_start3A_1315] : memref<6x80xi32, #tpu.memory_space<vmem>> -> memref<1x80xi32, #tpu.memory_space<vmem>>
      %dma_start3A_1317 = tpu.memref_squeeze %dma_start3A_1316 : memref<1x80xi32, #tpu.memory_space<vmem>> -> memref<80xi32, #tpu.memory_space<vmem>>
      %dma_start3A_1318 = tpu.memref_slice %arg4[%add3A_1300] : memref<320000xi32, #tpu.memory_space<hbm>> -> memref<80xi32, #tpu.memory_space<hbm>>
      tpu.enqueue_dma source(%dma_start3A_1318 : memref<80xi32, #tpu.memory_space<hbm>>) target(%dma_start3A_1317 : memref<80xi32, #tpu.memory_space<vmem>>) target_semaphore(%arg20 : memref<!tpu.dma_semaphore, #tpu.memory_space<semaphore_mem>>)
      %add3A_1319 = arith.constant 2 : i32
      %add3A_1320 = arith.addi %add3A_1140, %add3A_1319 : i32
      %add3A_1321 = arith.constant 2 : i32
      %add3A_1322 = arith.addi %add3A_1320, %add3A_1321 : i32
      %dma_wait3A_1323 = arith.constant 0 : i32
      %dma_wait3A_1324 = arith.constant 0 : i32
      %dma_wait3A_1325 = tpu.memref_slice %arg9[%dma_wait3A_1323, %dma_wait3A_1324] : memref<6x80xi32, #tpu.memory_space<vmem>> -> memref<1x80xi32, #tpu.memory_space<vmem>>
      %dma_wait3A_1326 = tpu.memref_squeeze %dma_wait3A_1325 : memref<1x80xi32, #tpu.memory_space<vmem>> -> memref<80xi32, #tpu.memory_space<vmem>>
      %dma_wait3A_1327 = arith.constant 0 : i32
      %dma_wait3A_1328 = tpu.memref_slice %arg3[%dma_wait3A_1327] : memref<320000xi32, #tpu.memory_space<hbm>> -> memref<80xi32, #tpu.memory_space<hbm>>
      %dma_wait3A_1329 = arith.constant 0 : i32
      %dma_wait3A_1330 = tpu.memref_slice %arg9[%dma_wait3A_1323, %dma_wait3A_1329] : memref<6x80xi32, #tpu.memory_space<vmem>> -> memref<1x80xi32, #tpu.memory_space<vmem>>
      %dma_wait3A_1331 = tpu.memref_squeeze %dma_wait3A_1330 : memref<1x80xi32, #tpu.memory_space<vmem>> -> memref<80xi32, #tpu.memory_space<vmem>>
      %dma_wait3A_1332 = arith.constant 0 : i32
      %dma_wait3A_1333 = tpu.memref_slice %arg3[%dma_wait3A_1332] : memref<320000xi32, #tpu.memory_space<hbm>> -> memref<80xi32, #tpu.memory_space<hbm>>
      tpu.wait_dma2 semaphore(%arg19 : memref<!tpu.dma_semaphore, #tpu.memory_space<semaphore_mem>>) src(%dma_wait3A_1333 : memref<80xi32, #tpu.memory_space<hbm>>) dst(%dma_wait3A_1331 : memref<80xi32, #tpu.memory_space<vmem>>)
      %dma_wait3A_1334 = arith.constant 0 : i32
      %dma_wait3A_1335 = arith.constant 0 : i32
      %dma_wait3A_1336 = tpu.memref_slice %arg10[%dma_wait3A_1334, %dma_wait3A_1335] : memref<6x80xi32, #tpu.memory_space<vmem>> -> memref<1x80xi32, #tpu.memory_space<vmem>>
      %dma_wait3A_1337 = tpu.memref_squeeze %dma_wait3A_1336 : memref<1x80xi32, #tpu.memory_space<vmem>> -> memref<80xi32, #tpu.memory_space<vmem>>
      %dma_wait3A_1338 = arith.constant 0 : i32
      %dma_wait3A_1339 = tpu.memref_slice %arg4[%dma_wait3A_1338] : memref<320000xi32, #tpu.memory_space<hbm>> -> memref<80xi32, #tpu.memory_space<hbm>>
      %dma_wait3A_1340 = arith.constant 0 : i32
      %dma_wait3A_1341 = tpu.memref_slice %arg10[%dma_wait3A_1334, %dma_wait3A_1340] : memref<6x80xi32, #tpu.memory_space<vmem>> -> memref<1x80xi32, #tpu.memory_space<vmem>>
      %dma_wait3A_1342 = tpu.memref_squeeze %dma_wait3A_1341 : memref<1x80xi32, #tpu.memory_space<vmem>> -> memref<80xi32, #tpu.memory_space<vmem>>
      %dma_wait3A_1343 = arith.constant 0 : i32
      %dma_wait3A_1344 = tpu.memref_slice %arg4[%dma_wait3A_1343] : memref<320000xi32, #tpu.memory_space<hbm>> -> memref<80xi32, #tpu.memory_space<hbm>>
      tpu.wait_dma2 semaphore(%arg19 : memref<!tpu.dma_semaphore, #tpu.memory_space<semaphore_mem>>) src(%dma_wait3A_1344 : memref<80xi32, #tpu.memory_space<hbm>>) dst(%dma_wait3A_1342 : memref<80xi32, #tpu.memory_space<vmem>>)
      %dma_wait3A_1345 = arith.constant 3 : i32
      %dma_wait3A_1346 = arith.constant 0 : i32
      %dma_wait3A_1347 = tpu.memref_slice %arg10[%dma_wait3A_1345, %dma_wait3A_1346] : memref<6x80xi32, #tpu.memory_space<vmem>> -> memref<1x80xi32, #tpu.memory_space<vmem>>
      %dma_wait3A_1348 = tpu.memref_squeeze %dma_wait3A_1347 : memref<1x80xi32, #tpu.memory_space<vmem>> -> memref<80xi32, #tpu.memory_space<vmem>>
      %dma_wait3A_1349 = arith.constant 0 : i32
      %dma_wait3A_1350 = arith.constant 0 : i32
      %dma_wait3A_1351 = tpu.memref_slice %arg7[%dma_wait3A_1349, %dma_wait3A_1350] : memref<10240x128xf32, #tpu.memory_space<vmem_shared>> -> memref<10240x128xf32, #tpu.memory_space<vmem_shared>>
      tpu.wait_indirect_dma semaphore(%arg25 : memref<!tpu.dma_semaphore, #tpu.memory_space<semaphore_mem>>) src(%arg11 : memref<80x128xf32, #tpu.memory_space<vmem>>) dst(%dma_wait3A_1351 : memref<10240x128xf32, #tpu.memory_space<vmem_shared>>)
      %dma_wait3A_1352 = arith.constant 3 : i32
      %dma_wait3A_1353 = arith.constant 0 : i32
      %dma_wait3A_1354 = tpu.memref_slice %arg10[%dma_wait3A_1352, %dma_wait3A_1353] : memref<6x80xi32, #tpu.memory_space<vmem>> -> memref<1x80xi32, #tpu.memory_space<vmem>>
      %dma_wait3A_1355 = tpu.memref_squeeze %dma_wait3A_1354 : memref<1x80xi32, #tpu.memory_space<vmem>> -> memref<80xi32, #tpu.memory_space<vmem>>
      %dma_wait3A_1356 = arith.constant 0 : i32
      %dma_wait3A_1357 = tpu.memref_slice %arg8[%dma_wait3A_1356] : memref<10240xf32, #tpu.memory_space<vmem_shared>> -> memref<10240xf32, #tpu.memory_space<vmem_shared>>
      tpu.wait_indirect_dma semaphore(%arg25 : memref<!tpu.dma_semaphore, #tpu.memory_space<semaphore_mem>>) src(%arg14 : memref<80xf32, #tpu.memory_space<vmem>>) dst(%dma_wait3A_1357 : memref<10240xf32, #tpu.memory_space<vmem_shared>>)
      %dma_start3A_1358 = arith.constant 0 : i32
      %dma_start3A_1359 = arith.constant 0 : i32
      %dma_start3A_1360 = tpu.memref_slice %arg9[%dma_start3A_1358, %dma_start3A_1359] : memref<6x80xi32, #tpu.memory_space<vmem>> -> memref<1x80xi32, #tpu.memory_space<vmem>>
      %dma_start3A_1361 = tpu.memref_squeeze %dma_start3A_1360 : memref<1x80xi32, #tpu.memory_space<vmem>> -> memref<80xi32, #tpu.memory_space<vmem>>
      %dma_start3A_1362 = arith.constant 0 : i32
      %dma_start3A_1363 = arith.constant 0 : i32
      %dma_start3A_1364 = tpu.memref_slice %arg2[%dma_start3A_1362, %dma_start3A_1363] : memref<10000x128xf32, #tpu.memory_space<hbm>> -> memref<10000x128xf32, #tpu.memory_space<hbm>>
      tpu.enqueue_indirect_dma source(%dma_start3A_1364 : memref<10000x128xf32, #tpu.memory_space<hbm>>) target(%arg11 : memref<80x128xf32, #tpu.memory_space<vmem>>) offsets(%dma_start3A_1361 : memref<80xi32, #tpu.memory_space<vmem>>) semaphore(%arg16 : memref<!tpu.dma_semaphore, #tpu.memory_space<semaphore_mem>>)
      %dma_wait3A_1365 = arith.constant 4 : i32
      %dma_wait3A_1366 = arith.constant 0 : i32
      %dma_wait3A_1367 = tpu.memref_slice %arg9[%dma_wait3A_1365, %dma_wait3A_1366] : memref<6x80xi32, #tpu.memory_space<vmem>> -> memref<1x80xi32, #tpu.memory_space<vmem>>
      %dma_wait3A_1368 = tpu.memref_squeeze %dma_wait3A_1367 : memref<1x80xi32, #tpu.memory_space<vmem>> -> memref<80xi32, #tpu.memory_space<vmem>>
      %dma_wait3A_1369 = arith.constant 0 : i32
      %dma_wait3A_1370 = arith.constant 0 : i32
      %dma_wait3A_1371 = tpu.memref_slice %arg2[%dma_wait3A_1369, %dma_wait3A_1370] : memref<10000x128xf32, #tpu.memory_space<hbm>> -> memref<10000x128xf32, #tpu.memory_space<hbm>>
      tpu.wait_indirect_dma semaphore(%arg17 : memref<!tpu.dma_semaphore, #tpu.memory_space<semaphore_mem>>) src(%dma_wait3A_1371 : memref<10000x128xf32, #tpu.memory_space<hbm>>) dst(%arg12 : memref<80x128xf32, #tpu.memory_space<vmem>>)
      %dma_start3A_1372 = arith.constant 4 : i32
      %dma_start3A_1373 = arith.constant 0 : i32
      %dma_start3A_1374 = tpu.memref_slice %arg10[%dma_start3A_1372, %dma_start3A_1373] : memref<6x80xi32, #tpu.memory_space<vmem>> -> memref<1x80xi32, #tpu.memory_space<vmem>>
      %dma_start3A_1375 = tpu.memref_squeeze %dma_start3A_1374 : memref<1x80xi32, #tpu.memory_space<vmem>> -> memref<80xi32, #tpu.memory_space<vmem>>
      %dma_start3A_1376 = arith.constant 0 : i32
      %dma_start3A_1377 = arith.constant 0 : i32
      %dma_start3A_1378 = tpu.memref_slice %arg7[%dma_start3A_1376, %dma_start3A_1377] : memref<10240x128xf32, #tpu.memory_space<vmem_shared>> -> memref<10240x128xf32, #tpu.memory_space<vmem_shared>>
      tpu.enqueue_indirect_dma source(%arg12 : memref<80x128xf32, #tpu.memory_space<vmem>>) target(%dma_start3A_1378 : memref<10240x128xf32, #tpu.memory_space<vmem_shared>>) offsets(%dma_start3A_1375 : memref<80xi32, #tpu.memory_space<vmem>>) semaphore(%arg26 : memref<!tpu.dma_semaphore, #tpu.memory_space<semaphore_mem>>) {add = true}
      %dma_start3A_1379 = arith.constant 4 : i32
      %dma_start3A_1380 = arith.constant 0 : i32
      %dma_start3A_1381 = tpu.memref_slice %arg10[%dma_start3A_1379, %dma_start3A_1380] : memref<6x80xi32, #tpu.memory_space<vmem>> -> memref<1x80xi32, #tpu.memory_space<vmem>>
      %dma_start3A_1382 = tpu.memref_squeeze %dma_start3A_1381 : memref<1x80xi32, #tpu.memory_space<vmem>> -> memref<80xi32, #tpu.memory_space<vmem>>
      %dma_start3A_1383 = arith.constant 0 : i32
      %dma_start3A_1384 = tpu.memref_slice %arg8[%dma_start3A_1383] : memref<10240xf32, #tpu.memory_space<vmem_shared>> -> memref<10240xf32, #tpu.memory_space<vmem_shared>>
      tpu.enqueue_indirect_dma source(%arg14 : memref<80xf32, #tpu.memory_space<vmem>>) target(%dma_start3A_1384 : memref<10240xf32, #tpu.memory_space<vmem_shared>>) offsets(%dma_start3A_1382 : memref<80xi32, #tpu.memory_space<vmem>>) semaphore(%arg26 : memref<!tpu.dma_semaphore, #tpu.memory_space<semaphore_mem>>) {add = true}
      %add3A_1385 = arith.constant 4 : i32
      %add3A_1386 = arith.addi %add3A_1322, %add3A_1385 : i32
      %mul3A_1387 = arith.constant 80 : i32
      %mul3A_1388 = arith.muli %add3A_1386, %mul3A_1387 : i32
      %add3A_1389 = arith.addi %mul3A_222, %mul3A_1388 : i32
      %dma_start3A_1390 = arith.constant 2 : i32
      %dma_start3A_1391 = arith.constant 0 : i32
      %dma_start3A_1392 = tpu.memref_slice %arg9[%dma_start3A_1390, %dma_start3A_1391] : memref<6x80xi32, #tpu.memory_space<vmem>> -> memref<1x80xi32, #tpu.memory_space<vmem>>
      %dma_start3A_1393 = tpu.memref_squeeze %dma_start3A_1392 : memref<1x80xi32, #tpu.memory_space<vmem>> -> memref<80xi32, #tpu.memory_space<vmem>>
      %dma_start3A_1394 = tpu.memref_slice %arg3[%add3A_1389] : memref<320000xi32, #tpu.memory_space<hbm>> -> memref<80xi32, #tpu.memory_space<hbm>>
      %dma_start3A_1395 = arith.constant 0 : i32
      %dma_start3A_1396 = tpu.memref_slice %arg9[%dma_start3A_1390, %dma_start3A_1395] : memref<6x80xi32, #tpu.memory_space<vmem>> -> memref<1x80xi32, #tpu.memory_space<vmem>>
      %dma_start3A_1397 = tpu.memref_squeeze %dma_start3A_1396 : memref<1x80xi32, #tpu.memory_space<vmem>> -> memref<80xi32, #tpu.memory_space<vmem>>
      %dma_start3A_1398 = tpu.memref_slice %arg3[%add3A_1389] : memref<320000xi32, #tpu.memory_space<hbm>> -> memref<80xi32, #tpu.memory_space<hbm>>
      tpu.enqueue_dma source(%dma_start3A_1398 : memref<80xi32, #tpu.memory_space<hbm>>) target(%dma_start3A_1397 : memref<80xi32, #tpu.memory_space<vmem>>) target_semaphore(%arg21 : memref<!tpu.dma_semaphore, #tpu.memory_space<semaphore_mem>>)
      %dma_start3A_1399 = arith.constant 2 : i32
      %dma_start3A_1400 = arith.constant 0 : i32
      %dma_start3A_1401 = tpu.memref_slice %arg10[%dma_start3A_1399, %dma_start3A_1400] : memref<6x80xi32, #tpu.memory_space<vmem>> -> memref<1x80xi32, #tpu.memory_space<vmem>>
      %dma_start3A_1402 = tpu.memref_squeeze %dma_start3A_1401 : memref<1x80xi32, #tpu.memory_space<vmem>> -> memref<80xi32, #tpu.memory_space<vmem>>
      %dma_start3A_1403 = tpu.memref_slice %arg4[%add3A_1389] : memref<320000xi32, #tpu.memory_space<hbm>> -> memref<80xi32, #tpu.memory_space<hbm>>
      %dma_start3A_1404 = arith.constant 0 : i32
      %dma_start3A_1405 = tpu.memref_slice %arg10[%dma_start3A_1399, %dma_start3A_1404] : memref<6x80xi32, #tpu.memory_space<vmem>> -> memref<1x80xi32, #tpu.memory_space<vmem>>
      %dma_start3A_1406 = tpu.memref_squeeze %dma_start3A_1405 : memref<1x80xi32, #tpu.memory_space<vmem>> -> memref<80xi32, #tpu.memory_space<vmem>>
      %dma_start3A_1407 = tpu.memref_slice %arg4[%add3A_1389] : memref<320000xi32, #tpu.memory_space<hbm>> -> memref<80xi32, #tpu.memory_space<hbm>>
      tpu.enqueue_dma source(%dma_start3A_1407 : memref<80xi32, #tpu.memory_space<hbm>>) target(%dma_start3A_1406 : memref<80xi32, #tpu.memory_space<vmem>>) target_semaphore(%arg21 : memref<!tpu.dma_semaphore, #tpu.memory_space<semaphore_mem>>)
      %add3A_1408 = arith.constant 2 : i32
      %add3A_1409 = arith.addi %add3A_1140, %add3A_1408 : i32
      %add3A_1410 = arith.constant 3 : i32
      %add3A_1411 = arith.addi %add3A_1409, %add3A_1410 : i32
      %dma_wait3A_1412 = arith.constant 1 : i32
      %dma_wait3A_1413 = arith.constant 0 : i32
      %dma_wait3A_1414 = tpu.memref_slice %arg9[%dma_wait3A_1412, %dma_wait3A_1413] : memref<6x80xi32, #tpu.memory_space<vmem>> -> memref<1x80xi32, #tpu.memory_space<vmem>>
      %dma_wait3A_1415 = tpu.memref_squeeze %dma_wait3A_1414 : memref<1x80xi32, #tpu.memory_space<vmem>> -> memref<80xi32, #tpu.memory_space<vmem>>
      %dma_wait3A_1416 = arith.constant 0 : i32
      %dma_wait3A_1417 = tpu.memref_slice %arg3[%dma_wait3A_1416] : memref<320000xi32, #tpu.memory_space<hbm>> -> memref<80xi32, #tpu.memory_space<hbm>>
      %dma_wait3A_1418 = arith.constant 0 : i32
      %dma_wait3A_1419 = tpu.memref_slice %arg9[%dma_wait3A_1412, %dma_wait3A_1418] : memref<6x80xi32, #tpu.memory_space<vmem>> -> memref<1x80xi32, #tpu.memory_space<vmem>>
      %dma_wait3A_1420 = tpu.memref_squeeze %dma_wait3A_1419 : memref<1x80xi32, #tpu.memory_space<vmem>> -> memref<80xi32, #tpu.memory_space<vmem>>
      %dma_wait3A_1421 = arith.constant 0 : i32
      %dma_wait3A_1422 = tpu.memref_slice %arg3[%dma_wait3A_1421] : memref<320000xi32, #tpu.memory_space<hbm>> -> memref<80xi32, #tpu.memory_space<hbm>>
      tpu.wait_dma2 semaphore(%arg20 : memref<!tpu.dma_semaphore, #tpu.memory_space<semaphore_mem>>) src(%dma_wait3A_1422 : memref<80xi32, #tpu.memory_space<hbm>>) dst(%dma_wait3A_1420 : memref<80xi32, #tpu.memory_space<vmem>>)
      %dma_wait3A_1423 = arith.constant 1 : i32
      %dma_wait3A_1424 = arith.constant 0 : i32
      %dma_wait3A_1425 = tpu.memref_slice %arg10[%dma_wait3A_1423, %dma_wait3A_1424] : memref<6x80xi32, #tpu.memory_space<vmem>> -> memref<1x80xi32, #tpu.memory_space<vmem>>
      %dma_wait3A_1426 = tpu.memref_squeeze %dma_wait3A_1425 : memref<1x80xi32, #tpu.memory_space<vmem>> -> memref<80xi32, #tpu.memory_space<vmem>>
      %dma_wait3A_1427 = arith.constant 0 : i32
      %dma_wait3A_1428 = tpu.memref_slice %arg4[%dma_wait3A_1427] : memref<320000xi32, #tpu.memory_space<hbm>> -> memref<80xi32, #tpu.memory_space<hbm>>
      %dma_wait3A_1429 = arith.constant 0 : i32
      %dma_wait3A_1430 = tpu.memref_slice %arg10[%dma_wait3A_1423, %dma_wait3A_1429] : memref<6x80xi32, #tpu.memory_space<vmem>> -> memref<1x80xi32, #tpu.memory_space<vmem>>
      %dma_wait3A_1431 = tpu.memref_squeeze %dma_wait3A_1430 : memref<1x80xi32, #tpu.memory_space<vmem>> -> memref<80xi32, #tpu.memory_space<vmem>>
      %dma_wait3A_1432 = arith.constant 0 : i32
      %dma_wait3A_1433 = tpu.memref_slice %arg4[%dma_wait3A_1432] : memref<320000xi32, #tpu.memory_space<hbm>> -> memref<80xi32, #tpu.memory_space<hbm>>
      tpu.wait_dma2 semaphore(%arg20 : memref<!tpu.dma_semaphore, #tpu.memory_space<semaphore_mem>>) src(%dma_wait3A_1433 : memref<80xi32, #tpu.memory_space<hbm>>) dst(%dma_wait3A_1431 : memref<80xi32, #tpu.memory_space<vmem>>)
      %dma_wait3A_1434 = arith.constant 4 : i32
      %dma_wait3A_1435 = arith.constant 0 : i32
      %dma_wait3A_1436 = tpu.memref_slice %arg10[%dma_wait3A_1434, %dma_wait3A_1435] : memref<6x80xi32, #tpu.memory_space<vmem>> -> memref<1x80xi32, #tpu.memory_space<vmem>>
      %dma_wait3A_1437 = tpu.memref_squeeze %dma_wait3A_1436 : memref<1x80xi32, #tpu.memory_space<vmem>> -> memref<80xi32, #tpu.memory_space<vmem>>
      %dma_wait3A_1438 = arith.constant 0 : i32
      %dma_wait3A_1439 = arith.constant 0 : i32
      %dma_wait3A_1440 = tpu.memref_slice %arg7[%dma_wait3A_1438, %dma_wait3A_1439] : memref<10240x128xf32, #tpu.memory_space<vmem_shared>> -> memref<10240x128xf32, #tpu.memory_space<vmem_shared>>
      tpu.wait_indirect_dma semaphore(%arg26 : memref<!tpu.dma_semaphore, #tpu.memory_space<semaphore_mem>>) src(%arg12 : memref<80x128xf32, #tpu.memory_space<vmem>>) dst(%dma_wait3A_1440 : memref<10240x128xf32, #tpu.memory_space<vmem_shared>>)
      %dma_wait3A_1441 = arith.constant 4 : i32
      %dma_wait3A_1442 = arith.constant 0 : i32
      %dma_wait3A_1443 = tpu.memref_slice %arg10[%dma_wait3A_1441, %dma_wait3A_1442] : memref<6x80xi32, #tpu.memory_space<vmem>> -> memref<1x80xi32, #tpu.memory_space<vmem>>
      %dma_wait3A_1444 = tpu.memref_squeeze %dma_wait3A_1443 : memref<1x80xi32, #tpu.memory_space<vmem>> -> memref<80xi32, #tpu.memory_space<vmem>>
      %dma_wait3A_1445 = arith.constant 0 : i32
      %dma_wait3A_1446 = tpu.memref_slice %arg8[%dma_wait3A_1445] : memref<10240xf32, #tpu.memory_space<vmem_shared>> -> memref<10240xf32, #tpu.memory_space<vmem_shared>>
      tpu.wait_indirect_dma semaphore(%arg26 : memref<!tpu.dma_semaphore, #tpu.memory_space<semaphore_mem>>) src(%arg14 : memref<80xf32, #tpu.memory_space<vmem>>) dst(%dma_wait3A_1446 : memref<10240xf32, #tpu.memory_space<vmem_shared>>)
      %dma_start3A_1447 = arith.constant 1 : i32
      %dma_start3A_1448 = arith.constant 0 : i32
      %dma_start3A_1449 = tpu.memref_slice %arg9[%dma_start3A_1447, %dma_start3A_1448] : memref<6x80xi32, #tpu.memory_space<vmem>> -> memref<1x80xi32, #tpu.memory_space<vmem>>
      %dma_start3A_1450 = tpu.memref_squeeze %dma_start3A_1449 : memref<1x80xi32, #tpu.memory_space<vmem>> -> memref<80xi32, #tpu.memory_space<vmem>>
      %dma_start3A_1451 = arith.constant 0 : i32
      %dma_start3A_1452 = arith.constant 0 : i32
      %dma_start3A_1453 = tpu.memref_slice %arg2[%dma_start3A_1451, %dma_start3A_1452] : memref<10000x128xf32, #tpu.memory_space<hbm>> -> memref<10000x128xf32, #tpu.memory_space<hbm>>
      tpu.enqueue_indirect_dma source(%dma_start3A_1453 : memref<10000x128xf32, #tpu.memory_space<hbm>>) target(%arg12 : memref<80x128xf32, #tpu.memory_space<vmem>>) offsets(%dma_start3A_1450 : memref<80xi32, #tpu.memory_space<vmem>>) semaphore(%arg17 : memref<!tpu.dma_semaphore, #tpu.memory_space<semaphore_mem>>)
      %dma_wait3A_1454 = arith.constant 5 : i32
      %dma_wait3A_1455 = arith.constant 0 : i32
      %dma_wait3A_1456 = tpu.memref_slice %arg9[%dma_wait3A_1454, %dma_wait3A_1455] : memref<6x80xi32, #tpu.memory_space<vmem>> -> memref<1x80xi32, #tpu.memory_space<vmem>>
      %dma_wait3A_1457 = tpu.memref_squeeze %dma_wait3A_1456 : memref<1x80xi32, #tpu.memory_space<vmem>> -> memref<80xi32, #tpu.memory_space<vmem>>
      %dma_wait3A_1458 = arith.constant 0 : i32
      %dma_wait3A_1459 = arith.constant 0 : i32
      %dma_wait3A_1460 = tpu.memref_slice %arg2[%dma_wait3A_1458, %dma_wait3A_1459] : memref<10000x128xf32, #tpu.memory_space<hbm>> -> memref<10000x128xf32, #tpu.memory_space<hbm>>
      tpu.wait_indirect_dma semaphore(%arg18 : memref<!tpu.dma_semaphore, #tpu.memory_space<semaphore_mem>>) src(%dma_wait3A_1460 : memref<10000x128xf32, #tpu.memory_space<hbm>>) dst(%arg13 : memref<80x128xf32, #tpu.memory_space<vmem>>)
      %dma_start3A_1461 = arith.constant 5 : i32
      %dma_start3A_1462 = arith.constant 0 : i32
      %dma_start3A_1463 = tpu.memref_slice %arg10[%dma_start3A_1461, %dma_start3A_1462] : memref<6x80xi32, #tpu.memory_space<vmem>> -> memref<1x80xi32, #tpu.memory_space<vmem>>
      %dma_start3A_1464 = tpu.memref_squeeze %dma_start3A_1463 : memref<1x80xi32, #tpu.memory_space<vmem>> -> memref<80xi32, #tpu.memory_space<vmem>>
      %dma_start3A_1465 = arith.constant 0 : i32
      %dma_start3A_1466 = arith.constant 0 : i32
      %dma_start3A_1467 = tpu.memref_slice %arg7[%dma_start3A_1465, %dma_start3A_1466] : memref<10240x128xf32, #tpu.memory_space<vmem_shared>> -> memref<10240x128xf32, #tpu.memory_space<vmem_shared>>
      tpu.enqueue_indirect_dma source(%arg13 : memref<80x128xf32, #tpu.memory_space<vmem>>) target(%dma_start3A_1467 : memref<10240x128xf32, #tpu.memory_space<vmem_shared>>) offsets(%dma_start3A_1464 : memref<80xi32, #tpu.memory_space<vmem>>) semaphore(%arg27 : memref<!tpu.dma_semaphore, #tpu.memory_space<semaphore_mem>>) {add = true}
      %dma_start3A_1468 = arith.constant 5 : i32
      %dma_start3A_1469 = arith.constant 0 : i32
      %dma_start3A_1470 = tpu.memref_slice %arg10[%dma_start3A_1468, %dma_start3A_1469] : memref<6x80xi32, #tpu.memory_space<vmem>> -> memref<1x80xi32, #tpu.memory_space<vmem>>
      %dma_start3A_1471 = tpu.memref_squeeze %dma_start3A_1470 : memref<1x80xi32, #tpu.memory_space<vmem>> -> memref<80xi32, #tpu.memory_space<vmem>>
      %dma_start3A_1472 = arith.constant 0 : i32
      %dma_start3A_1473 = tpu.memref_slice %arg8[%dma_start3A_1472] : memref<10240xf32, #tpu.memory_space<vmem_shared>> -> memref<10240xf32, #tpu.memory_space<vmem_shared>>
      tpu.enqueue_indirect_dma source(%arg14 : memref<80xf32, #tpu.memory_space<vmem>>) target(%dma_start3A_1473 : memref<10240xf32, #tpu.memory_space<vmem_shared>>) offsets(%dma_start3A_1471 : memref<80xi32, #tpu.memory_space<vmem>>) semaphore(%arg27 : memref<!tpu.dma_semaphore, #tpu.memory_space<semaphore_mem>>) {add = true}
      %add3A_1474 = arith.constant 4 : i32
      %add3A_1475 = arith.addi %add3A_1411, %add3A_1474 : i32
      %mul3A_1476 = arith.constant 80 : i32
      %mul3A_1477 = arith.muli %add3A_1475, %mul3A_1476 : i32
      %add3A_1478 = arith.addi %mul3A_222, %mul3A_1477 : i32
      %dma_start3A_1479 = arith.constant 3 : i32
      %dma_start3A_1480 = arith.constant 0 : i32
      %dma_start3A_1481 = tpu.memref_slice %arg9[%dma_start3A_1479, %dma_start3A_1480] : memref<6x80xi32, #tpu.memory_space<vmem>> -> memref<1x80xi32, #tpu.memory_space<vmem>>
      %dma_start3A_1482 = tpu.memref_squeeze %dma_start3A_1481 : memref<1x80xi32, #tpu.memory_space<vmem>> -> memref<80xi32, #tpu.memory_space<vmem>>
      %dma_start3A_1483 = tpu.memref_slice %arg3[%add3A_1478] : memref<320000xi32, #tpu.memory_space<hbm>> -> memref<80xi32, #tpu.memory_space<hbm>>
      %dma_start3A_1484 = arith.constant 0 : i32
      %dma_start3A_1485 = tpu.memref_slice %arg9[%dma_start3A_1479, %dma_start3A_1484] : memref<6x80xi32, #tpu.memory_space<vmem>> -> memref<1x80xi32, #tpu.memory_space<vmem>>
      %dma_start3A_1486 = tpu.memref_squeeze %dma_start3A_1485 : memref<1x80xi32, #tpu.memory_space<vmem>> -> memref<80xi32, #tpu.memory_space<vmem>>
      %dma_start3A_1487 = tpu.memref_slice %arg3[%add3A_1478] : memref<320000xi32, #tpu.memory_space<hbm>> -> memref<80xi32, #tpu.memory_space<hbm>>
      tpu.enqueue_dma source(%dma_start3A_1487 : memref<80xi32, #tpu.memory_space<hbm>>) target(%dma_start3A_1486 : memref<80xi32, #tpu.memory_space<vmem>>) target_semaphore(%arg22 : memref<!tpu.dma_semaphore, #tpu.memory_space<semaphore_mem>>)
      %dma_start3A_1488 = arith.constant 3 : i32
      %dma_start3A_1489 = arith.constant 0 : i32
      %dma_start3A_1490 = tpu.memref_slice %arg10[%dma_start3A_1488, %dma_start3A_1489] : memref<6x80xi32, #tpu.memory_space<vmem>> -> memref<1x80xi32, #tpu.memory_space<vmem>>
      %dma_start3A_1491 = tpu.memref_squeeze %dma_start3A_1490 : memref<1x80xi32, #tpu.memory_space<vmem>> -> memref<80xi32, #tpu.memory_space<vmem>>
      %dma_start3A_1492 = tpu.memref_slice %arg4[%add3A_1478] : memref<320000xi32, #tpu.memory_space<hbm>> -> memref<80xi32, #tpu.memory_space<hbm>>
      %dma_start3A_1493 = arith.constant 0 : i32
      %dma_start3A_1494 = tpu.memref_slice %arg10[%dma_start3A_1488, %dma_start3A_1493] : memref<6x80xi32, #tpu.memory_space<vmem>> -> memref<1x80xi32, #tpu.memory_space<vmem>>
      %dma_start3A_1495 = tpu.memref_squeeze %dma_start3A_1494 : memref<1x80xi32, #tpu.memory_space<vmem>> -> memref<80xi32, #tpu.memory_space<vmem>>
      %dma_start3A_1496 = tpu.memref_slice %arg4[%add3A_1478] : memref<320000xi32, #tpu.memory_space<hbm>> -> memref<80xi32, #tpu.memory_space<hbm>>
      tpu.enqueue_dma source(%dma_start3A_1496 : memref<80xi32, #tpu.memory_space<hbm>>) target(%dma_start3A_1495 : memref<80xi32, #tpu.memory_space<vmem>>) target_semaphore(%arg22 : memref<!tpu.dma_semaphore, #tpu.memory_space<semaphore_mem>>)
      %add3A_1497 = arith.constant 2 : i32
      %add3A_1498 = arith.addi %add3A_1140, %add3A_1497 : i32
      %add3A_1499 = arith.constant 4 : i32
      %add3A_1500 = arith.addi %add3A_1498, %add3A_1499 : i32
      %dma_wait3A_1501 = arith.constant 2 : i32
      %dma_wait3A_1502 = arith.constant 0 : i32
      %dma_wait3A_1503 = tpu.memref_slice %arg9[%dma_wait3A_1501, %dma_wait3A_1502] : memref<6x80xi32, #tpu.memory_space<vmem>> -> memref<1x80xi32, #tpu.memory_space<vmem>>
      %dma_wait3A_1504 = tpu.memref_squeeze %dma_wait3A_1503 : memref<1x80xi32, #tpu.memory_space<vmem>> -> memref<80xi32, #tpu.memory_space<vmem>>
      %dma_wait3A_1505 = arith.constant 0 : i32
      %dma_wait3A_1506 = tpu.memref_slice %arg3[%dma_wait3A_1505] : memref<320000xi32, #tpu.memory_space<hbm>> -> memref<80xi32, #tpu.memory_space<hbm>>
      %dma_wait3A_1507 = arith.constant 0 : i32
      %dma_wait3A_1508 = tpu.memref_slice %arg9[%dma_wait3A_1501, %dma_wait3A_1507] : memref<6x80xi32, #tpu.memory_space<vmem>> -> memref<1x80xi32, #tpu.memory_space<vmem>>
      %dma_wait3A_1509 = tpu.memref_squeeze %dma_wait3A_1508 : memref<1x80xi32, #tpu.memory_space<vmem>> -> memref<80xi32, #tpu.memory_space<vmem>>
      %dma_wait3A_1510 = arith.constant 0 : i32
      %dma_wait3A_1511 = tpu.memref_slice %arg3[%dma_wait3A_1510] : memref<320000xi32, #tpu.memory_space<hbm>> -> memref<80xi32, #tpu.memory_space<hbm>>
      tpu.wait_dma2 semaphore(%arg21 : memref<!tpu.dma_semaphore, #tpu.memory_space<semaphore_mem>>) src(%dma_wait3A_1511 : memref<80xi32, #tpu.memory_space<hbm>>) dst(%dma_wait3A_1509 : memref<80xi32, #tpu.memory_space<vmem>>)
      %dma_wait3A_1512 = arith.constant 2 : i32
      %dma_wait3A_1513 = arith.constant 0 : i32
      %dma_wait3A_1514 = tpu.memref_slice %arg10[%dma_wait3A_1512, %dma_wait3A_1513] : memref<6x80xi32, #tpu.memory_space<vmem>> -> memref<1x80xi32, #tpu.memory_space<vmem>>
      %dma_wait3A_1515 = tpu.memref_squeeze %dma_wait3A_1514 : memref<1x80xi32, #tpu.memory_space<vmem>> -> memref<80xi32, #tpu.memory_space<vmem>>
      %dma_wait3A_1516 = arith.constant 0 : i32
      %dma_wait3A_1517 = tpu.memref_slice %arg4[%dma_wait3A_1516] : memref<320000xi32, #tpu.memory_space<hbm>> -> memref<80xi32, #tpu.memory_space<hbm>>
      %dma_wait3A_1518 = arith.constant 0 : i32
      %dma_wait3A_1519 = tpu.memref_slice %arg10[%dma_wait3A_1512, %dma_wait3A_1518] : memref<6x80xi32, #tpu.memory_space<vmem>> -> memref<1x80xi32, #tpu.memory_space<vmem>>
      %dma_wait3A_1520 = tpu.memref_squeeze %dma_wait3A_1519 : memref<1x80xi32, #tpu.memory_space<vmem>> -> memref<80xi32, #tpu.memory_space<vmem>>
      %dma_wait3A_1521 = arith.constant 0 : i32
      %dma_wait3A_1522 = tpu.memref_slice %arg4[%dma_wait3A_1521] : memref<320000xi32, #tpu.memory_space<hbm>> -> memref<80xi32, #tpu.memory_space<hbm>>
      tpu.wait_dma2 semaphore(%arg21 : memref<!tpu.dma_semaphore, #tpu.memory_space<semaphore_mem>>) src(%dma_wait3A_1522 : memref<80xi32, #tpu.memory_space<hbm>>) dst(%dma_wait3A_1520 : memref<80xi32, #tpu.memory_space<vmem>>)
      %dma_wait3A_1523 = arith.constant 5 : i32
      %dma_wait3A_1524 = arith.constant 0 : i32
      %dma_wait3A_1525 = tpu.memref_slice %arg10[%dma_wait3A_1523, %dma_wait3A_1524] : memref<6x80xi32, #tpu.memory_space<vmem>> -> memref<1x80xi32, #tpu.memory_space<vmem>>
      %dma_wait3A_1526 = tpu.memref_squeeze %dma_wait3A_1525 : memref<1x80xi32, #tpu.memory_space<vmem>> -> memref<80xi32, #tpu.memory_space<vmem>>
      %dma_wait3A_1527 = arith.constant 0 : i32
      %dma_wait3A_1528 = arith.constant 0 : i32
      %dma_wait3A_1529 = tpu.memref_slice %arg7[%dma_wait3A_1527, %dma_wait3A_1528] : memref<10240x128xf32, #tpu.memory_space<vmem_shared>> -> memref<10240x128xf32, #tpu.memory_space<vmem_shared>>
      tpu.wait_indirect_dma semaphore(%arg27 : memref<!tpu.dma_semaphore, #tpu.memory_space<semaphore_mem>>) src(%arg13 : memref<80x128xf32, #tpu.memory_space<vmem>>) dst(%dma_wait3A_1529 : memref<10240x128xf32, #tpu.memory_space<vmem_shared>>)
      %dma_wait3A_1530 = arith.constant 5 : i32
      %dma_wait3A_1531 = arith.constant 0 : i32
      %dma_wait3A_1532 = tpu.memref_slice %arg10[%dma_wait3A_1530, %dma_wait3A_1531] : memref<6x80xi32, #tpu.memory_space<vmem>> -> memref<1x80xi32, #tpu.memory_space<vmem>>
      %dma_wait3A_1533 = tpu.memref_squeeze %dma_wait3A_1532 : memref<1x80xi32, #tpu.memory_space<vmem>> -> memref<80xi32, #tpu.memory_space<vmem>>
      %dma_wait3A_1534 = arith.constant 0 : i32
      %dma_wait3A_1535 = tpu.memref_slice %arg8[%dma_wait3A_1534] : memref<10240xf32, #tpu.memory_space<vmem_shared>> -> memref<10240xf32, #tpu.memory_space<vmem_shared>>
      tpu.wait_indirect_dma semaphore(%arg27 : memref<!tpu.dma_semaphore, #tpu.memory_space<semaphore_mem>>) src(%arg14 : memref<80xf32, #tpu.memory_space<vmem>>) dst(%dma_wait3A_1535 : memref<10240xf32, #tpu.memory_space<vmem_shared>>)
      %dma_start3A_1536 = arith.constant 2 : i32
      %dma_start3A_1537 = arith.constant 0 : i32
      %dma_start3A_1538 = tpu.memref_slice %arg9[%dma_start3A_1536, %dma_start3A_1537] : memref<6x80xi32, #tpu.memory_space<vmem>> -> memref<1x80xi32, #tpu.memory_space<vmem>>
      %dma_start3A_1539 = tpu.memref_squeeze %dma_start3A_1538 : memref<1x80xi32, #tpu.memory_space<vmem>> -> memref<80xi32, #tpu.memory_space<vmem>>
      %dma_start3A_1540 = arith.constant 0 : i32
      %dma_start3A_1541 = arith.constant 0 : i32
      %dma_start3A_1542 = tpu.memref_slice %arg2[%dma_start3A_1540, %dma_start3A_1541] : memref<10000x128xf32, #tpu.memory_space<hbm>> -> memref<10000x128xf32, #tpu.memory_space<hbm>>
      tpu.enqueue_indirect_dma source(%dma_start3A_1542 : memref<10000x128xf32, #tpu.memory_space<hbm>>) target(%arg13 : memref<80x128xf32, #tpu.memory_space<vmem>>) offsets(%dma_start3A_1539 : memref<80xi32, #tpu.memory_space<vmem>>) semaphore(%arg18 : memref<!tpu.dma_semaphore, #tpu.memory_space<semaphore_mem>>)
      %dma_wait3A_1543 = arith.constant 0 : i32
      %dma_wait3A_1544 = arith.constant 0 : i32
      %dma_wait3A_1545 = tpu.memref_slice %arg9[%dma_wait3A_1543, %dma_wait3A_1544] : memref<6x80xi32, #tpu.memory_space<vmem>> -> memref<1x80xi32, #tpu.memory_space<vmem>>
      %dma_wait3A_1546 = tpu.memref_squeeze %dma_wait3A_1545 : memref<1x80xi32, #tpu.memory_space<vmem>> -> memref<80xi32, #tpu.memory_space<vmem>>
      %dma_wait3A_1547 = arith.constant 0 : i32
      %dma_wait3A_1548 = arith.constant 0 : i32
      %dma_wait3A_1549 = tpu.memref_slice %arg2[%dma_wait3A_1547, %dma_wait3A_1548] : memref<10000x128xf32, #tpu.memory_space<hbm>> -> memref<10000x128xf32, #tpu.memory_space<hbm>>
      tpu.wait_indirect_dma semaphore(%arg16 : memref<!tpu.dma_semaphore, #tpu.memory_space<semaphore_mem>>) src(%dma_wait3A_1549 : memref<10000x128xf32, #tpu.memory_space<hbm>>) dst(%arg11 : memref<80x128xf32, #tpu.memory_space<vmem>>)
      %dma_start3A_1550 = arith.constant 0 : i32
      %dma_start3A_1551 = arith.constant 0 : i32
      %dma_start3A_1552 = tpu.memref_slice %arg10[%dma_start3A_1550, %dma_start3A_1551] : memref<6x80xi32, #tpu.memory_space<vmem>> -> memref<1x80xi32, #tpu.memory_space<vmem>>
      %dma_start3A_1553 = tpu.memref_squeeze %dma_start3A_1552 : memref<1x80xi32, #tpu.memory_space<vmem>> -> memref<80xi32, #tpu.memory_space<vmem>>
      %dma_start3A_1554 = arith.constant 0 : i32
      %dma_start3A_1555 = arith.constant 0 : i32
      %dma_start3A_1556 = tpu.memref_slice %arg7[%dma_start3A_1554, %dma_start3A_1555] : memref<10240x128xf32, #tpu.memory_space<vmem_shared>> -> memref<10240x128xf32, #tpu.memory_space<vmem_shared>>
      tpu.enqueue_indirect_dma source(%arg11 : memref<80x128xf32, #tpu.memory_space<vmem>>) target(%dma_start3A_1556 : memref<10240x128xf32, #tpu.memory_space<vmem_shared>>) offsets(%dma_start3A_1553 : memref<80xi32, #tpu.memory_space<vmem>>) semaphore(%arg25 : memref<!tpu.dma_semaphore, #tpu.memory_space<semaphore_mem>>) {add = true}
      %dma_start3A_1557 = arith.constant 0 : i32
      %dma_start3A_1558 = arith.constant 0 : i32
      %dma_start3A_1559 = tpu.memref_slice %arg10[%dma_start3A_1557, %dma_start3A_1558] : memref<6x80xi32, #tpu.memory_space<vmem>> -> memref<1x80xi32, #tpu.memory_space<vmem>>
      %dma_start3A_1560 = tpu.memref_squeeze %dma_start3A_1559 : memref<1x80xi32, #tpu.memory_space<vmem>> -> memref<80xi32, #tpu.memory_space<vmem>>
      %dma_start3A_1561 = arith.constant 0 : i32
      %dma_start3A_1562 = tpu.memref_slice %arg8[%dma_start3A_1561] : memref<10240xf32, #tpu.memory_space<vmem_shared>> -> memref<10240xf32, #tpu.memory_space<vmem_shared>>
      tpu.enqueue_indirect_dma source(%arg14 : memref<80xf32, #tpu.memory_space<vmem>>) target(%dma_start3A_1562 : memref<10240xf32, #tpu.memory_space<vmem_shared>>) offsets(%dma_start3A_1560 : memref<80xi32, #tpu.memory_space<vmem>>) semaphore(%arg25 : memref<!tpu.dma_semaphore, #tpu.memory_space<semaphore_mem>>) {add = true}
      %add3A_1563 = arith.constant 4 : i32
      %add3A_1564 = arith.addi %add3A_1500, %add3A_1563 : i32
      %mul3A_1565 = arith.constant 80 : i32
      %mul3A_1566 = arith.muli %add3A_1564, %mul3A_1565 : i32
      %add3A_1567 = arith.addi %mul3A_222, %mul3A_1566 : i32
      %dma_start3A_1568 = arith.constant 4 : i32
      %dma_start3A_1569 = arith.constant 0 : i32
      %dma_start3A_1570 = tpu.memref_slice %arg9[%dma_start3A_1568, %dma_start3A_1569] : memref<6x80xi32, #tpu.memory_space<vmem>> -> memref<1x80xi32, #tpu.memory_space<vmem>>
      %dma_start3A_1571 = tpu.memref_squeeze %dma_start3A_1570 : memref<1x80xi32, #tpu.memory_space<vmem>> -> memref<80xi32, #tpu.memory_space<vmem>>
      %dma_start3A_1572 = tpu.memref_slice %arg3[%add3A_1567] : memref<320000xi32, #tpu.memory_space<hbm>> -> memref<80xi32, #tpu.memory_space<hbm>>
      %dma_start3A_1573 = arith.constant 0 : i32
      %dma_start3A_1574 = tpu.memref_slice %arg9[%dma_start3A_1568, %dma_start3A_1573] : memref<6x80xi32, #tpu.memory_space<vmem>> -> memref<1x80xi32, #tpu.memory_space<vmem>>
      %dma_start3A_1575 = tpu.memref_squeeze %dma_start3A_1574 : memref<1x80xi32, #tpu.memory_space<vmem>> -> memref<80xi32, #tpu.memory_space<vmem>>
      %dma_start3A_1576 = tpu.memref_slice %arg3[%add3A_1567] : memref<320000xi32, #tpu.memory_space<hbm>> -> memref<80xi32, #tpu.memory_space<hbm>>
      tpu.enqueue_dma source(%dma_start3A_1576 : memref<80xi32, #tpu.memory_space<hbm>>) target(%dma_start3A_1575 : memref<80xi32, #tpu.memory_space<vmem>>) target_semaphore(%arg23 : memref<!tpu.dma_semaphore, #tpu.memory_space<semaphore_mem>>)
      %dma_start3A_1577 = arith.constant 4 : i32
      %dma_start3A_1578 = arith.constant 0 : i32
      %dma_start3A_1579 = tpu.memref_slice %arg10[%dma_start3A_1577, %dma_start3A_1578] : memref<6x80xi32, #tpu.memory_space<vmem>> -> memref<1x80xi32, #tpu.memory_space<vmem>>
      %dma_start3A_1580 = tpu.memref_squeeze %dma_start3A_1579 : memref<1x80xi32, #tpu.memory_space<vmem>> -> memref<80xi32, #tpu.memory_space<vmem>>
      %dma_start3A_1581 = tpu.memref_slice %arg4[%add3A_1567] : memref<320000xi32, #tpu.memory_space<hbm>> -> memref<80xi32, #tpu.memory_space<hbm>>
      %dma_start3A_1582 = arith.constant 0 : i32
      %dma_start3A_1583 = tpu.memref_slice %arg10[%dma_start3A_1577, %dma_start3A_1582] : memref<6x80xi32, #tpu.memory_space<vmem>> -> memref<1x80xi32, #tpu.memory_space<vmem>>
      %dma_start3A_1584 = tpu.memref_squeeze %dma_start3A_1583 : memref<1x80xi32, #tpu.memory_space<vmem>> -> memref<80xi32, #tpu.memory_space<vmem>>
      %dma_start3A_1585 = tpu.memref_slice %arg4[%add3A_1567] : memref<320000xi32, #tpu.memory_space<hbm>> -> memref<80xi32, #tpu.memory_space<hbm>>
      tpu.enqueue_dma source(%dma_start3A_1585 : memref<80xi32, #tpu.memory_space<hbm>>) target(%dma_start3A_1584 : memref<80xi32, #tpu.memory_space<vmem>>) target_semaphore(%arg23 : memref<!tpu.dma_semaphore, #tpu.memory_space<semaphore_mem>>)
      %add3A_1586 = arith.constant 2 : i32
      %add3A_1587 = arith.addi %add3A_1140, %add3A_1586 : i32
      %add3A_1588 = arith.constant 5 : i32
      %add3A_1589 = arith.addi %add3A_1587, %add3A_1588 : i32
      %dma_wait3A_1590 = arith.constant 3 : i32
      %dma_wait3A_1591 = arith.constant 0 : i32
      %dma_wait3A_1592 = tpu.memref_slice %arg9[%dma_wait3A_1590, %dma_wait3A_1591] : memref<6x80xi32, #tpu.memory_space<vmem>> -> memref<1x80xi32, #tpu.memory_space<vmem>>
      %dma_wait3A_1593 = tpu.memref_squeeze %dma_wait3A_1592 : memref<1x80xi32, #tpu.memory_space<vmem>> -> memref<80xi32, #tpu.memory_space<vmem>>
      %dma_wait3A_1594 = arith.constant 0 : i32
      %dma_wait3A_1595 = tpu.memref_slice %arg3[%dma_wait3A_1594] : memref<320000xi32, #tpu.memory_space<hbm>> -> memref<80xi32, #tpu.memory_space<hbm>>
      %dma_wait3A_1596 = arith.constant 0 : i32
      %dma_wait3A_1597 = tpu.memref_slice %arg9[%dma_wait3A_1590, %dma_wait3A_1596] : memref<6x80xi32, #tpu.memory_space<vmem>> -> memref<1x80xi32, #tpu.memory_space<vmem>>
      %dma_wait3A_1598 = tpu.memref_squeeze %dma_wait3A_1597 : memref<1x80xi32, #tpu.memory_space<vmem>> -> memref<80xi32, #tpu.memory_space<vmem>>
      %dma_wait3A_1599 = arith.constant 0 : i32
      %dma_wait3A_1600 = tpu.memref_slice %arg3[%dma_wait3A_1599] : memref<320000xi32, #tpu.memory_space<hbm>> -> memref<80xi32, #tpu.memory_space<hbm>>
      tpu.wait_dma2 semaphore(%arg22 : memref<!tpu.dma_semaphore, #tpu.memory_space<semaphore_mem>>) src(%dma_wait3A_1600 : memref<80xi32, #tpu.memory_space<hbm>>) dst(%dma_wait3A_1598 : memref<80xi32, #tpu.memory_space<vmem>>)
      %dma_wait3A_1601 = arith.constant 3 : i32
      %dma_wait3A_1602 = arith.constant 0 : i32
      %dma_wait3A_1603 = tpu.memref_slice %arg10[%dma_wait3A_1601, %dma_wait3A_1602] : memref<6x80xi32, #tpu.memory_space<vmem>> -> memref<1x80xi32, #tpu.memory_space<vmem>>
      %dma_wait3A_1604 = tpu.memref_squeeze %dma_wait3A_1603 : memref<1x80xi32, #tpu.memory_space<vmem>> -> memref<80xi32, #tpu.memory_space<vmem>>
      %dma_wait3A_1605 = arith.constant 0 : i32
      %dma_wait3A_1606 = tpu.memref_slice %arg4[%dma_wait3A_1605] : memref<320000xi32, #tpu.memory_space<hbm>> -> memref<80xi32, #tpu.memory_space<hbm>>
      %dma_wait3A_1607 = arith.constant 0 : i32
      %dma_wait3A_1608 = tpu.memref_slice %arg10[%dma_wait3A_1601, %dma_wait3A_1607] : memref<6x80xi32, #tpu.memory_space<vmem>> -> memref<1x80xi32, #tpu.memory_space<vmem>>
      %dma_wait3A_1609 = tpu.memref_squeeze %dma_wait3A_1608 : memref<1x80xi32, #tpu.memory_space<vmem>> -> memref<80xi32, #tpu.memory_space<vmem>>
      %dma_wait3A_1610 = arith.constant 0 : i32
      %dma_wait3A_1611 = tpu.memref_slice %arg4[%dma_wait3A_1610] : memref<320000xi32, #tpu.memory_space<hbm>> -> memref<80xi32, #tpu.memory_space<hbm>>
      tpu.wait_dma2 semaphore(%arg22 : memref<!tpu.dma_semaphore, #tpu.memory_space<semaphore_mem>>) src(%dma_wait3A_1611 : memref<80xi32, #tpu.memory_space<hbm>>) dst(%dma_wait3A_1609 : memref<80xi32, #tpu.memory_space<vmem>>)
      %dma_wait3A_1612 = arith.constant 0 : i32
      %dma_wait3A_1613 = arith.constant 0 : i32
      %dma_wait3A_1614 = tpu.memref_slice %arg10[%dma_wait3A_1612, %dma_wait3A_1613] : memref<6x80xi32, #tpu.memory_space<vmem>> -> memref<1x80xi32, #tpu.memory_space<vmem>>
      %dma_wait3A_1615 = tpu.memref_squeeze %dma_wait3A_1614 : memref<1x80xi32, #tpu.memory_space<vmem>> -> memref<80xi32, #tpu.memory_space<vmem>>
      %dma_wait3A_1616 = arith.constant 0 : i32
      %dma_wait3A_1617 = arith.constant 0 : i32
      %dma_wait3A_1618 = tpu.memref_slice %arg7[%dma_wait3A_1616, %dma_wait3A_1617] : memref<10240x128xf32, #tpu.memory_space<vmem_shared>> -> memref<10240x128xf32, #tpu.memory_space<vmem_shared>>
      tpu.wait_indirect_dma semaphore(%arg25 : memref<!tpu.dma_semaphore, #tpu.memory_space<semaphore_mem>>) src(%arg11 : memref<80x128xf32, #tpu.memory_space<vmem>>) dst(%dma_wait3A_1618 : memref<10240x128xf32, #tpu.memory_space<vmem_shared>>)
      %dma_wait3A_1619 = arith.constant 0 : i32
      %dma_wait3A_1620 = arith.constant 0 : i32
      %dma_wait3A_1621 = tpu.memref_slice %arg10[%dma_wait3A_1619, %dma_wait3A_1620] : memref<6x80xi32, #tpu.memory_space<vmem>> -> memref<1x80xi32, #tpu.memory_space<vmem>>
      %dma_wait3A_1622 = tpu.memref_squeeze %dma_wait3A_1621 : memref<1x80xi32, #tpu.memory_space<vmem>> -> memref<80xi32, #tpu.memory_space<vmem>>
      %dma_wait3A_1623 = arith.constant 0 : i32
      %dma_wait3A_1624 = tpu.memref_slice %arg8[%dma_wait3A_1623] : memref<10240xf32, #tpu.memory_space<vmem_shared>> -> memref<10240xf32, #tpu.memory_space<vmem_shared>>
      tpu.wait_indirect_dma semaphore(%arg25 : memref<!tpu.dma_semaphore, #tpu.memory_space<semaphore_mem>>) src(%arg14 : memref<80xf32, #tpu.memory_space<vmem>>) dst(%dma_wait3A_1624 : memref<10240xf32, #tpu.memory_space<vmem_shared>>)
      %dma_start3A_1625 = arith.constant 3 : i32
      %dma_start3A_1626 = arith.constant 0 : i32
      %dma_start3A_1627 = tpu.memref_slice %arg9[%dma_start3A_1625, %dma_start3A_1626] : memref<6x80xi32, #tpu.memory_space<vmem>> -> memref<1x80xi32, #tpu.memory_space<vmem>>
      %dma_start3A_1628 = tpu.memref_squeeze %dma_start3A_1627 : memref<1x80xi32, #tpu.memory_space<vmem>> -> memref<80xi32, #tpu.memory_space<vmem>>
      %dma_start3A_1629 = arith.constant 0 : i32
      %dma_start3A_1630 = arith.constant 0 : i32
      %dma_start3A_1631 = tpu.memref_slice %arg2[%dma_start3A_1629, %dma_start3A_1630] : memref<10000x128xf32, #tpu.memory_space<hbm>> -> memref<10000x128xf32, #tpu.memory_space<hbm>>
      tpu.enqueue_indirect_dma source(%dma_start3A_1631 : memref<10000x128xf32, #tpu.memory_space<hbm>>) target(%arg11 : memref<80x128xf32, #tpu.memory_space<vmem>>) offsets(%dma_start3A_1628 : memref<80xi32, #tpu.memory_space<vmem>>) semaphore(%arg16 : memref<!tpu.dma_semaphore, #tpu.memory_space<semaphore_mem>>)
      %dma_wait3A_1632 = arith.constant 1 : i32
      %dma_wait3A_1633 = arith.constant 0 : i32
      %dma_wait3A_1634 = tpu.memref_slice %arg9[%dma_wait3A_1632, %dma_wait3A_1633] : memref<6x80xi32, #tpu.memory_space<vmem>> -> memref<1x80xi32, #tpu.memory_space<vmem>>
      %dma_wait3A_1635 = tpu.memref_squeeze %dma_wait3A_1634 : memref<1x80xi32, #tpu.memory_space<vmem>> -> memref<80xi32, #tpu.memory_space<vmem>>
      %dma_wait3A_1636 = arith.constant 0 : i32
      %dma_wait3A_1637 = arith.constant 0 : i32
      %dma_wait3A_1638 = tpu.memref_slice %arg2[%dma_wait3A_1636, %dma_wait3A_1637] : memref<10000x128xf32, #tpu.memory_space<hbm>> -> memref<10000x128xf32, #tpu.memory_space<hbm>>
      tpu.wait_indirect_dma semaphore(%arg17 : memref<!tpu.dma_semaphore, #tpu.memory_space<semaphore_mem>>) src(%dma_wait3A_1638 : memref<10000x128xf32, #tpu.memory_space<hbm>>) dst(%arg12 : memref<80x128xf32, #tpu.memory_space<vmem>>)
      %dma_start3A_1639 = arith.constant 1 : i32
      %dma_start3A_1640 = arith.constant 0 : i32
      %dma_start3A_1641 = tpu.memref_slice %arg10[%dma_start3A_1639, %dma_start3A_1640] : memref<6x80xi32, #tpu.memory_space<vmem>> -> memref<1x80xi32, #tpu.memory_space<vmem>>
      %dma_start3A_1642 = tpu.memref_squeeze %dma_start3A_1641 : memref<1x80xi32, #tpu.memory_space<vmem>> -> memref<80xi32, #tpu.memory_space<vmem>>
      %dma_start3A_1643 = arith.constant 0 : i32
      %dma_start3A_1644 = arith.constant 0 : i32
      %dma_start3A_1645 = tpu.memref_slice %arg7[%dma_start3A_1643, %dma_start3A_1644] : memref<10240x128xf32, #tpu.memory_space<vmem_shared>> -> memref<10240x128xf32, #tpu.memory_space<vmem_shared>>
      tpu.enqueue_indirect_dma source(%arg12 : memref<80x128xf32, #tpu.memory_space<vmem>>) target(%dma_start3A_1645 : memref<10240x128xf32, #tpu.memory_space<vmem_shared>>) offsets(%dma_start3A_1642 : memref<80xi32, #tpu.memory_space<vmem>>) semaphore(%arg26 : memref<!tpu.dma_semaphore, #tpu.memory_space<semaphore_mem>>) {add = true}
      %dma_start3A_1646 = arith.constant 1 : i32
      %dma_start3A_1647 = arith.constant 0 : i32
      %dma_start3A_1648 = tpu.memref_slice %arg10[%dma_start3A_1646, %dma_start3A_1647] : memref<6x80xi32, #tpu.memory_space<vmem>> -> memref<1x80xi32, #tpu.memory_space<vmem>>
      %dma_start3A_1649 = tpu.memref_squeeze %dma_start3A_1648 : memref<1x80xi32, #tpu.memory_space<vmem>> -> memref<80xi32, #tpu.memory_space<vmem>>
      %dma_start3A_1650 = arith.constant 0 : i32
      %dma_start3A_1651 = tpu.memref_slice %arg8[%dma_start3A_1650] : memref<10240xf32, #tpu.memory_space<vmem_shared>> -> memref<10240xf32, #tpu.memory_space<vmem_shared>>
      tpu.enqueue_indirect_dma source(%arg14 : memref<80xf32, #tpu.memory_space<vmem>>) target(%dma_start3A_1651 : memref<10240xf32, #tpu.memory_space<vmem_shared>>) offsets(%dma_start3A_1649 : memref<80xi32, #tpu.memory_space<vmem>>) semaphore(%arg26 : memref<!tpu.dma_semaphore, #tpu.memory_space<semaphore_mem>>) {add = true}
      %add3A_1652 = arith.constant 4 : i32
      %add3A_1653 = arith.addi %add3A_1589, %add3A_1652 : i32
      %mul3A_1654 = arith.constant 80 : i32
      %mul3A_1655 = arith.muli %add3A_1653, %mul3A_1654 : i32
      %add3A_1656 = arith.addi %mul3A_222, %mul3A_1655 : i32
      %dma_start3A_1657 = arith.constant 5 : i32
      %dma_start3A_1658 = arith.constant 0 : i32
      %dma_start3A_1659 = tpu.memref_slice %arg9[%dma_start3A_1657, %dma_start3A_1658] : memref<6x80xi32, #tpu.memory_space<vmem>> -> memref<1x80xi32, #tpu.memory_space<vmem>>
      %dma_start3A_1660 = tpu.memref_squeeze %dma_start3A_1659 : memref<1x80xi32, #tpu.memory_space<vmem>> -> memref<80xi32, #tpu.memory_space<vmem>>
      %dma_start3A_1661 = tpu.memref_slice %arg3[%add3A_1656] : memref<320000xi32, #tpu.memory_space<hbm>> -> memref<80xi32, #tpu.memory_space<hbm>>
      %dma_start3A_1662 = arith.constant 0 : i32
      %dma_start3A_1663 = tpu.memref_slice %arg9[%dma_start3A_1657, %dma_start3A_1662] : memref<6x80xi32, #tpu.memory_space<vmem>> -> memref<1x80xi32, #tpu.memory_space<vmem>>
      %dma_start3A_1664 = tpu.memref_squeeze %dma_start3A_1663 : memref<1x80xi32, #tpu.memory_space<vmem>> -> memref<80xi32, #tpu.memory_space<vmem>>
      %dma_start3A_1665 = tpu.memref_slice %arg3[%add3A_1656] : memref<320000xi32, #tpu.memory_space<hbm>> -> memref<80xi32, #tpu.memory_space<hbm>>
      tpu.enqueue_dma source(%dma_start3A_1665 : memref<80xi32, #tpu.memory_space<hbm>>) target(%dma_start3A_1664 : memref<80xi32, #tpu.memory_space<vmem>>) target_semaphore(%arg24 : memref<!tpu.dma_semaphore, #tpu.memory_space<semaphore_mem>>)
      %dma_start3A_1666 = arith.constant 5 : i32
      %dma_start3A_1667 = arith.constant 0 : i32
      %dma_start3A_1668 = tpu.memref_slice %arg10[%dma_start3A_1666, %dma_start3A_1667] : memref<6x80xi32, #tpu.memory_space<vmem>> -> memref<1x80xi32, #tpu.memory_space<vmem>>
      %dma_start3A_1669 = tpu.memref_squeeze %dma_start3A_1668 : memref<1x80xi32, #tpu.memory_space<vmem>> -> memref<80xi32, #tpu.memory_space<vmem>>
      %dma_start3A_1670 = tpu.memref_slice %arg4[%add3A_1656] : memref<320000xi32, #tpu.memory_space<hbm>> -> memref<80xi32, #tpu.memory_space<hbm>>
      %dma_start3A_1671 = arith.constant 0 : i32
      %dma_start3A_1672 = tpu.memref_slice %arg10[%dma_start3A_1666, %dma_start3A_1671] : memref<6x80xi32, #tpu.memory_space<vmem>> -> memref<1x80xi32, #tpu.memory_space<vmem>>
      %dma_start3A_1673 = tpu.memref_squeeze %dma_start3A_1672 : memref<1x80xi32, #tpu.memory_space<vmem>> -> memref<80xi32, #tpu.memory_space<vmem>>
      %dma_start3A_1674 = tpu.memref_slice %arg4[%add3A_1656] : memref<320000xi32, #tpu.memory_space<hbm>> -> memref<80xi32, #tpu.memory_space<hbm>>
      tpu.enqueue_dma source(%dma_start3A_1674 : memref<80xi32, #tpu.memory_space<hbm>>) target(%dma_start3A_1673 : memref<80xi32, #tpu.memory_space<vmem>>) target_semaphore(%arg24 : memref<!tpu.dma_semaphore, #tpu.memory_space<semaphore_mem>>)
    }
    %scan3A_514 = arith.constant 19 : i32
    %dma_wait3A_515 = arith.constant 4 : i32
    %dma_wait3A_516 = arith.constant 0 : i32
    %dma_wait3A_517 = tpu.memref_slice %arg9[%dma_wait3A_515, %dma_wait3A_516] : memref<6x80xi32, #tpu.memory_space<vmem>> -> memref<1x80xi32, #tpu.memory_space<vmem>>
    %dma_wait3A_518 = tpu.memref_squeeze %dma_wait3A_517 : memref<1x80xi32, #tpu.memory_space<vmem>> -> memref<80xi32, #tpu.memory_space<vmem>>
    %dma_wait3A_519 = arith.constant 0 : i32
    %dma_wait3A_520 = tpu.memref_slice %arg3[%dma_wait3A_519] : memref<320000xi32, #tpu.memory_space<hbm>> -> memref<80xi32, #tpu.memory_space<hbm>>
    %dma_wait3A_521 = arith.constant 0 : i32
    %dma_wait3A_522 = tpu.memref_slice %arg9[%dma_wait3A_515, %dma_wait3A_521] : memref<6x80xi32, #tpu.memory_space<vmem>> -> memref<1x80xi32, #tpu.memory_space<vmem>>
    %dma_wait3A_523 = tpu.memref_squeeze %dma_wait3A_522 : memref<1x80xi32, #tpu.memory_space<vmem>> -> memref<80xi32, #tpu.memory_space<vmem>>
    %dma_wait3A_524 = arith.constant 0 : i32
    %dma_wait3A_525 = tpu.memref_slice %arg3[%dma_wait3A_524] : memref<320000xi32, #tpu.memory_space<hbm>> -> memref<80xi32, #tpu.memory_space<hbm>>
    tpu.wait_dma2 semaphore(%arg23 : memref<!tpu.dma_semaphore, #tpu.memory_space<semaphore_mem>>) src(%dma_wait3A_525 : memref<80xi32, #tpu.memory_space<hbm>>) dst(%dma_wait3A_523 : memref<80xi32, #tpu.memory_space<vmem>>)
    %dma_wait3A_526 = arith.constant 4 : i32
    %dma_wait3A_527 = arith.constant 0 : i32
    %dma_wait3A_528 = tpu.memref_slice %arg10[%dma_wait3A_526, %dma_wait3A_527] : memref<6x80xi32, #tpu.memory_space<vmem>> -> memref<1x80xi32, #tpu.memory_space<vmem>>
    %dma_wait3A_529 = tpu.memref_squeeze %dma_wait3A_528 : memref<1x80xi32, #tpu.memory_space<vmem>> -> memref<80xi32, #tpu.memory_space<vmem>>
    %dma_wait3A_530 = arith.constant 0 : i32
    %dma_wait3A_531 = tpu.memref_slice %arg4[%dma_wait3A_530] : memref<320000xi32, #tpu.memory_space<hbm>> -> memref<80xi32, #tpu.memory_space<hbm>>
    %dma_wait3A_532 = arith.constant 0 : i32
    %dma_wait3A_533 = tpu.memref_slice %arg10[%dma_wait3A_526, %dma_wait3A_532] : memref<6x80xi32, #tpu.memory_space<vmem>> -> memref<1x80xi32, #tpu.memory_space<vmem>>
    %dma_wait3A_534 = tpu.memref_squeeze %dma_wait3A_533 : memref<1x80xi32, #tpu.memory_space<vmem>> -> memref<80xi32, #tpu.memory_space<vmem>>
    %dma_wait3A_535 = arith.constant 0 : i32
    %dma_wait3A_536 = tpu.memref_slice %arg4[%dma_wait3A_535] : memref<320000xi32, #tpu.memory_space<hbm>> -> memref<80xi32, #tpu.memory_space<hbm>>
    tpu.wait_dma2 semaphore(%arg23 : memref<!tpu.dma_semaphore, #tpu.memory_space<semaphore_mem>>) src(%dma_wait3A_536 : memref<80xi32, #tpu.memory_space<hbm>>) dst(%dma_wait3A_534 : memref<80xi32, #tpu.memory_space<vmem>>)
    %dma_wait3A_537 = arith.constant 1 : i32
    %dma_wait3A_538 = arith.constant 0 : i32
    %dma_wait3A_539 = tpu.memref_slice %arg10[%dma_wait3A_537, %dma_wait3A_538] : memref<6x80xi32, #tpu.memory_space<vmem>> -> memref<1x80xi32, #tpu.memory_space<vmem>>
    %dma_wait3A_540 = tpu.memref_squeeze %dma_wait3A_539 : memref<1x80xi32, #tpu.memory_space<vmem>> -> memref<80xi32, #tpu.memory_space<vmem>>
    %dma_wait3A_541 = arith.constant 0 : i32
    %dma_wait3A_542 = arith.constant 0 : i32
    %dma_wait3A_543 = tpu.memref_slice %arg7[%dma_wait3A_541, %dma_wait3A_542] : memref<10240x128xf32, #tpu.memory_space<vmem_shared>> -> memref<10240x128xf32, #tpu.memory_space<vmem_shared>>
    tpu.wait_indirect_dma semaphore(%arg26 : memref<!tpu.dma_semaphore, #tpu.memory_space<semaphore_mem>>) src(%arg12 : memref<80x128xf32, #tpu.memory_space<vmem>>) dst(%dma_wait3A_543 : memref<10240x128xf32, #tpu.memory_space<vmem_shared>>)
    %dma_wait3A_544 = arith.constant 1 : i32
    %dma_wait3A_545 = arith.constant 0 : i32
    %dma_wait3A_546 = tpu.memref_slice %arg10[%dma_wait3A_544, %dma_wait3A_545] : memref<6x80xi32, #tpu.memory_space<vmem>> -> memref<1x80xi32, #tpu.memory_space<vmem>>
    %dma_wait3A_547 = tpu.memref_squeeze %dma_wait3A_546 : memref<1x80xi32, #tpu.memory_space<vmem>> -> memref<80xi32, #tpu.memory_space<vmem>>
    %dma_wait3A_548 = arith.constant 0 : i32
    %dma_wait3A_549 = tpu.memref_slice %arg8[%dma_wait3A_548] : memref<10240xf32, #tpu.memory_space<vmem_shared>> -> memref<10240xf32, #tpu.memory_space<vmem_shared>>
    tpu.wait_indirect_dma semaphore(%arg26 : memref<!tpu.dma_semaphore, #tpu.memory_space<semaphore_mem>>) src(%arg14 : memref<80xf32, #tpu.memory_space<vmem>>) dst(%dma_wait3A_549 : memref<10240xf32, #tpu.memory_space<vmem_shared>>)
    %dma_start3A_550 = arith.constant 4 : i32
    %dma_start3A_551 = arith.constant 0 : i32
    %dma_start3A_552 = tpu.memref_slice %arg9[%dma_start3A_550, %dma_start3A_551] : memref<6x80xi32, #tpu.memory_space<vmem>> -> memref<1x80xi32, #tpu.memory_space<vmem>>
    %dma_start3A_553 = tpu.memref_squeeze %dma_start3A_552 : memref<1x80xi32, #tpu.memory_space<vmem>> -> memref<80xi32, #tpu.memory_space<vmem>>
    %dma_start3A_554 = arith.constant 0 : i32
    %dma_start3A_555 = arith.constant 0 : i32
    %dma_start3A_556 = tpu.memref_slice %arg2[%dma_start3A_554, %dma_start3A_555] : memref<10000x128xf32, #tpu.memory_space<hbm>> -> memref<10000x128xf32, #tpu.memory_space<hbm>>
    tpu.enqueue_indirect_dma source(%dma_start3A_556 : memref<10000x128xf32, #tpu.memory_space<hbm>>) target(%arg12 : memref<80x128xf32, #tpu.memory_space<vmem>>) offsets(%dma_start3A_553 : memref<80xi32, #tpu.memory_space<vmem>>) semaphore(%arg17 : memref<!tpu.dma_semaphore, #tpu.memory_space<semaphore_mem>>)
    %dma_wait3A_557 = arith.constant 2 : i32
    %dma_wait3A_558 = arith.constant 0 : i32
    %dma_wait3A_559 = tpu.memref_slice %arg9[%dma_wait3A_557, %dma_wait3A_558] : memref<6x80xi32, #tpu.memory_space<vmem>> -> memref<1x80xi32, #tpu.memory_space<vmem>>
    %dma_wait3A_560 = tpu.memref_squeeze %dma_wait3A_559 : memref<1x80xi32, #tpu.memory_space<vmem>> -> memref<80xi32, #tpu.memory_space<vmem>>
    %dma_wait3A_561 = arith.constant 0 : i32
    %dma_wait3A_562 = arith.constant 0 : i32
    %dma_wait3A_563 = tpu.memref_slice %arg2[%dma_wait3A_561, %dma_wait3A_562] : memref<10000x128xf32, #tpu.memory_space<hbm>> -> memref<10000x128xf32, #tpu.memory_space<hbm>>
    tpu.wait_indirect_dma semaphore(%arg18 : memref<!tpu.dma_semaphore, #tpu.memory_space<semaphore_mem>>) src(%dma_wait3A_563 : memref<10000x128xf32, #tpu.memory_space<hbm>>) dst(%arg13 : memref<80x128xf32, #tpu.memory_space<vmem>>)
    %dma_start3A_564 = arith.constant 2 : i32
    %dma_start3A_565 = arith.constant 0 : i32
    %dma_start3A_566 = tpu.memref_slice %arg10[%dma_start3A_564, %dma_start3A_565] : memref<6x80xi32, #tpu.memory_space<vmem>> -> memref<1x80xi32, #tpu.memory_space<vmem>>
    %dma_start3A_567 = tpu.memref_squeeze %dma_start3A_566 : memref<1x80xi32, #tpu.memory_space<vmem>> -> memref<80xi32, #tpu.memory_space<vmem>>
    %dma_start3A_568 = arith.constant 0 : i32
    %dma_start3A_569 = arith.constant 0 : i32
    %dma_start3A_570 = tpu.memref_slice %arg7[%dma_start3A_568, %dma_start3A_569] : memref<10240x128xf32, #tpu.memory_space<vmem_shared>> -> memref<10240x128xf32, #tpu.memory_space<vmem_shared>>
    tpu.enqueue_indirect_dma source(%arg13 : memref<80x128xf32, #tpu.memory_space<vmem>>) target(%dma_start3A_570 : memref<10240x128xf32, #tpu.memory_space<vmem_shared>>) offsets(%dma_start3A_567 : memref<80xi32, #tpu.memory_space<vmem>>) semaphore(%arg27 : memref<!tpu.dma_semaphore, #tpu.memory_space<semaphore_mem>>) {add = true}
    %dma_start3A_571 = arith.constant 2 : i32
    %dma_start3A_572 = arith.constant 0 : i32
    %dma_start3A_573 = tpu.memref_slice %arg10[%dma_start3A_571, %dma_start3A_572] : memref<6x80xi32, #tpu.memory_space<vmem>> -> memref<1x80xi32, #tpu.memory_space<vmem>>
    %dma_start3A_574 = tpu.memref_squeeze %dma_start3A_573 : memref<1x80xi32, #tpu.memory_space<vmem>> -> memref<80xi32, #tpu.memory_space<vmem>>
    %dma_start3A_575 = arith.constant 0 : i32
    %dma_start3A_576 = tpu.memref_slice %arg8[%dma_start3A_575] : memref<10240xf32, #tpu.memory_space<vmem_shared>> -> memref<10240xf32, #tpu.memory_space<vmem_shared>>
    tpu.enqueue_indirect_dma source(%arg14 : memref<80xf32, #tpu.memory_space<vmem>>) target(%dma_start3A_576 : memref<10240xf32, #tpu.memory_space<vmem_shared>>) offsets(%dma_start3A_574 : memref<80xi32, #tpu.memory_space<vmem>>) semaphore(%arg27 : memref<!tpu.dma_semaphore, #tpu.memory_space<semaphore_mem>>) {add = true}
    %add3A_577 = arith.constant 9600 : i32
    %add3A_578 = arith.addi %mul3A_222, %add3A_577 : i32
    %dma_start3A_579 = arith.constant 0 : i32
    %dma_start3A_580 = arith.constant 0 : i32
    %dma_start3A_581 = tpu.memref_slice %arg9[%dma_start3A_579, %dma_start3A_580] : memref<6x80xi32, #tpu.memory_space<vmem>> -> memref<1x80xi32, #tpu.memory_space<vmem>>
    %dma_start3A_582 = tpu.memref_squeeze %dma_start3A_581 : memref<1x80xi32, #tpu.memory_space<vmem>> -> memref<80xi32, #tpu.memory_space<vmem>>
    %dma_start3A_583 = tpu.memref_slice %arg3[%add3A_578] : memref<320000xi32, #tpu.memory_space<hbm>> -> memref<80xi32, #tpu.memory_space<hbm>>
    %dma_start3A_584 = arith.constant 0 : i32
    %dma_start3A_585 = tpu.memref_slice %arg9[%dma_start3A_579, %dma_start3A_584] : memref<6x80xi32, #tpu.memory_space<vmem>> -> memref<1x80xi32, #tpu.memory_space<vmem>>
    %dma_start3A_586 = tpu.memref_squeeze %dma_start3A_585 : memref<1x80xi32, #tpu.memory_space<vmem>> -> memref<80xi32, #tpu.memory_space<vmem>>
    %dma_start3A_587 = tpu.memref_slice %arg3[%add3A_578] : memref<320000xi32, #tpu.memory_space<hbm>> -> memref<80xi32, #tpu.memory_space<hbm>>
    tpu.enqueue_dma source(%dma_start3A_587 : memref<80xi32, #tpu.memory_space<hbm>>) target(%dma_start3A_586 : memref<80xi32, #tpu.memory_space<vmem>>) target_semaphore(%arg19 : memref<!tpu.dma_semaphore, #tpu.memory_space<semaphore_mem>>)
    %dma_start3A_588 = arith.constant 0 : i32
    %dma_start3A_589 = arith.constant 0 : i32
    %dma_start3A_590 = tpu.memref_slice %arg10[%dma_start3A_588, %dma_start3A_589] : memref<6x80xi32, #tpu.memory_space<vmem>> -> memref<1x80xi32, #tpu.memory_space<vmem>>
    %dma_start3A_591 = tpu.memref_squeeze %dma_start3A_590 : memref<1x80xi32, #tpu.memory_space<vmem>> -> memref<80xi32, #tpu.memory_space<vmem>>
    %dma_start3A_592 = tpu.memref_slice %arg4[%add3A_578] : memref<320000xi32, #tpu.memory_space<hbm>> -> memref<80xi32, #tpu.memory_space<hbm>>
    %dma_start3A_593 = arith.constant 0 : i32
    %dma_start3A_594 = tpu.memref_slice %arg10[%dma_start3A_588, %dma_start3A_593] : memref<6x80xi32, #tpu.memory_space<vmem>> -> memref<1x80xi32, #tpu.memory_space<vmem>>
    %dma_start3A_595 = tpu.memref_squeeze %dma_start3A_594 : memref<1x80xi32, #tpu.memory_space<vmem>> -> memref<80xi32, #tpu.memory_space<vmem>>
    %dma_start3A_596 = tpu.memref_slice %arg4[%add3A_578] : memref<320000xi32, #tpu.memory_space<hbm>> -> memref<80xi32, #tpu.memory_space<hbm>>
    tpu.enqueue_dma source(%dma_start3A_596 : memref<80xi32, #tpu.memory_space<hbm>>) target(%dma_start3A_595 : memref<80xi32, #tpu.memory_space<vmem>>) target_semaphore(%arg19 : memref<!tpu.dma_semaphore, #tpu.memory_space<semaphore_mem>>)
    %dma_wait3A_597 = arith.constant 5 : i32
    %dma_wait3A_598 = arith.constant 0 : i32
    %dma_wait3A_599 = tpu.memref_slice %arg9[%dma_wait3A_597, %dma_wait3A_598] : memref<6x80xi32, #tpu.memory_space<vmem>> -> memref<1x80xi32, #tpu.memory_space<vmem>>
    %dma_wait3A_600 = tpu.memref_squeeze %dma_wait3A_599 : memref<1x80xi32, #tpu.memory_space<vmem>> -> memref<80xi32, #tpu.memory_space<vmem>>
    %dma_wait3A_601 = arith.constant 0 : i32
    %dma_wait3A_602 = tpu.memref_slice %arg3[%dma_wait3A_601] : memref<320000xi32, #tpu.memory_space<hbm>> -> memref<80xi32, #tpu.memory_space<hbm>>
    %dma_wait3A_603 = arith.constant 0 : i32
    %dma_wait3A_604 = tpu.memref_slice %arg9[%dma_wait3A_597, %dma_wait3A_603] : memref<6x80xi32, #tpu.memory_space<vmem>> -> memref<1x80xi32, #tpu.memory_space<vmem>>
    %dma_wait3A_605 = tpu.memref_squeeze %dma_wait3A_604 : memref<1x80xi32, #tpu.memory_space<vmem>> -> memref<80xi32, #tpu.memory_space<vmem>>
    %dma_wait3A_606 = arith.constant 0 : i32
    %dma_wait3A_607 = tpu.memref_slice %arg3[%dma_wait3A_606] : memref<320000xi32, #tpu.memory_space<hbm>> -> memref<80xi32, #tpu.memory_space<hbm>>
    tpu.wait_dma2 semaphore(%arg24 : memref<!tpu.dma_semaphore, #tpu.memory_space<semaphore_mem>>) src(%dma_wait3A_607 : memref<80xi32, #tpu.memory_space<hbm>>) dst(%dma_wait3A_605 : memref<80xi32, #tpu.memory_space<vmem>>)
    %dma_wait3A_608 = arith.constant 5 : i32
    %dma_wait3A_609 = arith.constant 0 : i32
    %dma_wait3A_610 = tpu.memref_slice %arg10[%dma_wait3A_608, %dma_wait3A_609] : memref<6x80xi32, #tpu.memory_space<vmem>> -> memref<1x80xi32, #tpu.memory_space<vmem>>
    %dma_wait3A_611 = tpu.memref_squeeze %dma_wait3A_610 : memref<1x80xi32, #tpu.memory_space<vmem>> -> memref<80xi32, #tpu.memory_space<vmem>>
    %dma_wait3A_612 = arith.constant 0 : i32
    %dma_wait3A_613 = tpu.memref_slice %arg4[%dma_wait3A_612] : memref<320000xi32, #tpu.memory_space<hbm>> -> memref<80xi32, #tpu.memory_space<hbm>>
    %dma_wait3A_614 = arith.constant 0 : i32
    %dma_wait3A_615 = tpu.memref_slice %arg10[%dma_wait3A_608, %dma_wait3A_614] : memref<6x80xi32, #tpu.memory_space<vmem>> -> memref<1x80xi32, #tpu.memory_space<vmem>>
    %dma_wait3A_616 = tpu.memref_squeeze %dma_wait3A_615 : memref<1x80xi32, #tpu.memory_space<vmem>> -> memref<80xi32, #tpu.memory_space<vmem>>
    %dma_wait3A_617 = arith.constant 0 : i32
    %dma_wait3A_618 = tpu.memref_slice %arg4[%dma_wait3A_617] : memref<320000xi32, #tpu.memory_space<hbm>> -> memref<80xi32, #tpu.memory_space<hbm>>
    tpu.wait_dma2 semaphore(%arg24 : memref<!tpu.dma_semaphore, #tpu.memory_space<semaphore_mem>>) src(%dma_wait3A_618 : memref<80xi32, #tpu.memory_space<hbm>>) dst(%dma_wait3A_616 : memref<80xi32, #tpu.memory_space<vmem>>)
    %dma_wait3A_619 = arith.constant 2 : i32
    %dma_wait3A_620 = arith.constant 0 : i32
    %dma_wait3A_621 = tpu.memref_slice %arg10[%dma_wait3A_619, %dma_wait3A_620] : memref<6x80xi32, #tpu.memory_space<vmem>> -> memref<1x80xi32, #tpu.memory_space<vmem>>
    %dma_wait3A_622 = tpu.memref_squeeze %dma_wait3A_621 : memref<1x80xi32, #tpu.memory_space<vmem>> -> memref<80xi32, #tpu.memory_space<vmem>>
    %dma_wait3A_623 = arith.constant 0 : i32
    %dma_wait3A_624 = arith.constant 0 : i32
    %dma_wait3A_625 = tpu.memref_slice %arg7[%dma_wait3A_623, %dma_wait3A_624] : memref<10240x128xf32, #tpu.memory_space<vmem_shared>> -> memref<10240x128xf32, #tpu.memory_space<vmem_shared>>
    tpu.wait_indirect_dma semaphore(%arg27 : memref<!tpu.dma_semaphore, #tpu.memory_space<semaphore_mem>>) src(%arg13 : memref<80x128xf32, #tpu.memory_space<vmem>>) dst(%dma_wait3A_625 : memref<10240x128xf32, #tpu.memory_space<vmem_shared>>)
    %dma_wait3A_626 = arith.constant 2 : i32
    %dma_wait3A_627 = arith.constant 0 : i32
    %dma_wait3A_628 = tpu.memref_slice %arg10[%dma_wait3A_626, %dma_wait3A_627] : memref<6x80xi32, #tpu.memory_space<vmem>> -> memref<1x80xi32, #tpu.memory_space<vmem>>
    %dma_wait3A_629 = tpu.memref_squeeze %dma_wait3A_628 : memref<1x80xi32, #tpu.memory_space<vmem>> -> memref<80xi32, #tpu.memory_space<vmem>>
    %dma_wait3A_630 = arith.constant 0 : i32
    %dma_wait3A_631 = tpu.memref_slice %arg8[%dma_wait3A_630] : memref<10240xf32, #tpu.memory_space<vmem_shared>> -> memref<10240xf32, #tpu.memory_space<vmem_shared>>
    tpu.wait_indirect_dma semaphore(%arg27 : memref<!tpu.dma_semaphore, #tpu.memory_space<semaphore_mem>>) src(%arg14 : memref<80xf32, #tpu.memory_space<vmem>>) dst(%dma_wait3A_631 : memref<10240xf32, #tpu.memory_space<vmem_shared>>)
    %dma_start3A_632 = arith.constant 5 : i32
    %dma_start3A_633 = arith.constant 0 : i32
    %dma_start3A_634 = tpu.memref_slice %arg9[%dma_start3A_632, %dma_start3A_633] : memref<6x80xi32, #tpu.memory_space<vmem>> -> memref<1x80xi32, #tpu.memory_space<vmem>>
    %dma_start3A_635 = tpu.memref_squeeze %dma_start3A_634 : memref<1x80xi32, #tpu.memory_space<vmem>> -> memref<80xi32, #tpu.memory_space<vmem>>
    %dma_start3A_636 = arith.constant 0 : i32
    %dma_start3A_637 = arith.constant 0 : i32
    %dma_start3A_638 = tpu.memref_slice %arg2[%dma_start3A_636, %dma_start3A_637] : memref<10000x128xf32, #tpu.memory_space<hbm>> -> memref<10000x128xf32, #tpu.memory_space<hbm>>
    tpu.enqueue_indirect_dma source(%dma_start3A_638 : memref<10000x128xf32, #tpu.memory_space<hbm>>) target(%arg13 : memref<80x128xf32, #tpu.memory_space<vmem>>) offsets(%dma_start3A_635 : memref<80xi32, #tpu.memory_space<vmem>>) semaphore(%arg18 : memref<!tpu.dma_semaphore, #tpu.memory_space<semaphore_mem>>)
    %dma_wait3A_639 = arith.constant 3 : i32
    %dma_wait3A_640 = arith.constant 0 : i32
    %dma_wait3A_641 = tpu.memref_slice %arg9[%dma_wait3A_639, %dma_wait3A_640] : memref<6x80xi32, #tpu.memory_space<vmem>> -> memref<1x80xi32, #tpu.memory_space<vmem>>
    %dma_wait3A_642 = tpu.memref_squeeze %dma_wait3A_641 : memref<1x80xi32, #tpu.memory_space<vmem>> -> memref<80xi32, #tpu.memory_space<vmem>>
    %dma_wait3A_643 = arith.constant 0 : i32
    %dma_wait3A_644 = arith.constant 0 : i32
    %dma_wait3A_645 = tpu.memref_slice %arg2[%dma_wait3A_643, %dma_wait3A_644] : memref<10000x128xf32, #tpu.memory_space<hbm>> -> memref<10000x128xf32, #tpu.memory_space<hbm>>
    tpu.wait_indirect_dma semaphore(%arg16 : memref<!tpu.dma_semaphore, #tpu.memory_space<semaphore_mem>>) src(%dma_wait3A_645 : memref<10000x128xf32, #tpu.memory_space<hbm>>) dst(%arg11 : memref<80x128xf32, #tpu.memory_space<vmem>>)
    %dma_start3A_646 = arith.constant 3 : i32
    %dma_start3A_647 = arith.constant 0 : i32
    %dma_start3A_648 = tpu.memref_slice %arg10[%dma_start3A_646, %dma_start3A_647] : memref<6x80xi32, #tpu.memory_space<vmem>> -> memref<1x80xi32, #tpu.memory_space<vmem>>
    %dma_start3A_649 = tpu.memref_squeeze %dma_start3A_648 : memref<1x80xi32, #tpu.memory_space<vmem>> -> memref<80xi32, #tpu.memory_space<vmem>>
    %dma_start3A_650 = arith.constant 0 : i32
    %dma_start3A_651 = arith.constant 0 : i32
    %dma_start3A_652 = tpu.memref_slice %arg7[%dma_start3A_650, %dma_start3A_651] : memref<10240x128xf32, #tpu.memory_space<vmem_shared>> -> memref<10240x128xf32, #tpu.memory_space<vmem_shared>>
    tpu.enqueue_indirect_dma source(%arg11 : memref<80x128xf32, #tpu.memory_space<vmem>>) target(%dma_start3A_652 : memref<10240x128xf32, #tpu.memory_space<vmem_shared>>) offsets(%dma_start3A_649 : memref<80xi32, #tpu.memory_space<vmem>>) semaphore(%arg25 : memref<!tpu.dma_semaphore, #tpu.memory_space<semaphore_mem>>) {add = true}
    %dma_start3A_653 = arith.constant 3 : i32
    %dma_start3A_654 = arith.constant 0 : i32
    %dma_start3A_655 = tpu.memref_slice %arg10[%dma_start3A_653, %dma_start3A_654] : memref<6x80xi32, #tpu.memory_space<vmem>> -> memref<1x80xi32, #tpu.memory_space<vmem>>
    %dma_start3A_656 = tpu.memref_squeeze %dma_start3A_655 : memref<1x80xi32, #tpu.memory_space<vmem>> -> memref<80xi32, #tpu.memory_space<vmem>>
    %dma_start3A_657 = arith.constant 0 : i32
    %dma_start3A_658 = tpu.memref_slice %arg8[%dma_start3A_657] : memref<10240xf32, #tpu.memory_space<vmem_shared>> -> memref<10240xf32, #tpu.memory_space<vmem_shared>>
    tpu.enqueue_indirect_dma source(%arg14 : memref<80xf32, #tpu.memory_space<vmem>>) target(%dma_start3A_658 : memref<10240xf32, #tpu.memory_space<vmem_shared>>) offsets(%dma_start3A_656 : memref<80xi32, #tpu.memory_space<vmem>>) semaphore(%arg25 : memref<!tpu.dma_semaphore, #tpu.memory_space<semaphore_mem>>) {add = true}
    %add3A_659 = arith.constant 9680 : i32
    %add3A_660 = arith.addi %mul3A_222, %add3A_659 : i32
    %dma_start3A_661 = arith.constant 1 : i32
    %dma_start3A_662 = arith.constant 0 : i32
    %dma_start3A_663 = tpu.memref_slice %arg9[%dma_start3A_661, %dma_start3A_662] : memref<6x80xi32, #tpu.memory_space<vmem>> -> memref<1x80xi32, #tpu.memory_space<vmem>>
    %dma_start3A_664 = tpu.memref_squeeze %dma_start3A_663 : memref<1x80xi32, #tpu.memory_space<vmem>> -> memref<80xi32, #tpu.memory_space<vmem>>
    %dma_start3A_665 = tpu.memref_slice %arg3[%add3A_660] : memref<320000xi32, #tpu.memory_space<hbm>> -> memref<80xi32, #tpu.memory_space<hbm>>
    %dma_start3A_666 = arith.constant 0 : i32
    %dma_start3A_667 = tpu.memref_slice %arg9[%dma_start3A_661, %dma_start3A_666] : memref<6x80xi32, #tpu.memory_space<vmem>> -> memref<1x80xi32, #tpu.memory_space<vmem>>
    %dma_start3A_668 = tpu.memref_squeeze %dma_start3A_667 : memref<1x80xi32, #tpu.memory_space<vmem>> -> memref<80xi32, #tpu.memory_space<vmem>>
    %dma_start3A_669 = tpu.memref_slice %arg3[%add3A_660] : memref<320000xi32, #tpu.memory_space<hbm>> -> memref<80xi32, #tpu.memory_space<hbm>>
    tpu.enqueue_dma source(%dma_start3A_669 : memref<80xi32, #tpu.memory_space<hbm>>) target(%dma_start3A_668 : memref<80xi32, #tpu.memory_space<vmem>>) target_semaphore(%arg20 : memref<!tpu.dma_semaphore, #tpu.memory_space<semaphore_mem>>)
    %dma_start3A_670 = arith.constant 1 : i32
    %dma_start3A_671 = arith.constant 0 : i32
    %dma_start3A_672 = tpu.memref_slice %arg10[%dma_start3A_670, %dma_start3A_671] : memref<6x80xi32, #tpu.memory_space<vmem>> -> memref<1x80xi32, #tpu.memory_space<vmem>>
    %dma_start3A_673 = tpu.memref_squeeze %dma_start3A_672 : memref<1x80xi32, #tpu.memory_space<vmem>> -> memref<80xi32, #tpu.memory_space<vmem>>
    %dma_start3A_674 = tpu.memref_slice %arg4[%add3A_660] : memref<320000xi32, #tpu.memory_space<hbm>> -> memref<80xi32, #tpu.memory_space<hbm>>
    %dma_start3A_675 = arith.constant 0 : i32
    %dma_start3A_676 = tpu.memref_slice %arg10[%dma_start3A_670, %dma_start3A_675] : memref<6x80xi32, #tpu.memory_space<vmem>> -> memref<1x80xi32, #tpu.memory_space<vmem>>
    %dma_start3A_677 = tpu.memref_squeeze %dma_start3A_676 : memref<1x80xi32, #tpu.memory_space<vmem>> -> memref<80xi32, #tpu.memory_space<vmem>>
    %dma_start3A_678 = tpu.memref_slice %arg4[%add3A_660] : memref<320000xi32, #tpu.memory_space<hbm>> -> memref<80xi32, #tpu.memory_space<hbm>>
    tpu.enqueue_dma source(%dma_start3A_678 : memref<80xi32, #tpu.memory_space<hbm>>) target(%dma_start3A_677 : memref<80xi32, #tpu.memory_space<vmem>>) target_semaphore(%arg20 : memref<!tpu.dma_semaphore, #tpu.memory_space<semaphore_mem>>)
    %dma_wait3A_679 = arith.constant 0 : i32
    %dma_wait3A_680 = arith.constant 0 : i32
    %dma_wait3A_681 = tpu.memref_slice %arg9[%dma_wait3A_679, %dma_wait3A_680] : memref<6x80xi32, #tpu.memory_space<vmem>> -> memref<1x80xi32, #tpu.memory_space<vmem>>
    %dma_wait3A_682 = tpu.memref_squeeze %dma_wait3A_681 : memref<1x80xi32, #tpu.memory_space<vmem>> -> memref<80xi32, #tpu.memory_space<vmem>>
    %dma_wait3A_683 = arith.constant 0 : i32
    %dma_wait3A_684 = tpu.memref_slice %arg3[%dma_wait3A_683] : memref<320000xi32, #tpu.memory_space<hbm>> -> memref<80xi32, #tpu.memory_space<hbm>>
    %dma_wait3A_685 = arith.constant 0 : i32
    %dma_wait3A_686 = tpu.memref_slice %arg9[%dma_wait3A_679, %dma_wait3A_685] : memref<6x80xi32, #tpu.memory_space<vmem>> -> memref<1x80xi32, #tpu.memory_space<vmem>>
    %dma_wait3A_687 = tpu.memref_squeeze %dma_wait3A_686 : memref<1x80xi32, #tpu.memory_space<vmem>> -> memref<80xi32, #tpu.memory_space<vmem>>
    %dma_wait3A_688 = arith.constant 0 : i32
    %dma_wait3A_689 = tpu.memref_slice %arg3[%dma_wait3A_688] : memref<320000xi32, #tpu.memory_space<hbm>> -> memref<80xi32, #tpu.memory_space<hbm>>
    tpu.wait_dma2 semaphore(%arg19 : memref<!tpu.dma_semaphore, #tpu.memory_space<semaphore_mem>>) src(%dma_wait3A_689 : memref<80xi32, #tpu.memory_space<hbm>>) dst(%dma_wait3A_687 : memref<80xi32, #tpu.memory_space<vmem>>)
    %dma_wait3A_690 = arith.constant 0 : i32
    %dma_wait3A_691 = arith.constant 0 : i32
    %dma_wait3A_692 = tpu.memref_slice %arg10[%dma_wait3A_690, %dma_wait3A_691] : memref<6x80xi32, #tpu.memory_space<vmem>> -> memref<1x80xi32, #tpu.memory_space<vmem>>
    %dma_wait3A_693 = tpu.memref_squeeze %dma_wait3A_692 : memref<1x80xi32, #tpu.memory_space<vmem>> -> memref<80xi32, #tpu.memory_space<vmem>>
    %dma_wait3A_694 = arith.constant 0 : i32
    %dma_wait3A_695 = tpu.memref_slice %arg4[%dma_wait3A_694] : memref<320000xi32, #tpu.memory_space<hbm>> -> memref<80xi32, #tpu.memory_space<hbm>>
    %dma_wait3A_696 = arith.constant 0 : i32
    %dma_wait3A_697 = tpu.memref_slice %arg10[%dma_wait3A_690, %dma_wait3A_696] : memref<6x80xi32, #tpu.memory_space<vmem>> -> memref<1x80xi32, #tpu.memory_space<vmem>>
    %dma_wait3A_698 = tpu.memref_squeeze %dma_wait3A_697 : memref<1x80xi32, #tpu.memory_space<vmem>> -> memref<80xi32, #tpu.memory_space<vmem>>
    %dma_wait3A_699 = arith.constant 0 : i32
    %dma_wait3A_700 = tpu.memref_slice %arg4[%dma_wait3A_699] : memref<320000xi32, #tpu.memory_space<hbm>> -> memref<80xi32, #tpu.memory_space<hbm>>
    tpu.wait_dma2 semaphore(%arg19 : memref<!tpu.dma_semaphore, #tpu.memory_space<semaphore_mem>>) src(%dma_wait3A_700 : memref<80xi32, #tpu.memory_space<hbm>>) dst(%dma_wait3A_698 : memref<80xi32, #tpu.memory_space<vmem>>)
    %dma_wait3A_701 = arith.constant 3 : i32
    %dma_wait3A_702 = arith.constant 0 : i32
    %dma_wait3A_703 = tpu.memref_slice %arg10[%dma_wait3A_701, %dma_wait3A_702] : memref<6x80xi32, #tpu.memory_space<vmem>> -> memref<1x80xi32, #tpu.memory_space<vmem>>
    %dma_wait3A_704 = tpu.memref_squeeze %dma_wait3A_703 : memref<1x80xi32, #tpu.memory_space<vmem>> -> memref<80xi32, #tpu.memory_space<vmem>>
    %dma_wait3A_705 = arith.constant 0 : i32
    %dma_wait3A_706 = arith.constant 0 : i32
    %dma_wait3A_707 = tpu.memref_slice %arg7[%dma_wait3A_705, %dma_wait3A_706] : memref<10240x128xf32, #tpu.memory_space<vmem_shared>> -> memref<10240x128xf32, #tpu.memory_space<vmem_shared>>
    tpu.wait_indirect_dma semaphore(%arg25 : memref<!tpu.dma_semaphore, #tpu.memory_space<semaphore_mem>>) src(%arg11 : memref<80x128xf32, #tpu.memory_space<vmem>>) dst(%dma_wait3A_707 : memref<10240x128xf32, #tpu.memory_space<vmem_shared>>)
    %dma_wait3A_708 = arith.constant 3 : i32
    %dma_wait3A_709 = arith.constant 0 : i32
    %dma_wait3A_710 = tpu.memref_slice %arg10[%dma_wait3A_708, %dma_wait3A_709] : memref<6x80xi32, #tpu.memory_space<vmem>> -> memref<1x80xi32, #tpu.memory_space<vmem>>
    %dma_wait3A_711 = tpu.memref_squeeze %dma_wait3A_710 : memref<1x80xi32, #tpu.memory_space<vmem>> -> memref<80xi32, #tpu.memory_space<vmem>>
    %dma_wait3A_712 = arith.constant 0 : i32
    %dma_wait3A_713 = tpu.memref_slice %arg8[%dma_wait3A_712] : memref<10240xf32, #tpu.memory_space<vmem_shared>> -> memref<10240xf32, #tpu.memory_space<vmem_shared>>
    tpu.wait_indirect_dma semaphore(%arg25 : memref<!tpu.dma_semaphore, #tpu.memory_space<semaphore_mem>>) src(%arg14 : memref<80xf32, #tpu.memory_space<vmem>>) dst(%dma_wait3A_713 : memref<10240xf32, #tpu.memory_space<vmem_shared>>)
    %dma_start3A_714 = arith.constant 0 : i32
    %dma_start3A_715 = arith.constant 0 : i32
    %dma_start3A_716 = tpu.memref_slice %arg9[%dma_start3A_714, %dma_start3A_715] : memref<6x80xi32, #tpu.memory_space<vmem>> -> memref<1x80xi32, #tpu.memory_space<vmem>>
    %dma_start3A_717 = tpu.memref_squeeze %dma_start3A_716 : memref<1x80xi32, #tpu.memory_space<vmem>> -> memref<80xi32, #tpu.memory_space<vmem>>
    %dma_start3A_718 = arith.constant 0 : i32
    %dma_start3A_719 = arith.constant 0 : i32
    %dma_start3A_720 = tpu.memref_slice %arg2[%dma_start3A_718, %dma_start3A_719] : memref<10000x128xf32, #tpu.memory_space<hbm>> -> memref<10000x128xf32, #tpu.memory_space<hbm>>
    tpu.enqueue_indirect_dma source(%dma_start3A_720 : memref<10000x128xf32, #tpu.memory_space<hbm>>) target(%arg11 : memref<80x128xf32, #tpu.memory_space<vmem>>) offsets(%dma_start3A_717 : memref<80xi32, #tpu.memory_space<vmem>>) semaphore(%arg16 : memref<!tpu.dma_semaphore, #tpu.memory_space<semaphore_mem>>)
    %dma_wait3A_721 = arith.constant 4 : i32
    %dma_wait3A_722 = arith.constant 0 : i32
    %dma_wait3A_723 = tpu.memref_slice %arg9[%dma_wait3A_721, %dma_wait3A_722] : memref<6x80xi32, #tpu.memory_space<vmem>> -> memref<1x80xi32, #tpu.memory_space<vmem>>
    %dma_wait3A_724 = tpu.memref_squeeze %dma_wait3A_723 : memref<1x80xi32, #tpu.memory_space<vmem>> -> memref<80xi32, #tpu.memory_space<vmem>>
    %dma_wait3A_725 = arith.constant 0 : i32
    %dma_wait3A_726 = arith.constant 0 : i32
    %dma_wait3A_727 = tpu.memref_slice %arg2[%dma_wait3A_725, %dma_wait3A_726] : memref<10000x128xf32, #tpu.memory_space<hbm>> -> memref<10000x128xf32, #tpu.memory_space<hbm>>
    tpu.wait_indirect_dma semaphore(%arg17 : memref<!tpu.dma_semaphore, #tpu.memory_space<semaphore_mem>>) src(%dma_wait3A_727 : memref<10000x128xf32, #tpu.memory_space<hbm>>) dst(%arg12 : memref<80x128xf32, #tpu.memory_space<vmem>>)
    %dma_start3A_728 = arith.constant 4 : i32
    %dma_start3A_729 = arith.constant 0 : i32
    %dma_start3A_730 = tpu.memref_slice %arg10[%dma_start3A_728, %dma_start3A_729] : memref<6x80xi32, #tpu.memory_space<vmem>> -> memref<1x80xi32, #tpu.memory_space<vmem>>
    %dma_start3A_731 = tpu.memref_squeeze %dma_start3A_730 : memref<1x80xi32, #tpu.memory_space<vmem>> -> memref<80xi32, #tpu.memory_space<vmem>>
    %dma_start3A_732 = arith.constant 0 : i32
    %dma_start3A_733 = arith.constant 0 : i32
    %dma_start3A_734 = tpu.memref_slice %arg7[%dma_start3A_732, %dma_start3A_733] : memref<10240x128xf32, #tpu.memory_space<vmem_shared>> -> memref<10240x128xf32, #tpu.memory_space<vmem_shared>>
    tpu.enqueue_indirect_dma source(%arg12 : memref<80x128xf32, #tpu.memory_space<vmem>>) target(%dma_start3A_734 : memref<10240x128xf32, #tpu.memory_space<vmem_shared>>) offsets(%dma_start3A_731 : memref<80xi32, #tpu.memory_space<vmem>>) semaphore(%arg26 : memref<!tpu.dma_semaphore, #tpu.memory_space<semaphore_mem>>) {add = true}
    %dma_start3A_735 = arith.constant 4 : i32
    %dma_start3A_736 = arith.constant 0 : i32
    %dma_start3A_737 = tpu.memref_slice %arg10[%dma_start3A_735, %dma_start3A_736] : memref<6x80xi32, #tpu.memory_space<vmem>> -> memref<1x80xi32, #tpu.memory_space<vmem>>
    %dma_start3A_738 = tpu.memref_squeeze %dma_start3A_737 : memref<1x80xi32, #tpu.memory_space<vmem>> -> memref<80xi32, #tpu.memory_space<vmem>>
    %dma_start3A_739 = arith.constant 0 : i32
    %dma_start3A_740 = tpu.memref_slice %arg8[%dma_start3A_739] : memref<10240xf32, #tpu.memory_space<vmem_shared>> -> memref<10240xf32, #tpu.memory_space<vmem_shared>>
    tpu.enqueue_indirect_dma source(%arg14 : memref<80xf32, #tpu.memory_space<vmem>>) target(%dma_start3A_740 : memref<10240xf32, #tpu.memory_space<vmem_shared>>) offsets(%dma_start3A_738 : memref<80xi32, #tpu.memory_space<vmem>>) semaphore(%arg26 : memref<!tpu.dma_semaphore, #tpu.memory_space<semaphore_mem>>) {add = true}
    %add3A_741 = arith.constant 9760 : i32
    %add3A_742 = arith.addi %mul3A_222, %add3A_741 : i32
    %dma_start3A_743 = arith.constant 2 : i32
    %dma_start3A_744 = arith.constant 0 : i32
    %dma_start3A_745 = tpu.memref_slice %arg9[%dma_start3A_743, %dma_start3A_744] : memref<6x80xi32, #tpu.memory_space<vmem>> -> memref<1x80xi32, #tpu.memory_space<vmem>>
    %dma_start3A_746 = tpu.memref_squeeze %dma_start3A_745 : memref<1x80xi32, #tpu.memory_space<vmem>> -> memref<80xi32, #tpu.memory_space<vmem>>
    %dma_start3A_747 = tpu.memref_slice %arg3[%add3A_742] : memref<320000xi32, #tpu.memory_space<hbm>> -> memref<80xi32, #tpu.memory_space<hbm>>
    %dma_start3A_748 = arith.constant 0 : i32
    %dma_start3A_749 = tpu.memref_slice %arg9[%dma_start3A_743, %dma_start3A_748] : memref<6x80xi32, #tpu.memory_space<vmem>> -> memref<1x80xi32, #tpu.memory_space<vmem>>
    %dma_start3A_750 = tpu.memref_squeeze %dma_start3A_749 : memref<1x80xi32, #tpu.memory_space<vmem>> -> memref<80xi32, #tpu.memory_space<vmem>>
    %dma_start3A_751 = tpu.memref_slice %arg3[%add3A_742] : memref<320000xi32, #tpu.memory_space<hbm>> -> memref<80xi32, #tpu.memory_space<hbm>>
    tpu.enqueue_dma source(%dma_start3A_751 : memref<80xi32, #tpu.memory_space<hbm>>) target(%dma_start3A_750 : memref<80xi32, #tpu.memory_space<vmem>>) target_semaphore(%arg21 : memref<!tpu.dma_semaphore, #tpu.memory_space<semaphore_mem>>)
    %dma_start3A_752 = arith.constant 2 : i32
    %dma_start3A_753 = arith.constant 0 : i32
    %dma_start3A_754 = tpu.memref_slice %arg10[%dma_start3A_752, %dma_start3A_753] : memref<6x80xi32, #tpu.memory_space<vmem>> -> memref<1x80xi32, #tpu.memory_space<vmem>>
    %dma_start3A_755 = tpu.memref_squeeze %dma_start3A_754 : memref<1x80xi32, #tpu.memory_space<vmem>> -> memref<80xi32, #tpu.memory_space<vmem>>
    %dma_start3A_756 = tpu.memref_slice %arg4[%add3A_742] : memref<320000xi32, #tpu.memory_space<hbm>> -> memref<80xi32, #tpu.memory_space<hbm>>
    %dma_start3A_757 = arith.constant 0 : i32
    %dma_start3A_758 = tpu.memref_slice %arg10[%dma_start3A_752, %dma_start3A_757] : memref<6x80xi32, #tpu.memory_space<vmem>> -> memref<1x80xi32, #tpu.memory_space<vmem>>
    %dma_start3A_759 = tpu.memref_squeeze %dma_start3A_758 : memref<1x80xi32, #tpu.memory_space<vmem>> -> memref<80xi32, #tpu.memory_space<vmem>>
    %dma_start3A_760 = tpu.memref_slice %arg4[%add3A_742] : memref<320000xi32, #tpu.memory_space<hbm>> -> memref<80xi32, #tpu.memory_space<hbm>>
    tpu.enqueue_dma source(%dma_start3A_760 : memref<80xi32, #tpu.memory_space<hbm>>) target(%dma_start3A_759 : memref<80xi32, #tpu.memory_space<vmem>>) target_semaphore(%arg21 : memref<!tpu.dma_semaphore, #tpu.memory_space<semaphore_mem>>)
    %dma_wait3A_761 = arith.constant 1 : i32
    %dma_wait3A_762 = arith.constant 0 : i32
    %dma_wait3A_763 = tpu.memref_slice %arg9[%dma_wait3A_761, %dma_wait3A_762] : memref<6x80xi32, #tpu.memory_space<vmem>> -> memref<1x80xi32, #tpu.memory_space<vmem>>
    %dma_wait3A_764 = tpu.memref_squeeze %dma_wait3A_763 : memref<1x80xi32, #tpu.memory_space<vmem>> -> memref<80xi32, #tpu.memory_space<vmem>>
    %dma_wait3A_765 = arith.constant 0 : i32
    %dma_wait3A_766 = tpu.memref_slice %arg3[%dma_wait3A_765] : memref<320000xi32, #tpu.memory_space<hbm>> -> memref<80xi32, #tpu.memory_space<hbm>>
    %dma_wait3A_767 = arith.constant 0 : i32
    %dma_wait3A_768 = tpu.memref_slice %arg9[%dma_wait3A_761, %dma_wait3A_767] : memref<6x80xi32, #tpu.memory_space<vmem>> -> memref<1x80xi32, #tpu.memory_space<vmem>>
    %dma_wait3A_769 = tpu.memref_squeeze %dma_wait3A_768 : memref<1x80xi32, #tpu.memory_space<vmem>> -> memref<80xi32, #tpu.memory_space<vmem>>
    %dma_wait3A_770 = arith.constant 0 : i32
    %dma_wait3A_771 = tpu.memref_slice %arg3[%dma_wait3A_770] : memref<320000xi32, #tpu.memory_space<hbm>> -> memref<80xi32, #tpu.memory_space<hbm>>
    tpu.wait_dma2 semaphore(%arg20 : memref<!tpu.dma_semaphore, #tpu.memory_space<semaphore_mem>>) src(%dma_wait3A_771 : memref<80xi32, #tpu.memory_space<hbm>>) dst(%dma_wait3A_769 : memref<80xi32, #tpu.memory_space<vmem>>)
    %dma_wait3A_772 = arith.constant 1 : i32
    %dma_wait3A_773 = arith.constant 0 : i32
    %dma_wait3A_774 = tpu.memref_slice %arg10[%dma_wait3A_772, %dma_wait3A_773] : memref<6x80xi32, #tpu.memory_space<vmem>> -> memref<1x80xi32, #tpu.memory_space<vmem>>
    %dma_wait3A_775 = tpu.memref_squeeze %dma_wait3A_774 : memref<1x80xi32, #tpu.memory_space<vmem>> -> memref<80xi32, #tpu.memory_space<vmem>>
    %dma_wait3A_776 = arith.constant 0 : i32
    %dma_wait3A_777 = tpu.memref_slice %arg4[%dma_wait3A_776] : memref<320000xi32, #tpu.memory_space<hbm>> -> memref<80xi32, #tpu.memory_space<hbm>>
    %dma_wait3A_778 = arith.constant 0 : i32
    %dma_wait3A_779 = tpu.memref_slice %arg10[%dma_wait3A_772, %dma_wait3A_778] : memref<6x80xi32, #tpu.memory_space<vmem>> -> memref<1x80xi32, #tpu.memory_space<vmem>>
    %dma_wait3A_780 = tpu.memref_squeeze %dma_wait3A_779 : memref<1x80xi32, #tpu.memory_space<vmem>> -> memref<80xi32, #tpu.memory_space<vmem>>
    %dma_wait3A_781 = arith.constant 0 : i32
    %dma_wait3A_782 = tpu.memref_slice %arg4[%dma_wait3A_781] : memref<320000xi32, #tpu.memory_space<hbm>> -> memref<80xi32, #tpu.memory_space<hbm>>
    tpu.wait_dma2 semaphore(%arg20 : memref<!tpu.dma_semaphore, #tpu.memory_space<semaphore_mem>>) src(%dma_wait3A_782 : memref<80xi32, #tpu.memory_space<hbm>>) dst(%dma_wait3A_780 : memref<80xi32, #tpu.memory_space<vmem>>)
    %dma_wait3A_783 = arith.constant 4 : i32
    %dma_wait3A_784 = arith.constant 0 : i32
    %dma_wait3A_785 = tpu.memref_slice %arg10[%dma_wait3A_783, %dma_wait3A_784] : memref<6x80xi32, #tpu.memory_space<vmem>> -> memref<1x80xi32, #tpu.memory_space<vmem>>
    %dma_wait3A_786 = tpu.memref_squeeze %dma_wait3A_785 : memref<1x80xi32, #tpu.memory_space<vmem>> -> memref<80xi32, #tpu.memory_space<vmem>>
    %dma_wait3A_787 = arith.constant 0 : i32
    %dma_wait3A_788 = arith.constant 0 : i32
    %dma_wait3A_789 = tpu.memref_slice %arg7[%dma_wait3A_787, %dma_wait3A_788] : memref<10240x128xf32, #tpu.memory_space<vmem_shared>> -> memref<10240x128xf32, #tpu.memory_space<vmem_shared>>
    tpu.wait_indirect_dma semaphore(%arg26 : memref<!tpu.dma_semaphore, #tpu.memory_space<semaphore_mem>>) src(%arg12 : memref<80x128xf32, #tpu.memory_space<vmem>>) dst(%dma_wait3A_789 : memref<10240x128xf32, #tpu.memory_space<vmem_shared>>)
    %dma_wait3A_790 = arith.constant 4 : i32
    %dma_wait3A_791 = arith.constant 0 : i32
    %dma_wait3A_792 = tpu.memref_slice %arg10[%dma_wait3A_790, %dma_wait3A_791] : memref<6x80xi32, #tpu.memory_space<vmem>> -> memref<1x80xi32, #tpu.memory_space<vmem>>
    %dma_wait3A_793 = tpu.memref_squeeze %dma_wait3A_792 : memref<1x80xi32, #tpu.memory_space<vmem>> -> memref<80xi32, #tpu.memory_space<vmem>>
    %dma_wait3A_794 = arith.constant 0 : i32
    %dma_wait3A_795 = tpu.memref_slice %arg8[%dma_wait3A_794] : memref<10240xf32, #tpu.memory_space<vmem_shared>> -> memref<10240xf32, #tpu.memory_space<vmem_shared>>
    tpu.wait_indirect_dma semaphore(%arg26 : memref<!tpu.dma_semaphore, #tpu.memory_space<semaphore_mem>>) src(%arg14 : memref<80xf32, #tpu.memory_space<vmem>>) dst(%dma_wait3A_795 : memref<10240xf32, #tpu.memory_space<vmem_shared>>)
    %dma_start3A_796 = arith.constant 1 : i32
    %dma_start3A_797 = arith.constant 0 : i32
    %dma_start3A_798 = tpu.memref_slice %arg9[%dma_start3A_796, %dma_start3A_797] : memref<6x80xi32, #tpu.memory_space<vmem>> -> memref<1x80xi32, #tpu.memory_space<vmem>>
    %dma_start3A_799 = tpu.memref_squeeze %dma_start3A_798 : memref<1x80xi32, #tpu.memory_space<vmem>> -> memref<80xi32, #tpu.memory_space<vmem>>
    %dma_start3A_800 = arith.constant 0 : i32
    %dma_start3A_801 = arith.constant 0 : i32
    %dma_start3A_802 = tpu.memref_slice %arg2[%dma_start3A_800, %dma_start3A_801] : memref<10000x128xf32, #tpu.memory_space<hbm>> -> memref<10000x128xf32, #tpu.memory_space<hbm>>
    tpu.enqueue_indirect_dma source(%dma_start3A_802 : memref<10000x128xf32, #tpu.memory_space<hbm>>) target(%arg12 : memref<80x128xf32, #tpu.memory_space<vmem>>) offsets(%dma_start3A_799 : memref<80xi32, #tpu.memory_space<vmem>>) semaphore(%arg17 : memref<!tpu.dma_semaphore, #tpu.memory_space<semaphore_mem>>)
    %dma_wait3A_803 = arith.constant 5 : i32
    %dma_wait3A_804 = arith.constant 0 : i32
    %dma_wait3A_805 = tpu.memref_slice %arg9[%dma_wait3A_803, %dma_wait3A_804] : memref<6x80xi32, #tpu.memory_space<vmem>> -> memref<1x80xi32, #tpu.memory_space<vmem>>
    %dma_wait3A_806 = tpu.memref_squeeze %dma_wait3A_805 : memref<1x80xi32, #tpu.memory_space<vmem>> -> memref<80xi32, #tpu.memory_space<vmem>>
    %dma_wait3A_807 = arith.constant 0 : i32
    %dma_wait3A_808 = arith.constant 0 : i32
    %dma_wait3A_809 = tpu.memref_slice %arg2[%dma_wait3A_807, %dma_wait3A_808] : memref<10000x128xf32, #tpu.memory_space<hbm>> -> memref<10000x128xf32, #tpu.memory_space<hbm>>
    tpu.wait_indirect_dma semaphore(%arg18 : memref<!tpu.dma_semaphore, #tpu.memory_space<semaphore_mem>>) src(%dma_wait3A_809 : memref<10000x128xf32, #tpu.memory_space<hbm>>) dst(%arg13 : memref<80x128xf32, #tpu.memory_space<vmem>>)
    %dma_start3A_810 = arith.constant 5 : i32
    %dma_start3A_811 = arith.constant 0 : i32
    %dma_start3A_812 = tpu.memref_slice %arg10[%dma_start3A_810, %dma_start3A_811] : memref<6x80xi32, #tpu.memory_space<vmem>> -> memref<1x80xi32, #tpu.memory_space<vmem>>
    %dma_start3A_813 = tpu.memref_squeeze %dma_start3A_812 : memref<1x80xi32, #tpu.memory_space<vmem>> -> memref<80xi32, #tpu.memory_space<vmem>>
    %dma_start3A_814 = arith.constant 0 : i32
    %dma_start3A_815 = arith.constant 0 : i32
    %dma_start3A_816 = tpu.memref_slice %arg7[%dma_start3A_814, %dma_start3A_815] : memref<10240x128xf32, #tpu.memory_space<vmem_shared>> -> memref<10240x128xf32, #tpu.memory_space<vmem_shared>>
    tpu.enqueue_indirect_dma source(%arg13 : memref<80x128xf32, #tpu.memory_space<vmem>>) target(%dma_start3A_816 : memref<10240x128xf32, #tpu.memory_space<vmem_shared>>) offsets(%dma_start3A_813 : memref<80xi32, #tpu.memory_space<vmem>>) semaphore(%arg27 : memref<!tpu.dma_semaphore, #tpu.memory_space<semaphore_mem>>) {add = true}
    %dma_start3A_817 = arith.constant 5 : i32
    %dma_start3A_818 = arith.constant 0 : i32
    %dma_start3A_819 = tpu.memref_slice %arg10[%dma_start3A_817, %dma_start3A_818] : memref<6x80xi32, #tpu.memory_space<vmem>> -> memref<1x80xi32, #tpu.memory_space<vmem>>
    %dma_start3A_820 = tpu.memref_squeeze %dma_start3A_819 : memref<1x80xi32, #tpu.memory_space<vmem>> -> memref<80xi32, #tpu.memory_space<vmem>>
    %dma_start3A_821 = arith.constant 0 : i32
    %dma_start3A_822 = tpu.memref_slice %arg8[%dma_start3A_821] : memref<10240xf32, #tpu.memory_space<vmem_shared>> -> memref<10240xf32, #tpu.memory_space<vmem_shared>>
    tpu.enqueue_indirect_dma source(%arg14 : memref<80xf32, #tpu.memory_space<vmem>>) target(%dma_start3A_822 : memref<10240xf32, #tpu.memory_space<vmem_shared>>) offsets(%dma_start3A_820 : memref<80xi32, #tpu.memory_space<vmem>>) semaphore(%arg27 : memref<!tpu.dma_semaphore, #tpu.memory_space<semaphore_mem>>) {add = true}
    %add3A_823 = arith.constant 9840 : i32
    %add3A_824 = arith.addi %mul3A_222, %add3A_823 : i32
    %dma_start3A_825 = arith.constant 3 : i32
    %dma_start3A_826 = arith.constant 0 : i32
    %dma_start3A_827 = tpu.memref_slice %arg9[%dma_start3A_825, %dma_start3A_826] : memref<6x80xi32, #tpu.memory_space<vmem>> -> memref<1x80xi32, #tpu.memory_space<vmem>>
    %dma_start3A_828 = tpu.memref_squeeze %dma_start3A_827 : memref<1x80xi32, #tpu.memory_space<vmem>> -> memref<80xi32, #tpu.memory_space<vmem>>
    %dma_start3A_829 = tpu.memref_slice %arg3[%add3A_824] : memref<320000xi32, #tpu.memory_space<hbm>> -> memref<80xi32, #tpu.memory_space<hbm>>
    %dma_start3A_830 = arith.constant 0 : i32
    %dma_start3A_831 = tpu.memref_slice %arg9[%dma_start3A_825, %dma_start3A_830] : memref<6x80xi32, #tpu.memory_space<vmem>> -> memref<1x80xi32, #tpu.memory_space<vmem>>
    %dma_start3A_832 = tpu.memref_squeeze %dma_start3A_831 : memref<1x80xi32, #tpu.memory_space<vmem>> -> memref<80xi32, #tpu.memory_space<vmem>>
    %dma_start3A_833 = tpu.memref_slice %arg3[%add3A_824] : memref<320000xi32, #tpu.memory_space<hbm>> -> memref<80xi32, #tpu.memory_space<hbm>>
    tpu.enqueue_dma source(%dma_start3A_833 : memref<80xi32, #tpu.memory_space<hbm>>) target(%dma_start3A_832 : memref<80xi32, #tpu.memory_space<vmem>>) target_semaphore(%arg22 : memref<!tpu.dma_semaphore, #tpu.memory_space<semaphore_mem>>)
    %dma_start3A_834 = arith.constant 3 : i32
    %dma_start3A_835 = arith.constant 0 : i32
    %dma_start3A_836 = tpu.memref_slice %arg10[%dma_start3A_834, %dma_start3A_835] : memref<6x80xi32, #tpu.memory_space<vmem>> -> memref<1x80xi32, #tpu.memory_space<vmem>>
    %dma_start3A_837 = tpu.memref_squeeze %dma_start3A_836 : memref<1x80xi32, #tpu.memory_space<vmem>> -> memref<80xi32, #tpu.memory_space<vmem>>
    %dma_start3A_838 = tpu.memref_slice %arg4[%add3A_824] : memref<320000xi32, #tpu.memory_space<hbm>> -> memref<80xi32, #tpu.memory_space<hbm>>
    %dma_start3A_839 = arith.constant 0 : i32
    %dma_start3A_840 = tpu.memref_slice %arg10[%dma_start3A_834, %dma_start3A_839] : memref<6x80xi32, #tpu.memory_space<vmem>> -> memref<1x80xi32, #tpu.memory_space<vmem>>
    %dma_start3A_841 = tpu.memref_squeeze %dma_start3A_840 : memref<1x80xi32, #tpu.memory_space<vmem>> -> memref<80xi32, #tpu.memory_space<vmem>>
    %dma_start3A_842 = tpu.memref_slice %arg4[%add3A_824] : memref<320000xi32, #tpu.memory_space<hbm>> -> memref<80xi32, #tpu.memory_space<hbm>>
    tpu.enqueue_dma source(%dma_start3A_842 : memref<80xi32, #tpu.memory_space<hbm>>) target(%dma_start3A_841 : memref<80xi32, #tpu.memory_space<vmem>>) target_semaphore(%arg22 : memref<!tpu.dma_semaphore, #tpu.memory_space<semaphore_mem>>)
    %dma_wait3A_843 = arith.constant 2 : i32
    %dma_wait3A_844 = arith.constant 0 : i32
    %dma_wait3A_845 = tpu.memref_slice %arg9[%dma_wait3A_843, %dma_wait3A_844] : memref<6x80xi32, #tpu.memory_space<vmem>> -> memref<1x80xi32, #tpu.memory_space<vmem>>
    %dma_wait3A_846 = tpu.memref_squeeze %dma_wait3A_845 : memref<1x80xi32, #tpu.memory_space<vmem>> -> memref<80xi32, #tpu.memory_space<vmem>>
    %dma_wait3A_847 = arith.constant 0 : i32
    %dma_wait3A_848 = tpu.memref_slice %arg3[%dma_wait3A_847] : memref<320000xi32, #tpu.memory_space<hbm>> -> memref<80xi32, #tpu.memory_space<hbm>>
    %dma_wait3A_849 = arith.constant 0 : i32
    %dma_wait3A_850 = tpu.memref_slice %arg9[%dma_wait3A_843, %dma_wait3A_849] : memref<6x80xi32, #tpu.memory_space<vmem>> -> memref<1x80xi32, #tpu.memory_space<vmem>>
    %dma_wait3A_851 = tpu.memref_squeeze %dma_wait3A_850 : memref<1x80xi32, #tpu.memory_space<vmem>> -> memref<80xi32, #tpu.memory_space<vmem>>
    %dma_wait3A_852 = arith.constant 0 : i32
    %dma_wait3A_853 = tpu.memref_slice %arg3[%dma_wait3A_852] : memref<320000xi32, #tpu.memory_space<hbm>> -> memref<80xi32, #tpu.memory_space<hbm>>
    tpu.wait_dma2 semaphore(%arg21 : memref<!tpu.dma_semaphore, #tpu.memory_space<semaphore_mem>>) src(%dma_wait3A_853 : memref<80xi32, #tpu.memory_space<hbm>>) dst(%dma_wait3A_851 : memref<80xi32, #tpu.memory_space<vmem>>)
    %dma_wait3A_854 = arith.constant 2 : i32
    %dma_wait3A_855 = arith.constant 0 : i32
    %dma_wait3A_856 = tpu.memref_slice %arg10[%dma_wait3A_854, %dma_wait3A_855] : memref<6x80xi32, #tpu.memory_space<vmem>> -> memref<1x80xi32, #tpu.memory_space<vmem>>
    %dma_wait3A_857 = tpu.memref_squeeze %dma_wait3A_856 : memref<1x80xi32, #tpu.memory_space<vmem>> -> memref<80xi32, #tpu.memory_space<vmem>>
    %dma_wait3A_858 = arith.constant 0 : i32
    %dma_wait3A_859 = tpu.memref_slice %arg4[%dma_wait3A_858] : memref<320000xi32, #tpu.memory_space<hbm>> -> memref<80xi32, #tpu.memory_space<hbm>>
    %dma_wait3A_860 = arith.constant 0 : i32
    %dma_wait3A_861 = tpu.memref_slice %arg10[%dma_wait3A_854, %dma_wait3A_860] : memref<6x80xi32, #tpu.memory_space<vmem>> -> memref<1x80xi32, #tpu.memory_space<vmem>>
    %dma_wait3A_862 = tpu.memref_squeeze %dma_wait3A_861 : memref<1x80xi32, #tpu.memory_space<vmem>> -> memref<80xi32, #tpu.memory_space<vmem>>
    %dma_wait3A_863 = arith.constant 0 : i32
    %dma_wait3A_864 = tpu.memref_slice %arg4[%dma_wait3A_863] : memref<320000xi32, #tpu.memory_space<hbm>> -> memref<80xi32, #tpu.memory_space<hbm>>
    tpu.wait_dma2 semaphore(%arg21 : memref<!tpu.dma_semaphore, #tpu.memory_space<semaphore_mem>>) src(%dma_wait3A_864 : memref<80xi32, #tpu.memory_space<hbm>>) dst(%dma_wait3A_862 : memref<80xi32, #tpu.memory_space<vmem>>)
    %dma_wait3A_865 = arith.constant 5 : i32
    %dma_wait3A_866 = arith.constant 0 : i32
    %dma_wait3A_867 = tpu.memref_slice %arg10[%dma_wait3A_865, %dma_wait3A_866] : memref<6x80xi32, #tpu.memory_space<vmem>> -> memref<1x80xi32, #tpu.memory_space<vmem>>
    %dma_wait3A_868 = tpu.memref_squeeze %dma_wait3A_867 : memref<1x80xi32, #tpu.memory_space<vmem>> -> memref<80xi32, #tpu.memory_space<vmem>>
    %dma_wait3A_869 = arith.constant 0 : i32
    %dma_wait3A_870 = arith.constant 0 : i32
    %dma_wait3A_871 = tpu.memref_slice %arg7[%dma_wait3A_869, %dma_wait3A_870] : memref<10240x128xf32, #tpu.memory_space<vmem_shared>> -> memref<10240x128xf32, #tpu.memory_space<vmem_shared>>
    tpu.wait_indirect_dma semaphore(%arg27 : memref<!tpu.dma_semaphore, #tpu.memory_space<semaphore_mem>>) src(%arg13 : memref<80x128xf32, #tpu.memory_space<vmem>>) dst(%dma_wait3A_871 : memref<10240x128xf32, #tpu.memory_space<vmem_shared>>)
    %dma_wait3A_872 = arith.constant 5 : i32
    %dma_wait3A_873 = arith.constant 0 : i32
    %dma_wait3A_874 = tpu.memref_slice %arg10[%dma_wait3A_872, %dma_wait3A_873] : memref<6x80xi32, #tpu.memory_space<vmem>> -> memref<1x80xi32, #tpu.memory_space<vmem>>
    %dma_wait3A_875 = tpu.memref_squeeze %dma_wait3A_874 : memref<1x80xi32, #tpu.memory_space<vmem>> -> memref<80xi32, #tpu.memory_space<vmem>>
    %dma_wait3A_876 = arith.constant 0 : i32
    %dma_wait3A_877 = tpu.memref_slice %arg8[%dma_wait3A_876] : memref<10240xf32, #tpu.memory_space<vmem_shared>> -> memref<10240xf32, #tpu.memory_space<vmem_shared>>
    tpu.wait_indirect_dma semaphore(%arg27 : memref<!tpu.dma_semaphore, #tpu.memory_space<semaphore_mem>>) src(%arg14 : memref<80xf32, #tpu.memory_space<vmem>>) dst(%dma_wait3A_877 : memref<10240xf32, #tpu.memory_space<vmem_shared>>)
    %dma_start3A_878 = arith.constant 2 : i32
    %dma_start3A_879 = arith.constant 0 : i32
    %dma_start3A_880 = tpu.memref_slice %arg9[%dma_start3A_878, %dma_start3A_879] : memref<6x80xi32, #tpu.memory_space<vmem>> -> memref<1x80xi32, #tpu.memory_space<vmem>>
    %dma_start3A_881 = tpu.memref_squeeze %dma_start3A_880 : memref<1x80xi32, #tpu.memory_space<vmem>> -> memref<80xi32, #tpu.memory_space<vmem>>
    %dma_start3A_882 = arith.constant 0 : i32
    %dma_start3A_883 = arith.constant 0 : i32
    %dma_start3A_884 = tpu.memref_slice %arg2[%dma_start3A_882, %dma_start3A_883] : memref<10000x128xf32, #tpu.memory_space<hbm>> -> memref<10000x128xf32, #tpu.memory_space<hbm>>
    tpu.enqueue_indirect_dma source(%dma_start3A_884 : memref<10000x128xf32, #tpu.memory_space<hbm>>) target(%arg13 : memref<80x128xf32, #tpu.memory_space<vmem>>) offsets(%dma_start3A_881 : memref<80xi32, #tpu.memory_space<vmem>>) semaphore(%arg18 : memref<!tpu.dma_semaphore, #tpu.memory_space<semaphore_mem>>)
    %dma_wait3A_885 = arith.constant 0 : i32
    %dma_wait3A_886 = arith.constant 0 : i32
    %dma_wait3A_887 = tpu.memref_slice %arg9[%dma_wait3A_885, %dma_wait3A_886] : memref<6x80xi32, #tpu.memory_space<vmem>> -> memref<1x80xi32, #tpu.memory_space<vmem>>
    %dma_wait3A_888 = tpu.memref_squeeze %dma_wait3A_887 : memref<1x80xi32, #tpu.memory_space<vmem>> -> memref<80xi32, #tpu.memory_space<vmem>>
    %dma_wait3A_889 = arith.constant 0 : i32
    %dma_wait3A_890 = arith.constant 0 : i32
    %dma_wait3A_891 = tpu.memref_slice %arg2[%dma_wait3A_889, %dma_wait3A_890] : memref<10000x128xf32, #tpu.memory_space<hbm>> -> memref<10000x128xf32, #tpu.memory_space<hbm>>
    tpu.wait_indirect_dma semaphore(%arg16 : memref<!tpu.dma_semaphore, #tpu.memory_space<semaphore_mem>>) src(%dma_wait3A_891 : memref<10000x128xf32, #tpu.memory_space<hbm>>) dst(%arg11 : memref<80x128xf32, #tpu.memory_space<vmem>>)
    %dma_start3A_892 = arith.constant 0 : i32
    %dma_start3A_893 = arith.constant 0 : i32
    %dma_start3A_894 = tpu.memref_slice %arg10[%dma_start3A_892, %dma_start3A_893] : memref<6x80xi32, #tpu.memory_space<vmem>> -> memref<1x80xi32, #tpu.memory_space<vmem>>
    %dma_start3A_895 = tpu.memref_squeeze %dma_start3A_894 : memref<1x80xi32, #tpu.memory_space<vmem>> -> memref<80xi32, #tpu.memory_space<vmem>>
    %dma_start3A_896 = arith.constant 0 : i32
    %dma_start3A_897 = arith.constant 0 : i32
    %dma_start3A_898 = tpu.memref_slice %arg7[%dma_start3A_896, %dma_start3A_897] : memref<10240x128xf32, #tpu.memory_space<vmem_shared>> -> memref<10240x128xf32, #tpu.memory_space<vmem_shared>>
    tpu.enqueue_indirect_dma source(%arg11 : memref<80x128xf32, #tpu.memory_space<vmem>>) target(%dma_start3A_898 : memref<10240x128xf32, #tpu.memory_space<vmem_shared>>) offsets(%dma_start3A_895 : memref<80xi32, #tpu.memory_space<vmem>>) semaphore(%arg25 : memref<!tpu.dma_semaphore, #tpu.memory_space<semaphore_mem>>) {add = true}
    %dma_start3A_899 = arith.constant 0 : i32
    %dma_start3A_900 = arith.constant 0 : i32
    %dma_start3A_901 = tpu.memref_slice %arg10[%dma_start3A_899, %dma_start3A_900] : memref<6x80xi32, #tpu.memory_space<vmem>> -> memref<1x80xi32, #tpu.memory_space<vmem>>
    %dma_start3A_902 = tpu.memref_squeeze %dma_start3A_901 : memref<1x80xi32, #tpu.memory_space<vmem>> -> memref<80xi32, #tpu.memory_space<vmem>>
    %dma_start3A_903 = arith.constant 0 : i32
    %dma_start3A_904 = tpu.memref_slice %arg8[%dma_start3A_903] : memref<10240xf32, #tpu.memory_space<vmem_shared>> -> memref<10240xf32, #tpu.memory_space<vmem_shared>>
    tpu.enqueue_indirect_dma source(%arg14 : memref<80xf32, #tpu.memory_space<vmem>>) target(%dma_start3A_904 : memref<10240xf32, #tpu.memory_space<vmem_shared>>) offsets(%dma_start3A_902 : memref<80xi32, #tpu.memory_space<vmem>>) semaphore(%arg25 : memref<!tpu.dma_semaphore, #tpu.memory_space<semaphore_mem>>) {add = true}
    %add3A_905 = arith.constant 9920 : i32
    %add3A_906 = arith.addi %mul3A_222, %add3A_905 : i32
    %dma_start3A_907 = arith.constant 4 : i32
    %dma_start3A_908 = arith.constant 0 : i32
    %dma_start3A_909 = tpu.memref_slice %arg9[%dma_start3A_907, %dma_start3A_908] : memref<6x80xi32, #tpu.memory_space<vmem>> -> memref<1x80xi32, #tpu.memory_space<vmem>>
    %dma_start3A_910 = tpu.memref_squeeze %dma_start3A_909 : memref<1x80xi32, #tpu.memory_space<vmem>> -> memref<80xi32, #tpu.memory_space<vmem>>
    %dma_start3A_911 = tpu.memref_slice %arg3[%add3A_906] : memref<320000xi32, #tpu.memory_space<hbm>> -> memref<80xi32, #tpu.memory_space<hbm>>
    %dma_start3A_912 = arith.constant 0 : i32
    %dma_start3A_913 = tpu.memref_slice %arg9[%dma_start3A_907, %dma_start3A_912] : memref<6x80xi32, #tpu.memory_space<vmem>> -> memref<1x80xi32, #tpu.memory_space<vmem>>
    %dma_start3A_914 = tpu.memref_squeeze %dma_start3A_913 : memref<1x80xi32, #tpu.memory_space<vmem>> -> memref<80xi32, #tpu.memory_space<vmem>>
    %dma_start3A_915 = tpu.memref_slice %arg3[%add3A_906] : memref<320000xi32, #tpu.memory_space<hbm>> -> memref<80xi32, #tpu.memory_space<hbm>>
    tpu.enqueue_dma source(%dma_start3A_915 : memref<80xi32, #tpu.memory_space<hbm>>) target(%dma_start3A_914 : memref<80xi32, #tpu.memory_space<vmem>>) target_semaphore(%arg23 : memref<!tpu.dma_semaphore, #tpu.memory_space<semaphore_mem>>)
    %dma_start3A_916 = arith.constant 4 : i32
    %dma_start3A_917 = arith.constant 0 : i32
    %dma_start3A_918 = tpu.memref_slice %arg10[%dma_start3A_916, %dma_start3A_917] : memref<6x80xi32, #tpu.memory_space<vmem>> -> memref<1x80xi32, #tpu.memory_space<vmem>>
    %dma_start3A_919 = tpu.memref_squeeze %dma_start3A_918 : memref<1x80xi32, #tpu.memory_space<vmem>> -> memref<80xi32, #tpu.memory_space<vmem>>
    %dma_start3A_920 = tpu.memref_slice %arg4[%add3A_906] : memref<320000xi32, #tpu.memory_space<hbm>> -> memref<80xi32, #tpu.memory_space<hbm>>
    %dma_start3A_921 = arith.constant 0 : i32
    %dma_start3A_922 = tpu.memref_slice %arg10[%dma_start3A_916, %dma_start3A_921] : memref<6x80xi32, #tpu.memory_space<vmem>> -> memref<1x80xi32, #tpu.memory_space<vmem>>
    %dma_start3A_923 = tpu.memref_squeeze %dma_start3A_922 : memref<1x80xi32, #tpu.memory_space<vmem>> -> memref<80xi32, #tpu.memory_space<vmem>>
    %dma_start3A_924 = tpu.memref_slice %arg4[%add3A_906] : memref<320000xi32, #tpu.memory_space<hbm>> -> memref<80xi32, #tpu.memory_space<hbm>>
    tpu.enqueue_dma source(%dma_start3A_924 : memref<80xi32, #tpu.memory_space<hbm>>) target(%dma_start3A_923 : memref<80xi32, #tpu.memory_space<vmem>>) target_semaphore(%arg23 : memref<!tpu.dma_semaphore, #tpu.memory_space<semaphore_mem>>)
    %dma_wait3A_925 = arith.constant 3 : i32
    %dma_wait3A_926 = arith.constant 0 : i32
    %dma_wait3A_927 = tpu.memref_slice %arg9[%dma_wait3A_925, %dma_wait3A_926] : memref<6x80xi32, #tpu.memory_space<vmem>> -> memref<1x80xi32, #tpu.memory_space<vmem>>
    %dma_wait3A_928 = tpu.memref_squeeze %dma_wait3A_927 : memref<1x80xi32, #tpu.memory_space<vmem>> -> memref<80xi32, #tpu.memory_space<vmem>>
    %dma_wait3A_929 = arith.constant 0 : i32
    %dma_wait3A_930 = tpu.memref_slice %arg3[%dma_wait3A_929] : memref<320000xi32, #tpu.memory_space<hbm>> -> memref<80xi32, #tpu.memory_space<hbm>>
    %dma_wait3A_931 = arith.constant 0 : i32
    %dma_wait3A_932 = tpu.memref_slice %arg9[%dma_wait3A_925, %dma_wait3A_931] : memref<6x80xi32, #tpu.memory_space<vmem>> -> memref<1x80xi32, #tpu.memory_space<vmem>>
    %dma_wait3A_933 = tpu.memref_squeeze %dma_wait3A_932 : memref<1x80xi32, #tpu.memory_space<vmem>> -> memref<80xi32, #tpu.memory_space<vmem>>
    %dma_wait3A_934 = arith.constant 0 : i32
    %dma_wait3A_935 = tpu.memref_slice %arg3[%dma_wait3A_934] : memref<320000xi32, #tpu.memory_space<hbm>> -> memref<80xi32, #tpu.memory_space<hbm>>
    tpu.wait_dma2 semaphore(%arg22 : memref<!tpu.dma_semaphore, #tpu.memory_space<semaphore_mem>>) src(%dma_wait3A_935 : memref<80xi32, #tpu.memory_space<hbm>>) dst(%dma_wait3A_933 : memref<80xi32, #tpu.memory_space<vmem>>)
    %dma_wait3A_936 = arith.constant 3 : i32
    %dma_wait3A_937 = arith.constant 0 : i32
    %dma_wait3A_938 = tpu.memref_slice %arg10[%dma_wait3A_936, %dma_wait3A_937] : memref<6x80xi32, #tpu.memory_space<vmem>> -> memref<1x80xi32, #tpu.memory_space<vmem>>
    %dma_wait3A_939 = tpu.memref_squeeze %dma_wait3A_938 : memref<1x80xi32, #tpu.memory_space<vmem>> -> memref<80xi32, #tpu.memory_space<vmem>>
    %dma_wait3A_940 = arith.constant 0 : i32
    %dma_wait3A_941 = tpu.memref_slice %arg4[%dma_wait3A_940] : memref<320000xi32, #tpu.memory_space<hbm>> -> memref<80xi32, #tpu.memory_space<hbm>>
    %dma_wait3A_942 = arith.constant 0 : i32
    %dma_wait3A_943 = tpu.memref_slice %arg10[%dma_wait3A_936, %dma_wait3A_942] : memref<6x80xi32, #tpu.memory_space<vmem>> -> memref<1x80xi32, #tpu.memory_space<vmem>>
    %dma_wait3A_944 = tpu.memref_squeeze %dma_wait3A_943 : memref<1x80xi32, #tpu.memory_space<vmem>> -> memref<80xi32, #tpu.memory_space<vmem>>
    %dma_wait3A_945 = arith.constant 0 : i32
    %dma_wait3A_946 = tpu.memref_slice %arg4[%dma_wait3A_945] : memref<320000xi32, #tpu.memory_space<hbm>> -> memref<80xi32, #tpu.memory_space<hbm>>
    tpu.wait_dma2 semaphore(%arg22 : memref<!tpu.dma_semaphore, #tpu.memory_space<semaphore_mem>>) src(%dma_wait3A_946 : memref<80xi32, #tpu.memory_space<hbm>>) dst(%dma_wait3A_944 : memref<80xi32, #tpu.memory_space<vmem>>)
    %dma_wait3A_947 = arith.constant 0 : i32
    %dma_wait3A_948 = arith.constant 0 : i32
    %dma_wait3A_949 = tpu.memref_slice %arg10[%dma_wait3A_947, %dma_wait3A_948] : memref<6x80xi32, #tpu.memory_space<vmem>> -> memref<1x80xi32, #tpu.memory_space<vmem>>
    %dma_wait3A_950 = tpu.memref_squeeze %dma_wait3A_949 : memref<1x80xi32, #tpu.memory_space<vmem>> -> memref<80xi32, #tpu.memory_space<vmem>>
    %dma_wait3A_951 = arith.constant 0 : i32
    %dma_wait3A_952 = arith.constant 0 : i32
    %dma_wait3A_953 = tpu.memref_slice %arg7[%dma_wait3A_951, %dma_wait3A_952] : memref<10240x128xf32, #tpu.memory_space<vmem_shared>> -> memref<10240x128xf32, #tpu.memory_space<vmem_shared>>
    tpu.wait_indirect_dma semaphore(%arg25 : memref<!tpu.dma_semaphore, #tpu.memory_space<semaphore_mem>>) src(%arg11 : memref<80x128xf32, #tpu.memory_space<vmem>>) dst(%dma_wait3A_953 : memref<10240x128xf32, #tpu.memory_space<vmem_shared>>)
    %dma_wait3A_954 = arith.constant 0 : i32
    %dma_wait3A_955 = arith.constant 0 : i32
    %dma_wait3A_956 = tpu.memref_slice %arg10[%dma_wait3A_954, %dma_wait3A_955] : memref<6x80xi32, #tpu.memory_space<vmem>> -> memref<1x80xi32, #tpu.memory_space<vmem>>
    %dma_wait3A_957 = tpu.memref_squeeze %dma_wait3A_956 : memref<1x80xi32, #tpu.memory_space<vmem>> -> memref<80xi32, #tpu.memory_space<vmem>>
    %dma_wait3A_958 = arith.constant 0 : i32
    %dma_wait3A_959 = tpu.memref_slice %arg8[%dma_wait3A_958] : memref<10240xf32, #tpu.memory_space<vmem_shared>> -> memref<10240xf32, #tpu.memory_space<vmem_shared>>
    tpu.wait_indirect_dma semaphore(%arg25 : memref<!tpu.dma_semaphore, #tpu.memory_space<semaphore_mem>>) src(%arg14 : memref<80xf32, #tpu.memory_space<vmem>>) dst(%dma_wait3A_959 : memref<10240xf32, #tpu.memory_space<vmem_shared>>)
    %dma_start3A_960 = arith.constant 3 : i32
    %dma_start3A_961 = arith.constant 0 : i32
    %dma_start3A_962 = tpu.memref_slice %arg9[%dma_start3A_960, %dma_start3A_961] : memref<6x80xi32, #tpu.memory_space<vmem>> -> memref<1x80xi32, #tpu.memory_space<vmem>>
    %dma_start3A_963 = tpu.memref_squeeze %dma_start3A_962 : memref<1x80xi32, #tpu.memory_space<vmem>> -> memref<80xi32, #tpu.memory_space<vmem>>
    %dma_start3A_964 = arith.constant 0 : i32
    %dma_start3A_965 = arith.constant 0 : i32
    %dma_start3A_966 = tpu.memref_slice %arg2[%dma_start3A_964, %dma_start3A_965] : memref<10000x128xf32, #tpu.memory_space<hbm>> -> memref<10000x128xf32, #tpu.memory_space<hbm>>
    tpu.enqueue_indirect_dma source(%dma_start3A_966 : memref<10000x128xf32, #tpu.memory_space<hbm>>) target(%arg11 : memref<80x128xf32, #tpu.memory_space<vmem>>) offsets(%dma_start3A_963 : memref<80xi32, #tpu.memory_space<vmem>>) semaphore(%arg16 : memref<!tpu.dma_semaphore, #tpu.memory_space<semaphore_mem>>)
    %dma_wait3A_967 = arith.constant 1 : i32
    %dma_wait3A_968 = arith.constant 0 : i32
    %dma_wait3A_969 = tpu.memref_slice %arg9[%dma_wait3A_967, %dma_wait3A_968] : memref<6x80xi32, #tpu.memory_space<vmem>> -> memref<1x80xi32, #tpu.memory_space<vmem>>
    %dma_wait3A_970 = tpu.memref_squeeze %dma_wait3A_969 : memref<1x80xi32, #tpu.memory_space<vmem>> -> memref<80xi32, #tpu.memory_space<vmem>>
    %dma_wait3A_971 = arith.constant 0 : i32
    %dma_wait3A_972 = arith.constant 0 : i32
    %dma_wait3A_973 = tpu.memref_slice %arg2[%dma_wait3A_971, %dma_wait3A_972] : memref<10000x128xf32, #tpu.memory_space<hbm>> -> memref<10000x128xf32, #tpu.memory_space<hbm>>
    tpu.wait_indirect_dma semaphore(%arg17 : memref<!tpu.dma_semaphore, #tpu.memory_space<semaphore_mem>>) src(%dma_wait3A_973 : memref<10000x128xf32, #tpu.memory_space<hbm>>) dst(%arg12 : memref<80x128xf32, #tpu.memory_space<vmem>>)
    %dma_start3A_974 = arith.constant 1 : i32
    %dma_start3A_975 = arith.constant 0 : i32
    %dma_start3A_976 = tpu.memref_slice %arg10[%dma_start3A_974, %dma_start3A_975] : memref<6x80xi32, #tpu.memory_space<vmem>> -> memref<1x80xi32, #tpu.memory_space<vmem>>
    %dma_start3A_977 = tpu.memref_squeeze %dma_start3A_976 : memref<1x80xi32, #tpu.memory_space<vmem>> -> memref<80xi32, #tpu.memory_space<vmem>>
    %dma_start3A_978 = arith.constant 0 : i32
    %dma_start3A_979 = arith.constant 0 : i32
    %dma_start3A_980 = tpu.memref_slice %arg7[%dma_start3A_978, %dma_start3A_979] : memref<10240x128xf32, #tpu.memory_space<vmem_shared>> -> memref<10240x128xf32, #tpu.memory_space<vmem_shared>>
    tpu.enqueue_indirect_dma source(%arg12 : memref<80x128xf32, #tpu.memory_space<vmem>>) target(%dma_start3A_980 : memref<10240x128xf32, #tpu.memory_space<vmem_shared>>) offsets(%dma_start3A_977 : memref<80xi32, #tpu.memory_space<vmem>>) semaphore(%arg26 : memref<!tpu.dma_semaphore, #tpu.memory_space<semaphore_mem>>) {add = true}
    %dma_start3A_981 = arith.constant 1 : i32
    %dma_start3A_982 = arith.constant 0 : i32
    %dma_start3A_983 = tpu.memref_slice %arg10[%dma_start3A_981, %dma_start3A_982] : memref<6x80xi32, #tpu.memory_space<vmem>> -> memref<1x80xi32, #tpu.memory_space<vmem>>
    %dma_start3A_984 = tpu.memref_squeeze %dma_start3A_983 : memref<1x80xi32, #tpu.memory_space<vmem>> -> memref<80xi32, #tpu.memory_space<vmem>>
    %dma_start3A_985 = arith.constant 0 : i32
    %dma_start3A_986 = tpu.memref_slice %arg8[%dma_start3A_985] : memref<10240xf32, #tpu.memory_space<vmem_shared>> -> memref<10240xf32, #tpu.memory_space<vmem_shared>>
    tpu.enqueue_indirect_dma source(%arg14 : memref<80xf32, #tpu.memory_space<vmem>>) target(%dma_start3A_986 : memref<10240xf32, #tpu.memory_space<vmem_shared>>) offsets(%dma_start3A_984 : memref<80xi32, #tpu.memory_space<vmem>>) semaphore(%arg26 : memref<!tpu.dma_semaphore, #tpu.memory_space<semaphore_mem>>) {add = true}
    %dma_wait3A_987 = arith.constant 4 : i32
    %dma_wait3A_988 = arith.constant 0 : i32
    %dma_wait3A_989 = tpu.memref_slice %arg9[%dma_wait3A_987, %dma_wait3A_988] : memref<6x80xi32, #tpu.memory_space<vmem>> -> memref<1x80xi32, #tpu.memory_space<vmem>>
    %dma_wait3A_990 = tpu.memref_squeeze %dma_wait3A_989 : memref<1x80xi32, #tpu.memory_space<vmem>> -> memref<80xi32, #tpu.memory_space<vmem>>
    %dma_wait3A_991 = arith.constant 0 : i32
    %dma_wait3A_992 = tpu.memref_slice %arg3[%dma_wait3A_991] : memref<320000xi32, #tpu.memory_space<hbm>> -> memref<80xi32, #tpu.memory_space<hbm>>
    %dma_wait3A_993 = arith.constant 0 : i32
    %dma_wait3A_994 = tpu.memref_slice %arg9[%dma_wait3A_987, %dma_wait3A_993] : memref<6x80xi32, #tpu.memory_space<vmem>> -> memref<1x80xi32, #tpu.memory_space<vmem>>
    %dma_wait3A_995 = tpu.memref_squeeze %dma_wait3A_994 : memref<1x80xi32, #tpu.memory_space<vmem>> -> memref<80xi32, #tpu.memory_space<vmem>>
    %dma_wait3A_996 = arith.constant 0 : i32
    %dma_wait3A_997 = tpu.memref_slice %arg3[%dma_wait3A_996] : memref<320000xi32, #tpu.memory_space<hbm>> -> memref<80xi32, #tpu.memory_space<hbm>>
    tpu.wait_dma2 semaphore(%arg23 : memref<!tpu.dma_semaphore, #tpu.memory_space<semaphore_mem>>) src(%dma_wait3A_997 : memref<80xi32, #tpu.memory_space<hbm>>) dst(%dma_wait3A_995 : memref<80xi32, #tpu.memory_space<vmem>>)
    %dma_wait3A_998 = arith.constant 4 : i32
    %dma_wait3A_999 = arith.constant 0 : i32
    %dma_wait3A_1000 = tpu.memref_slice %arg10[%dma_wait3A_998, %dma_wait3A_999] : memref<6x80xi32, #tpu.memory_space<vmem>> -> memref<1x80xi32, #tpu.memory_space<vmem>>
    %dma_wait3A_1001 = tpu.memref_squeeze %dma_wait3A_1000 : memref<1x80xi32, #tpu.memory_space<vmem>> -> memref<80xi32, #tpu.memory_space<vmem>>
    %dma_wait3A_1002 = arith.constant 0 : i32
    %dma_wait3A_1003 = tpu.memref_slice %arg4[%dma_wait3A_1002] : memref<320000xi32, #tpu.memory_space<hbm>> -> memref<80xi32, #tpu.memory_space<hbm>>
    %dma_wait3A_1004 = arith.constant 0 : i32
    %dma_wait3A_1005 = tpu.memref_slice %arg10[%dma_wait3A_998, %dma_wait3A_1004] : memref<6x80xi32, #tpu.memory_space<vmem>> -> memref<1x80xi32, #tpu.memory_space<vmem>>
    %dma_wait3A_1006 = tpu.memref_squeeze %dma_wait3A_1005 : memref<1x80xi32, #tpu.memory_space<vmem>> -> memref<80xi32, #tpu.memory_space<vmem>>
    %dma_wait3A_1007 = arith.constant 0 : i32
    %dma_wait3A_1008 = tpu.memref_slice %arg4[%dma_wait3A_1007] : memref<320000xi32, #tpu.memory_space<hbm>> -> memref<80xi32, #tpu.memory_space<hbm>>
    tpu.wait_dma2 semaphore(%arg23 : memref<!tpu.dma_semaphore, #tpu.memory_space<semaphore_mem>>) src(%dma_wait3A_1008 : memref<80xi32, #tpu.memory_space<hbm>>) dst(%dma_wait3A_1006 : memref<80xi32, #tpu.memory_space<vmem>>)
    %dma_wait3A_1009 = arith.constant 1 : i32
    %dma_wait3A_1010 = arith.constant 0 : i32
    %dma_wait3A_1011 = tpu.memref_slice %arg10[%dma_wait3A_1009, %dma_wait3A_1010] : memref<6x80xi32, #tpu.memory_space<vmem>> -> memref<1x80xi32, #tpu.memory_space<vmem>>
    %dma_wait3A_1012 = tpu.memref_squeeze %dma_wait3A_1011 : memref<1x80xi32, #tpu.memory_space<vmem>> -> memref<80xi32, #tpu.memory_space<vmem>>
    %dma_wait3A_1013 = arith.constant 0 : i32
    %dma_wait3A_1014 = arith.constant 0 : i32
    %dma_wait3A_1015 = tpu.memref_slice %arg7[%dma_wait3A_1013, %dma_wait3A_1014] : memref<10240x128xf32, #tpu.memory_space<vmem_shared>> -> memref<10240x128xf32, #tpu.memory_space<vmem_shared>>
    tpu.wait_indirect_dma semaphore(%arg26 : memref<!tpu.dma_semaphore, #tpu.memory_space<semaphore_mem>>) src(%arg12 : memref<80x128xf32, #tpu.memory_space<vmem>>) dst(%dma_wait3A_1015 : memref<10240x128xf32, #tpu.memory_space<vmem_shared>>)
    %dma_wait3A_1016 = arith.constant 1 : i32
    %dma_wait3A_1017 = arith.constant 0 : i32
    %dma_wait3A_1018 = tpu.memref_slice %arg10[%dma_wait3A_1016, %dma_wait3A_1017] : memref<6x80xi32, #tpu.memory_space<vmem>> -> memref<1x80xi32, #tpu.memory_space<vmem>>
    %dma_wait3A_1019 = tpu.memref_squeeze %dma_wait3A_1018 : memref<1x80xi32, #tpu.memory_space<vmem>> -> memref<80xi32, #tpu.memory_space<vmem>>
    %dma_wait3A_1020 = arith.constant 0 : i32
    %dma_wait3A_1021 = tpu.memref_slice %arg8[%dma_wait3A_1020] : memref<10240xf32, #tpu.memory_space<vmem_shared>> -> memref<10240xf32, #tpu.memory_space<vmem_shared>>
    tpu.wait_indirect_dma semaphore(%arg26 : memref<!tpu.dma_semaphore, #tpu.memory_space<semaphore_mem>>) src(%arg14 : memref<80xf32, #tpu.memory_space<vmem>>) dst(%dma_wait3A_1021 : memref<10240xf32, #tpu.memory_space<vmem_shared>>)
    %dma_start3A_1022 = arith.constant 4 : i32
    %dma_start3A_1023 = arith.constant 0 : i32
    %dma_start3A_1024 = tpu.memref_slice %arg9[%dma_start3A_1022, %dma_start3A_1023] : memref<6x80xi32, #tpu.memory_space<vmem>> -> memref<1x80xi32, #tpu.memory_space<vmem>>
    %dma_start3A_1025 = tpu.memref_squeeze %dma_start3A_1024 : memref<1x80xi32, #tpu.memory_space<vmem>> -> memref<80xi32, #tpu.memory_space<vmem>>
    %dma_start3A_1026 = arith.constant 0 : i32
    %dma_start3A_1027 = arith.constant 0 : i32
    %dma_start3A_1028 = tpu.memref_slice %arg2[%dma_start3A_1026, %dma_start3A_1027] : memref<10000x128xf32, #tpu.memory_space<hbm>> -> memref<10000x128xf32, #tpu.memory_space<hbm>>
    tpu.enqueue_indirect_dma source(%dma_start3A_1028 : memref<10000x128xf32, #tpu.memory_space<hbm>>) target(%arg12 : memref<80x128xf32, #tpu.memory_space<vmem>>) offsets(%dma_start3A_1025 : memref<80xi32, #tpu.memory_space<vmem>>) semaphore(%arg17 : memref<!tpu.dma_semaphore, #tpu.memory_space<semaphore_mem>>)
    %dma_wait3A_1029 = arith.constant 2 : i32
    %dma_wait3A_1030 = arith.constant 0 : i32
    %dma_wait3A_1031 = tpu.memref_slice %arg9[%dma_wait3A_1029, %dma_wait3A_1030] : memref<6x80xi32, #tpu.memory_space<vmem>> -> memref<1x80xi32, #tpu.memory_space<vmem>>
    %dma_wait3A_1032 = tpu.memref_squeeze %dma_wait3A_1031 : memref<1x80xi32, #tpu.memory_space<vmem>> -> memref<80xi32, #tpu.memory_space<vmem>>
    %dma_wait3A_1033 = arith.constant 0 : i32
    %dma_wait3A_1034 = arith.constant 0 : i32
    %dma_wait3A_1035 = tpu.memref_slice %arg2[%dma_wait3A_1033, %dma_wait3A_1034] : memref<10000x128xf32, #tpu.memory_space<hbm>> -> memref<10000x128xf32, #tpu.memory_space<hbm>>
    tpu.wait_indirect_dma semaphore(%arg18 : memref<!tpu.dma_semaphore, #tpu.memory_space<semaphore_mem>>) src(%dma_wait3A_1035 : memref<10000x128xf32, #tpu.memory_space<hbm>>) dst(%arg13 : memref<80x128xf32, #tpu.memory_space<vmem>>)
    %dma_start3A_1036 = arith.constant 2 : i32
    %dma_start3A_1037 = arith.constant 0 : i32
    %dma_start3A_1038 = tpu.memref_slice %arg10[%dma_start3A_1036, %dma_start3A_1037] : memref<6x80xi32, #tpu.memory_space<vmem>> -> memref<1x80xi32, #tpu.memory_space<vmem>>
    %dma_start3A_1039 = tpu.memref_squeeze %dma_start3A_1038 : memref<1x80xi32, #tpu.memory_space<vmem>> -> memref<80xi32, #tpu.memory_space<vmem>>
    %dma_start3A_1040 = arith.constant 0 : i32
    %dma_start3A_1041 = arith.constant 0 : i32
    %dma_start3A_1042 = tpu.memref_slice %arg7[%dma_start3A_1040, %dma_start3A_1041] : memref<10240x128xf32, #tpu.memory_space<vmem_shared>> -> memref<10240x128xf32, #tpu.memory_space<vmem_shared>>
    tpu.enqueue_indirect_dma source(%arg13 : memref<80x128xf32, #tpu.memory_space<vmem>>) target(%dma_start3A_1042 : memref<10240x128xf32, #tpu.memory_space<vmem_shared>>) offsets(%dma_start3A_1039 : memref<80xi32, #tpu.memory_space<vmem>>) semaphore(%arg27 : memref<!tpu.dma_semaphore, #tpu.memory_space<semaphore_mem>>) {add = true}
    %dma_start3A_1043 = arith.constant 2 : i32
    %dma_start3A_1044 = arith.constant 0 : i32
    %dma_start3A_1045 = tpu.memref_slice %arg10[%dma_start3A_1043, %dma_start3A_1044] : memref<6x80xi32, #tpu.memory_space<vmem>> -> memref<1x80xi32, #tpu.memory_space<vmem>>
    %dma_start3A_1046 = tpu.memref_squeeze %dma_start3A_1045 : memref<1x80xi32, #tpu.memory_space<vmem>> -> memref<80xi32, #tpu.memory_space<vmem>>
    %dma_start3A_1047 = arith.constant 0 : i32
    %dma_start3A_1048 = tpu.memref_slice %arg8[%dma_start3A_1047] : memref<10240xf32, #tpu.memory_space<vmem_shared>> -> memref<10240xf32, #tpu.memory_space<vmem_shared>>
    tpu.enqueue_indirect_dma source(%arg14 : memref<80xf32, #tpu.memory_space<vmem>>) target(%dma_start3A_1048 : memref<10240xf32, #tpu.memory_space<vmem_shared>>) offsets(%dma_start3A_1046 : memref<80xi32, #tpu.memory_space<vmem>>) semaphore(%arg27 : memref<!tpu.dma_semaphore, #tpu.memory_space<semaphore_mem>>) {add = true}
    %dma_wait3A_1049 = arith.constant 2 : i32
    %dma_wait3A_1050 = arith.constant 0 : i32
    %dma_wait3A_1051 = tpu.memref_slice %arg10[%dma_wait3A_1049, %dma_wait3A_1050] : memref<6x80xi32, #tpu.memory_space<vmem>> -> memref<1x80xi32, #tpu.memory_space<vmem>>
    %dma_wait3A_1052 = tpu.memref_squeeze %dma_wait3A_1051 : memref<1x80xi32, #tpu.memory_space<vmem>> -> memref<80xi32, #tpu.memory_space<vmem>>
    %dma_wait3A_1053 = arith.constant 0 : i32
    %dma_wait3A_1054 = arith.constant 0 : i32
    %dma_wait3A_1055 = tpu.memref_slice %arg7[%dma_wait3A_1053, %dma_wait3A_1054] : memref<10240x128xf32, #tpu.memory_space<vmem_shared>> -> memref<10240x128xf32, #tpu.memory_space<vmem_shared>>
    tpu.wait_indirect_dma semaphore(%arg27 : memref<!tpu.dma_semaphore, #tpu.memory_space<semaphore_mem>>) src(%arg13 : memref<80x128xf32, #tpu.memory_space<vmem>>) dst(%dma_wait3A_1055 : memref<10240x128xf32, #tpu.memory_space<vmem_shared>>)
    %dma_wait3A_1056 = arith.constant 2 : i32
    %dma_wait3A_1057 = arith.constant 0 : i32
    %dma_wait3A_1058 = tpu.memref_slice %arg10[%dma_wait3A_1056, %dma_wait3A_1057] : memref<6x80xi32, #tpu.memory_space<vmem>> -> memref<1x80xi32, #tpu.memory_space<vmem>>
    %dma_wait3A_1059 = tpu.memref_squeeze %dma_wait3A_1058 : memref<1x80xi32, #tpu.memory_space<vmem>> -> memref<80xi32, #tpu.memory_space<vmem>>
    %dma_wait3A_1060 = arith.constant 0 : i32
    %dma_wait3A_1061 = tpu.memref_slice %arg8[%dma_wait3A_1060] : memref<10240xf32, #tpu.memory_space<vmem_shared>> -> memref<10240xf32, #tpu.memory_space<vmem_shared>>
    tpu.wait_indirect_dma semaphore(%arg27 : memref<!tpu.dma_semaphore, #tpu.memory_space<semaphore_mem>>) src(%arg14 : memref<80xf32, #tpu.memory_space<vmem>>) dst(%dma_wait3A_1061 : memref<10240xf32, #tpu.memory_space<vmem_shared>>)
    %dma_wait3A_1062 = arith.constant 3 : i32
    %dma_wait3A_1063 = arith.constant 0 : i32
    %dma_wait3A_1064 = tpu.memref_slice %arg9[%dma_wait3A_1062, %dma_wait3A_1063] : memref<6x80xi32, #tpu.memory_space<vmem>> -> memref<1x80xi32, #tpu.memory_space<vmem>>
    %dma_wait3A_1065 = tpu.memref_squeeze %dma_wait3A_1064 : memref<1x80xi32, #tpu.memory_space<vmem>> -> memref<80xi32, #tpu.memory_space<vmem>>
    %dma_wait3A_1066 = arith.constant 0 : i32
    %dma_wait3A_1067 = arith.constant 0 : i32
    %dma_wait3A_1068 = tpu.memref_slice %arg2[%dma_wait3A_1066, %dma_wait3A_1067] : memref<10000x128xf32, #tpu.memory_space<hbm>> -> memref<10000x128xf32, #tpu.memory_space<hbm>>
    tpu.wait_indirect_dma semaphore(%arg16 : memref<!tpu.dma_semaphore, #tpu.memory_space<semaphore_mem>>) src(%dma_wait3A_1068 : memref<10000x128xf32, #tpu.memory_space<hbm>>) dst(%arg11 : memref<80x128xf32, #tpu.memory_space<vmem>>)
    %dma_start3A_1069 = arith.constant 3 : i32
    %dma_start3A_1070 = arith.constant 0 : i32
    %dma_start3A_1071 = tpu.memref_slice %arg10[%dma_start3A_1069, %dma_start3A_1070] : memref<6x80xi32, #tpu.memory_space<vmem>> -> memref<1x80xi32, #tpu.memory_space<vmem>>
    %dma_start3A_1072 = tpu.memref_squeeze %dma_start3A_1071 : memref<1x80xi32, #tpu.memory_space<vmem>> -> memref<80xi32, #tpu.memory_space<vmem>>
    %dma_start3A_1073 = arith.constant 0 : i32
    %dma_start3A_1074 = arith.constant 0 : i32
    %dma_start3A_1075 = tpu.memref_slice %arg7[%dma_start3A_1073, %dma_start3A_1074] : memref<10240x128xf32, #tpu.memory_space<vmem_shared>> -> memref<10240x128xf32, #tpu.memory_space<vmem_shared>>
    tpu.enqueue_indirect_dma source(%arg11 : memref<80x128xf32, #tpu.memory_space<vmem>>) target(%dma_start3A_1075 : memref<10240x128xf32, #tpu.memory_space<vmem_shared>>) offsets(%dma_start3A_1072 : memref<80xi32, #tpu.memory_space<vmem>>) semaphore(%arg25 : memref<!tpu.dma_semaphore, #tpu.memory_space<semaphore_mem>>) {add = true}
    %dma_start3A_1076 = arith.constant 3 : i32
    %dma_start3A_1077 = arith.constant 0 : i32
    %dma_start3A_1078 = tpu.memref_slice %arg10[%dma_start3A_1076, %dma_start3A_1077] : memref<6x80xi32, #tpu.memory_space<vmem>> -> memref<1x80xi32, #tpu.memory_space<vmem>>
    %dma_start3A_1079 = tpu.memref_squeeze %dma_start3A_1078 : memref<1x80xi32, #tpu.memory_space<vmem>> -> memref<80xi32, #tpu.memory_space<vmem>>
    %dma_start3A_1080 = arith.constant 0 : i32
    %dma_start3A_1081 = tpu.memref_slice %arg8[%dma_start3A_1080] : memref<10240xf32, #tpu.memory_space<vmem_shared>> -> memref<10240xf32, #tpu.memory_space<vmem_shared>>
    tpu.enqueue_indirect_dma source(%arg14 : memref<80xf32, #tpu.memory_space<vmem>>) target(%dma_start3A_1081 : memref<10240xf32, #tpu.memory_space<vmem_shared>>) offsets(%dma_start3A_1079 : memref<80xi32, #tpu.memory_space<vmem>>) semaphore(%arg25 : memref<!tpu.dma_semaphore, #tpu.memory_space<semaphore_mem>>) {add = true}
    %dma_wait3A_1082 = arith.constant 3 : i32
    %dma_wait3A_1083 = arith.constant 0 : i32
    %dma_wait3A_1084 = tpu.memref_slice %arg10[%dma_wait3A_1082, %dma_wait3A_1083] : memref<6x80xi32, #tpu.memory_space<vmem>> -> memref<1x80xi32, #tpu.memory_space<vmem>>
    %dma_wait3A_1085 = tpu.memref_squeeze %dma_wait3A_1084 : memref<1x80xi32, #tpu.memory_space<vmem>> -> memref<80xi32, #tpu.memory_space<vmem>>
    %dma_wait3A_1086 = arith.constant 0 : i32
    %dma_wait3A_1087 = arith.constant 0 : i32
    %dma_wait3A_1088 = tpu.memref_slice %arg7[%dma_wait3A_1086, %dma_wait3A_1087] : memref<10240x128xf32, #tpu.memory_space<vmem_shared>> -> memref<10240x128xf32, #tpu.memory_space<vmem_shared>>
    tpu.wait_indirect_dma semaphore(%arg25 : memref<!tpu.dma_semaphore, #tpu.memory_space<semaphore_mem>>) src(%arg11 : memref<80x128xf32, #tpu.memory_space<vmem>>) dst(%dma_wait3A_1088 : memref<10240x128xf32, #tpu.memory_space<vmem_shared>>)
    %dma_wait3A_1089 = arith.constant 3 : i32
    %dma_wait3A_1090 = arith.constant 0 : i32
    %dma_wait3A_1091 = tpu.memref_slice %arg10[%dma_wait3A_1089, %dma_wait3A_1090] : memref<6x80xi32, #tpu.memory_space<vmem>> -> memref<1x80xi32, #tpu.memory_space<vmem>>
    %dma_wait3A_1092 = tpu.memref_squeeze %dma_wait3A_1091 : memref<1x80xi32, #tpu.memory_space<vmem>> -> memref<80xi32, #tpu.memory_space<vmem>>
    %dma_wait3A_1093 = arith.constant 0 : i32
    %dma_wait3A_1094 = tpu.memref_slice %arg8[%dma_wait3A_1093] : memref<10240xf32, #tpu.memory_space<vmem_shared>> -> memref<10240xf32, #tpu.memory_space<vmem_shared>>
    tpu.wait_indirect_dma semaphore(%arg25 : memref<!tpu.dma_semaphore, #tpu.memory_space<semaphore_mem>>) src(%arg14 : memref<80xf32, #tpu.memory_space<vmem>>) dst(%dma_wait3A_1094 : memref<10240xf32, #tpu.memory_space<vmem_shared>>)
    %dma_wait3A_1095 = arith.constant 4 : i32
    %dma_wait3A_1096 = arith.constant 0 : i32
    %dma_wait3A_1097 = tpu.memref_slice %arg9[%dma_wait3A_1095, %dma_wait3A_1096] : memref<6x80xi32, #tpu.memory_space<vmem>> -> memref<1x80xi32, #tpu.memory_space<vmem>>
    %dma_wait3A_1098 = tpu.memref_squeeze %dma_wait3A_1097 : memref<1x80xi32, #tpu.memory_space<vmem>> -> memref<80xi32, #tpu.memory_space<vmem>>
    %dma_wait3A_1099 = arith.constant 0 : i32
    %dma_wait3A_1100 = arith.constant 0 : i32
    %dma_wait3A_1101 = tpu.memref_slice %arg2[%dma_wait3A_1099, %dma_wait3A_1100] : memref<10000x128xf32, #tpu.memory_space<hbm>> -> memref<10000x128xf32, #tpu.memory_space<hbm>>
    tpu.wait_indirect_dma semaphore(%arg17 : memref<!tpu.dma_semaphore, #tpu.memory_space<semaphore_mem>>) src(%dma_wait3A_1101 : memref<10000x128xf32, #tpu.memory_space<hbm>>) dst(%arg12 : memref<80x128xf32, #tpu.memory_space<vmem>>)
    %dma_start3A_1102 = arith.constant 4 : i32
    %dma_start3A_1103 = arith.constant 0 : i32
    %dma_start3A_1104 = tpu.memref_slice %arg10[%dma_start3A_1102, %dma_start3A_1103] : memref<6x80xi32, #tpu.memory_space<vmem>> -> memref<1x80xi32, #tpu.memory_space<vmem>>
    %dma_start3A_1105 = tpu.memref_squeeze %dma_start3A_1104 : memref<1x80xi32, #tpu.memory_space<vmem>> -> memref<80xi32, #tpu.memory_space<vmem>>
    %dma_start3A_1106 = arith.constant 0 : i32
    %dma_start3A_1107 = arith.constant 0 : i32
    %dma_start3A_1108 = tpu.memref_slice %arg7[%dma_start3A_1106, %dma_start3A_1107] : memref<10240x128xf32, #tpu.memory_space<vmem_shared>> -> memref<10240x128xf32, #tpu.memory_space<vmem_shared>>
    tpu.enqueue_indirect_dma source(%arg12 : memref<80x128xf32, #tpu.memory_space<vmem>>) target(%dma_start3A_1108 : memref<10240x128xf32, #tpu.memory_space<vmem_shared>>) offsets(%dma_start3A_1105 : memref<80xi32, #tpu.memory_space<vmem>>) semaphore(%arg26 : memref<!tpu.dma_semaphore, #tpu.memory_space<semaphore_mem>>) {add = true}
    %dma_start3A_1109 = arith.constant 4 : i32
    %dma_start3A_1110 = arith.constant 0 : i32
    %dma_start3A_1111 = tpu.memref_slice %arg10[%dma_start3A_1109, %dma_start3A_1110] : memref<6x80xi32, #tpu.memory_space<vmem>> -> memref<1x80xi32, #tpu.memory_space<vmem>>
    %dma_start3A_1112 = tpu.memref_squeeze %dma_start3A_1111 : memref<1x80xi32, #tpu.memory_space<vmem>> -> memref<80xi32, #tpu.memory_space<vmem>>
    %dma_start3A_1113 = arith.constant 0 : i32
    %dma_start3A_1114 = tpu.memref_slice %arg8[%dma_start3A_1113] : memref<10240xf32, #tpu.memory_space<vmem_shared>> -> memref<10240xf32, #tpu.memory_space<vmem_shared>>
    tpu.enqueue_indirect_dma source(%arg14 : memref<80xf32, #tpu.memory_space<vmem>>) target(%dma_start3A_1114 : memref<10240xf32, #tpu.memory_space<vmem_shared>>) offsets(%dma_start3A_1112 : memref<80xi32, #tpu.memory_space<vmem>>) semaphore(%arg26 : memref<!tpu.dma_semaphore, #tpu.memory_space<semaphore_mem>>) {add = true}
    %dma_wait3A_1115 = arith.constant 4 : i32
    %dma_wait3A_1116 = arith.constant 0 : i32
    %dma_wait3A_1117 = tpu.memref_slice %arg10[%dma_wait3A_1115, %dma_wait3A_1116] : memref<6x80xi32, #tpu.memory_space<vmem>> -> memref<1x80xi32, #tpu.memory_space<vmem>>
    %dma_wait3A_1118 = tpu.memref_squeeze %dma_wait3A_1117 : memref<1x80xi32, #tpu.memory_space<vmem>> -> memref<80xi32, #tpu.memory_space<vmem>>
    %dma_wait3A_1119 = arith.constant 0 : i32
    %dma_wait3A_1120 = arith.constant 0 : i32
    %dma_wait3A_1121 = tpu.memref_slice %arg7[%dma_wait3A_1119, %dma_wait3A_1120] : memref<10240x128xf32, #tpu.memory_space<vmem_shared>> -> memref<10240x128xf32, #tpu.memory_space<vmem_shared>>
    tpu.wait_indirect_dma semaphore(%arg26 : memref<!tpu.dma_semaphore, #tpu.memory_space<semaphore_mem>>) src(%arg12 : memref<80x128xf32, #tpu.memory_space<vmem>>) dst(%dma_wait3A_1121 : memref<10240x128xf32, #tpu.memory_space<vmem_shared>>)
    %dma_wait3A_1122 = arith.constant 4 : i32
    %dma_wait3A_1123 = arith.constant 0 : i32
    %dma_wait3A_1124 = tpu.memref_slice %arg10[%dma_wait3A_1122, %dma_wait3A_1123] : memref<6x80xi32, #tpu.memory_space<vmem>> -> memref<1x80xi32, #tpu.memory_space<vmem>>
    %dma_wait3A_1125 = tpu.memref_squeeze %dma_wait3A_1124 : memref<1x80xi32, #tpu.memory_space<vmem>> -> memref<80xi32, #tpu.memory_space<vmem>>
    %dma_wait3A_1126 = arith.constant 0 : i32
    %dma_wait3A_1127 = tpu.memref_slice %arg8[%dma_wait3A_1126] : memref<10240xf32, #tpu.memory_space<vmem_shared>> -> memref<10240xf32, #tpu.memory_space<vmem_shared>>
    tpu.wait_indirect_dma semaphore(%arg26 : memref<!tpu.dma_semaphore, #tpu.memory_space<semaphore_mem>>) src(%arg14 : memref<80xf32, #tpu.memory_space<vmem>>) dst(%dma_wait3A_1127 : memref<10240xf32, #tpu.memory_space<vmem_shared>>)
    %barrier3A_1128 = arith.constant 0 : index
    tpu.barrier barrier_id(%barrier3A_1128)
    %mul3A_1129 = arith.constant 640 : i32
    %mul3A_1130 = arith.muli %arg1, %mul3A_1129 : i32
    "tpu.region"() ({
      %run_scoped3A = tpu.sem_alloc : memref<!tpu.dma_semaphore, #tpu.memory_space<semaphore_mem>>
      %dma_start3A_1136 = arith.constant 0 : i32
      %dma_start3A_1137 = tpu.memref_slice %arg5[%arg0, %mul3A_1130, %dma_start3A_1136] : memref<2x10240x128xf32, #tpu.memory_space<hbm>> -> memref<1x640x128xf32, #tpu.memory_space<hbm>>
      %dma_start3A_1138 = tpu.memref_squeeze %dma_start3A_1137 : memref<1x640x128xf32, #tpu.memory_space<hbm>> -> memref<640x128xf32, #tpu.memory_space<hbm>>
      %dma_start3A_1139 = arith.constant 0 : i32
      %dma_start3A_1140 = tpu.memref_slice %arg7[%mul3A_1130, %dma_start3A_1139] : memref<10240x128xf32, #tpu.memory_space<vmem_shared>> -> memref<640x128xf32, #tpu.memory_space<vmem_shared>>
      tpu.enqueue_dma source(%dma_start3A_1140 : memref<640x128xf32, #tpu.memory_space<vmem_shared>>) target(%dma_start3A_1138 : memref<640x128xf32, #tpu.memory_space<hbm>>) target_semaphore(%run_scoped3A : memref<!tpu.dma_semaphore, #tpu.memory_space<semaphore_mem>>)
      %dma_wait3A_1141 = arith.constant 0 : i32
      %dma_wait3A_1142 = tpu.memref_slice %arg5[%arg0, %mul3A_1130, %dma_wait3A_1141] : memref<2x10240x128xf32, #tpu.memory_space<hbm>> -> memref<1x640x128xf32, #tpu.memory_space<hbm>>
      %dma_wait3A_1143 = tpu.memref_squeeze %dma_wait3A_1142 : memref<1x640x128xf32, #tpu.memory_space<hbm>> -> memref<640x128xf32, #tpu.memory_space<hbm>>
      %dma_wait3A_1144 = arith.constant 0 : i32
      %dma_wait3A_1145 = tpu.memref_slice %arg7[%mul3A_1130, %dma_wait3A_1144] : memref<10240x128xf32, #tpu.memory_space<vmem_shared>> -> memref<640x128xf32, #tpu.memory_space<vmem_shared>>
      tpu.wait_dma2 semaphore(%run_scoped3A : memref<!tpu.dma_semaphore, #tpu.memory_space<semaphore_mem>>) src(%dma_wait3A_1145 : memref<640x128xf32, #tpu.memory_space<vmem_shared>>) dst(%dma_wait3A_1143 : memref<640x128xf32, #tpu.memory_space<hbm>>)
      tpu.yield
    }) : () -> ()
    %mul3A_1131 = arith.constant 10240 : i32
    %mul3A_1132 = arith.muli %arg0, %mul3A_1131 : i32
    %mul3A_1133 = arith.constant 640 : i32
    %mul3A_1134 = arith.muli %arg1, %mul3A_1133 : i32
    %add3A_1135 = arith.addi %mul3A_1132, %mul3A_1134 : i32
    "tpu.region"() ({
      %run_scoped3A = tpu.sem_alloc : memref<!tpu.dma_semaphore, #tpu.memory_space<semaphore_mem>>
      %dma_start3A_1136 = tpu.memref_slice %arg6[%add3A_1135] : memref<20480xf32, #tpu.memory_space<hbm>> -> memref<640xf32, #tpu.memory_space<hbm>>
      %dma_start3A_1137 = tpu.memref_slice %arg8[%mul3A_1130] : memref<10240xf32, #tpu.memory_space<vmem_shared>> -> memref<640xf32, #tpu.memory_space<vmem_shared>>
      tpu.enqueue_dma source(%dma_start3A_1137 : memref<640xf32, #tpu.memory_space<vmem_shared>>) target(%dma_start3A_1136 : memref<640xf32, #tpu.memory_space<hbm>>) target_semaphore(%run_scoped3A : memref<!tpu.dma_semaphore, #tpu.memory_space<semaphore_mem>>)
      %dma_wait3A_1138 = tpu.memref_slice %arg6[%add3A_1135] : memref<20480xf32, #tpu.memory_space<hbm>> -> memref<640xf32, #tpu.memory_space<hbm>>
      %dma_wait3A_1139 = tpu.memref_slice %arg8[%mul3A_1130] : memref<10240xf32, #tpu.memory_space<vmem_shared>> -> memref<640xf32, #tpu.memory_space<vmem_shared>>
      tpu.wait_dma2 semaphore(%run_scoped3A : memref<!tpu.dma_semaphore, #tpu.memory_space<semaphore_mem>>) src(%dma_wait3A_1139 : memref<640xf32, #tpu.memory_space<vmem_shared>>) dst(%dma_wait3A_1138 : memref<640xf32, #tpu.memory_space<hbm>>)
      tpu.yield
    }) : () -> ()
    return
  }
}

module attributes {stable_mosaic.version = 14 : i64} {
  func.func @body(%arg0: i32, %arg1: memref<1000x128xf32, #tpu.memory_space<vmem>>, %arg2: memref<2x1000x128xf32, #tpu.memory_space<vmem>>, %arg3: memref<2x1x1000x1xf32, #tpu.memory_space<vmem>>, %arg4: memref<256x128xf32, #tpu.memory_space<vmem>>, %arg5: memref<1x128xf32, #tpu.memory_space<vmem>>, %arg6: memref<1000x128xf32, #tpu.memory_space<vmem>>) attributes {dimension_semantics = [#tpu.dimension_semantics<arbitrary>], iteration_bounds = array<i64: 10>, scalar_prefetch = 0 : i64, scratch_operands = 0 : i64, tpu.core_type = #tpu.core_type<tc>, window_params = [{transform_indices = @transform_0, window_bounds = array<i64: 1000, 128>}, {transform_indices = @transform_1, window_bounds = array<i64: 2, 1000, 128>}, {transform_indices = @transform_2, window_bounds = array<i64: 2, 1, 1000, 1>}, {pipeline_mode = #tpu.pipeline_mode<synchronous>, transform_indices = @transform_3, window_bounds = array<i64: 256, 128>}, {pipeline_mode = #tpu.pipeline_mode<synchronous>, transform_indices = @transform_4, window_bounds = array<i64: 1, 128>}, {transform_indices = @transform_5, window_bounds = array<i64: 1000, 128>}]} {
    %get3A = arith.constant 0 : index
    %get3A_0 = arith.constant 0 : index
    %get3A_1 = vector.load %arg1[%get3A, %get3A_0] : memref<1000x128xf32, #tpu.memory_space<vmem>>, vector<1000x128xf32>
    %get3A_2 = arith.constant 0 : index
    %get3A_3 = arith.constant 0 : index
    %get3A_4 = arith.constant 0 : index
    %get3A_5 = vector.load %arg2[%get3A_2, %get3A_3, %get3A_4] : memref<2x1000x128xf32, #tpu.memory_space<vmem>>, vector<1x1000x128xf32>
    %get3A_6 = vector.shape_cast %get3A_5 : vector<1x1000x128xf32> to vector<1000x128xf32>
    %get3A_7 = arith.constant 1 : index
    %get3A_8 = arith.constant 0 : index
    %get3A_9 = arith.constant 0 : index
    %get3A_10 = vector.load %arg2[%get3A_7, %get3A_8, %get3A_9] : memref<2x1000x128xf32, #tpu.memory_space<vmem>>, vector<1x1000x128xf32>
    %get3A_11 = vector.shape_cast %get3A_10 : vector<1x1000x128xf32> to vector<1000x128xf32>
    %add3A = arith.addf %get3A_6, %get3A_11 : vector<1000x128xf32>
    %get3A_12 = arith.constant 0 : index
    %get3A_13 = arith.constant 0 : index
    %get3A_14 = arith.constant 0 : index
    %get3A_15 = arith.constant 0 : index
    %get3A_16 = vector.load %arg3[%get3A_12, %get3A_13, %get3A_14, %get3A_15] : memref<2x1x1000x1xf32, #tpu.memory_space<vmem>>, vector<1x1x1000x1xf32>
    %get3A_17 = vector.shape_cast %get3A_16 : vector<1x1x1000x1xf32> to vector<1000x1xf32>
    %get3A_18 = arith.constant 1 : index
    %get3A_19 = arith.constant 0 : index
    %get3A_20 = arith.constant 0 : index
    %get3A_21 = arith.constant 0 : index
    %get3A_22 = vector.load %arg3[%get3A_18, %get3A_19, %get3A_20, %get3A_21] : memref<2x1x1000x1xf32, #tpu.memory_space<vmem>>, vector<1x1x1000x1xf32>
    %get3A_23 = vector.shape_cast %get3A_22 : vector<1x1x1000x1xf32> to vector<1000x1xf32>
    %add3A_24 = arith.addf %get3A_17, %get3A_23 : vector<1000x1xf32>
    %get3A_25 = arith.constant 0 : index
    %get3A_26 = arith.constant 0 : index
    %get3A_27 = vector.load %arg4[%get3A_25, %get3A_26] : memref<256x128xf32, #tpu.memory_space<vmem>>, vector<128x128xf32>
    %get3A_28 = arith.constant 128 : index
    %get3A_29 = arith.constant 0 : index
    %get3A_30 = vector.load %arg4[%get3A_28, %get3A_29] : memref<256x128xf32, #tpu.memory_space<vmem>>, vector<128x128xf32>
    %dot_general3A = arith.constant dense<0.000000e+00> : vector<1000x128xf32>
    %dot_general3A_31 = tpu.matmul %add3A, %get3A_27, %dot_general3A {dimension_numbers = #tpu.dot_dimension_numbers<[1], [0], [0], [1], [0, 0, 1, 1], [], []>, transpose_lhs_hint = false} : vector<1000x128xf32>, vector<128x128xf32>, vector<1000x128xf32> -> vector<1000x128xf32>
    %dot_general3A_32 = arith.constant dense<0.000000e+00> : vector<1000x128xf32>
    %dot_general3A_33 = tpu.matmul %get3A_1, %get3A_30, %dot_general3A_32 {dimension_numbers = #tpu.dot_dimension_numbers<[1], [0], [0], [1], [0, 0, 1, 1], [], []>, transpose_lhs_hint = false} : vector<1000x128xf32>, vector<128x128xf32>, vector<1000x128xf32> -> vector<1000x128xf32>
    %get3A_34 = arith.constant 0 : index
    %get3A_35 = arith.constant 0 : index
    %get3A_36 = vector.load %arg5[%get3A_34, %get3A_35] : memref<1x128xf32, #tpu.memory_space<vmem>>, vector<1x128xf32>
    %get3A_37 = vector.shape_cast %get3A_36 : vector<1x128xf32> to vector<128xf32>
    %broadcast_in_dim3A = vector.shape_cast %get3A_37 : vector<128xf32> to vector<1x128xf32>
    %add3A_38 = vector.broadcast %broadcast_in_dim3A : vector<1x128xf32> to vector<1000x128xf32>
    %add3A_39 = arith.addf %dot_general3A_33, %add3A_38 : vector<1000x128xf32>
    %mul3A = vector.broadcast %add3A_24 : vector<1000x1xf32> to vector<1000x128xf32>
    %mul3A_40 = arith.mulf %mul3A, %add3A_39 : vector<1000x128xf32>
    %add3A_41 = arith.addf %dot_general3A_31, %mul3A_40 : vector<1000x128xf32>
    %neg3A = arith.constant 0.000000e+00 : f32
    %neg3A_42 = vector.broadcast %neg3A : f32 to vector<1000x128xf32>
    %neg3A_43 = arith.subf %neg3A_42, %add3A_41 : vector<1000x128xf32>
    %exp3A = math.exp %neg3A_43 : vector<1000x128xf32>
    %add3A_44 = arith.constant 1.000000e+00 : f32
    %add3A_45 = vector.broadcast %add3A_44 : f32 to vector<1000x128xf32>
    %add3A_46 = arith.addf %add3A_45, %exp3A : vector<1000x128xf32>
    %div3A = arith.constant 1.000000e+00 : f32
    %div3A_47 = vector.broadcast %div3A : f32 to vector<1000x128xf32>
    %div3A_48 = arith.divf %div3A_47, %add3A_46 : vector<1000x128xf32>
    %max3A = arith.constant 0.000000e+00 : f32
    %max3A_49 = vector.broadcast %max3A : f32 to vector<1000x128xf32>
    %max3A_50 = arith.maximumf %get3A_1, %max3A_49 : vector<1000x128xf32>
    %abs3A = math.absf %get3A_1 : vector<1000x128xf32>
    %neg3A_51 = arith.constant 0.000000e+00 : f32
    %neg3A_52 = vector.broadcast %neg3A_51 : f32 to vector<1000x128xf32>
    %neg3A_53 = arith.subf %neg3A_52, %abs3A : vector<1000x128xf32>
    %exp3A_54 = math.exp %neg3A_53 : vector<1000x128xf32>
    %log1p3A = math.log1p %exp3A_54 : vector<1000x128xf32>
    %add3A_55 = arith.addf %max3A_50, %log1p3A : vector<1000x128xf32>
    %add3A_56 = arith.addf %div3A_48, %add3A_55 : vector<1000x128xf32>
    %swap3A = arith.constant 0 : index
    %swap3A_57 = arith.constant 0 : index
    %swap3A_58 = vector.load %arg6[%swap3A, %swap3A_57] : memref<1000x128xf32, #tpu.memory_space<vmem>>, vector<1000x128xf32>
    tpu.vector_store %arg6[%swap3A, %swap3A_57], %add3A_56 {strides = array<i32>} : memref<1000x128xf32, #tpu.memory_space<vmem>>, vector<1000x128xf32>,
    return
  }
  func.func @transform_0(%arg0: i32) -> (i32, i32) {
    %c0_i32 = arith.constant 0 : i32
    %c0_i32_0 = arith.constant 0 : i32
    return %arg0, %c0_i32 : i32, i32
  }
  func.func @transform_1(%arg0: i32) -> (i32, i32, i32) {
    %c0_i32 = arith.constant 0 : i32
    %c0_i32_0 = arith.constant 0 : i32
    %c0_i32_1 = arith.constant 0 : i32
    return %c0_i32, %arg0, %c0_i32_0 : i32, i32, i32
  }
  func.func @transform_2(%arg0: i32) -> (i32, i32, i32, i32) {
    %c0_i32 = arith.constant 0 : i32
    %c0_i32_0 = arith.constant 0 : i32
    %c0_i32_1 = arith.constant 0 : i32
    %c0_i32_2 = arith.constant 0 : i32
    return %c0_i32, %arg0, %c0_i32_0, %c0_i32_1 : i32, i32, i32, i32
  }
  func.func @transform_3(%arg0: i32) -> (i32, i32) {
    %c0_i32 = arith.constant 0 : i32
    %c0_i32_0 = arith.constant 0 : i32
    %c0_i32_1 = arith.constant 0 : i32
    return %c0_i32, %c0_i32_0 : i32, i32
  }
  func.func @transform_4(%arg0: i32) -> (i32, i32) {
    %c0_i32 = arith.constant 0 : i32
    %c0_i32_0 = arith.constant 0 : i32
    %c0_i32_1 = arith.constant 0 : i32
    return %c0_i32, %c0_i32_0 : i32, i32
  }
  func.func @transform_5(%arg0: i32) -> (i32, i32) {
    %c0_i32 = arith.constant 0 : i32
    %c0_i32_0 = arith.constant 0 : i32
    return %arg0, %c0_i32 : i32, i32
  }
}

</mosaic_0001>

<sc_bundles>
// kernel: kernel.4.cloned.1.call-start
scs
__scs_entry_jumppad:
0x0: {  	(pc) =	sbr.rel $0x88, $3  }
0x1: {  	(tag) =	ssettag $0x0;
	lr =	simm.s32 $0x1  }
0x2: {  	[smem:$0x3F9D] =	sst lr;
	_ =	strace $0xD0000000  }
0x3: {  	_ = 	snop  }
0x4: {  	_ = 	snop  }
0x5: {  	_ = 	snop  }
0x6: {  	_ = 	snop  }
0x7: {  	_ = 	snop  }
__scs_overlays_trampoline_lowered:
0x8: {  	[smem:$0x3FAC] =	sst s0  }
0x9: {  	[smem:$0x3FAD] =	sst s1  }
0xa: {  	[smem:$0x3FAE] =	sst s2  }
0xb: {  	[smem:$0x3FAF] =	sst s3  }
0xc: {  	[smem:$0x3FB0] =	sst s4  }
0xd: {  	[smem:$0x3FB1] =	sst s5  }
0xe: {  	[smem:$0x3FB2] =	sst s6  }
0xf: {  	[smem:$0x3FB3] =	sst s7  }
0x10: {  	[smem:$0x3FB4] =	sst s8  }
0x11: {  	[smem:$0x3FB5] =	sst s9;
	s0 =	simm.s32 @!p0 $0x0  }
0x12: {  	s1 =	sld [smem:$0x3F9B];
	s0 =	simm.s32 @p0 $0x1  }
0x13: {  	[smem:$0x3FB6] =	sst s0;
	s0 =	simm.s32 @!p1 $0x0  }
0x14: {  	s2 =	sld [smem:$0x3F9A];
	s0 =	simm.s32 @p1 $0x1  }
0x15: {  	[smem:$0x3FB7] =	sst s0;
	s0 =	simm.s32 @!p2 $0x0  }
0x16: {  	s3 =	sld [smem:$0x3FDB];
	s0 =	simm.s32 @p2 $0x1  }
0x17: {  	s4 =	simm.s32 $0x1BF5;
	[smem:$0x3FB9] =	sst s0  }
0x18: {  	s0 =	sld [smem:$0x3F9C];
	_ =	swait.ge [sflag:s4], $0x0  }
0x19: {  	s7 =	sld [smem:$0x3F9D]  }
0x1a: {  	s8 =	sadd.s32 $0xFFFFE003, lr  }
0x1b: {  	s9 =	sadd.s32 $0xFFFFFEF7, lr;
	s5 =	simm.s32 $0xFFFFFFFF;
	p2 =	slt.u32 s8, $0xFFFFF086  }
0x1c: {  	p1 =	slt.u32 s9, $0xF7A;
	s5 =	simm.s32 @!p2 $0x0  }
0x1d: {  	s5 =	simm.s32 @p1 $0x1;
	p0 =	seq.s32 s7, s2  }
0x1e: {  	s7 =	smul.u32 @!p0 $0xF7A, s2;
	p2 =	seq.s32 @!p0 s5, $0x0  }
0x1f: {  	s9 =	smul.u32 $0xF7A, s1;
	s8 =	simm.s32 @!p0 $0x1BF5;
	p2 =	por !p2, p0  }
0x20: {  	[sflag:s8] =	ssyncset.s32 @!p0 $0xFFFFF086;
	s6 =	sadd.s32 @!p0 s3, s7;
	s7 =	simm.s32 @!p0 $0x108  }
0x21: {  	s3 =	sadd.s32 s3, s9;
	s6 =	sadd.s32 @!p0 $0x88, s6;
	s7 =	simm.s32 @p2 $0x1082  }
0x22: {  	[simem:s7], [sflag:s8] =	dma.local @!p0 [hbm:s6], $0xF7A  }
0x23: {  	s9 =	sor.u32 $0xD0000000, s2;
	s6 =	simm.s32 $0x108;
	_ =	swait.ge @!p0 [sflag:s8], $0x0  }
0x24: {  	s3 =	sadd.s32 $0x88, s3;
	s6 =	simm.s32 @!p1 $0x1082;
	[sflag:s4] =	ssyncset.s32 $0xFFFFF086  }
0x25: {  	[simem:s6], [sflag:s4] =	dma.local [hbm:s3], $0xF7A  }
0x26: {  	[smem:$0x3F9D] =	sst s1;
	(tag) =	ssettag s2;
	_ =	strace s9  }
0x27: {  	s1 =	sld [smem:$0x3FAD]  }
0x28: {  	s2 =	sld [smem:$0x3FAE]  }
0x29: {  	s4 =	sld [smem:$0x3FB0]  }
0x2a: {  	p0 =	seq.s32 s5, $0x0;
	s5 =	sld [smem:$0x3FB1]  }
0x2b: {  	s6 =	sld [smem:$0x3FB2]  }
0x2c: {  	s7 =	sld [smem:$0x3FB3]  }
0x2d: {  	s3 =	simm.s32 $0x108;
	s8 =	sld [smem:$0x3FB4]  }
0x2e: {  	s3 =	simm.s32 @!p0 $0x1082;
	s9 =	sld [smem:$0x3FB5]  }
0x2f: {  	lr =	sadd.s32 s0, s3;
	s0 =	sld [smem:$0x3FAC]  }
0x30: {  	s3 =	sld [smem:$0x3FAF]  }
0x31: {  	[smem:$0x3FB8] =	sst s10  }
0x32: {  	s10 =	sld [smem:$0x3FB6];
	_ =	sdelay $0x3  }
0x33: {  	p0 =	seq.s32 s10, $0x1;
	s10 =	sld [smem:$0x3FB8];
	_ =	sdelay $0x3  }
0x34: {  	[smem:$0x3FB8] =	sst s10  }
0x35: {  	s10 =	sld [smem:$0x3FB7];
	_ =	sdelay $0x3  }
0x36: {  	p1 =	seq.s32 s10, $0x1;
	s10 =	sld [smem:$0x3FB8];
	_ =	sdelay $0x3  }
0x37: {  	[smem:$0x3FB8] =	sst s10  }
0x38: {  	s10 =	sld [smem:$0x3FB9]  }
0x39: {  	_ = 	snop;
	(pc) =	sbr.ind lr, $3  }
0x3a: {  	_ = 	snop  }
0x3b: {  	_ = 	snop  }
0x3c: {  	p2 =	seq.s32 s10, $0x1;
	s10 =	sld [smem:$0x3FB8]  }
0x3d: {  	_ =	shalt  }
0x3e: {  	_ =	shalt  }
0x3f: {  	_ =	shalt  }
0x40: {  	_ =	shalt  }
0x41: {  	_ =	shalt  }
0x42: {  	_ =	shalt  }
0x43: {  	_ =	shalt  }
0x44: {  	_ =	shalt  }
0x45: {  	_ =	shalt  }
0x46: {  	_ =	shalt  }
0x47: {  	_ =	shalt  }
0x48: {  	_ =	shalt  }
0x49: {  	_ =	shalt  }
0x4a: {  	_ =	shalt  }
0x4b: {  	_ =	shalt  }
0x4c: {  	_ =	shalt  }
0x4d: {  	_ =	shalt  }
0x4e: {  	_ =	shalt  }
0x4f: {  	_ =	shalt  }
0x50: {  	_ =	shalt  }
0x51: {  	_ =	shalt  }
0x52: {  	_ =	shalt  }
0x53: {  	_ =	shalt  }
0x54: {  	_ =	shalt  }
0x55: {  	_ =	shalt  }
0x56: {  	_ =	shalt  }
0x57: {  	_ =	shalt  }
0x58: {  	_ =	shalt  }
0x59: {  	_ =	shalt  }
0x5a: {  	_ =	shalt  }
0x5b: {  	_ =	shalt  }
0x5c: {  	_ =	shalt  }
0x5d: {  	_ =	shalt  }
0x5e: {  	_ =	shalt  }
0x5f: {  	_ =	shalt  }
0x60: {  	_ =	shalt  }
0x61: {  	_ =	shalt  }
0x62: {  	_ =	shalt  }
0x63: {  	_ =	shalt  }
0x64: {  	_ =	shalt  }
0x65: {  	_ =	shalt  }
0x66: {  	_ =	shalt  }
0x67: {  	_ =	shalt  }
0x68: {  	_ =	shalt  }
0x69: {  	_ =	shalt  }
0x6a: {  	_ =	shalt  }
0x6b: {  	_ =	shalt  }
0x6c: {  	_ =	shalt  }
0x6d: {  	_ =	shalt  }
0x6e: {  	_ =	shalt  }
0x6f: {  	_ =	shalt  }
0x70: {  	_ =	shalt  }
0x71: {  	_ =	shalt  }
0x72: {  	_ =	shalt  }
0x73: {  	_ =	shalt  }
0x74: {  	_ =	shalt  }
0x75: {  	_ =	shalt  }
0x76: {  	_ =	shalt  }
0x77: {  	_ =	shalt  }
0x78: {  	_ =	shalt  }
0x79: {  	_ =	shalt  }
0x7a: {  	_ =	shalt  }
0x7b: {  	_ =	shalt  }
0x7c: {  	_ =	shalt  }
0x7d: {  	_ =	shalt  }
0x7e: {  	_ =	shalt  }
0x7f: {  	_ =	shalt  }
0x80: {  	_ =	shalt  }
0x81: {  	_ =	shalt  }
0x82: {  	_ =	shalt  }
0x83: {  	_ =	shalt  }
0x84: {  	_ =	shalt  }
0x85: {  	_ =	shalt  }
0x86: {  	_ =	shalt  }
0x87: {  	_ =	shalt  }
.Lfunc_end0:
.L_simem_size_0:
called_computation_lowered:
.L_overlay_start_0:
0x88: {  	s2 =	sld [smem:$0x3FD9]  }
0x89: {  	s3 =	sld [smem:$0x3FFE];
	_ =	sdelay $0x1  }
0x8a: {  	s1 =	srdreg.scid  }
0x8b: {  	s0 =	sand.u32 $0x1, s1  }
0x8c: {  	s17 =	sshll.u32 s0, $0xA;
	s2 =	sadd.s32 s3, s2  }
0x8d: {  	s2 =	sadd.s32 s2, s17  }
0x8e: {  	[smem:$0x3FC4] =	sst s2  }
0x8f: {  	_ = 	snop  }
0x90: {  	s2 =	sld [smem:$0x3FC9]  }
0x91: {  	s18 =	sld [smem:$0x3FD0];
	(tm) =	ssettm $0x1  }
0x92: {  	s4 =	sld [smem:$0x3FFB];
	_ =	sdelay $0x3  }
0x93: {  	_ =	strace s4  }
0x94: {  	s4 =	sld [smem:$0x3FFC];
	_ =	sdelay $0x3  }
0x95: {  	_ =	strace s4  }
0x96: {  	s4 =	sld [smem:$0x3FFD];
	_ =	sdelay $0x3  }
0x97: {  	_ =	strace s4  }
0x98: {  	_ =	strace $0x8FFFFFFF  }
0x99: {  	s19 =	sld [smem:$0x3FDB];
	_ =	sdelay $0x1  }
0x9a: {  	s5 =	simm.s32 $_scs_section_size  }
0x9b: {  	s6 =	simm.s32 $_size__tile_overlayer_lowered;
	s7 =	simm.s32 $_tile_overlayer_lowered  }
0x9c: {  	s22 =	simm.s32 $0x1BFF;
	s21 =	sshll.u32 s7, $0x1;
	s4 =	sadd.s32 s5, s19  }
0x9d: {  	s8 =	simm.s32 $0x0;
	s20 =	sshll.u32 s6, $0x1;
	s6 =	sadd.s32 s21, s4  }
0x9e: {  	[timem:s8], [sflag:s22] =	dma.local [hbm:s6], s20  }
0x9f: {  	_ =	swait.ge [sflag:s22], s20  }
0xa0: {  	s5 =	ssub.s32 $0x0, s20;
	[sflag:s22] =	ssyncset.done $0x0  }
0xa1: {  	[sflag:s22] =	ssyncadd.s32 s5;
	_ =	sdelay $0x1  }
0xa2: {  	s23 =	simm.s32 $0x1B8B  }
0xa3: {  	_ =	swait.ge [sflag:s23], $0x1  }
0xa4: {  	[sflag:s23] =	ssyncset.done $0x0  }
0xa5: {  	s25 =	simm.s32 $0x1B8E;
	s24 =	sld [smem:$0x3FFE];
	[sflag:s23] =	ssyncadd.s32 $0xFFFFFFFF  }
0xa6: {  	s26 =	simm.s32 $execute0_lowered;
	[smem:$0x3FD2] =	sst s25  }
0xa7: {  	s6 =	sshll.u32 s26, $0x1;
	_ =	strace $0x80000046;
	[dreg:$0x1] =	wrdreg $0xFFFFFFFF  }
0xa8: {  	s28 =	simm.s32 $_size_execute0_lowered;
	s4 =	sadd.s32 s4, s6;
	[dreg:$0x0] =	wrdreg $0x0  }
0xa9: {  	s6 =	sshll.u32 s28, $0x1;
	[dreg:$0x2] =	wrdreg s4  }
0xaa: {  	[dreg:$0x3] =	wrdreg s6  }
0xab: {  	[dreg:$0x4] =	wrdreg $0xC0  }
0xac: {  	_ =	task [dreg:s8], $0x5FFFF  }
0xad: {  	[dreg:$0x1] =	wrdreg $0xFFFFFFFF  }
0xae: {  	[dreg:$0x0] =	wrdreg $0x60  }
0xaf: {  	[dreg:$0x2] =	wrdreg s2  }
0xb0: {  	[dreg:$0x3] =	wrdreg s24  }
0xb1: {  	[dreg:$0x4] =	wrdreg s18  }
0xb2: {  	[dreg:$0x5] =	wrdreg $0x0  }
0xb3: {  	[dreg:$0x6] =	wrdreg $0x140000  }
0xb4: {  	[dreg:$0x7] =	wrdreg $0x9  }
0xb5: {  	_ =	task.clear_ibuf [dreg:s8], $0x8FFFF;
	_ =	strace $0x90000046  }
0xb6: {  	s29 =	simm.s32 $0x9;
	_ =	strace $0x80000048  }
0xb7: {  	_ =	swait.ge [sflag:s29], $0x1  }
0xb8: {  	[sflag:s29] =	ssyncadd.s32 $0xFFFFFFFF  }
0xb9: {  	_ =	strace $0x90000048  }
0xba: {  	_ =	sfence  }
0xbb: {  	s30 =	sld [smem:$0x0];
	_ =	sdelay $0x2  }
0xbc: {  	s31 =	sshll.u32 s1, $0xD;
	s1 =	sshrl.u32 s1, $0x2  }
0xbd: {  	s3 =	sand.u32 $0x4000, s31;
	s1 =	sadd.s32 s1, s30  }
0xbe: {  	s0 =	sor.u32 s3, s0;
	s1 =	sshll.u32 s1, $0x11  }
0xbf: {  	s0 =	sor.u32 s1, s0  }
0xc0: {  	s0 =	sadd.s32 $0x8F2B, s0  }
0xc1: {  	[sflag:s0] =	ssyncadd.remote.s32 $0x1  }
0xc2: {  	_ =	sfence.sel $0xFFFF  }
0xc3: {  	[dreg:$0x0] =	wrdreg $0xFFFFFFFF;
	(pc) =	sbr.abs _section_cstart, $3  }
0xc4: {  	[dreg:$0x1] =	wrdreg $0xFFFFFFFF  }
0xc5: {  	_ =	task.clear_ibuf [dreg:s8], $0x2FFFF;
	_ =	strace $0x9FFFFFFF  }
0xc6: {  	(tm) =	ssettm $0x7FFFFFFF  }
0xc7: {  	_ =	shalt  }
tec
execute0_lowered:
.L_overlay_start_1:
0x0: {  	(tag) =	ssettag $0x1  }
0x1: {  	s30 =	rddreg [dreg:$0x0]  }
0x2: {  	s2 =	rddreg [dreg:$0x1]  }
0x3: {  	s0 =	rddreg [dreg:$0x2];
	s13 =	stileid.u32  }
0x4: {  	s1 =	srdreg.scid;
	s3 =	smul.u32 $0x14000, s13  }
0x5: {  	s4 =	rddreg [dreg:$0x3];
	s9 =	smul.u32 $0x280, s13  }
0x6: {  	s5 =	rddreg [dreg:$0x4];
	s11 =	smul.u32 $0x50000, s13  }
0x7: {  	s22 =	simm.s32 $0x0;
	s8 =	sand.u32 $0x1, s1;
	s18 =	smul.u32 $0x4E20, s13  }
0x8: {  	[smem:$0x7FF] =	sst s22;
	s23 =	sadd.s32 $0xC00, s2;
	s1 =	smul.u32 $0x140000, s8  }
0x9: {  	s7 =	sshll.u32 s13, $0x1;
	s16 =	smul.u32 $0x2800, s8;
	_ =	strace $0x80000047  }
0xa: {  	s10 =	ssub.s32 $0x2, s8;
	s7 =	sor.u32 s8, s7;
	s8 =	smul.u32 $0x2710, s8  }
0xb: {  	s12 =	sshrl.u32 s10, $0x1;
	s7 =	smul.u32 $0x2710, s7;
	s17 =	sshrl.u32 s11, $0x2  }
0xc: {  	s6 =	sadd.s32 s9, s5;
	s1 =	sadd.s32 s3, s1;
	s3 =	sadd.s32 s9, s16  }
0xd: {  	s28 =	sadd.s32 s17, s4;
	s8 =	sadd.s32 s8, s18;
	[dreg:$0x11] =	wrdreg s6  }
0xe: {  	s1 =	sshrl.u32 s1, $0x3;
	s3 =	sshrl.u32 s3, $0x3;
	s7 =	sshrl.u32 s7, $0x3  }
0xf: {  	s14 =	sadd.s32 $0x320, s8;
	[dreg:$0x10] =	wrdreg s28;
	s19 =	sadd.s32 $0xA, s7  }
0x10: {  	s1 =	sadd.s32 s1, s2;
	s2 =	sadd.s32 s3, s2;
	s20 =	sadd.s32 s23, s19  }
0x11: {  	s21 =	sadd.s32 $0x14, s7;
	s9 =	sadd.s32 s0, s19;
	[dreg:$0x12] =	wrdreg s20  }
0x12: {  	s25 =	sadd.s32 $0x1E, s7;
	s24 =	sadd.s32 s23, s21;
	[dreg:$0x13] =	wrdreg s9  }
0x13: {  	s3 =	ssub.s32 s10, s12;
	s26 =	sadd.s32 s23, s25;
	[dreg:$0x14] =	wrdreg s24  }
0x14: {  	s10 =	sadd.s32 $0x28, s7;
	s11 =	sadd.s32 s0, s25;
	[dreg:$0x16] =	wrdreg s26  }
0x15: {  	s15 =	sshrl.u32 s14, $0x3;
	s12 =	sadd.s32 s23, s10;
	[dreg:$0x17] =	wrdreg s11  }
0x16: {  	s16 =	sadd.s32 s15, s0;
	[dreg:$0x18] =	wrdreg s12  }
0x17: {  	s18 =	sadd.s32 s15, s23;
	[dreg:$0x8] =	wrdreg s16  }
0x18: {  	s10 =	sadd.s32 s0, s10;
	[dreg:$0x9] =	wrdreg s18  }
0x19: {  	s17 =	sadd.s32 $0x2D0, s8;
	s1 =	sadd.s32 $0xB400, s1;
	[dreg:$0x19] =	wrdreg s10  }
0x1a: {  	s19 =	sshrl.u32 s17, $0x3;
	s9 =	sadd.s32 s0, s21;
	[smem:$0x7F3] =	sst s1  }
0x1b: {  	s20 =	sadd.s32 s19, s0;
	[dreg:$0x15] =	wrdreg s9  }
0x1c: {  	s24 =	sadd.s32 s19, s23;
	s16 =	sadd.s32 $0x32, s7;
	[dreg:$0xa] =	wrdreg s20  }
0x1d: {  	[dreg:$0xb] =	wrdreg s24;
	s18 =	sadd.s32 s23, s16  }
0x1e: {  	s19 =	sadd.s32 $0x4B0, s7;
	s10 =	sadd.s32 s0, s16;
	[dreg:$0x1a] =	wrdreg s18  }
0x1f: {  	s29 =	sadd.s32 $0x370, s8;
	s20 =	sadd.s32 s23, s19;
	[dreg:$0x1b] =	wrdreg s10  }
0x20: {  	s9 =	sshrl.u32 s29, $0x3;
	s16 =	sadd.s32 $0xAA00, s2;
	[dreg:$0x1c] =	wrdreg s20  }
0x21: {  	s21 =	sadd.s32 $0x280, s8;
	s13 =	sadd.s32 s9, s0;
	[smem:$0x7F4] =	sst s16  }
0x22: {  	s25 =	sshrl.u32 s21, $0x3;
	s9 =	sadd.s32 s9, s23;
	[dreg:$0x6] =	wrdreg s13  }
0x23: {  	s21 =	sadd.s32 $0x4BA, s7;
	s26 =	sadd.s32 s25, s0;
	[dreg:$0x7] =	wrdreg s9  }
0x24: {  	s24 =	sadd.s32 s23, s21;
	[dreg:$0xc] =	wrdreg s26  }
0x25: {  	s10 =	sadd.s32 s0, s21;
	[dreg:$0x1e] =	wrdreg s24  }
0x26: {  	s18 =	sadd.s32 $0x1E0, s8;
	[dreg:$0x1f] =	wrdreg s10  }
0x27: {  	s20 =	sadd.s32 $0x5000, s28;
	[smem:$0x7F6] =	sst s18  }
0x28: {  	s29 =	sadd.s32 $0x230, s8;
	s21 =	sadd.s32 $0x7800, s28;
	[smem:$0x7F8] =	sst s20  }
0x29: {  	s14 =	sshrl.u32 s29, $0x3;
	s13 =	sadd.s32 s25, s23;
	[smem:$0x7F9] =	sst s21  }
0x2a: {  	s15 =	sadd.s32 s14, s0;
	[dreg:$0xd] =	wrdreg s13  }
0x2b: {  	s17 =	sadd.s32 s14, s23;
	[dreg:$0xe] =	wrdreg s15  }
0x2c: {  	s29 =	sadd.s32 $0x4CE, s7;
	s9 =	sadd.s32 s0, s19;
	[dreg:$0xf] =	wrdreg s17  }
0x2d: {  	s11 =	sadd.s32 s23, s29;
	[dreg:$0x1d] =	wrdreg s9  }
0x2e: {  	s12 =	sadd.s32 s0, s29;
	[smem:$0x7ED] =	sst s11  }
0x2f: {  	s14 =	sadd.s32 s0, s7;
	[smem:$0x7EE] =	sst s12  }
0x30: {  	s19 =	sadd.s32 $0x2800, s28;
	[smem:$0x7F0] =	sst s14  }
0x31: {  	s31 =	simm.s32 $0x6;
	s24 =	sadd.s32 $0xA000, s28;
	[smem:$0x7F7] =	sst s19  }
0x32: {  	s25 =	sadd.s32 $0x4C4, s7;
	s29 =	sadd.s32 $0x11800, s28;
	[smem:$0x7FA] =	sst s24  }
0x33: {  	s1 =	simm.s32 $0x5;
	s26 =	sadd.s32 s23, s25;
	[smem:$0x7FD] =	sst s29  }
0x34: {  	s2 =	simm.s32 $0xB;
	s9 =	sadd.s32 s0, s25;
	[smem:$0x7EB] =	sst s26  }
0x35: {  	s8 =	simm.s32 $0x0;
	s13 =	sadd.s32 s23, s7;
	[smem:$0x7EC] =	sst s9  }
0x36: {  	s20 =	simm.s32 $0x17280;
	s17 =	smax.u32 s3, $0x1;
	[smem:$0x7EF] =	sst s13  }
0x37: {  	s7 =	sadd.s32 $0x4D8, s7;
	s25 =	sadd.s32 $0xC800, s28;
	[smem:$0x7F5] =	sst s17  }
0x38: {  	s3 =	simm.s32 $0x50;
	s15 =	sadd.s32 s23, s7;
	[smem:$0x7FB] =	sst s25  }
0x39: {  	s19 =	simm.s32 $0xA;
	s7 =	sadd.s32 s0, s7;
	[smem:$0x7F1] =	sst s15  }
0x3a: {  	s24 =	simm.s32 $0xC;
	s26 =	sadd.s32 $0xF000, s28;
	[smem:$0x7F2] =	sst s7  }
0x3b: {  	v0 =	vimm.f32 $0.0e+00;
	v1 =	vimm.f32 $1.000000000e+00;
	s17 =	simm.s32 $0x14A80;
	s0 =	simm.s32 $0x4;
	[smem:$0x7FC] =	sst s26  }
.LBB2_1:
0x3c: {  	[smem:$0x7EA] =	sst s8;
	s16 =	simm.s32 $0x0;
	s26 =	simm.s32 $0x200  }
.LBB2_2:
0x3d: {  	p0 =	sne.s32 s26, $0x9E00;
	[tilespmem:s16+$0x14AF0] =	vst v0  }
0x3e: {  	[tilespmem:s16+$0x14A80] =	vst v0  }
0x3f: {  	[tilespmem:s16+$0x14A90] =	vst v0  }
.Ltmp0:
0x40: {  	[tilespmem:s16+$0x14AA0] =	vst v0;
	(pc) =	sbr.rel @p0 .LBB2_2-.Ltmp0, $4  }
0x41: {  	[tilespmem:s16+$0x14AB0] =	vst v0  }
0x42: {  	[tilespmem:s16+$0x14AC0] =	vst v0  }
0x43: {  	[tilespmem:s16+$0x14AD0] =	vst v0  }
0x44: {  	[tilespmem:s16+$0x14AE0] =	vst v0;
	s16 =	sshra.s32 s26, $0x2;
	s26 =	sadd.s32 $0x200, s26  }
0x45: {  	[tilespmem:s16+$0x14AF0] =	vst v0  }
0x46: {  	[tilespmem:s16+$0x14A80] =	vst v0  }
0x47: {  	[tilespmem:s16+$0x14A90] =	vst v0  }
0x48: {  	[tilespmem:s16+$0x14AA0] =	vst v0  }
0x49: {  	[tilespmem:s16+$0x14AB0] =	vst v0  }
0x4a: {  	[tilespmem:s16+$0x14AC0] =	vst v0  }
0x4b: {  	[tilespmem:s16+$0x14AD0] =	vst v0  }
0x4c: {  	[tilespmem:s16+$0x14AE0] =	vst v0  }
0x4d: {  	[tilespmem:$0x1C280] =	vst v1  }
0x4e: {  	[tilespmem:$0x1C290] =	vst v1  }
0x4f: {  	[tilespmem:$0x1C2A0] =	vst v1  }
0x50: {  	[tilespmem:$0x1C2B0] =	vst v1  }
0x51: {  	[tilespmem:$0x1C2C0] =	vst v1  }
0x52: {  	[tilespmem:$0x1C300] =	vst v0  }
0x53: {  	[tilespmem:$0x1C310] =	vst v0  }
0x54: {  	[tilespmem:$0x1C320] =	vst v0  }
0x55: {  	[tilespmem:$0x1C330] =	vst v0  }
0x56: {  	[tilespmem:$0x1C340] =	vst v0  }
0x57: {  	[tilespmem:$0x1C350] =	vst v0  }
0x58: {  	[tilespmem:$0x1C360] =	vst v0  }
0x59: {  	[tilespmem:$0x1C370] =	vst v0  }
0x5a: {  	[tilespmem:$0x1C380] =	vst v0  }
0x5b: {  	[tilespmem:$0x1C390] =	vst v0  }
0x5c: {  	[tilespmem:$0x1C3A0] =	vst v0  }
0x5d: {  	[tilespmem:$0x1C3B0] =	vst v0  }
0x5e: {  	[tilespmem:$0x1C3C0] =	vst v0  }
0x5f: {  	[tilespmem:$0x1C3D0] =	vst v0  }
0x60: {  	[tilespmem:$0x1C3E0] =	vst v0  }
0x61: {  	[tilespmem:$0x1C3F0] =	vst v0  }
0x62: {  	[tilespmem:$0x1C400] =	vst v0  }
0x63: {  	[tilespmem:$0x1C410] =	vst v0  }
0x64: {  	[tilespmem:$0x1C420] =	vst v0  }
0x65: {  	[tilespmem:$0x1C430] =	vst v0  }
0x66: {  	[tilespmem:$0x1C440] =	vst v0  }
0x67: {  	[tilespmem:$0x1C450] =	vst v0  }
0x68: {  	[tilespmem:$0x1C460] =	vst v0  }
0x69: {  	[tilespmem:$0x1C470] =	vst v0  }
0x6a: {  	[tilespmem:$0x1C480] =	vst v0  }
0x6b: {  	[tilespmem:$0x1C490] =	vst v0  }
0x6c: {  	[tilespmem:$0x1C4A0] =	vst v0  }
0x6d: {  	[tilespmem:$0x1C4B0] =	vst v0  }
0x6e: {  	[tilespmem:$0x1C4C0] =	vst v0  }
0x6f: {  	[tilespmem:$0x1C4D0] =	vst v0  }
0x70: {  	[tilespmem:$0x1C4E0] =	vst v0  }
0x71: {  	[tilespmem:$0x1C4F0] =	vst v0  }
0x72: {  	[tilespmem:$0x1C500] =	vst v0  }
0x73: {  	[tilespmem:$0x1C510] =	vst v0  }
0x74: {  	[tilespmem:$0x1C520] =	vst v0  }
0x75: {  	[tilespmem:$0x1C530] =	vst v0  }
0x76: {  	[tilespmem:$0x1C540] =	vst v0  }
0x77: {  	[tilespmem:$0x1C550] =	vst v0  }
0x78: {  	[tilespmem:$0x1C560] =	vst v0  }
0x79: {  	s10 =	simm.s32 $0xD;
	[tilespmem:$0x1C570] =	vst v0  }
0x7a: {  	[spmem:s28] =	stream.linear.scatter [tilespmem:s17], [sflag:$0xD], $0x2800, $0x38;
	[tilespmem:$0x1C580] =	vst v63  }
0x7b: {  	_ =	swait.ge [sflag:s10], $0x2800  }
0x7c: {  	s12 =	sld [smem:$0x7F7]  }
0x7d: {  	[sflag:s10] =	ssyncset.done $0x0  }
0x7e: {  	[sflag:s10] =	ssyncadd.s32 $0xFFFFD800  }
0x7f: {  	[spmem:s12] =	stream.linear.scatter [tilespmem:s17], [sflag:$0xD], $0x2800, $0x38;
	[tilespmem:$0x1C580] =	vst v63  }
0x80: {  	_ =	swait.ge [sflag:s10], $0x2800  }
0x81: {  	s11 =	sld [smem:$0x7F8]  }
0x82: {  	[sflag:s10] =	ssyncset.done $0x0  }
0x83: {  	[sflag:s10] =	ssyncadd.s32 $0xFFFFD800  }
0x84: {  	[spmem:s11] =	stream.linear.scatter [tilespmem:s17], [sflag:$0xD], $0x2800, $0x38;
	[tilespmem:$0x1C580] =	vst v63  }
0x85: {  	_ =	swait.ge [sflag:s10], $0x2800  }
0x86: {  	s13 =	sld [smem:$0x7F9]  }
0x87: {  	[sflag:s10] =	ssyncset.done $0x0  }
0x88: {  	[sflag:s10] =	ssyncadd.s32 $0xFFFFD800  }
0x89: {  	[spmem:s13] =	stream.linear.scatter [tilespmem:s17], [sflag:$0xD], $0x2800, $0x38;
	[tilespmem:$0x1C580] =	vst v63  }
0x8a: {  	_ =	swait.ge [sflag:s10], $0x2800  }
0x8b: {  	s14 =	sld [smem:$0x7FA]  }
0x8c: {  	[sflag:s10] =	ssyncset.done $0x0  }
0x8d: {  	[sflag:s10] =	ssyncadd.s32 $0xFFFFD800  }
0x8e: {  	[spmem:s14] =	stream.linear.scatter [tilespmem:s17], [sflag:$0xD], $0x2800, $0x38;
	[tilespmem:$0x1C580] =	vst v63  }
0x8f: {  	_ =	swait.ge [sflag:s10], $0x2800  }
0x90: {  	s15 =	sld [smem:$0x7FB]  }
0x91: {  	[sflag:s10] =	ssyncset.done $0x0  }
0x92: {  	[sflag:s10] =	ssyncadd.s32 $0xFFFFD800  }
0x93: {  	[spmem:s15] =	stream.linear.scatter [tilespmem:s17], [sflag:$0xD], $0x2800, $0x38;
	[tilespmem:$0x1C580] =	vst v63  }
0x94: {  	_ =	swait.ge [sflag:s10], $0x2800  }
0x95: {  	s18 =	sld [smem:$0x7FC]  }
0x96: {  	[sflag:s10] =	ssyncset.done $0x0  }
0x97: {  	[sflag:s10] =	ssyncadd.s32 $0xFFFFD800  }
0x98: {  	[spmem:s18] =	stream.linear.scatter [tilespmem:s17], [sflag:$0xD], $0x2800, $0x38;
	[tilespmem:$0x1C580] =	vst v63  }
0x99: {  	_ =	swait.ge [sflag:s10], $0x2800  }
0x9a: {  	s21 =	sld [smem:$0x7FD]  }
0x9b: {  	[sflag:s10] =	ssyncset.done $0x0  }
0x9c: {  	[sflag:s10] =	ssyncadd.s32 $0xFFFFD800  }
0x9d: {  	[spmem:s21] =	stream.linear.scatter [tilespmem:s17], [sflag:$0xD], $0x2800, $0x38;
	[tilespmem:$0x1C580] =	vst v63  }
0x9e: {  	_ =	swait.ge [sflag:s10], $0x2800  }
0x9f: {  	[sflag:s10] =	ssyncset.done $0x0  }
0xa0: {  	s25 =	simm.s32 $0x1C300;
	[sflag:s10] =	ssyncadd.s32 $0xFFFFD800  }
0xa1: {  	[spmem:s6] =	stream.linear.scatter [tilespmem:s25], [sflag:$0xD], $0x280, $0x38;
	[tilespmem:$0x1C580] =	vst v63  }
0xa2: {  	_ =	swait.ge [sflag:s10], $0x280  }
0xa3: {  	[sflag:s10] =	ssyncset.done $0x0  }
0xa4: {  	[sflag:s10] =	ssyncadd.s32 $0xFFFFFD80  }
0xa5: {  	[bflag:$0x0] =	sbarrier.arrive $0xFFFF  }
0xa6: {  	s26 =	sld [smem:$0x7EF];
	_ =	sdelay $0x1  }
0xa7: {  	s16 =	simm.s32 $0x0;
	s11 =	simm.s32 $0x14280;
	s6 =	sld [smem:$0x7F0]  }
0xa8: {  	[tilespmem:s11], [sflag:$0x4] =	stream.linear.gather [hbm4b:s26+s16], $0x50, $0x38;
	[tilespmem:$0x1C580] =	vst v63  }
0xa9: {  	s14 =	simm.s32 $0x14680  }
0xaa: {  	[tilespmem:s14], [sflag:$0x4] =	stream.linear.gather [hbm4b:s6+s16], $0x50, $0x38;
	[tilespmem:$0x1C580] =	vst v63  }
0xab: {  	s21 =	simm.s32 $0x14300;
	s7 =	rddreg [dreg:$0x12]  }
0xac: {  	[tilespmem:s21], [sflag:$0x5] =	stream.linear.gather [hbm4b:s7+s16], $0x50, $0x38;
	[tilespmem:$0x1C580] =	vst v63  }
0xad: {  	s29 =	simm.s32 $0x14700;
	s8 =	rddreg [dreg:$0x13]  }
0xae: {  	[tilespmem:s29], [sflag:$0x5] =	stream.linear.gather [hbm4b:s8+s16], $0x50, $0x38;
	[tilespmem:$0x1C580] =	vst v63  }
0xaf: {  	s10 =	simm.s32 $0x14380;
	s9 =	rddreg [dreg:$0x14]  }
0xb0: {  	[tilespmem:s10], [sflag:$0x6] =	stream.linear.gather [hbm4b:s9+s16], $0x50, $0x38;
	[tilespmem:$0x1C580] =	vst v63  }
0xb1: {  	s25 =	simm.s32 $0x14780;
	s13 =	rddreg [dreg:$0x15]  }
0xb2: {  	[tilespmem:s25], [sflag:$0x6] =	stream.linear.gather [hbm4b:s13+s16], $0x50, $0x38;
	[tilespmem:$0x1C580] =	vst v63  }
0xb3: {  	s18 =	simm.s32 $0x14400;
	s15 =	rddreg [dreg:$0x16]  }
0xb4: {  	[tilespmem:s18], [sflag:$0x7] =	stream.linear.gather [hbm4b:s15+s16], $0x50, $0x38;
	[tilespmem:$0x1C580] =	vst v63  }
0xb5: {  	s26 =	rddreg [dreg:$0x17];
	s8 =	simm.s32 $0x14800  }
0xb6: {  	[tilespmem:s8], [sflag:$0x7] =	stream.linear.gather [hbm4b:s26+s16], $0x50, $0x38;
	[tilespmem:$0x1C580] =	vst v63  }
0xb7: {  	_ =	swait.ge [sflag:s0], $0x50  }
0xb8: {  	[sflag:s0] =	ssyncset.done $0x0  }
0xb9: {  	[sflag:s0] =	ssyncadd.s32 $0xFFFFFFB0  }
0xba: {  	_ =	swait.ge [sflag:s0], $0x50  }
0xbb: {  	[sflag:s0] =	ssyncset.done $0x0  }
0xbc: {  	s17 =	simm.s32 $0x14A80;
	[sflag:s0] =	ssyncadd.s32 $0xFFFFFFB0  }
0xbd: {  	[tilespmem:s17], [sflag:$0x1] =	stream.indirect.gather [hbm4b:s30+s3], $0x80, s11, s3, $0xb8;
	[tilespmem:$0x1C580] =	vst v63  }
0xbe: {  	_ =	swait.ge [sflag:s1], $0x50  }
0xbf: {  	[sflag:s1] =	ssyncset.done $0x0  }
0xc0: {  	[sflag:s1] =	ssyncadd.s32 $0xFFFFFFB0  }
0xc1: {  	_ =	swait.ge [sflag:s1], $0x50  }
0xc2: {  	[sflag:s1] =	ssyncset.done $0x0  }
0xc3: {  	[sflag:s1] =	ssyncadd.s32 $0xFFFFFFB0  }
0xc4: {  	[tilespmem:s20], [sflag:$0x2] =	stream.indirect.gather [hbm4b:s30+s3], $0x80, s21, s3, $0xb8;
	[tilespmem:$0x1C580] =	vst v63  }
0xc5: {  	_ =	swait.ge [sflag:s31], $0x50  }
0xc6: {  	[sflag:s31] =	ssyncset.done $0x0  }
0xc7: {  	[sflag:s31] =	ssyncadd.s32 $0xFFFFFFB0  }
0xc8: {  	_ =	swait.ge [sflag:s31], $0x50  }
0xc9: {  	s7 =	simm.s32 $0x14380;
	[sflag:s31] =	ssyncset.done $0x0  }
0xca: {  	s9 =	simm.s32 $0x1;
	s13 =	simm.s32 $0x19A80;
	[sflag:s31] =	ssyncadd.s32 $0xFFFFFFB0  }
0xcb: {  	[tilespmem:s13], [sflag:$0x3] =	stream.indirect.gather [hbm4b:s30+s3], $0x80, s7, s3, $0xb8;
	[tilespmem:$0x1C580] =	vst v63  }
0xcc: {  	_ =	swait.ge [sflag:s9], $0x2800  }
0xcd: {  	[sflag:s9] =	ssyncset.done $0x0  }
0xce: {  	[sflag:s9] =	ssyncadd.s32 $0xFFFFD800  }
0xcf: {  	[spmem:s4] =	stream.indirect.scatter.add.f32 [tilespmem:s17], [sflag:$0xA], $0x80, s14, s3, $0xb8;
	[tilespmem:$0x1C580] =	vst v63  }
0xd0: {  	s18 =	simm.s32 $0x1C280  }
0xd1: {  	[spmem:s5] =	stream.indirect.scatter.add.f32 [tilespmem:s18], [sflag:$0xA], $0x1, s14, s3, $0xb8;
	[tilespmem:$0x1C580] =	vst v63  }
0xd2: {  	s10 =	simm.s32 $0x14480;
	s8 =	rddreg [dreg:$0x18]  }
0xd3: {  	[tilespmem:s10], [sflag:$0x8] =	stream.linear.gather [hbm4b:s8+s16], $0x50, $0x38;
	[tilespmem:$0x1C580] =	vst v63  }
0xd4: {  	s20 =	simm.s32 $0x14880;
	s7 =	simm.s32 $0x7;
	s15 =	rddreg [dreg:$0x19]  }
0xd5: {  	[tilespmem:s20], [sflag:$0x8] =	stream.linear.gather [hbm4b:s15+s16], $0x50, $0x38;
	[tilespmem:$0x1C580] =	vst v63  }
0xd6: {  	_ =	swait.ge [sflag:s7], $0x50  }
0xd7: {  	[sflag:s7] =	ssyncset.done $0x0  }
0xd8: {  	[sflag:s7] =	ssyncadd.s32 $0xFFFFFFB0  }
0xd9: {  	_ =	swait.ge [sflag:s7], $0x50  }
0xda: {  	[sflag:s7] =	ssyncset.done $0x0  }
0xdb: {  	[sflag:s7] =	ssyncadd.s32 $0xFFFFFFB0  }
0xdc: {  	_ =	swait.ge [sflag:s19], $0x2800  }
0xdd: {  	[sflag:s19] =	ssyncset.done $0x0  }
0xde: {  	[sflag:s19] =	ssyncadd.s32 $0xFFFFD800  }
0xdf: {  	_ =	swait.ge [sflag:s19], $0x50  }
0xe0: {  	[sflag:s19] =	ssyncset.done $0x0  }
0xe1: {  	s6 =	simm.s32 $0x14400;
	s8 =	simm.s32 $0x2;
	[sflag:s19] =	ssyncadd.s32 $0xFFFFFFB0  }
0xe2: {  	[tilespmem:s17], [sflag:$0x1] =	stream.indirect.gather [hbm4b:s30+s3], $0x80, s6, s3, $0xb8;
	[tilespmem:$0x1C580] =	vst v63  }
0xe3: {  	_ =	swait.ge [sflag:s8], $0x2800  }
0xe4: {  	[sflag:s8] =	ssyncset.done $0x0  }
0xe5: {  	s10 =	simm.s32 $0x17280;
	[sflag:s8] =	ssyncadd.s32 $0xFFFFD800  }
0xe6: {  	[spmem:s4] =	stream.indirect.scatter.add.f32 [tilespmem:s10], [sflag:$0xB], $0x80, s29, s3, $0xb8;
	[tilespmem:$0x1C580] =	vst v63  }
0xe7: {  	_ = 	snop  }
0xe8: {  	[spmem:s5] =	stream.indirect.scatter.add.f32 [tilespmem:s18], [sflag:$0xB], $0x1, s29, s3, $0xb8;
	[tilespmem:$0x1C580] =	vst v63  }
0xe9: {  	s15 =	simm.s32 $0x14500;
	s6 =	rddreg [dreg:$0x1a]  }
0xea: {  	[tilespmem:s15], [sflag:$0x9] =	stream.linear.gather [hbm4b:s6+s16], $0x50, $0x38;
	[tilespmem:$0x1C580] =	vst v63  }
0xeb: {  	s28 =	simm.s32 $0x14900;
	s6 =	rddreg [dreg:$0x1b]  }
0xec: {  	[tilespmem:s28], [sflag:$0x9] =	stream.linear.gather [hbm4b:s6+s16], $0x50, $0x38;
	[tilespmem:$0x1C580] =	vst v63  }
0xed: {  	s16 =	simm.s32 $0x8  }
0xee: {  	_ =	swait.ge [sflag:s16], $0x50  }
0xef: {  	[sflag:s16] =	ssyncset.done $0x0  }
0xf0: {  	[sflag:s16] =	ssyncadd.s32 $0xFFFFFFB0  }
0xf1: {  	_ =	swait.ge [sflag:s16], $0x50  }
0xf2: {  	[sflag:s16] =	ssyncset.done $0x0  }
0xf3: {  	[sflag:s16] =	ssyncadd.s32 $0xFFFFFFB0  }
0xf4: {  	_ =	swait.ge [sflag:s2], $0x2800  }
0xf5: {  	[sflag:s2] =	ssyncset.done $0x0  }
0xf6: {  	[sflag:s2] =	ssyncadd.s32 $0xFFFFD800  }
0xf7: {  	_ =	swait.ge [sflag:s2], $0x50  }
0xf8: {  	[sflag:s2] =	ssyncset.done $0x0  }
0xf9: {  	s26 =	simm.s32 $0x14480;
	s6 =	simm.s32 $0x3;
	[sflag:s2] =	ssyncadd.s32 $0xFFFFFFB0  }
0xfa: {  	[tilespmem:s10], [sflag:$0x2] =	stream.indirect.gather [hbm4b:s30+s3], $0x80, s26, s3, $0xb8;
	[tilespmem:$0x1C580] =	vst v63  }
0xfb: {  	_ =	swait.ge [sflag:s6], $0x2800  }
0xfc: {  	[sflag:s6] =	ssyncset.done $0x0;
	s12 =	sld [smem:$0x7F6]  }
0xfd: {  	[sflag:s6] =	ssyncadd.s32 $0xFFFFD800  }
0xfe: {  	[spmem:s4] =	stream.indirect.scatter.add.f32 [tilespmem:s13], [sflag:$0xC], $0x80, s25, s3, $0xb8;
	[tilespmem:$0x1C580] =	vst v63  }
0xff: {  	s16 =	sshrl.u32 s12, $0x3  }
0x100: {  	[spmem:s5] =	stream.indirect.scatter.add.f32 [tilespmem:s18], [sflag:$0xC], $0x1, s25, s3, $0xb8;
	[tilespmem:$0x1C580] =	vst v63  }
0x101: {  	s26 =	sadd.s32 s23, s16  }
0x102: {  	[tilespmem:s11], [sflag:$0x4] =	stream.linear.gather [hbm4b:s26+s22], $0x50, $0x38;
	[tilespmem:$0x1C580] =	vst v63  }
0x103: {  	s26 =	rddreg [dreg:$0x2]  }
0x104: {  	s16 =	sadd.s32 s26, s16;
	s26 =	simm.s32 $0x9  }
0x105: {  	[tilespmem:s14], [sflag:$0x4] =	stream.linear.gather [hbm4b:s16+s22], $0x50, $0x38;
	[tilespmem:$0x1C580] =	vst v63  }
0x106: {  	_ =	swait.ge [sflag:s26], $0x50  }
0x107: {  	[sflag:s26] =	ssyncset.done $0x0  }
0x108: {  	[sflag:s26] =	ssyncadd.s32 $0xFFFFFFB0  }
0x109: {  	_ =	swait.ge [sflag:s26], $0x50  }
0x10a: {  	[sflag:s26] =	ssyncset.done $0x0  }
0x10b: {  	[sflag:s26] =	ssyncadd.s32 $0xFFFFFFB0  }
0x10c: {  	_ =	swait.ge [sflag:s24], $0x2800  }
0x10d: {  	[sflag:s24] =	ssyncset.done $0x0  }
0x10e: {  	[sflag:s24] =	ssyncadd.s32 $0xFFFFD800  }
0x10f: {  	_ =	swait.ge [sflag:s24], $0x50  }
0x110: {  	[sflag:s24] =	ssyncset.done $0x0  }
0x111: {  	[sflag:s24] =	ssyncadd.s32 $0xFFFFFFB0  }
0x112: {  	[tilespmem:s13], [sflag:$0x3] =	stream.indirect.gather [hbm4b:s30+s3], $0x80, s15, s3, $0xb8;
	[tilespmem:$0x1C580] =	vst v63  }
0x113: {  	_ =	swait.ge [sflag:s9], $0x2800  }
0x114: {  	[sflag:s9] =	ssyncset.done $0x0  }
0x115: {  	s13 =	simm.s32 $0x14800;
	[sflag:s9] =	ssyncadd.s32 $0xFFFFD800  }
0x116: {  	[spmem:s4] =	stream.indirect.scatter.add.f32 [tilespmem:s17], [sflag:$0xA], $0x80, s13, s3, $0xb8;
	[tilespmem:$0x1C580] =	vst v63  }
0x117: {  	s16 =	rddreg [dreg:$0xf]  }
0x118: {  	[spmem:s5] =	stream.indirect.scatter.add.f32 [tilespmem:s18], [sflag:$0xA], $0x1, s13, s3, $0xb8;
	[tilespmem:$0x1C580] =	vst v63  }
0x119: {  	s26 =	rddreg [dreg:$0xe];
	s16 =	sadd.s32 $0x0, s16  }
0x11a: {  	[tilespmem:s21], [sflag:$0x5] =	stream.linear.gather [hbm4b:s16+s22], $0x50, $0x38;
	[tilespmem:$0x1C580] =	vst v63  }
0x11b: {  	s26 =	sadd.s32 $0x0, s26  }
0x11c: {  	[tilespmem:s29], [sflag:$0x5] =	stream.linear.gather [hbm4b:s26+s22], $0x50, $0x38;
	[tilespmem:$0x1C580] =	vst v63  }
0x11d: {  	_ =	swait.ge [sflag:s0], $0x50  }
0x11e: {  	[sflag:s0] =	ssyncset.done $0x0  }
0x11f: {  	[sflag:s0] =	ssyncadd.s32 $0xFFFFFFB0  }
0x120: {  	_ =	swait.ge [sflag:s0], $0x50  }
0x121: {  	[sflag:s0] =	ssyncset.done $0x0  }
0x122: {  	[sflag:s0] =	ssyncadd.s32 $0xFFFFFFB0  }
0x123: {  	_ =	swait.ge [sflag:s19], $0x2800  }
0x124: {  	[sflag:s19] =	ssyncset.done $0x0  }
0x125: {  	[sflag:s19] =	ssyncadd.s32 $0xFFFFD800  }
0x126: {  	_ =	swait.ge [sflag:s19], $0x50  }
0x127: {  	[sflag:s19] =	ssyncset.done $0x0  }
0x128: {  	[sflag:s19] =	ssyncadd.s32 $0xFFFFFFB0  }
0x129: {  	[tilespmem:s17], [sflag:$0x1] =	stream.indirect.gather [hbm4b:s30+s3], $0x80, s11, s3, $0xb8;
	[tilespmem:$0x1C580] =	vst v63  }
0x12a: {  	_ =	swait.ge [sflag:s8], $0x2800  }
0x12b: {  	[sflag:s8] =	ssyncset.done $0x0  }
0x12c: {  	[sflag:s8] =	ssyncadd.s32 $0xFFFFD800  }
0x12d: {  	[spmem:s4] =	stream.indirect.scatter.add.f32 [tilespmem:s10], [sflag:$0xB], $0x80, s20, s3, $0xb8;
	[tilespmem:$0x1C580] =	vst v63  }
0x12e: {  	s0 =	rddreg [dreg:$0xd]  }
0x12f: {  	[spmem:s5] =	stream.indirect.scatter.add.f32 [tilespmem:s18], [sflag:$0xB], $0x1, s20, s3, $0xb8;
	[tilespmem:$0x1C580] =	vst v63  }
0x130: {  	s11 =	simm.s32 $0x14380;
	s8 =	rddreg [dreg:$0xc];
	s16 =	sadd.s32 $0x0, s0  }
0x131: {  	[tilespmem:s11], [sflag:$0x6] =	stream.linear.gather [hbm4b:s16+s22], $0x50, $0x38;
	[tilespmem:$0x1C580] =	vst v63  }
0x132: {  	s26 =	sadd.s32 $0x0, s8  }
0x133: {  	[tilespmem:s25], [sflag:$0x6] =	stream.linear.gather [hbm4b:s26+s22], $0x50, $0x38;
	[tilespmem:$0x1C580] =	vst v63  }
0x134: {  	_ =	swait.ge [sflag:s1], $0x50  }
0x135: {  	[sflag:s1] =	ssyncset.done $0x0  }
0x136: {  	[sflag:s1] =	ssyncadd.s32 $0xFFFFFFB0  }
0x137: {  	_ =	swait.ge [sflag:s1], $0x50  }
0x138: {  	[sflag:s1] =	ssyncset.done $0x0  }
0x139: {  	[sflag:s1] =	ssyncadd.s32 $0xFFFFFFB0  }
0x13a: {  	_ =	swait.ge [sflag:s2], $0x2800  }
0x13b: {  	[sflag:s2] =	ssyncset.done $0x0  }
0x13c: {  	[sflag:s2] =	ssyncadd.s32 $0xFFFFD800  }
0x13d: {  	_ =	swait.ge [sflag:s2], $0x50  }
0x13e: {  	[sflag:s2] =	ssyncset.done $0x0  }
0x13f: {  	[sflag:s2] =	ssyncadd.s32 $0xFFFFFFB0  }
0x140: {  	[tilespmem:s10], [sflag:$0x2] =	stream.indirect.gather [hbm4b:s30+s3], $0x80, s21, s3, $0xb8;
	[tilespmem:$0x1C580] =	vst v63  }
0x141: {  	_ =	swait.ge [sflag:s6], $0x2800  }
0x142: {  	[sflag:s6] =	ssyncset.done $0x0  }
0x143: {  	s25 =	simm.s32 $0x19A80;
	[sflag:s6] =	ssyncadd.s32 $0xFFFFD800  }
0x144: {  	[spmem:s4] =	stream.indirect.scatter.add.f32 [tilespmem:s25], [sflag:$0xC], $0x80, s28, s3, $0xb8;
	[tilespmem:$0x1C580] =	vst v63  }
0x145: {  	s0 =	rddreg [dreg:$0xb]  }
0x146: {  	[spmem:s5] =	stream.indirect.scatter.add.f32 [tilespmem:s18], [sflag:$0xC], $0x1, s28, s3, $0xb8;
	[tilespmem:$0x1C580] =	vst v63  }
0x147: {  	s1 =	rddreg [dreg:$0xa];
	s16 =	sadd.s32 $0x0, s0;
	s0 =	simm.s32 $0x14400  }
0x148: {  	[tilespmem:s0], [sflag:$0x7] =	stream.linear.gather [hbm4b:s16+s22], $0x50, $0x38;
	[tilespmem:$0x1C580] =	vst v63  }
0x149: {  	s13 =	simm.s32 $0x14800;
	s6 =	sadd.s32 $0x0, s1  }
0x14a: {  	[tilespmem:s13], [sflag:$0x7] =	stream.linear.gather [hbm4b:s6+s22], $0x50, $0x38;
	[tilespmem:$0x1C580] =	vst v63  }
0x14b: {  	_ =	swait.ge [sflag:s31], $0x50  }
0x14c: {  	[sflag:s31] =	ssyncset.done $0x0  }
0x14d: {  	[sflag:s31] =	ssyncadd.s32 $0xFFFFFFB0  }
0x14e: {  	_ =	swait.ge [sflag:s31], $0x50  }
0x14f: {  	[sflag:s31] =	ssyncset.done $0x0  }
0x150: {  	[sflag:s31] =	ssyncadd.s32 $0xFFFFFFB0  }
0x151: {  	_ =	swait.ge [sflag:s24], $0x2800  }
0x152: {  	[sflag:s24] =	ssyncset.done $0x0  }
0x153: {  	[sflag:s24] =	ssyncadd.s32 $0xFFFFD800  }
0x154: {  	_ =	swait.ge [sflag:s24], $0x50  }
0x155: {  	[sflag:s24] =	ssyncset.done $0x0  }
0x156: {  	[sflag:s24] =	ssyncadd.s32 $0xFFFFFFB0  }
0x157: {  	[tilespmem:s25], [sflag:$0x3] =	stream.indirect.gather [hbm4b:s30+s3], $0x80, s11, s3, $0xb8;
	[tilespmem:$0x1C580] =	vst v63  }
0x158: {  	_ =	swait.ge [sflag:s9], $0x2800  }
0x159: {  	[sflag:s9] =	ssyncset.done $0x0  }
0x15a: {  	[sflag:s9] =	ssyncadd.s32 $0xFFFFD800  }
0x15b: {  	[spmem:s4] =	stream.indirect.scatter.add.f32 [tilespmem:s17], [sflag:$0xA], $0x80, s14, s3, $0xb8;
	[tilespmem:$0x1C580] =	vst v63  }
0x15c: {  	s11 =	rddreg [dreg:$0x9]  }
0x15d: {  	[spmem:s5] =	stream.indirect.scatter.add.f32 [tilespmem:s18], [sflag:$0xA], $0x1, s14, s3, $0xb8;
	[tilespmem:$0x1C580] =	vst v63  }
0x15e: {  	s21 =	simm.s32 $0x14480;
	s13 =	rddreg [dreg:$0x8];
	s16 =	sadd.s32 $0x0, s11  }
0x15f: {  	[tilespmem:s21], [sflag:$0x8] =	stream.linear.gather [hbm4b:s16+s22], $0x50, $0x38;
	[tilespmem:$0x1C580] =	vst v63  }
0x160: {  	s26 =	sadd.s32 $0x0, s13  }
0x161: {  	[tilespmem:s20], [sflag:$0x8] =	stream.linear.gather [hbm4b:s26+s22], $0x50, $0x38;
	[tilespmem:$0x1C580] =	vst v63  }
0x162: {  	_ =	swait.ge [sflag:s7], $0x50  }
0x163: {  	[sflag:s7] =	ssyncset.done $0x0  }
0x164: {  	[sflag:s7] =	ssyncadd.s32 $0xFFFFFFB0  }
0x165: {  	_ =	swait.ge [sflag:s7], $0x50  }
0x166: {  	[sflag:s7] =	ssyncset.done $0x0  }
0x167: {  	[sflag:s7] =	ssyncadd.s32 $0xFFFFFFB0  }
0x168: {  	_ =	swait.ge [sflag:s19], $0x2800  }
0x169: {  	[sflag:s19] =	ssyncset.done $0x0  }
0x16a: {  	[sflag:s19] =	ssyncadd.s32 $0xFFFFD800  }
0x16b: {  	_ =	swait.ge [sflag:s19], $0x50  }
0x16c: {  	[sflag:s19] =	ssyncset.done $0x0  }
0x16d: {  	s10 =	simm.s32 $0x2;
	[sflag:s19] =	ssyncadd.s32 $0xFFFFFFB0  }
0x16e: {  	[tilespmem:s17], [sflag:$0x1] =	stream.indirect.gather [hbm4b:s30+s3], $0x80, s0, s3, $0xb8;
	[tilespmem:$0x1C580] =	vst v63  }
0x16f: {  	_ =	swait.ge [sflag:s10], $0x2800  }
0x170: {  	[sflag:s10] =	ssyncset.done $0x0  }
0x171: {  	s20 =	simm.s32 $0x17280;
	[sflag:s10] =	ssyncadd.s32 $0xFFFFD800  }
0x172: {  	[spmem:s4] =	stream.indirect.scatter.add.f32 [tilespmem:s20], [sflag:$0xB], $0x80, s29, s3, $0xb8;
	[tilespmem:$0x1C580] =	vst v63  }
0x173: {  	s1 =	simm.s32 $0x4;
	s17 =	simm.s32 $0x1C280;
	s31 =	rddreg [dreg:$0x7]  }
0x174: {  	[spmem:s5] =	stream.indirect.scatter.add.f32 [tilespmem:s17], [sflag:$0xB], $0x1, s29, s3, $0xb8;
	[tilespmem:$0x1C580] =	vst v63  }
0x175: {  	s11 =	simm.s32 $0x5;
	s16 =	sadd.s32 $0x0, s31;
	s29 =	rddreg [dreg:$0x6]  }
0x176: {  	[tilespmem:s15], [sflag:$0x9] =	stream.linear.gather [hbm4b:s16+s22], $0x50, $0x38;
	[tilespmem:$0x1C580] =	vst v63  }
0x177: {  	s26 =	simm.s32 $0x3C;
	s16 =	sadd.s32 $0x0, s29;
	s29 =	sadd.s32 $0x1E0, s12  }
.LBB2_4:
0x178: {  	[tilespmem:s28], [sflag:$0x9] =	stream.linear.gather [hbm4b:s16+s22], $0x50, $0x38;
	[tilespmem:$0x1C580] =	vst v63  }
0x179: {  	s0 =	simm.s32 $0x8  }
0x17a: {  	_ =	swait.ge [sflag:s0], $0x50  }
0x17b: {  	[sflag:s0] =	ssyncset.done $0x0  }
0x17c: {  	[sflag:s0] =	ssyncadd.s32 $0xFFFFFFB0  }
0x17d: {  	_ =	swait.ge [sflag:s0], $0x50  }
0x17e: {  	[sflag:s0] =	ssyncset.done $0x0  }
0x17f: {  	[sflag:s0] =	ssyncadd.s32 $0xFFFFFFB0  }
0x180: {  	_ =	swait.ge [sflag:s2], $0x2800  }
0x181: {  	[sflag:s2] =	ssyncset.done $0x0  }
0x182: {  	[sflag:s2] =	ssyncadd.s32 $0xFFFFD800  }
0x183: {  	_ =	swait.ge [sflag:s2], $0x50  }
0x184: {  	[sflag:s2] =	ssyncset.done $0x0  }
0x185: {  	s21 =	simm.s32 $0x14480;
	s6 =	simm.s32 $0x3;
	[sflag:s2] =	ssyncadd.s32 $0xFFFFFFB0  }
0x186: {  	[tilespmem:s20], [sflag:$0x2] =	stream.indirect.gather [hbm4b:s30+s3], $0x80, s21, s3, $0xb8;
	[tilespmem:$0x1C580] =	vst v63  }
0x187: {  	_ =	swait.ge [sflag:s6], $0x2800  }
0x188: {  	[sflag:s6] =	ssyncset.done $0x0  }
0x189: {  	s20 =	simm.s32 $0x14780;
	[sflag:s6] =	ssyncadd.s32 $0xFFFFD800  }
0x18a: {  	[spmem:s4] =	stream.indirect.scatter.add.f32 [tilespmem:s25], [sflag:$0xC], $0x80, s20, s3, $0xb8;
	[tilespmem:$0x1C580] =	vst v63  }
0x18b: {  	s12 =	sshrl.u32 s29, $0x3;
	s15 =	simm.s32 $0x0  }
0x18c: {  	[spmem:s5] =	stream.indirect.scatter.add.f32 [tilespmem:s17], [sflag:$0xC], $0x1, s20, s3, $0xb8;
	[tilespmem:$0x1C580] =	vst v63  }
0x18d: {  	s22 =	simm.s32 $0x14280;
	s9 =	sadd.s32 s23, s12;
	s14 =	rddreg [dreg:$0x2]  }
0x18e: {  	[tilespmem:s22], [sflag:$0x4] =	stream.linear.gather [hbm4b:s9+s15], $0x50, $0x38;
	[tilespmem:$0x1C580] =	vst v63  }
0x18f: {  	s18 =	simm.s32 $0x9;
	s12 =	sadd.s32 s14, s12;
	s14 =	simm.s32 $0x14680  }
0x190: {  	[tilespmem:s14], [sflag:$0x4] =	stream.linear.gather [hbm4b:s12+s15], $0x50, $0x38;
	[tilespmem:$0x1C580] =	vst v63  }
0x191: {  	_ =	swait.ge [sflag:s18], $0x50  }
0x192: {  	[sflag:s18] =	ssyncset.done $0x0  }
0x193: {  	[sflag:s18] =	ssyncadd.s32 $0xFFFFFFB0  }
0x194: {  	_ =	swait.ge [sflag:s18], $0x50  }
0x195: {  	[sflag:s18] =	ssyncset.done $0x0  }
0x196: {  	[sflag:s18] =	ssyncadd.s32 $0xFFFFFFB0  }
0x197: {  	_ =	swait.ge [sflag:s24], $0x2800  }
0x198: {  	[sflag:s24] =	ssyncset.done $0x0  }
0x199: {  	[sflag:s24] =	ssyncadd.s32 $0xFFFFD800  }
0x19a: {  	_ =	swait.ge [sflag:s24], $0x50  }
0x19b: {  	s28 =	smov.u32 s23;
	[sflag:s24] =	ssyncset.done $0x0  }
0x19c: {  	s23 =	simm.s32 $0x14500;
	s9 =	simm.s32 $0x1;
	[sflag:s24] =	ssyncadd.s32 $0xFFFFFFB0  }
0x19d: {  	[tilespmem:s25], [sflag:$0x3] =	stream.indirect.gather [hbm4b:s30+s3], $0x80, s23, s3, $0xb8;
	[tilespmem:$0x1C580] =	vst v63  }
0x19e: {  	_ =	swait.ge [sflag:s9], $0x2800  }
0x19f: {  	[sflag:s9] =	ssyncset.done $0x0  }
0x1a0: {  	s0 =	simm.s32 $0x14A80;
	s25 =	simm.s32 $0x14800;
	[sflag:s9] =	ssyncadd.s32 $0xFFFFD800  }
0x1a1: {  	[spmem:s4] =	stream.indirect.scatter.add.f32 [tilespmem:s0], [sflag:$0xA], $0x80, s25, s3, $0xb8;
	[tilespmem:$0x1C580] =	vst v63  }
0x1a2: {  	s16 =	smov.u32 s26;
	s7 =	rddreg [dreg:$0xf]  }
0x1a3: {  	[spmem:s5] =	stream.indirect.scatter.add.f32 [tilespmem:s17], [sflag:$0xA], $0x1, s25, s3, $0xb8;
	[tilespmem:$0x1C580] =	vst v63  }
0x1a4: {  	s18 =	rddreg [dreg:$0xe];
	s12 =	sadd.s32 s16, s7;
	s7 =	simm.s32 $0x14300  }
0x1a5: {  	[tilespmem:s7], [sflag:$0x5] =	stream.linear.gather [hbm4b:s12+s15], $0x50, $0x38;
	[tilespmem:$0x1C580] =	vst v63  }
0x1a6: {  	s23 =	sadd.s32 s16, s18;
	s17 =	simm.s32 $0x14700  }
0x1a7: {  	[tilespmem:s17], [sflag:$0x5] =	stream.linear.gather [hbm4b:s23+s15], $0x50, $0x38;
	[tilespmem:$0x1C580] =	vst v63  }
0x1a8: {  	_ =	swait.ge [sflag:s1], $0x50  }
0x1a9: {  	[sflag:s1] =	ssyncset.done $0x0  }
0x1aa: {  	[sflag:s1] =	ssyncadd.s32 $0xFFFFFFB0  }
0x1ab: {  	_ =	swait.ge [sflag:s1], $0x50  }
0x1ac: {  	[sflag:s1] =	ssyncset.done $0x0  }
0x1ad: {  	[sflag:s1] =	ssyncadd.s32 $0xFFFFFFB0  }
0x1ae: {  	_ =	swait.ge [sflag:s19], $0x2800  }
0x1af: {  	[sflag:s19] =	ssyncset.done $0x0  }
0x1b0: {  	[sflag:s19] =	ssyncadd.s32 $0xFFFFD800  }
0x1b1: {  	_ =	swait.ge [sflag:s19], $0x50  }
0x1b2: {  	[sflag:s19] =	ssyncset.done $0x0  }
0x1b3: {  	[sflag:s19] =	ssyncadd.s32 $0xFFFFFFB0  }
0x1b4: {  	[tilespmem:s0], [sflag:$0x1] =	stream.indirect.gather [hbm4b:s30+s3], $0x80, s22, s3, $0xb8;
	[tilespmem:$0x1C580] =	vst v63  }
0x1b5: {  	_ =	swait.ge [sflag:s10], $0x2800  }
0x1b6: {  	[sflag:s10] =	ssyncset.done $0x0  }
0x1b7: {  	s13 =	simm.s32 $0x17280;
	[sflag:s10] =	ssyncadd.s32 $0xFFFFD800;
	s10 =	simm.s32 $0x14880  }
0x1b8: {  	[spmem:s4] =	stream.indirect.scatter.add.f32 [tilespmem:s13], [sflag:$0xB], $0x80, s10, s3, $0xb8;
	[tilespmem:$0x1C580] =	vst v63  }
0x1b9: {  	s18 =	simm.s32 $0x1C280;
	s22 =	simm.s32 $0x0;
	s23 =	rddreg [dreg:$0xd]  }
0x1ba: {  	[spmem:s5] =	stream.indirect.scatter.add.f32 [tilespmem:s18], [sflag:$0xB], $0x1, s10, s3, $0xb8;
	[tilespmem:$0x1C580] =	vst v63  }
0x1bb: {  	s15 =	rddreg [dreg:$0xc];
	s12 =	sadd.s32 s16, s23;
	s13 =	simm.s32 $0x14380  }
0x1bc: {  	[tilespmem:s13], [sflag:$0x6] =	stream.linear.gather [hbm4b:s12+s22], $0x50, $0x38;
	[tilespmem:$0x1C580] =	vst v63  }
0x1bd: {  	s23 =	sadd.s32 s16, s15  }
0x1be: {  	[tilespmem:s20], [sflag:$0x6] =	stream.linear.gather [hbm4b:s23+s22], $0x50, $0x38;
	[tilespmem:$0x1C580] =	vst v63  }
0x1bf: {  	_ =	swait.ge [sflag:s11], $0x50  }
0x1c0: {  	[sflag:s11] =	ssyncset.done $0x0  }
0x1c1: {  	[sflag:s11] =	ssyncadd.s32 $0xFFFFFFB0  }
0x1c2: {  	_ =	swait.ge [sflag:s11], $0x50  }
0x1c3: {  	[sflag:s11] =	ssyncset.done $0x0  }
0x1c4: {  	[sflag:s11] =	ssyncadd.s32 $0xFFFFFFB0  }
0x1c5: {  	_ =	swait.ge [sflag:s2], $0x2800  }
0x1c6: {  	[sflag:s2] =	ssyncset.done $0x0  }
0x1c7: {  	[sflag:s2] =	ssyncadd.s32 $0xFFFFD800  }
0x1c8: {  	_ =	swait.ge [sflag:s2], $0x50  }
0x1c9: {  	[sflag:s2] =	ssyncset.done $0x0  }
0x1ca: {  	s20 =	simm.s32 $0x17280;
	[sflag:s2] =	ssyncadd.s32 $0xFFFFFFB0  }
0x1cb: {  	[tilespmem:s20], [sflag:$0x2] =	stream.indirect.gather [hbm4b:s30+s3], $0x80, s7, s3, $0xb8;
	[tilespmem:$0x1C580] =	vst v63  }
0x1cc: {  	_ =	swait.ge [sflag:s6], $0x2800  }
0x1cd: {  	[sflag:s6] =	ssyncset.done $0x0  }
0x1ce: {  	s8 =	simm.s32 $0x14900;
	s31 =	simm.s32 $0x19A80;
	[sflag:s6] =	ssyncadd.s32 $0xFFFFD800  }
0x1cf: {  	[spmem:s4] =	stream.indirect.scatter.add.f32 [tilespmem:s31], [sflag:$0xC], $0x80, s8, s3, $0xb8;
	[tilespmem:$0x1C580] =	vst v63  }
0x1d0: {  	s6 =	rddreg [dreg:$0xb]  }
0x1d1: {  	[spmem:s5] =	stream.indirect.scatter.add.f32 [tilespmem:s18], [sflag:$0xC], $0x1, s8, s3, $0xb8;
	[tilespmem:$0x1C580] =	vst v63  }
0x1d2: {  	s15 =	simm.s32 $0x14400;
	s7 =	rddreg [dreg:$0xa];
	s12 =	sadd.s32 s16, s6  }
0x1d3: {  	[tilespmem:s15], [sflag:$0x7] =	stream.linear.gather [hbm4b:s12+s22], $0x50, $0x38;
	[tilespmem:$0x1C580] =	vst v63  }
0x1d4: {  	s23 =	sadd.s32 s16, s7;
	s31 =	simm.s32 $0x6  }
0x1d5: {  	[tilespmem:s25], [sflag:$0x7] =	stream.linear.gather [hbm4b:s23+s22], $0x50, $0x38;
	[tilespmem:$0x1C580] =	vst v63  }
0x1d6: {  	_ =	swait.ge [sflag:s31], $0x50  }
0x1d7: {  	[sflag:s31] =	ssyncset.done $0x0  }
0x1d8: {  	[sflag:s31] =	ssyncadd.s32 $0xFFFFFFB0  }
0x1d9: {  	_ =	swait.ge [sflag:s31], $0x50  }
0x1da: {  	[sflag:s31] =	ssyncset.done $0x0  }
0x1db: {  	[sflag:s31] =	ssyncadd.s32 $0xFFFFFFB0  }
0x1dc: {  	_ =	swait.ge [sflag:s24], $0x2800  }
0x1dd: {  	[sflag:s24] =	ssyncset.done $0x0  }
0x1de: {  	[sflag:s24] =	ssyncadd.s32 $0xFFFFD800  }
0x1df: {  	_ =	swait.ge [sflag:s24], $0x50  }
0x1e0: {  	[sflag:s24] =	ssyncset.done $0x0  }
0x1e1: {  	s25 =	simm.s32 $0x19A80;
	[sflag:s24] =	ssyncadd.s32 $0xFFFFFFB0  }
0x1e2: {  	[tilespmem:s25], [sflag:$0x3] =	stream.indirect.gather [hbm4b:s30+s3], $0x80, s13, s3, $0xb8;
	[tilespmem:$0x1C580] =	vst v63  }
0x1e3: {  	_ =	swait.ge [sflag:s9], $0x2800  }
0x1e4: {  	[sflag:s9] =	ssyncset.done $0x0  }
0x1e5: {  	[sflag:s9] =	ssyncadd.s32 $0xFFFFD800  }
0x1e6: {  	[spmem:s4] =	stream.indirect.scatter.add.f32 [tilespmem:s0], [sflag:$0xA], $0x80, s14, s3, $0xb8;
	[tilespmem:$0x1C580] =	vst v63  }
0x1e7: {  	s6 =	rddreg [dreg:$0x9]  }
0x1e8: {  	[spmem:s5] =	stream.indirect.scatter.add.f32 [tilespmem:s18], [sflag:$0xA], $0x1, s14, s3, $0xb8;
	[tilespmem:$0x1C580] =	vst v63  }
0x1e9: {  	s7 =	rddreg [dreg:$0x8];
	s12 =	sadd.s32 s16, s6  }
0x1ea: {  	[tilespmem:s21], [sflag:$0x8] =	stream.linear.gather [hbm4b:s12+s22], $0x50, $0x38;
	[tilespmem:$0x1C580] =	vst v63  }
0x1eb: {  	s13 =	simm.s32 $0x7;
	s9 =	sadd.s32 s16, s7  }
0x1ec: {  	[tilespmem:s10], [sflag:$0x8] =	stream.linear.gather [hbm4b:s9+s22], $0x50, $0x38;
	[tilespmem:$0x1C580] =	vst v63  }
0x1ed: {  	_ =	swait.ge [sflag:s13], $0x50  }
0x1ee: {  	[sflag:s13] =	ssyncset.done $0x0  }
0x1ef: {  	[sflag:s13] =	ssyncadd.s32 $0xFFFFFFB0  }
0x1f0: {  	_ =	swait.ge [sflag:s13], $0x50  }
0x1f1: {  	[sflag:s13] =	ssyncset.done $0x0  }
0x1f2: {  	[sflag:s13] =	ssyncadd.s32 $0xFFFFFFB0  }
0x1f3: {  	_ =	swait.ge [sflag:s19], $0x2800  }
0x1f4: {  	[sflag:s19] =	ssyncset.done $0x0  }
0x1f5: {  	[sflag:s19] =	ssyncadd.s32 $0xFFFFD800  }
0x1f6: {  	_ =	swait.ge [sflag:s19], $0x50  }
0x1f7: {  	[sflag:s19] =	ssyncset.done $0x0  }
0x1f8: {  	s10 =	simm.s32 $0x2;
	[sflag:s19] =	ssyncadd.s32 $0xFFFFFFB0  }
0x1f9: {  	[tilespmem:s0], [sflag:$0x1] =	stream.indirect.gather [hbm4b:s30+s3], $0x80, s15, s3, $0xb8;
	[tilespmem:$0x1C580] =	vst v63  }
0x1fa: {  	_ =	swait.ge [sflag:s10], $0x2800  }
0x1fb: {  	p0 =	sne.s32 s26, $0x438;
	s26 =	sadd.s32 $0x3C, s26;
	[sflag:s10] =	ssyncset.done $0x0  }
0x1fc: {  	s29 =	sadd.s32 $0x1E0, s29;
	s23 =	smov.u32 s28;
	[sflag:s10] =	ssyncadd.s32 $0xFFFFD800  }
0x1fd: {  	[spmem:s4] =	stream.indirect.scatter.add.f32 [tilespmem:s20], [sflag:$0xB], $0x80, s17, s3, $0xb8;
	[tilespmem:$0x1C580] =	vst v63  }
.Ltmp1:
0x1fe: {  	s28 =	simm.s32 $0x14900;
	s14 =	rddreg [dreg:$0x7];
	(pc) =	sbr.rel @p0 .LBB2_4-.Ltmp1, $4  }
0x1ff: {  	s21 =	simm.s32 $0x14500;
	s0 =	simm.s32 $0x14500;
	s15 =	rddreg [dreg:$0x6]  }
0x200: {  	[spmem:s5] =	stream.indirect.scatter.add.f32 [tilespmem:s18], [sflag:$0xB], $0x1, s17, s3, $0xb8;
	[tilespmem:$0x1C580] =	vst v63  }
0x201: {  	s12 =	sadd.s32 s16, s14;
	s16 =	sadd.s32 s16, s15;
	s17 =	simm.s32 $0x1C280  }
0x202: {  	[tilespmem:s21], [sflag:$0x9] =	stream.linear.gather [hbm4b:s12+s22], $0x50, $0x38;
	[tilespmem:$0x1C580] =	vst v63  }
0x203: {  	[tilespmem:s28], [sflag:$0x9] =	stream.linear.gather [hbm4b:s16+s22], $0x50, $0x38;
	[tilespmem:$0x1C580] =	vst v63  }
0x204: {  	s26 =	simm.s32 $0x8  }
0x205: {  	_ =	swait.ge [sflag:s26], $0x50  }
0x206: {  	[sflag:s26] =	ssyncset.done $0x0  }
0x207: {  	[sflag:s26] =	ssyncadd.s32 $0xFFFFFFB0  }
0x208: {  	_ =	swait.ge [sflag:s26], $0x50  }
0x209: {  	[sflag:s26] =	ssyncset.done $0x0  }
0x20a: {  	[sflag:s26] =	ssyncadd.s32 $0xFFFFFFB0  }
0x20b: {  	_ =	swait.ge [sflag:s2], $0x2800  }
0x20c: {  	[sflag:s2] =	ssyncset.done $0x0  }
0x20d: {  	[sflag:s2] =	ssyncadd.s32 $0xFFFFD800  }
0x20e: {  	_ =	swait.ge [sflag:s2], $0x50  }
0x20f: {  	[sflag:s2] =	ssyncset.done $0x0  }
0x210: {  	s21 =	simm.s32 $0x14480;
	s6 =	simm.s32 $0x3;
	[sflag:s2] =	ssyncadd.s32 $0xFFFFFFB0  }
0x211: {  	[tilespmem:s20], [sflag:$0x2] =	stream.indirect.gather [hbm4b:s30+s3], $0x80, s21, s3, $0xb8;
	[tilespmem:$0x1C580] =	vst v63  }
0x212: {  	_ =	swait.ge [sflag:s6], $0x2800  }
0x213: {  	[sflag:s6] =	ssyncset.done $0x0  }
0x214: {  	s16 =	simm.s32 $0x14780;
	[sflag:s6] =	ssyncadd.s32 $0xFFFFD800  }
0x215: {  	[spmem:s4] =	stream.indirect.scatter.add.f32 [tilespmem:s25], [sflag:$0xC], $0x80, s16, s3, $0xb8;
	[tilespmem:$0x1C580] =	vst v63  }
0x216: {  	_ = 	snop  }
0x217: {  	[spmem:s5] =	stream.indirect.scatter.add.f32 [tilespmem:s17], [sflag:$0xC], $0x1, s16, s3, $0xb8;
	[tilespmem:$0x1C580] =	vst v63  }
0x218: {  	s18 =	simm.s32 $0x14280;
	s12 =	rddreg [dreg:$0x1c]  }
0x219: {  	[tilespmem:s18], [sflag:$0x4] =	stream.linear.gather [hbm4b:s12+s22], $0x50, $0x38;
	[tilespmem:$0x1C580] =	vst v63  }
0x21a: {  	s14 =	simm.s32 $0x14680;
	s7 =	simm.s32 $0x9;
	s9 =	rddreg [dreg:$0x1d]  }
0x21b: {  	[tilespmem:s14], [sflag:$0x4] =	stream.linear.gather [hbm4b:s9+s22], $0x50, $0x38;
	[tilespmem:$0x1C580] =	vst v63  }
0x21c: {  	_ =	swait.ge [sflag:s7], $0x50  }
0x21d: {  	[sflag:s7] =	ssyncset.done $0x0  }
0x21e: {  	[sflag:s7] =	ssyncadd.s32 $0xFFFFFFB0  }
0x21f: {  	_ =	swait.ge [sflag:s7], $0x50  }
0x220: {  	[sflag:s7] =	ssyncset.done $0x0  }
0x221: {  	[sflag:s7] =	ssyncadd.s32 $0xFFFFFFB0  }
0x222: {  	_ =	swait.ge [sflag:s24], $0x2800  }
0x223: {  	[sflag:s24] =	ssyncset.done $0x0  }
0x224: {  	[sflag:s24] =	ssyncadd.s32 $0xFFFFD800  }
0x225: {  	_ =	swait.ge [sflag:s24], $0x50  }
0x226: {  	[sflag:s24] =	ssyncset.done $0x0  }
0x227: {  	s9 =	simm.s32 $0x1;
	[sflag:s24] =	ssyncadd.s32 $0xFFFFFFB0  }
0x228: {  	[tilespmem:s25], [sflag:$0x3] =	stream.indirect.gather [hbm4b:s30+s3], $0x80, s0, s3, $0xb8;
	[tilespmem:$0x1C580] =	vst v63  }
0x229: {  	_ =	swait.ge [sflag:s9], $0x2800  }
0x22a: {  	[sflag:s9] =	ssyncset.done $0x0  }
0x22b: {  	s8 =	simm.s32 $0x14800;
	s0 =	simm.s32 $0x14A80;
	[sflag:s9] =	ssyncadd.s32 $0xFFFFD800  }
0x22c: {  	[spmem:s4] =	stream.indirect.scatter.add.f32 [tilespmem:s0], [sflag:$0xA], $0x80, s8, s3, $0xb8;
	[tilespmem:$0x1C580] =	vst v63  }
0x22d: {  	_ = 	snop  }
0x22e: {  	[spmem:s5] =	stream.indirect.scatter.add.f32 [tilespmem:s17], [sflag:$0xA], $0x1, s8, s3, $0xb8;
	[tilespmem:$0x1C580] =	vst v63  }
0x22f: {  	s7 =	simm.s32 $0x14300;
	s13 =	rddreg [dreg:$0x1e]  }
0x230: {  	[tilespmem:s7], [sflag:$0x5] =	stream.linear.gather [hbm4b:s13+s22], $0x50, $0x38;
	[tilespmem:$0x1C580] =	vst v63  }
0x231: {  	s15 =	rddreg [dreg:$0x1f];
	s13 =	simm.s32 $0x14700  }
0x232: {  	[tilespmem:s13], [sflag:$0x5] =	stream.linear.gather [hbm4b:s15+s22], $0x50, $0x38;
	[tilespmem:$0x1C580] =	vst v63  }
0x233: {  	_ =	swait.ge [sflag:s1], $0x50  }
0x234: {  	[sflag:s1] =	ssyncset.done $0x0  }
0x235: {  	[sflag:s1] =	ssyncadd.s32 $0xFFFFFFB0  }
0x236: {  	_ =	swait.ge [sflag:s1], $0x50  }
0x237: {  	[sflag:s1] =	ssyncset.done $0x0  }
0x238: {  	[sflag:s1] =	ssyncadd.s32 $0xFFFFFFB0  }
0x239: {  	_ =	swait.ge [sflag:s19], $0x2800  }
0x23a: {  	[sflag:s19] =	ssyncset.done $0x0  }
0x23b: {  	[sflag:s19] =	ssyncadd.s32 $0xFFFFD800  }
0x23c: {  	_ =	swait.ge [sflag:s19], $0x50  }
0x23d: {  	[sflag:s19] =	ssyncset.done $0x0  }
0x23e: {  	[sflag:s19] =	ssyncadd.s32 $0xFFFFFFB0  }
0x23f: {  	[tilespmem:s0], [sflag:$0x1] =	stream.indirect.gather [hbm4b:s30+s3], $0x80, s18, s3, $0xb8;
	[tilespmem:$0x1C580] =	vst v63  }
0x240: {  	_ =	swait.ge [sflag:s10], $0x2800  }
0x241: {  	[sflag:s10] =	ssyncset.done $0x0  }
0x242: {  	[sflag:s10] =	ssyncadd.s32 $0xFFFFD800;
	s10 =	simm.s32 $0x14880  }
0x243: {  	[spmem:s4] =	stream.indirect.scatter.add.f32 [tilespmem:s20], [sflag:$0xB], $0x80, s10, s3, $0xb8;
	[tilespmem:$0x1C580] =	vst v63  }
0x244: {  	s29 =	sld [smem:$0x7EB]  }
0x245: {  	[spmem:s5] =	stream.indirect.scatter.add.f32 [tilespmem:s17], [sflag:$0xB], $0x1, s10, s3, $0xb8;
	[tilespmem:$0x1C580] =	vst v63  }
0x246: {  	s15 =	simm.s32 $0x14380;
	s1 =	sld [smem:$0x7EC]  }
0x247: {  	[tilespmem:s15], [sflag:$0x6] =	stream.linear.gather [hbm4b:s29+s22], $0x50, $0x38;
	[tilespmem:$0x1C580] =	vst v63  }
0x248: {  	_ = 	snop  }
0x249: {  	[tilespmem:s16], [sflag:$0x6] =	stream.linear.gather [hbm4b:s1+s22], $0x50, $0x38;
	[tilespmem:$0x1C580] =	vst v63  }
0x24a: {  	_ =	swait.ge [sflag:s11], $0x50  }
0x24b: {  	[sflag:s11] =	ssyncset.done $0x0  }
0x24c: {  	[sflag:s11] =	ssyncadd.s32 $0xFFFFFFB0  }
0x24d: {  	_ =	swait.ge [sflag:s11], $0x50  }
0x24e: {  	[sflag:s11] =	ssyncset.done $0x0  }
0x24f: {  	[sflag:s11] =	ssyncadd.s32 $0xFFFFFFB0  }
0x250: {  	_ =	swait.ge [sflag:s2], $0x2800  }
0x251: {  	[sflag:s2] =	ssyncset.done $0x0  }
0x252: {  	[sflag:s2] =	ssyncadd.s32 $0xFFFFD800  }
0x253: {  	_ =	swait.ge [sflag:s2], $0x50  }
0x254: {  	[sflag:s2] =	ssyncset.done $0x0  }
0x255: {  	[sflag:s2] =	ssyncadd.s32 $0xFFFFFFB0  }
0x256: {  	[tilespmem:s20], [sflag:$0x2] =	stream.indirect.gather [hbm4b:s30+s3], $0x80, s7, s3, $0xb8;
	[tilespmem:$0x1C580] =	vst v63  }
0x257: {  	_ =	swait.ge [sflag:s6], $0x2800  }
0x258: {  	[sflag:s6] =	ssyncset.done $0x0  }
0x259: {  	[sflag:s6] =	ssyncadd.s32 $0xFFFFD800  }
0x25a: {  	[spmem:s4] =	stream.indirect.scatter.add.f32 [tilespmem:s25], [sflag:$0xC], $0x80, s28, s3, $0xb8;
	[tilespmem:$0x1C580] =	vst v63  }
0x25b: {  	s11 =	sld [smem:$0x7ED]  }
0x25c: {  	[spmem:s5] =	stream.indirect.scatter.add.f32 [tilespmem:s17], [sflag:$0xC], $0x1, s28, s3, $0xb8;
	[tilespmem:$0x1C580] =	vst v63  }
0x25d: {  	s1 =	simm.s32 $0x14400;
	s29 =	sld [smem:$0x7EE]  }
0x25e: {  	[tilespmem:s1], [sflag:$0x7] =	stream.linear.gather [hbm4b:s11+s22], $0x50, $0x38;
	[tilespmem:$0x1C580] =	vst v63  }
0x25f: {  	_ = 	snop  }
0x260: {  	[tilespmem:s8], [sflag:$0x7] =	stream.linear.gather [hbm4b:s29+s22], $0x50, $0x38;
	[tilespmem:$0x1C580] =	vst v63  }
0x261: {  	_ =	swait.ge [sflag:s31], $0x50  }
0x262: {  	[sflag:s31] =	ssyncset.done $0x0  }
0x263: {  	[sflag:s31] =	ssyncadd.s32 $0xFFFFFFB0  }
0x264: {  	_ =	swait.ge [sflag:s31], $0x50  }
0x265: {  	[sflag:s31] =	ssyncset.done $0x0  }
0x266: {  	[sflag:s31] =	ssyncadd.s32 $0xFFFFFFB0  }
0x267: {  	_ =	swait.ge [sflag:s24], $0x2800  }
0x268: {  	[sflag:s24] =	ssyncset.done $0x0  }
0x269: {  	[sflag:s24] =	ssyncadd.s32 $0xFFFFD800  }
0x26a: {  	_ =	swait.ge [sflag:s24], $0x50  }
0x26b: {  	[sflag:s24] =	ssyncset.done $0x0  }
0x26c: {  	[sflag:s24] =	ssyncadd.s32 $0xFFFFFFB0  }
0x26d: {  	[tilespmem:s25], [sflag:$0x3] =	stream.indirect.gather [hbm4b:s30+s3], $0x80, s15, s3, $0xb8;
	[tilespmem:$0x1C580] =	vst v63  }
0x26e: {  	_ =	swait.ge [sflag:s9], $0x2800  }
0x26f: {  	[sflag:s9] =	ssyncset.done $0x0  }
0x270: {  	[sflag:s9] =	ssyncadd.s32 $0xFFFFD800  }
0x271: {  	[spmem:s4] =	stream.indirect.scatter.add.f32 [tilespmem:s0], [sflag:$0xA], $0x80, s14, s3, $0xb8;
	[tilespmem:$0x1C580] =	vst v63  }
0x272: {  	s7 =	sld [smem:$0x7F1]  }
0x273: {  	[spmem:s5] =	stream.indirect.scatter.add.f32 [tilespmem:s17], [sflag:$0xA], $0x1, s14, s3, $0xb8;
	[tilespmem:$0x1C580] =	vst v63  }
0x274: {  	s11 =	sld [smem:$0x7F2]  }
0x275: {  	[tilespmem:s21], [sflag:$0x8] =	stream.linear.gather [hbm4b:s7+s22], $0x50, $0x38;
	[tilespmem:$0x1C580] =	vst v63  }
0x276: {  	s12 =	simm.s32 $0x7  }
0x277: {  	[tilespmem:s10], [sflag:$0x8] =	stream.linear.gather [hbm4b:s11+s22], $0x50, $0x38;
	[tilespmem:$0x1C580] =	vst v63  }
0x278: {  	_ =	swait.ge [sflag:s12], $0x50  }
0x279: {  	[sflag:s12] =	ssyncset.done $0x0  }
0x27a: {  	[sflag:s12] =	ssyncadd.s32 $0xFFFFFFB0  }
0x27b: {  	_ =	swait.ge [sflag:s12], $0x50  }
0x27c: {  	[sflag:s12] =	ssyncset.done $0x0  }
0x27d: {  	[sflag:s12] =	ssyncadd.s32 $0xFFFFFFB0  }
0x27e: {  	_ =	swait.ge [sflag:s19], $0x2800  }
0x27f: {  	[sflag:s19] =	ssyncset.done $0x0  }
0x280: {  	[sflag:s19] =	ssyncadd.s32 $0xFFFFD800  }
0x281: {  	_ =	swait.ge [sflag:s19], $0x50  }
0x282: {  	[sflag:s19] =	ssyncset.done $0x0  }
0x283: {  	s18 =	simm.s32 $0x2;
	[sflag:s19] =	ssyncadd.s32 $0xFFFFFFB0  }
0x284: {  	[tilespmem:s0], [sflag:$0x1] =	stream.indirect.gather [hbm4b:s30+s3], $0x80, s1, s3, $0xb8;
	[tilespmem:$0x1C580] =	vst v63  }
0x285: {  	_ =	swait.ge [sflag:s18], $0x2800  }
0x286: {  	[sflag:s18] =	ssyncset.done $0x0  }
0x287: {  	[sflag:s18] =	ssyncadd.s32 $0xFFFFD800  }
0x288: {  	[spmem:s4] =	stream.indirect.scatter.add.f32 [tilespmem:s20], [sflag:$0xB], $0x80, s13, s3, $0xb8;
	[tilespmem:$0x1C580] =	vst v63  }
0x289: {  	_ = 	snop  }
0x28a: {  	[spmem:s5] =	stream.indirect.scatter.add.f32 [tilespmem:s17], [sflag:$0xB], $0x1, s13, s3, $0xb8;
	[tilespmem:$0x1C580] =	vst v63  }
0x28b: {  	_ =	swait.ge [sflag:s26], $0x50  }
0x28c: {  	[sflag:s26] =	ssyncset.done $0x0  }
0x28d: {  	[sflag:s26] =	ssyncadd.s32 $0xFFFFFFB0  }
0x28e: {  	_ =	swait.ge [sflag:s26], $0x50  }
0x28f: {  	[sflag:s26] =	ssyncset.done $0x0  }
0x290: {  	[sflag:s26] =	ssyncadd.s32 $0xFFFFFFB0  }
0x291: {  	_ =	swait.ge [sflag:s2], $0x2800  }
0x292: {  	[sflag:s2] =	ssyncset.done $0x0  }
0x293: {  	[sflag:s2] =	ssyncadd.s32 $0xFFFFD800  }
0x294: {  	_ =	swait.ge [sflag:s2], $0x50  }
0x295: {  	[sflag:s2] =	ssyncset.done $0x0  }
0x296: {  	[sflag:s2] =	ssyncadd.s32 $0xFFFFFFB0  }
0x297: {  	[tilespmem:s20], [sflag:$0x2] =	stream.indirect.gather [hbm4b:s30+s3], $0x80, s21, s3, $0xb8;
	[tilespmem:$0x1C580] =	vst v63  }
0x298: {  	_ =	swait.ge [sflag:s6], $0x2800  }
0x299: {  	[sflag:s6] =	ssyncset.done $0x0  }
0x29a: {  	[sflag:s6] =	ssyncadd.s32 $0xFFFFD800  }
0x29b: {  	[spmem:s4] =	stream.indirect.scatter.add.f32 [tilespmem:s25], [sflag:$0xC], $0x80, s16, s3, $0xb8;
	[tilespmem:$0x1C580] =	vst v63  }
0x29c: {  	_ = 	snop  }
0x29d: {  	[spmem:s5] =	stream.indirect.scatter.add.f32 [tilespmem:s17], [sflag:$0xC], $0x1, s16, s3, $0xb8;
	[tilespmem:$0x1C580] =	vst v63  }
0x29e: {  	_ =	swait.ge [sflag:s24], $0x2800  }
0x29f: {  	[sflag:s24] =	ssyncset.done $0x0  }
0x2a0: {  	[sflag:s24] =	ssyncadd.s32 $0xFFFFD800  }
0x2a1: {  	_ =	swait.ge [sflag:s24], $0x50  }
0x2a2: {  	[sflag:s24] =	ssyncset.done $0x0  }
0x2a3: {  	[sflag:s24] =	ssyncadd.s32 $0xFFFFFFB0  }
0x2a4: {  	_ =	swait.ge [sflag:s9], $0x2800  }
0x2a5: {  	[sflag:s9] =	ssyncset.done $0x0  }
0x2a6: {  	[sflag:s9] =	ssyncadd.s32 $0xFFFFD800  }
0x2a7: {  	[spmem:s4] =	stream.indirect.scatter.add.f32 [tilespmem:s0], [sflag:$0xA], $0x80, s8, s3, $0xb8;
	[tilespmem:$0x1C580] =	vst v63  }
0x2a8: {  	_ = 	snop  }
0x2a9: {  	[spmem:s5] =	stream.indirect.scatter.add.f32 [tilespmem:s17], [sflag:$0xA], $0x1, s8, s3, $0xb8;
	[tilespmem:$0x1C580] =	vst v63  }
0x2aa: {  	_ =	swait.ge [sflag:s19], $0x2800  }
0x2ab: {  	[sflag:s19] =	ssyncset.done $0x0  }
0x2ac: {  	[sflag:s19] =	ssyncadd.s32 $0xFFFFD800  }
0x2ad: {  	_ =	swait.ge [sflag:s19], $0x50  }
0x2ae: {  	[sflag:s19] =	ssyncset.done $0x0  }
0x2af: {  	[sflag:s19] =	ssyncadd.s32 $0xFFFFFFB0  }
0x2b0: {  	_ =	swait.ge [sflag:s18], $0x2800  }
0x2b1: {  	[sflag:s18] =	ssyncset.done $0x0  }
0x2b2: {  	[sflag:s18] =	ssyncadd.s32 $0xFFFFD800  }
0x2b3: {  	[spmem:s4] =	stream.indirect.scatter.add.f32 [tilespmem:s20], [sflag:$0xB], $0x80, s10, s3, $0xb8;
	[tilespmem:$0x1C580] =	vst v63  }
0x2b4: {  	_ = 	snop  }
0x2b5: {  	[spmem:s5] =	stream.indirect.scatter.add.f32 [tilespmem:s17], [sflag:$0xB], $0x1, s10, s3, $0xb8;
	[tilespmem:$0x1C580] =	vst v63  }
0x2b6: {  	_ =	swait.ge [sflag:s2], $0x2800  }
0x2b7: {  	[sflag:s2] =	ssyncset.done $0x0  }
0x2b8: {  	[sflag:s2] =	ssyncadd.s32 $0xFFFFD800  }
0x2b9: {  	_ =	swait.ge [sflag:s2], $0x50  }
0x2ba: {  	[sflag:s2] =	ssyncset.done $0x0  }
0x2bb: {  	[sflag:s2] =	ssyncadd.s32 $0xFFFFFFB0  }
0x2bc: {  	[bflag:$0x0] =	sbarrier.arrive $0xFFFF  }
0x2bd: {  	s14 =	stileid.u32;
	s17 =	sld [smem:$0x7F3]  }
0x2be: {  	s12 =	sshll.u32 s14, $0x6;
	s28 =	rddreg [dreg:$0x10]  }
0x2bf: {  	s29 =	simm.s32 $0xD;
	s12 =	sor.u32 $0x1C0D, s12;
	s15 =	sshrl.u32 s28, $0x3  }
0x2c0: {  	[hbm:s17], [sflag:s12] =	dma.local [spmem:s15], $0x2800  }
0x2c1: {  	_ =	swait.ge [sflag:s29], $0x2800  }
0x2c2: {  	s21 =	sld [smem:$0x7F4]  }
0x2c3: {  	[sflag:s29] =	ssyncset.done $0x0;
	s6 =	rddreg [dreg:$0x11]  }
0x2c4: {  	[sflag:s29] =	ssyncadd.s32 $0xFFFFD800;
	s18 =	sshrl.u32 s6, $0x3  }
0x2c5: {  	[hbm:s21], [sflag:s12] =	dma.local [spmem:s18], $0x50  }
0x2c6: {  	_ =	swait.ge [sflag:s29], $0x50  }
0x2c7: {  	s25 =	sld [smem:$0x7EA]  }
0x2c8: {  	s26 =	sld [smem:$0x7F5];
	_ =	sdelay $0x1  }
0x2c9: {  	s8 =	sadd.s32 $0x1, s25  }
0x2ca: {  	p0 =	sne.s32 s8, s26  }
.Ltmp2:
0x2cb: {  	_ = 	snop;
	(pc) =	sbr.rel @p0 .LBB2_1-.Ltmp2, $3  }
0x2cc: {  	_ =	sdelay $0x1  }
0x2cd: {  	s1 =	simm.s32 $0x5;
	[sflag:s29] =	ssyncset.done $0x0  }
0x2ce: {  	s0 =	simm.s32 $0x4;
	s17 =	simm.s32 $0x14A80;
	[sflag:s29] =	ssyncadd.s32 $0xFFFFFFB0  }
0x2cf: {  	_ =	sfence.sel $0x180000  }
0x2d0: {  	[bflag:$0x0] =	sbarrier.arrive $0xFFFF  }
0x2d1: {  	_ =	strace $0x90000047  }
0x2d2: {  	s0 =	stileid.u32;
	[bflag:$0x2] =	sbarrier.arrive $0xFFFF  }
0x2d3: {  	p0 =	sne.s32 s0, $0x0;
	s0 =	rddreg [dreg:$0x5]  }
0x2d4: {  	s0 =	sadd.s32 @!p0 $0x100000, s0  }
0x2d5: {  	[sflag:s0] =	ssyncadd.tile.s32 @!p0 $0x1;
	_ =	shalt  }
.Lfunc_end2:
_tile_overlayer_lowered:
.L_overlay_start_2:
0x2d6: {  	(tag) =	ssettag $0x2  }
0x2d7: {  	s0 =	rddreg [dreg:$0x0];
	s2 =	stileid.u32  }
0x2d8: {  	s1 =	rddreg [dreg:$0x1];
	p0 =	sne.s32 s2, $0x0  }
0x2d9: {  	s3 =	rddreg [dreg:$0x2];
	[bflag:$0x3] =	sbarrier.arrive $0xFFFF;
	s2 =	simm.s32 @!p0 $0x1C0D  }
0x2da: {  	[timem:s3], [sflag:s2] =	dma.local @!p0 [hbm:s0], s1  }
0x2db: {  	s0 =	simm.s32 @!p0 $0xD  }
0x2dc: {  	_ =	swait.ge @!p0 [sflag:s0], s1  }
0x2dd: {  	s1 =	ssub.s32 @!p0 $0x0, s1;
	[sflag:s0] =	ssyncset.done @!p0 $0x0  }
0x2de: {  	[sflag:s0] =	ssyncadd.s32 @!p0 s1  }
0x2df: {  	[bflag:$0x3] =	sbarrier.arrive $0xFFFF  }
0x2e0: {  	_ =	shalt  }

</sc_bundles>
